<compile_context>
chip_gen: v7x
topology: tpu7x:2x2x1
jax: 0.10.2.dev20260603
libtpu: 0.0.44.dev20260713+nightly
codegen_flags: <defaults>
</compile_context>

<pallas_src>
import functools

import jax
import jax.numpy as jnp
from jax import lax
from jax.experimental import pallas as pl
from jax.experimental.pallas import tpu as pltpu
from jax.experimental.pallas import tpu_sc as plsc

_NUM_CORES = 2
_NUM_SUBCORES = 16
_NUM_WORKERS = _NUM_CORES * _NUM_SUBCORES
_LANES = 16

_CHUNK = 128
_NBUF = 2


def _mean_body(x_ref, z_ref, pk_ref):
    m = jnp.mean(x_ref[...], axis=0)
    z_ref[...] = m
    h = m.shape[-1] // 2
    u = lax.bitcast_convert_type(
        m.astype(jnp.bfloat16), jnp.uint16
    ).astype(jnp.uint32)
    pk_ref[...] = lax.bitcast_convert_type(
        u[:, :h] | (u[:, h:] << 16), jnp.int32
    )


def _temporal_mean(X):
    T, N, F = X.shape
    bn = 1000 if N % 1000 == 0 else N
    return pl.pallas_call(
        _mean_body,
        grid=(N // bn,),
        in_specs=[pl.BlockSpec((T, bn, F), lambda i: (0, i, 0))],
        out_specs=[
            pl.BlockSpec((bn, F), lambda i: (i, 0)),
            pl.BlockSpec((bn, F // 2), lambda i: (i, 0)),
        ],
        out_shape=[
            jax.ShapeDtypeStruct((N, F), X.dtype),
            jax.ShapeDtypeStruct((N, F // 2), jnp.int32),
        ],
    )(X)


@functools.partial(jax.jit, static_argnums=(3, 4))
def _edge_scores(z_pk, src, dst, W, n_chunks):
    N = z_pk.shape[0]
    mesh = plsc.VectorSubcoreMesh(
        core_axis_name="c", subcore_axis_name="s"
    )
    n_groups = _CHUNK // _LANES

    @functools.partial(
        pl.kernel,
        out_type=jax.ShapeDtypeStruct(
            (_NUM_WORKERS, n_chunks, _CHUNK), jnp.float32
        ),
        mesh=mesh,
        compiler_params=pltpu.CompilerParams(
            needs_layout_passes=False, use_tc_tiling_on_sc=False
        ),
        scratch_types=[
            pltpu.VMEM_SHARED((N, W), jnp.int32),
            pltpu.VMEM((n_chunks, _CHUNK), jnp.int32),
            pltpu.VMEM((n_chunks, _CHUNK), jnp.int32),
            [pltpu.VMEM((_CHUNK, W), jnp.int32) for _ in range(_NBUF)],
            [pltpu.VMEM((_CHUNK, W), jnp.int32) for _ in range(_NBUF)],
            pltpu.VMEM((n_chunks, _CHUNK), jnp.float32),
            [pltpu.SemaphoreType.DMA for _ in range(_NBUF)],
            [pltpu.SemaphoreType.DMA for _ in range(_NBUF)],
        ],
    )
    def edge_kernel(
        z_hbm, src_hbm, dst_hbm, out_hbm,
        z_sh, idx_s, idx_d, rows_s, rows_d, out_v, sems_s, sems_d,
    ):
        sid = lax.axis_index("s")
        wid = sid * _NUM_CORES + lax.axis_index("c")

        @pl.when(sid == 0)
        def _():
            pltpu.sync_copy(z_hbm, z_sh)

        pltpu.sync_copy(src_hbm.at[wid], idx_s)
        pltpu.sync_copy(dst_hbm.at[wid], idx_d)
        plsc.subcore_barrier()

        def issue(c, b):
            pltpu.async_copy(z_sh.at[idx_s.at[c]], rows_s[b], sems_s[b])
            pltpu.async_copy(z_sh.at[idx_d.at[c]], rows_d[b], sems_d[b])

        def wait(c, b):
            pltpu.make_async_copy(
                z_sh.at[idx_s.at[c]], rows_s[b], sems_s[b]
            ).wait()
            pltpu.make_async_copy(
                z_sh.at[idx_d.at[c]], rows_d[b], sems_d[b]
            ).wait()

        lane = lax.iota(jnp.int32, _LANES)

        himask = jnp.full((_LANES,), -65536, jnp.int32)

        def unpack2(wv):
            lo = lax.bitcast_convert_type(
                lax.shift_left(wv, 16), jnp.float32
            )
            hi = lax.bitcast_convert_type(
                jnp.bitwise_and(wv, himask), jnp.float32
            )
            return lo, hi

        def compute(c, b):
            rs = rows_s[b]
            rd = rows_d[b]

            def group_body(g, carry2):
                res = jnp.zeros((_LANES,), jnp.float32)
                for j in range(_LANES):
                    i = g * _LANES + j
                    acc = None
                    for t in range(W // _LANES):
                        sl = pl.ds(t * _LANES, _LANES)
                        a_lo, a_hi = unpack2(rs[i, sl])
                        b_lo, b_hi = unpack2(rd[i, sl])
                        p = a_lo * b_lo + a_hi * b_hi
                        acc = p if acc is None else acc + p
                    res = jnp.where(lane == j, jnp.sum(acc), res)
                out_v[c, pl.ds(g * _LANES, _LANES)] = res
                return carry2

            lax.fori_loop(0, n_groups, group_body, 0)

        n_pairs = n_chunks // 2
        issue(0, 0)

        def pair_body(p, carry):
            c0 = 2 * p
            issue(c0 + 1, 1)
            wait(c0, 0)
            compute(c0, 0)

            @pl.when(p + 1 < n_pairs)
            def _():
                issue(c0 + 2, 0)

            wait(c0 + 1, 1)
            compute(c0 + 1, 1)
            return carry

        lax.fori_loop(0, n_pairs, pair_body, 0)
        pltpu.sync_copy(out_v, out_hbm.at[wid])

    return edge_kernel(z_pk, src, dst)


def kernel(X, edge_index):
    T, N, F = X.shape
    E = edge_index.shape[1]
    z, z_pk = _temporal_mean(X)

    unit = _NUM_WORKERS * _CHUNK * _NBUF
    E_pad = ((E + unit - 1) // unit) * unit
    n_chunks = E_pad // (_NUM_WORKERS * _CHUNK)
    src = edge_index[0]
    dst = edge_index[1]
    if E_pad != E:
        src = jnp.pad(src, (0, E_pad - E))
        dst = jnp.pad(dst, (0, E_pad - E))
    src = src.reshape(_NUM_WORKERS, n_chunks, _CHUNK)
    dst = dst.reshape(_NUM_WORKERS, n_chunks, _CHUNK)

    pred = _edge_scores(z_pk, src, dst, F // 2, n_chunks)
    return (pred.reshape(E_pad)[:E], z)

# --- scband reference (transcript-rebuilt; emitter-appended) ---
"""Pipeline reference for scband-temporal-link-predictor-59390807769189 (READ-ONLY COPY).

The authoritative reference and input builder live on the scoring server;
editing this copy changes nothing except your own understanding.
"""

import jax, jax.numpy as jnp
import numpy as np


def setup_inputs(seed: int = 0) -> dict:
    key = jax.random.key(seed)
    k_x, k_e = jax.random.split(key, 2)
    T, N, F, E = 8, 10000, 128, 320000
    X = jax.random.normal(k_x, (T, N, F), dtype=jnp.float32)
    edge_index = jax.random.randint(k_e, (2, E), 0, N, dtype=jnp.int32)
    return {"X": X, "edge_index": edge_index}


def reference(X, edge_index):
    # TemporalMean over time axis
    z = jnp.mean(X, axis=0)  # [N, F]
    # DotLinkPredictor: gather src/dst embeddings, elementwise mul, sum over feature dim
    src = edge_index[0]
    dst = edge_index[1]
    pred = jnp.sum(z[src] * z[dst], axis=1)  # [E]
    return (pred, z)

if __name__ == "__main__":
    import jax
    _d = setup_inputs()
    print(jax.jit(kernel)(*tuple(_d.values())))

</pallas_src>

<mosaic_0001>
#map = affine_map<(d0, d1) -> (0, 0)>
#map1 = affine_map<(d0, d1) -> (0, 0, 0)>
module attributes {stable_mosaic.version = 14 : i64} {
  func.func @edge_kernel(%arg0: i32, %arg1: i32, %arg2: memref<10000x64xi32, #tpu.memory_space<hbm>>, %arg3: memref<32x80x128xi32, #tpu.memory_space<hbm>>, %arg4: memref<32x80x128xi32, #tpu.memory_space<hbm>>, %arg5: memref<32x80x128xf32, #tpu.memory_space<hbm>>, %arg6: memref<10000x64xi32, #tpu.memory_space<vmem_shared>>, %arg7: memref<80x128xi32, #tpu.memory_space<vmem>>, %arg8: memref<80x128xi32, #tpu.memory_space<vmem>>, %arg9: memref<128x64xi32, #tpu.memory_space<vmem>>, %arg10: memref<128x64xi32, #tpu.memory_space<vmem>>, %arg11: memref<128x64xi32, #tpu.memory_space<vmem>>, %arg12: memref<128x64xi32, #tpu.memory_space<vmem>>, %arg13: memref<80x128xf32, #tpu.memory_space<vmem>>, %arg14: memref<!tpu.dma_semaphore, #tpu.memory_space<semaphore_mem>>, %arg15: memref<!tpu.dma_semaphore, #tpu.memory_space<semaphore_mem>>, %arg16: memref<!tpu.dma_semaphore, #tpu.memory_space<semaphore_mem>>, %arg17: memref<!tpu.dma_semaphore, #tpu.memory_space<semaphore_mem>>) attributes {dimension_semantics = [#tpu.dimension_semantics<core_parallel>, #tpu.dimension_semantics<subcore_parallel>], iteration_bounds = array<i64: 2, 16>, scalar_prefetch = 0 : i64, scratch_operands = 12 : i64, tpu.core_type = #tpu.core_type<sc_vector_subcore>, window_params = [{transform_indices = #map}, {transform_indices = #map1}, {transform_indices = #map1}, {transform_indices = #map1}]} {
    %mul3A = arith.constant 2 : i32
    %mul3A_0 = arith.muli %arg1, %mul3A : i32
    %add3A = arith.addi %mul3A_0, %arg0 : i32
    %eq3A = arith.constant 0 : i32
    %eq3A_1 = arith.cmpi eq, %arg1, %eq3A : i32
    %convert_element_type3A = arith.extui %eq3A_1 : i1 to i32
    %cond3A = arith.constant 0 : i32
    %cond3A_2 = arith.cmpi ne, %convert_element_type3A, %cond3A : i32
    scf.if %cond3A_2 {
      "tpu.region"() ({
        %run_scoped3A = tpu.sem_alloc : memref<!tpu.dma_semaphore, #tpu.memory_space<semaphore_mem>>
        tpu.enqueue_dma source(%arg2 : memref<10000x64xi32, #tpu.memory_space<hbm>>) target(%arg6 : memref<10000x64xi32, #tpu.memory_space<vmem_shared>>) target_semaphore(%run_scoped3A : memref<!tpu.dma_semaphore, #tpu.memory_space<semaphore_mem>>)
        tpu.wait_dma2 semaphore(%run_scoped3A : memref<!tpu.dma_semaphore, #tpu.memory_space<semaphore_mem>>) src(%arg2 : memref<10000x64xi32, #tpu.memory_space<hbm>>) dst(%arg6 : memref<10000x64xi32, #tpu.memory_space<vmem_shared>>)
        tpu.yield
      }) : () -> ()
    } else {
    }
    "tpu.region"() ({
      %run_scoped3A = tpu.sem_alloc : memref<!tpu.dma_semaphore, #tpu.memory_space<semaphore_mem>>
      %dma_start3A_22 = arith.constant 0 : i32
      %dma_start3A_23 = arith.constant 0 : i32
      %dma_start3A_24 = tpu.memref_slice %arg3[%add3A, %dma_start3A_22, %dma_start3A_23] : memref<32x80x128xi32, #tpu.memory_space<hbm>> -> memref<1x80x128xi32, #tpu.memory_space<hbm>>
      %dma_start3A_25 = tpu.memref_squeeze %dma_start3A_24 : memref<1x80x128xi32, #tpu.memory_space<hbm>> -> memref<80x128xi32, #tpu.memory_space<hbm>>
      %dma_start3A_26 = arith.constant 0 : i32
      %dma_start3A_27 = arith.constant 0 : i32
      %dma_start3A_28 = tpu.memref_slice %arg3[%add3A, %dma_start3A_26, %dma_start3A_27] : memref<32x80x128xi32, #tpu.memory_space<hbm>> -> memref<1x80x128xi32, #tpu.memory_space<hbm>>
      %dma_start3A_29 = tpu.memref_squeeze %dma_start3A_28 : memref<1x80x128xi32, #tpu.memory_space<hbm>> -> memref<80x128xi32, #tpu.memory_space<hbm>>
      tpu.enqueue_dma source(%dma_start3A_29 : memref<80x128xi32, #tpu.memory_space<hbm>>) target(%arg7 : memref<80x128xi32, #tpu.memory_space<vmem>>) target_semaphore(%run_scoped3A : memref<!tpu.dma_semaphore, #tpu.memory_space<semaphore_mem>>)
      %dma_wait3A = arith.constant 0 : i32
      %dma_wait3A_30 = arith.constant 0 : i32
      %dma_wait3A_31 = tpu.memref_slice %arg3[%add3A, %dma_wait3A, %dma_wait3A_30] : memref<32x80x128xi32, #tpu.memory_space<hbm>> -> memref<1x80x128xi32, #tpu.memory_space<hbm>>
      %dma_wait3A_32 = tpu.memref_squeeze %dma_wait3A_31 : memref<1x80x128xi32, #tpu.memory_space<hbm>> -> memref<80x128xi32, #tpu.memory_space<hbm>>
      %dma_wait3A_33 = arith.constant 0 : i32
      %dma_wait3A_34 = arith.constant 0 : i32
      %dma_wait3A_35 = tpu.memref_slice %arg3[%add3A, %dma_wait3A_33, %dma_wait3A_34] : memref<32x80x128xi32, #tpu.memory_space<hbm>> -> memref<1x80x128xi32, #tpu.memory_space<hbm>>
      %dma_wait3A_36 = tpu.memref_squeeze %dma_wait3A_35 : memref<1x80x128xi32, #tpu.memory_space<hbm>> -> memref<80x128xi32, #tpu.memory_space<hbm>>
      tpu.wait_dma2 semaphore(%run_scoped3A : memref<!tpu.dma_semaphore, #tpu.memory_space<semaphore_mem>>) src(%dma_wait3A_36 : memref<80x128xi32, #tpu.memory_space<hbm>>) dst(%arg7 : memref<80x128xi32, #tpu.memory_space<vmem>>)
      tpu.yield
    }) : () -> ()
    "tpu.region"() ({
      %run_scoped3A = tpu.sem_alloc : memref<!tpu.dma_semaphore, #tpu.memory_space<semaphore_mem>>
      %dma_start3A_22 = arith.constant 0 : i32
      %dma_start3A_23 = arith.constant 0 : i32
      %dma_start3A_24 = tpu.memref_slice %arg4[%add3A, %dma_start3A_22, %dma_start3A_23] : memref<32x80x128xi32, #tpu.memory_space<hbm>> -> memref<1x80x128xi32, #tpu.memory_space<hbm>>
      %dma_start3A_25 = tpu.memref_squeeze %dma_start3A_24 : memref<1x80x128xi32, #tpu.memory_space<hbm>> -> memref<80x128xi32, #tpu.memory_space<hbm>>
      %dma_start3A_26 = arith.constant 0 : i32
      %dma_start3A_27 = arith.constant 0 : i32
      %dma_start3A_28 = tpu.memref_slice %arg4[%add3A, %dma_start3A_26, %dma_start3A_27] : memref<32x80x128xi32, #tpu.memory_space<hbm>> -> memref<1x80x128xi32, #tpu.memory_space<hbm>>
      %dma_start3A_29 = tpu.memref_squeeze %dma_start3A_28 : memref<1x80x128xi32, #tpu.memory_space<hbm>> -> memref<80x128xi32, #tpu.memory_space<hbm>>
      tpu.enqueue_dma source(%dma_start3A_29 : memref<80x128xi32, #tpu.memory_space<hbm>>) target(%arg8 : memref<80x128xi32, #tpu.memory_space<vmem>>) target_semaphore(%run_scoped3A : memref<!tpu.dma_semaphore, #tpu.memory_space<semaphore_mem>>)
      %dma_wait3A = arith.constant 0 : i32
      %dma_wait3A_30 = arith.constant 0 : i32
      %dma_wait3A_31 = tpu.memref_slice %arg4[%add3A, %dma_wait3A, %dma_wait3A_30] : memref<32x80x128xi32, #tpu.memory_space<hbm>> -> memref<1x80x128xi32, #tpu.memory_space<hbm>>
      %dma_wait3A_32 = tpu.memref_squeeze %dma_wait3A_31 : memref<1x80x128xi32, #tpu.memory_space<hbm>> -> memref<80x128xi32, #tpu.memory_space<hbm>>
      %dma_wait3A_33 = arith.constant 0 : i32
      %dma_wait3A_34 = arith.constant 0 : i32
      %dma_wait3A_35 = tpu.memref_slice %arg4[%add3A, %dma_wait3A_33, %dma_wait3A_34] : memref<32x80x128xi32, #tpu.memory_space<hbm>> -> memref<1x80x128xi32, #tpu.memory_space<hbm>>
      %dma_wait3A_36 = tpu.memref_squeeze %dma_wait3A_35 : memref<1x80x128xi32, #tpu.memory_space<hbm>> -> memref<80x128xi32, #tpu.memory_space<hbm>>
      tpu.wait_dma2 semaphore(%run_scoped3A : memref<!tpu.dma_semaphore, #tpu.memory_space<semaphore_mem>>) src(%dma_wait3A_36 : memref<80x128xi32, #tpu.memory_space<hbm>>) dst(%arg8 : memref<80x128xi32, #tpu.memory_space<vmem>>)
      tpu.yield
    }) : () -> ()
    %barrier3A = arith.constant 0 : index
    tpu.barrier barrier_id(%barrier3A)
    %iota3A = tpu.iota {dimensions = array<i32: 0>} : vector<16xi32>
    %broadcast_in_dim3A = arith.constant -65536 : i32
    %broadcast_in_dim3A_3 = vector.broadcast %broadcast_in_dim3A : i32 to vector<16xi32>
    %dma_start3A = arith.constant 0 : i32
    %dma_start3A_4 = arith.constant 0 : i32
    %dma_start3A_5 = tpu.memref_slice %arg7[%dma_start3A, %dma_start3A_4] : memref<80x128xi32, #tpu.memory_space<vmem>> -> memref<1x128xi32, #tpu.memory_space<vmem>>
    %dma_start3A_6 = tpu.memref_squeeze %dma_start3A_5 : memref<1x128xi32, #tpu.memory_space<vmem>> -> memref<128xi32, #tpu.memory_space<vmem>>
    %dma_start3A_7 = arith.constant 0 : i32
    %dma_start3A_8 = arith.constant 0 : i32
    %dma_start3A_9 = tpu.memref_slice %arg6[%dma_start3A_7, %dma_start3A_8] : memref<10000x64xi32, #tpu.memory_space<vmem_shared>> -> memref<10000x64xi32, #tpu.memory_space<vmem_shared>>
    tpu.enqueue_indirect_dma source(%dma_start3A_9 : memref<10000x64xi32, #tpu.memory_space<vmem_shared>>) target(%arg9 : memref<128x64xi32, #tpu.memory_space<vmem>>) offsets(%dma_start3A_6 : memref<128xi32, #tpu.memory_space<vmem>>) semaphore(%arg14 : memref<!tpu.dma_semaphore, #tpu.memory_space<semaphore_mem>>)
    %dma_start3A_10 = arith.constant 0 : i32
    %dma_start3A_11 = arith.constant 0 : i32
    %dma_start3A_12 = tpu.memref_slice %arg8[%dma_start3A_10, %dma_start3A_11] : memref<80x128xi32, #tpu.memory_space<vmem>> -> memref<1x128xi32, #tpu.memory_space<vmem>>
    %dma_start3A_13 = tpu.memref_squeeze %dma_start3A_12 : memref<1x128xi32, #tpu.memory_space<vmem>> -> memref<128xi32, #tpu.memory_space<vmem>>
    %dma_start3A_14 = arith.constant 0 : i32
    %dma_start3A_15 = arith.constant 0 : i32
    %dma_start3A_16 = tpu.memref_slice %arg6[%dma_start3A_14, %dma_start3A_15] : memref<10000x64xi32, #tpu.memory_space<vmem_shared>> -> memref<10000x64xi32, #tpu.memory_space<vmem_shared>>
    tpu.enqueue_indirect_dma source(%dma_start3A_16 : memref<10000x64xi32, #tpu.memory_space<vmem_shared>>) target(%arg11 : memref<128x64xi32, #tpu.memory_space<vmem>>) offsets(%dma_start3A_13 : memref<128xi32, #tpu.memory_space<vmem>>) semaphore(%arg16 : memref<!tpu.dma_semaphore, #tpu.memory_space<semaphore_mem>>)
    %scan3A = arith.constant 0 : i32
    %scan3A_17 = arith.constant 0 : i32
    %scan3A_18 = arith.constant 40 : i32
    %scan3A_19 = arith.addi %scan3A_17, %scan3A_18 : i32
    %scan3A_20 = arith.constant 1 : i32
    scf.for %scan3A_22 = %scan3A_17 to %scan3A_19 step %scan3A_20  : i32 {
      %mul3A_23 = arith.constant 2 : i32
      %mul3A_24 = arith.muli %mul3A_23, %scan3A_22 : i32
      %add3A_25 = arith.constant 1 : i32
      %add3A_26 = arith.addi %mul3A_24, %add3A_25 : i32
      %dma_start3A_27 = arith.constant 0 : i32
      %dma_start3A_28 = tpu.memref_slice %arg7[%add3A_26, %dma_start3A_27] : memref<80x128xi32, #tpu.memory_space<vmem>> -> memref<1x128xi32, #tpu.memory_space<vmem>>
      %dma_start3A_29 = tpu.memref_squeeze %dma_start3A_28 : memref<1x128xi32, #tpu.memory_space<vmem>> -> memref<128xi32, #tpu.memory_space<vmem>>
      %dma_start3A_30 = arith.constant 0 : i32
      %dma_start3A_31 = arith.constant 0 : i32
      %dma_start3A_32 = tpu.memref_slice %arg6[%dma_start3A_30, %dma_start3A_31] : memref<10000x64xi32, #tpu.memory_space<vmem_shared>> -> memref<10000x64xi32, #tpu.memory_space<vmem_shared>>
      tpu.enqueue_indirect_dma source(%dma_start3A_32 : memref<10000x64xi32, #tpu.memory_space<vmem_shared>>) target(%arg10 : memref<128x64xi32, #tpu.memory_space<vmem>>) offsets(%dma_start3A_29 : memref<128xi32, #tpu.memory_space<vmem>>) semaphore(%arg15 : memref<!tpu.dma_semaphore, #tpu.memory_space<semaphore_mem>>)
      %dma_start3A_33 = arith.constant 0 : i32
      %dma_start3A_34 = tpu.memref_slice %arg8[%add3A_26, %dma_start3A_33] : memref<80x128xi32, #tpu.memory_space<vmem>> -> memref<1x128xi32, #tpu.memory_space<vmem>>
      %dma_start3A_35 = tpu.memref_squeeze %dma_start3A_34 : memref<1x128xi32, #tpu.memory_space<vmem>> -> memref<128xi32, #tpu.memory_space<vmem>>
      %dma_start3A_36 = arith.constant 0 : i32
      %dma_start3A_37 = arith.constant 0 : i32
      %dma_start3A_38 = tpu.memref_slice %arg6[%dma_start3A_36, %dma_start3A_37] : memref<10000x64xi32, #tpu.memory_space<vmem_shared>> -> memref<10000x64xi32, #tpu.memory_space<vmem_shared>>
      tpu.enqueue_indirect_dma source(%dma_start3A_38 : memref<10000x64xi32, #tpu.memory_space<vmem_shared>>) target(%arg12 : memref<128x64xi32, #tpu.memory_space<vmem>>) offsets(%dma_start3A_35 : memref<128xi32, #tpu.memory_space<vmem>>) semaphore(%arg17 : memref<!tpu.dma_semaphore, #tpu.memory_space<semaphore_mem>>)
      %dma_wait3A = arith.constant 0 : i32
      %dma_wait3A_39 = tpu.memref_slice %arg7[%mul3A_24, %dma_wait3A] : memref<80x128xi32, #tpu.memory_space<vmem>> -> memref<1x128xi32, #tpu.memory_space<vmem>>
      %dma_wait3A_40 = tpu.memref_squeeze %dma_wait3A_39 : memref<1x128xi32, #tpu.memory_space<vmem>> -> memref<128xi32, #tpu.memory_space<vmem>>
      %dma_wait3A_41 = arith.constant 0 : i32
      %dma_wait3A_42 = arith.constant 0 : i32
      %dma_wait3A_43 = tpu.memref_slice %arg6[%dma_wait3A_41, %dma_wait3A_42] : memref<10000x64xi32, #tpu.memory_space<vmem_shared>> -> memref<10000x64xi32, #tpu.memory_space<vmem_shared>>
      tpu.wait_indirect_dma semaphore(%arg14 : memref<!tpu.dma_semaphore, #tpu.memory_space<semaphore_mem>>) src(%dma_wait3A_43 : memref<10000x64xi32, #tpu.memory_space<vmem_shared>>) dst(%arg9 : memref<128x64xi32, #tpu.memory_space<vmem>>)
      %dma_wait3A_44 = arith.constant 0 : i32
      %dma_wait3A_45 = tpu.memref_slice %arg8[%mul3A_24, %dma_wait3A_44] : memref<80x128xi32, #tpu.memory_space<vmem>> -> memref<1x128xi32, #tpu.memory_space<vmem>>
      %dma_wait3A_46 = tpu.memref_squeeze %dma_wait3A_45 : memref<1x128xi32, #tpu.memory_space<vmem>> -> memref<128xi32, #tpu.memory_space<vmem>>
      %dma_wait3A_47 = arith.constant 0 : i32
      %dma_wait3A_48 = arith.constant 0 : i32
      %dma_wait3A_49 = tpu.memref_slice %arg6[%dma_wait3A_47, %dma_wait3A_48] : memref<10000x64xi32, #tpu.memory_space<vmem_shared>> -> memref<10000x64xi32, #tpu.memory_space<vmem_shared>>
      tpu.wait_indirect_dma semaphore(%arg16 : memref<!tpu.dma_semaphore, #tpu.memory_space<semaphore_mem>>) src(%dma_wait3A_49 : memref<10000x64xi32, #tpu.memory_space<vmem_shared>>) dst(%arg11 : memref<128x64xi32, #tpu.memory_space<vmem>>)
      %scan3A_50 = arith.constant 0 : i32
      %scan3A_51 = arith.constant 0 : i32
      %scan3A_52 = arith.constant 8 : i32
      %scan3A_53 = arith.addi %scan3A_51, %scan3A_52 : i32
      %scan3A_54 = arith.constant 1 : i32
      scf.for %scan3A_84 = %scan3A_51 to %scan3A_53 step %scan3A_54  : i32 {
        %broadcast_in_dim3A_85 = arith.constant 0.000000e+00 : f32
        %broadcast_in_dim3A_86 = vector.broadcast %broadcast_in_dim3A_85 : f32 to vector<16xf32>
        %mul3A_87 = arith.constant 16 : i32
        %mul3A_88 = arith.muli %scan3A_84, %mul3A_87 : i32
        %add3A_89 = arith.constant 0 : i32
        %add3A_90 = arith.addi %mul3A_88, %add3A_89 : i32
        %get3A = arith.index_cast %add3A_90 : i32 to index
        %get3A_91 = arith.constant 0 : index
        %get3A_92 = tpu.vector_load %arg9[%get3A, %get3A_91] {strides = array<i32>} : memref<128x64xi32, #tpu.memory_space<vmem>>, vector<16xi32>,
        %shift_left3A = arith.constant 16 : i32
        %shift_left3A_93 = vector.broadcast %shift_left3A : i32 to vector<16xi32>
        %shift_left3A_94 = arith.shli %get3A_92, %shift_left3A_93 : vector<16xi32>
        %bitcast_convert_type3A = tpu.bitcast %shift_left3A_94 : vector<16xi32> -> vector<16xf32>
        %and3A = arith.andi %get3A_92, %broadcast_in_dim3A_3 : vector<16xi32>
        %bitcast_convert_type3A_95 = tpu.bitcast %and3A : vector<16xi32> -> vector<16xf32>
        %get3A_96 = arith.index_cast %add3A_90 : i32 to index
        %get3A_97 = arith.constant 0 : index
        %get3A_98 = tpu.vector_load %arg11[%get3A_96, %get3A_97] {strides = array<i32>} : memref<128x64xi32, #tpu.memory_space<vmem>>, vector<16xi32>,
        %shift_left3A_99 = arith.constant 16 : i32
        %shift_left3A_100 = vector.broadcast %shift_left3A_99 : i32 to vector<16xi32>
        %shift_left3A_101 = arith.shli %get3A_98, %shift_left3A_100 : vector<16xi32>
        %bitcast_convert_type3A_102 = tpu.bitcast %shift_left3A_101 : vector<16xi32> -> vector<16xf32>
        %and3A_103 = arith.andi %get3A_98, %broadcast_in_dim3A_3 : vector<16xi32>
        %bitcast_convert_type3A_104 = tpu.bitcast %and3A_103 : vector<16xi32> -> vector<16xf32>
        %mul3A_105 = arith.mulf %bitcast_convert_type3A, %bitcast_convert_type3A_102 : vector<16xf32>
        %mul3A_106 = arith.mulf %bitcast_convert_type3A_95, %bitcast_convert_type3A_104 : vector<16xf32>
        %add3A_107 = arith.addf %mul3A_105, %mul3A_106 : vector<16xf32>
        %get3A_108 = arith.index_cast %add3A_90 : i32 to index
        %get3A_109 = arith.constant 16 : index
        %get3A_110 = tpu.vector_load %arg9[%get3A_108, %get3A_109] {strides = array<i32>} : memref<128x64xi32, #tpu.memory_space<vmem>>, vector<16xi32>,
        %shift_left3A_111 = arith.constant 16 : i32
        %shift_left3A_112 = vector.broadcast %shift_left3A_111 : i32 to vector<16xi32>
        %shift_left3A_113 = arith.shli %get3A_110, %shift_left3A_112 : vector<16xi32>
        %bitcast_convert_type3A_114 = tpu.bitcast %shift_left3A_113 : vector<16xi32> -> vector<16xf32>
        %and3A_115 = arith.andi %get3A_110, %broadcast_in_dim3A_3 : vector<16xi32>
        %bitcast_convert_type3A_116 = tpu.bitcast %and3A_115 : vector<16xi32> -> vector<16xf32>
        %get3A_117 = arith.index_cast %add3A_90 : i32 to index
        %get3A_118 = arith.constant 16 : index
        %get3A_119 = tpu.vector_load %arg11[%get3A_117, %get3A_118] {strides = array<i32>} : memref<128x64xi32, #tpu.memory_space<vmem>>, vector<16xi32>,
        %shift_left3A_120 = arith.constant 16 : i32
        %shift_left3A_121 = vector.broadcast %shift_left3A_120 : i32 to vector<16xi32>
        %shift_left3A_122 = arith.shli %get3A_119, %shift_left3A_121 : vector<16xi32>
        %bitcast_convert_type3A_123 = tpu.bitcast %shift_left3A_122 : vector<16xi32> -> vector<16xf32>
        %and3A_124 = arith.andi %get3A_119, %broadcast_in_dim3A_3 : vector<16xi32>
        %bitcast_convert_type3A_125 = tpu.bitcast %and3A_124 : vector<16xi32> -> vector<16xf32>
        %mul3A_126 = arith.mulf %bitcast_convert_type3A_114, %bitcast_convert_type3A_123 : vector<16xf32>
        %mul3A_127 = arith.mulf %bitcast_convert_type3A_116, %bitcast_convert_type3A_125 : vector<16xf32>
        %add3A_128 = arith.addf %mul3A_126, %mul3A_127 : vector<16xf32>
        %add3A_129 = arith.addf %add3A_107, %add3A_128 : vector<16xf32>
        %get3A_130 = arith.index_cast %add3A_90 : i32 to index
        %get3A_131 = arith.constant 32 : index
        %get3A_132 = tpu.vector_load %arg9[%get3A_130, %get3A_131] {strides = array<i32>} : memref<128x64xi32, #tpu.memory_space<vmem>>, vector<16xi32>,
        %shift_left3A_133 = arith.constant 16 : i32
        %shift_left3A_134 = vector.broadcast %shift_left3A_133 : i32 to vector<16xi32>
        %shift_left3A_135 = arith.shli %get3A_132, %shift_left3A_134 : vector<16xi32>
        %bitcast_convert_type3A_136 = tpu.bitcast %shift_left3A_135 : vector<16xi32> -> vector<16xf32>
        %and3A_137 = arith.andi %get3A_132, %broadcast_in_dim3A_3 : vector<16xi32>
        %bitcast_convert_type3A_138 = tpu.bitcast %and3A_137 : vector<16xi32> -> vector<16xf32>
        %get3A_139 = arith.index_cast %add3A_90 : i32 to index
        %get3A_140 = arith.constant 32 : index
        %get3A_141 = tpu.vector_load %arg11[%get3A_139, %get3A_140] {strides = array<i32>} : memref<128x64xi32, #tpu.memory_space<vmem>>, vector<16xi32>,
        %shift_left3A_142 = arith.constant 16 : i32
        %shift_left3A_143 = vector.broadcast %shift_left3A_142 : i32 to vector<16xi32>
        %shift_left3A_144 = arith.shli %get3A_141, %shift_left3A_143 : vector<16xi32>
        %bitcast_convert_type3A_145 = tpu.bitcast %shift_left3A_144 : vector<16xi32> -> vector<16xf32>
        %and3A_146 = arith.andi %get3A_141, %broadcast_in_dim3A_3 : vector<16xi32>
        %bitcast_convert_type3A_147 = tpu.bitcast %and3A_146 : vector<16xi32> -> vector<16xf32>
        %mul3A_148 = arith.mulf %bitcast_convert_type3A_136, %bitcast_convert_type3A_145 : vector<16xf32>
        %mul3A_149 = arith.mulf %bitcast_convert_type3A_138, %bitcast_convert_type3A_147 : vector<16xf32>
        %add3A_150 = arith.addf %mul3A_148, %mul3A_149 : vector<16xf32>
        %add3A_151 = arith.addf %add3A_129, %add3A_150 : vector<16xf32>
        %get3A_152 = arith.index_cast %add3A_90 : i32 to index
        %get3A_153 = arith.constant 48 : index
        %get3A_154 = tpu.vector_load %arg9[%get3A_152, %get3A_153] {strides = array<i32>} : memref<128x64xi32, #tpu.memory_space<vmem>>, vector<16xi32>,
        %shift_left3A_155 = arith.constant 16 : i32
        %shift_left3A_156 = vector.broadcast %shift_left3A_155 : i32 to vector<16xi32>
        %shift_left3A_157 = arith.shli %get3A_154, %shift_left3A_156 : vector<16xi32>
        %bitcast_convert_type3A_158 = tpu.bitcast %shift_left3A_157 : vector<16xi32> -> vector<16xf32>
        %and3A_159 = arith.andi %get3A_154, %broadcast_in_dim3A_3 : vector<16xi32>
        %bitcast_convert_type3A_160 = tpu.bitcast %and3A_159 : vector<16xi32> -> vector<16xf32>
        %get3A_161 = arith.index_cast %add3A_90 : i32 to index
        %get3A_162 = arith.constant 48 : index
        %get3A_163 = tpu.vector_load %arg11[%get3A_161, %get3A_162] {strides = array<i32>} : memref<128x64xi32, #tpu.memory_space<vmem>>, vector<16xi32>,
        %shift_left3A_164 = arith.constant 16 : i32
        %shift_left3A_165 = vector.broadcast %shift_left3A_164 : i32 to vector<16xi32>
        %shift_left3A_166 = arith.shli %get3A_163, %shift_left3A_165 : vector<16xi32>
        %bitcast_convert_type3A_167 = tpu.bitcast %shift_left3A_166 : vector<16xi32> -> vector<16xf32>
        %and3A_168 = arith.andi %get3A_163, %broadcast_in_dim3A_3 : vector<16xi32>
        %bitcast_convert_type3A_169 = tpu.bitcast %and3A_168 : vector<16xi32> -> vector<16xf32>
        %mul3A_170 = arith.mulf %bitcast_convert_type3A_158, %bitcast_convert_type3A_167 : vector<16xf32>
        %mul3A_171 = arith.mulf %bitcast_convert_type3A_160, %bitcast_convert_type3A_169 : vector<16xf32>
        %add3A_172 = arith.addf %mul3A_170, %mul3A_171 : vector<16xf32>
        %add3A_173 = arith.addf %add3A_151, %add3A_172 : vector<16xf32>
        %eq3A_174 = arith.constant 0 : i32
        %eq3A_175 = vector.broadcast %eq3A_174 : i32 to vector<16xi32>
        %eq3A_176 = arith.cmpi eq, %iota3A, %eq3A_175 : vector<16xi32>
        %reduce_sum3A = arith.constant true
        %reduce_sum3A_177 = vector.broadcast %reduce_sum3A : i1 to vector<16xi1>
        %reduce_sum3A_178 = tpu.scan <sum>, %add3A_173 masked %reduce_sum3A_177 : vector<16xf32>, vector<16xi1> -> vector<16xf32>
        %reduce_sum3A_179 = vector.extract %reduce_sum3A_178[15] : f32 from vector<16xf32>
        %broadcast_in_dim3A_180 = vector.broadcast %reduce_sum3A_179 : f32 to vector<16xf32>
        %select_n3A = arith.select %eq3A_176, %broadcast_in_dim3A_180, %broadcast_in_dim3A_86 : vector<16xi1>, vector<16xf32>
        %mul3A_181 = arith.constant 16 : i32
        %mul3A_182 = arith.muli %scan3A_84, %mul3A_181 : i32
        %add3A_183 = arith.constant 1 : i32
        %add3A_184 = arith.addi %mul3A_182, %add3A_183 : i32
        %get3A_185 = arith.index_cast %add3A_184 : i32 to index
        %get3A_186 = arith.constant 0 : index
        %get3A_187 = tpu.vector_load %arg9[%get3A_185, %get3A_186] {strides = array<i32>} : memref<128x64xi32, #tpu.memory_space<vmem>>, vector<16xi32>,
        %shift_left3A_188 = arith.constant 16 : i32
        %shift_left3A_189 = vector.broadcast %shift_left3A_188 : i32 to vector<16xi32>
        %shift_left3A_190 = arith.shli %get3A_187, %shift_left3A_189 : vector<16xi32>
        %bitcast_convert_type3A_191 = tpu.bitcast %shift_left3A_190 : vector<16xi32> -> vector<16xf32>
        %and3A_192 = arith.andi %get3A_187, %broadcast_in_dim3A_3 : vector<16xi32>
        %bitcast_convert_type3A_193 = tpu.bitcast %and3A_192 : vector<16xi32> -> vector<16xf32>
        %get3A_194 = arith.index_cast %add3A_184 : i32 to index
        %get3A_195 = arith.constant 0 : index
        %get3A_196 = tpu.vector_load %arg11[%get3A_194, %get3A_195] {strides = array<i32>} : memref<128x64xi32, #tpu.memory_space<vmem>>, vector<16xi32>,
        %shift_left3A_197 = arith.constant 16 : i32
        %shift_left3A_198 = vector.broadcast %shift_left3A_197 : i32 to vector<16xi32>
        %shift_left3A_199 = arith.shli %get3A_196, %shift_left3A_198 : vector<16xi32>
        %bitcast_convert_type3A_200 = tpu.bitcast %shift_left3A_199 : vector<16xi32> -> vector<16xf32>
        %and3A_201 = arith.andi %get3A_196, %broadcast_in_dim3A_3 : vector<16xi32>
        %bitcast_convert_type3A_202 = tpu.bitcast %and3A_201 : vector<16xi32> -> vector<16xf32>
        %mul3A_203 = arith.mulf %bitcast_convert_type3A_191, %bitcast_convert_type3A_200 : vector<16xf32>
        %mul3A_204 = arith.mulf %bitcast_convert_type3A_193, %bitcast_convert_type3A_202 : vector<16xf32>
        %add3A_205 = arith.addf %mul3A_203, %mul3A_204 : vector<16xf32>
        %get3A_206 = arith.index_cast %add3A_184 : i32 to index
        %get3A_207 = arith.constant 16 : index
        %get3A_208 = tpu.vector_load %arg9[%get3A_206, %get3A_207] {strides = array<i32>} : memref<128x64xi32, #tpu.memory_space<vmem>>, vector<16xi32>,
        %shift_left3A_209 = arith.constant 16 : i32
        %shift_left3A_210 = vector.broadcast %shift_left3A_209 : i32 to vector<16xi32>
        %shift_left3A_211 = arith.shli %get3A_208, %shift_left3A_210 : vector<16xi32>
        %bitcast_convert_type3A_212 = tpu.bitcast %shift_left3A_211 : vector<16xi32> -> vector<16xf32>
        %and3A_213 = arith.andi %get3A_208, %broadcast_in_dim3A_3 : vector<16xi32>
        %bitcast_convert_type3A_214 = tpu.bitcast %and3A_213 : vector<16xi32> -> vector<16xf32>
        %get3A_215 = arith.index_cast %add3A_184 : i32 to index
        %get3A_216 = arith.constant 16 : index
        %get3A_217 = tpu.vector_load %arg11[%get3A_215, %get3A_216] {strides = array<i32>} : memref<128x64xi32, #tpu.memory_space<vmem>>, vector<16xi32>,
        %shift_left3A_218 = arith.constant 16 : i32
        %shift_left3A_219 = vector.broadcast %shift_left3A_218 : i32 to vector<16xi32>
        %shift_left3A_220 = arith.shli %get3A_217, %shift_left3A_219 : vector<16xi32>
        %bitcast_convert_type3A_221 = tpu.bitcast %shift_left3A_220 : vector<16xi32> -> vector<16xf32>
        %and3A_222 = arith.andi %get3A_217, %broadcast_in_dim3A_3 : vector<16xi32>
        %bitcast_convert_type3A_223 = tpu.bitcast %and3A_222 : vector<16xi32> -> vector<16xf32>
        %mul3A_224 = arith.mulf %bitcast_convert_type3A_212, %bitcast_convert_type3A_221 : vector<16xf32>
        %mul3A_225 = arith.mulf %bitcast_convert_type3A_214, %bitcast_convert_type3A_223 : vector<16xf32>
        %add3A_226 = arith.addf %mul3A_224, %mul3A_225 : vector<16xf32>
        %add3A_227 = arith.addf %add3A_205, %add3A_226 : vector<16xf32>
        %get3A_228 = arith.index_cast %add3A_184 : i32 to index
        %get3A_229 = arith.constant 32 : index
        %get3A_230 = tpu.vector_load %arg9[%get3A_228, %get3A_229] {strides = array<i32>} : memref<128x64xi32, #tpu.memory_space<vmem>>, vector<16xi32>,
        %shift_left3A_231 = arith.constant 16 : i32
        %shift_left3A_232 = vector.broadcast %shift_left3A_231 : i32 to vector<16xi32>
        %shift_left3A_233 = arith.shli %get3A_230, %shift_left3A_232 : vector<16xi32>
        %bitcast_convert_type3A_234 = tpu.bitcast %shift_left3A_233 : vector<16xi32> -> vector<16xf32>
        %and3A_235 = arith.andi %get3A_230, %broadcast_in_dim3A_3 : vector<16xi32>
        %bitcast_convert_type3A_236 = tpu.bitcast %and3A_235 : vector<16xi32> -> vector<16xf32>
        %get3A_237 = arith.index_cast %add3A_184 : i32 to index
        %get3A_238 = arith.constant 32 : index
        %get3A_239 = tpu.vector_load %arg11[%get3A_237, %get3A_238] {strides = array<i32>} : memref<128x64xi32, #tpu.memory_space<vmem>>, vector<16xi32>,
        %shift_left3A_240 = arith.constant 16 : i32
        %shift_left3A_241 = vector.broadcast %shift_left3A_240 : i32 to vector<16xi32>
        %shift_left3A_242 = arith.shli %get3A_239, %shift_left3A_241 : vector<16xi32>
        %bitcast_convert_type3A_243 = tpu.bitcast %shift_left3A_242 : vector<16xi32> -> vector<16xf32>
        %and3A_244 = arith.andi %get3A_239, %broadcast_in_dim3A_3 : vector<16xi32>
        %bitcast_convert_type3A_245 = tpu.bitcast %and3A_244 : vector<16xi32> -> vector<16xf32>
        %mul3A_246 = arith.mulf %bitcast_convert_type3A_234, %bitcast_convert_type3A_243 : vector<16xf32>
        %mul3A_247 = arith.mulf %bitcast_convert_type3A_236, %bitcast_convert_type3A_245 : vector<16xf32>
        %add3A_248 = arith.addf %mul3A_246, %mul3A_247 : vector<16xf32>
        %add3A_249 = arith.addf %add3A_227, %add3A_248 : vector<16xf32>
        %get3A_250 = arith.index_cast %add3A_184 : i32 to index
        %get3A_251 = arith.constant 48 : index
        %get3A_252 = tpu.vector_load %arg9[%get3A_250, %get3A_251] {strides = array<i32>} : memref<128x64xi32, #tpu.memory_space<vmem>>, vector<16xi32>,
        %shift_left3A_253 = arith.constant 16 : i32
        %shift_left3A_254 = vector.broadcast %shift_left3A_253 : i32 to vector<16xi32>
        %shift_left3A_255 = arith.shli %get3A_252, %shift_left3A_254 : vector<16xi32>
        %bitcast_convert_type3A_256 = tpu.bitcast %shift_left3A_255 : vector<16xi32> -> vector<16xf32>
        %and3A_257 = arith.andi %get3A_252, %broadcast_in_dim3A_3 : vector<16xi32>
        %bitcast_convert_type3A_258 = tpu.bitcast %and3A_257 : vector<16xi32> -> vector<16xf32>
        %get3A_259 = arith.index_cast %add3A_184 : i32 to index
        %get3A_260 = arith.constant 48 : index
        %get3A_261 = tpu.vector_load %arg11[%get3A_259, %get3A_260] {strides = array<i32>} : memref<128x64xi32, #tpu.memory_space<vmem>>, vector<16xi32>,
        %shift_left3A_262 = arith.constant 16 : i32
        %shift_left3A_263 = vector.broadcast %shift_left3A_262 : i32 to vector<16xi32>
        %shift_left3A_264 = arith.shli %get3A_261, %shift_left3A_263 : vector<16xi32>
        %bitcast_convert_type3A_265 = tpu.bitcast %shift_left3A_264 : vector<16xi32> -> vector<16xf32>
        %and3A_266 = arith.andi %get3A_261, %broadcast_in_dim3A_3 : vector<16xi32>
        %bitcast_convert_type3A_267 = tpu.bitcast %and3A_266 : vector<16xi32> -> vector<16xf32>
        %mul3A_268 = arith.mulf %bitcast_convert_type3A_256, %bitcast_convert_type3A_265 : vector<16xf32>
        %mul3A_269 = arith.mulf %bitcast_convert_type3A_258, %bitcast_convert_type3A_267 : vector<16xf32>
        %add3A_270 = arith.addf %mul3A_268, %mul3A_269 : vector<16xf32>
        %add3A_271 = arith.addf %add3A_249, %add3A_270 : vector<16xf32>
        %eq3A_272 = arith.constant 1 : i32
        %eq3A_273 = vector.broadcast %eq3A_272 : i32 to vector<16xi32>
        %eq3A_274 = arith.cmpi eq, %iota3A, %eq3A_273 : vector<16xi32>
        %reduce_sum3A_275 = arith.constant true
        %reduce_sum3A_276 = vector.broadcast %reduce_sum3A_275 : i1 to vector<16xi1>
        %reduce_sum3A_277 = tpu.scan <sum>, %add3A_271 masked %reduce_sum3A_276 : vector<16xf32>, vector<16xi1> -> vector<16xf32>
        %reduce_sum3A_278 = vector.extract %reduce_sum3A_277[15] : f32 from vector<16xf32>
        %broadcast_in_dim3A_279 = vector.broadcast %reduce_sum3A_278 : f32 to vector<16xf32>
        %select_n3A_280 = arith.select %eq3A_274, %broadcast_in_dim3A_279, %select_n3A : vector<16xi1>, vector<16xf32>
        %mul3A_281 = arith.constant 16 : i32
        %mul3A_282 = arith.muli %scan3A_84, %mul3A_281 : i32
        %add3A_283 = arith.constant 2 : i32
        %add3A_284 = arith.addi %mul3A_282, %add3A_283 : i32
        %get3A_285 = arith.index_cast %add3A_284 : i32 to index
        %get3A_286 = arith.constant 0 : index
        %get3A_287 = tpu.vector_load %arg9[%get3A_285, %get3A_286] {strides = array<i32>} : memref<128x64xi32, #tpu.memory_space<vmem>>, vector<16xi32>,
        %shift_left3A_288 = arith.constant 16 : i32
        %shift_left3A_289 = vector.broadcast %shift_left3A_288 : i32 to vector<16xi32>
        %shift_left3A_290 = arith.shli %get3A_287, %shift_left3A_289 : vector<16xi32>
        %bitcast_convert_type3A_291 = tpu.bitcast %shift_left3A_290 : vector<16xi32> -> vector<16xf32>
        %and3A_292 = arith.andi %get3A_287, %broadcast_in_dim3A_3 : vector<16xi32>
        %bitcast_convert_type3A_293 = tpu.bitcast %and3A_292 : vector<16xi32> -> vector<16xf32>
        %get3A_294 = arith.index_cast %add3A_284 : i32 to index
        %get3A_295 = arith.constant 0 : index
        %get3A_296 = tpu.vector_load %arg11[%get3A_294, %get3A_295] {strides = array<i32>} : memref<128x64xi32, #tpu.memory_space<vmem>>, vector<16xi32>,
        %shift_left3A_297 = arith.constant 16 : i32
        %shift_left3A_298 = vector.broadcast %shift_left3A_297 : i32 to vector<16xi32>
        %shift_left3A_299 = arith.shli %get3A_296, %shift_left3A_298 : vector<16xi32>
        %bitcast_convert_type3A_300 = tpu.bitcast %shift_left3A_299 : vector<16xi32> -> vector<16xf32>
        %and3A_301 = arith.andi %get3A_296, %broadcast_in_dim3A_3 : vector<16xi32>
        %bitcast_convert_type3A_302 = tpu.bitcast %and3A_301 : vector<16xi32> -> vector<16xf32>
        %mul3A_303 = arith.mulf %bitcast_convert_type3A_291, %bitcast_convert_type3A_300 : vector<16xf32>
        %mul3A_304 = arith.mulf %bitcast_convert_type3A_293, %bitcast_convert_type3A_302 : vector<16xf32>
        %add3A_305 = arith.addf %mul3A_303, %mul3A_304 : vector<16xf32>
        %get3A_306 = arith.index_cast %add3A_284 : i32 to index
        %get3A_307 = arith.constant 16 : index
        %get3A_308 = tpu.vector_load %arg9[%get3A_306, %get3A_307] {strides = array<i32>} : memref<128x64xi32, #tpu.memory_space<vmem>>, vector<16xi32>,
        %shift_left3A_309 = arith.constant 16 : i32
        %shift_left3A_310 = vector.broadcast %shift_left3A_309 : i32 to vector<16xi32>
        %shift_left3A_311 = arith.shli %get3A_308, %shift_left3A_310 : vector<16xi32>
        %bitcast_convert_type3A_312 = tpu.bitcast %shift_left3A_311 : vector<16xi32> -> vector<16xf32>
        %and3A_313 = arith.andi %get3A_308, %broadcast_in_dim3A_3 : vector<16xi32>
        %bitcast_convert_type3A_314 = tpu.bitcast %and3A_313 : vector<16xi32> -> vector<16xf32>
        %get3A_315 = arith.index_cast %add3A_284 : i32 to index
        %get3A_316 = arith.constant 16 : index
        %get3A_317 = tpu.vector_load %arg11[%get3A_315, %get3A_316] {strides = array<i32>} : memref<128x64xi32, #tpu.memory_space<vmem>>, vector<16xi32>,
        %shift_left3A_318 = arith.constant 16 : i32
        %shift_left3A_319 = vector.broadcast %shift_left3A_318 : i32 to vector<16xi32>
        %shift_left3A_320 = arith.shli %get3A_317, %shift_left3A_319 : vector<16xi32>
        %bitcast_convert_type3A_321 = tpu.bitcast %shift_left3A_320 : vector<16xi32> -> vector<16xf32>
        %and3A_322 = arith.andi %get3A_317, %broadcast_in_dim3A_3 : vector<16xi32>
        %bitcast_convert_type3A_323 = tpu.bitcast %and3A_322 : vector<16xi32> -> vector<16xf32>
        %mul3A_324 = arith.mulf %bitcast_convert_type3A_312, %bitcast_convert_type3A_321 : vector<16xf32>
        %mul3A_325 = arith.mulf %bitcast_convert_type3A_314, %bitcast_convert_type3A_323 : vector<16xf32>
        %add3A_326 = arith.addf %mul3A_324, %mul3A_325 : vector<16xf32>
        %add3A_327 = arith.addf %add3A_305, %add3A_326 : vector<16xf32>
        %get3A_328 = arith.index_cast %add3A_284 : i32 to index
        %get3A_329 = arith.constant 32 : index
        %get3A_330 = tpu.vector_load %arg9[%get3A_328, %get3A_329] {strides = array<i32>} : memref<128x64xi32, #tpu.memory_space<vmem>>, vector<16xi32>,
        %shift_left3A_331 = arith.constant 16 : i32
        %shift_left3A_332 = vector.broadcast %shift_left3A_331 : i32 to vector<16xi32>
        %shift_left3A_333 = arith.shli %get3A_330, %shift_left3A_332 : vector<16xi32>
        %bitcast_convert_type3A_334 = tpu.bitcast %shift_left3A_333 : vector<16xi32> -> vector<16xf32>
        %and3A_335 = arith.andi %get3A_330, %broadcast_in_dim3A_3 : vector<16xi32>
        %bitcast_convert_type3A_336 = tpu.bitcast %and3A_335 : vector<16xi32> -> vector<16xf32>
        %get3A_337 = arith.index_cast %add3A_284 : i32 to index
        %get3A_338 = arith.constant 32 : index
        %get3A_339 = tpu.vector_load %arg11[%get3A_337, %get3A_338] {strides = array<i32>} : memref<128x64xi32, #tpu.memory_space<vmem>>, vector<16xi32>,
        %shift_left3A_340 = arith.constant 16 : i32
        %shift_left3A_341 = vector.broadcast %shift_left3A_340 : i32 to vector<16xi32>
        %shift_left3A_342 = arith.shli %get3A_339, %shift_left3A_341 : vector<16xi32>
        %bitcast_convert_type3A_343 = tpu.bitcast %shift_left3A_342 : vector<16xi32> -> vector<16xf32>
        %and3A_344 = arith.andi %get3A_339, %broadcast_in_dim3A_3 : vector<16xi32>
        %bitcast_convert_type3A_345 = tpu.bitcast %and3A_344 : vector<16xi32> -> vector<16xf32>
        %mul3A_346 = arith.mulf %bitcast_convert_type3A_334, %bitcast_convert_type3A_343 : vector<16xf32>
        %mul3A_347 = arith.mulf %bitcast_convert_type3A_336, %bitcast_convert_type3A_345 : vector<16xf32>
        %add3A_348 = arith.addf %mul3A_346, %mul3A_347 : vector<16xf32>
        %add3A_349 = arith.addf %add3A_327, %add3A_348 : vector<16xf32>
        %get3A_350 = arith.index_cast %add3A_284 : i32 to index
        %get3A_351 = arith.constant 48 : index
        %get3A_352 = tpu.vector_load %arg9[%get3A_350, %get3A_351] {strides = array<i32>} : memref<128x64xi32, #tpu.memory_space<vmem>>, vector<16xi32>,
        %shift_left3A_353 = arith.constant 16 : i32
        %shift_left3A_354 = vector.broadcast %shift_left3A_353 : i32 to vector<16xi32>
        %shift_left3A_355 = arith.shli %get3A_352, %shift_left3A_354 : vector<16xi32>
        %bitcast_convert_type3A_356 = tpu.bitcast %shift_left3A_355 : vector<16xi32> -> vector<16xf32>
        %and3A_357 = arith.andi %get3A_352, %broadcast_in_dim3A_3 : vector<16xi32>
        %bitcast_convert_type3A_358 = tpu.bitcast %and3A_357 : vector<16xi32> -> vector<16xf32>
        %get3A_359 = arith.index_cast %add3A_284 : i32 to index
        %get3A_360 = arith.constant 48 : index
        %get3A_361 = tpu.vector_load %arg11[%get3A_359, %get3A_360] {strides = array<i32>} : memref<128x64xi32, #tpu.memory_space<vmem>>, vector<16xi32>,
        %shift_left3A_362 = arith.constant 16 : i32
        %shift_left3A_363 = vector.broadcast %shift_left3A_362 : i32 to vector<16xi32>
        %shift_left3A_364 = arith.shli %get3A_361, %shift_left3A_363 : vector<16xi32>
        %bitcast_convert_type3A_365 = tpu.bitcast %shift_left3A_364 : vector<16xi32> -> vector<16xf32>
        %and3A_366 = arith.andi %get3A_361, %broadcast_in_dim3A_3 : vector<16xi32>
        %bitcast_convert_type3A_367 = tpu.bitcast %and3A_366 : vector<16xi32> -> vector<16xf32>
        %mul3A_368 = arith.mulf %bitcast_convert_type3A_356, %bitcast_convert_type3A_365 : vector<16xf32>
        %mul3A_369 = arith.mulf %bitcast_convert_type3A_358, %bitcast_convert_type3A_367 : vector<16xf32>
        %add3A_370 = arith.addf %mul3A_368, %mul3A_369 : vector<16xf32>
        %add3A_371 = arith.addf %add3A_349, %add3A_370 : vector<16xf32>
        %eq3A_372 = arith.constant 2 : i32
        %eq3A_373 = vector.broadcast %eq3A_372 : i32 to vector<16xi32>
        %eq3A_374 = arith.cmpi eq, %iota3A, %eq3A_373 : vector<16xi32>
        %reduce_sum3A_375 = arith.constant true
        %reduce_sum3A_376 = vector.broadcast %reduce_sum3A_375 : i1 to vector<16xi1>
        %reduce_sum3A_377 = tpu.scan <sum>, %add3A_371 masked %reduce_sum3A_376 : vector<16xf32>, vector<16xi1> -> vector<16xf32>
        %reduce_sum3A_378 = vector.extract %reduce_sum3A_377[15] : f32 from vector<16xf32>
        %broadcast_in_dim3A_379 = vector.broadcast %reduce_sum3A_378 : f32 to vector<16xf32>
        %select_n3A_380 = arith.select %eq3A_374, %broadcast_in_dim3A_379, %select_n3A_280 : vector<16xi1>, vector<16xf32>
        %mul3A_381 = arith.constant 16 : i32
        %mul3A_382 = arith.muli %scan3A_84, %mul3A_381 : i32
        %add3A_383 = arith.constant 3 : i32
        %add3A_384 = arith.addi %mul3A_382, %add3A_383 : i32
        %get3A_385 = arith.index_cast %add3A_384 : i32 to index
        %get3A_386 = arith.constant 0 : index
        %get3A_387 = tpu.vector_load %arg9[%get3A_385, %get3A_386] {strides = array<i32>} : memref<128x64xi32, #tpu.memory_space<vmem>>, vector<16xi32>,
        %shift_left3A_388 = arith.constant 16 : i32
        %shift_left3A_389 = vector.broadcast %shift_left3A_388 : i32 to vector<16xi32>
        %shift_left3A_390 = arith.shli %get3A_387, %shift_left3A_389 : vector<16xi32>
        %bitcast_convert_type3A_391 = tpu.bitcast %shift_left3A_390 : vector<16xi32> -> vector<16xf32>
        %and3A_392 = arith.andi %get3A_387, %broadcast_in_dim3A_3 : vector<16xi32>
        %bitcast_convert_type3A_393 = tpu.bitcast %and3A_392 : vector<16xi32> -> vector<16xf32>
        %get3A_394 = arith.index_cast %add3A_384 : i32 to index
        %get3A_395 = arith.constant 0 : index
        %get3A_396 = tpu.vector_load %arg11[%get3A_394, %get3A_395] {strides = array<i32>} : memref<128x64xi32, #tpu.memory_space<vmem>>, vector<16xi32>,
        %shift_left3A_397 = arith.constant 16 : i32
        %shift_left3A_398 = vector.broadcast %shift_left3A_397 : i32 to vector<16xi32>
        %shift_left3A_399 = arith.shli %get3A_396, %shift_left3A_398 : vector<16xi32>
        %bitcast_convert_type3A_400 = tpu.bitcast %shift_left3A_399 : vector<16xi32> -> vector<16xf32>
        %and3A_401 = arith.andi %get3A_396, %broadcast_in_dim3A_3 : vector<16xi32>
        %bitcast_convert_type3A_402 = tpu.bitcast %and3A_401 : vector<16xi32> -> vector<16xf32>
        %mul3A_403 = arith.mulf %bitcast_convert_type3A_391, %bitcast_convert_type3A_400 : vector<16xf32>
        %mul3A_404 = arith.mulf %bitcast_convert_type3A_393, %bitcast_convert_type3A_402 : vector<16xf32>
        %add3A_405 = arith.addf %mul3A_403, %mul3A_404 : vector<16xf32>
        %get3A_406 = arith.index_cast %add3A_384 : i32 to index
        %get3A_407 = arith.constant 16 : index
        %get3A_408 = tpu.vector_load %arg9[%get3A_406, %get3A_407] {strides = array<i32>} : memref<128x64xi32, #tpu.memory_space<vmem>>, vector<16xi32>,
        %shift_left3A_409 = arith.constant 16 : i32
        %shift_left3A_410 = vector.broadcast %shift_left3A_409 : i32 to vector<16xi32>
        %shift_left3A_411 = arith.shli %get3A_408, %shift_left3A_410 : vector<16xi32>
        %bitcast_convert_type3A_412 = tpu.bitcast %shift_left3A_411 : vector<16xi32> -> vector<16xf32>
        %and3A_413 = arith.andi %get3A_408, %broadcast_in_dim3A_3 : vector<16xi32>
        %bitcast_convert_type3A_414 = tpu.bitcast %and3A_413 : vector<16xi32> -> vector<16xf32>
        %get3A_415 = arith.index_cast %add3A_384 : i32 to index
        %get3A_416 = arith.constant 16 : index
        %get3A_417 = tpu.vector_load %arg11[%get3A_415, %get3A_416] {strides = array<i32>} : memref<128x64xi32, #tpu.memory_space<vmem>>, vector<16xi32>,
        %shift_left3A_418 = arith.constant 16 : i32
        %shift_left3A_419 = vector.broadcast %shift_left3A_418 : i32 to vector<16xi32>
        %shift_left3A_420 = arith.shli %get3A_417, %shift_left3A_419 : vector<16xi32>
        %bitcast_convert_type3A_421 = tpu.bitcast %shift_left3A_420 : vector<16xi32> -> vector<16xf32>
        %and3A_422 = arith.andi %get3A_417, %broadcast_in_dim3A_3 : vector<16xi32>
        %bitcast_convert_type3A_423 = tpu.bitcast %and3A_422 : vector<16xi32> -> vector<16xf32>
        %mul3A_424 = arith.mulf %bitcast_convert_type3A_412, %bitcast_convert_type3A_421 : vector<16xf32>
        %mul3A_425 = arith.mulf %bitcast_convert_type3A_414, %bitcast_convert_type3A_423 : vector<16xf32>
        %add3A_426 = arith.addf %mul3A_424, %mul3A_425 : vector<16xf32>
        %add3A_427 = arith.addf %add3A_405, %add3A_426 : vector<16xf32>
        %get3A_428 = arith.index_cast %add3A_384 : i32 to index
        %get3A_429 = arith.constant 32 : index
        %get3A_430 = tpu.vector_load %arg9[%get3A_428, %get3A_429] {strides = array<i32>} : memref<128x64xi32, #tpu.memory_space<vmem>>, vector<16xi32>,
        %shift_left3A_431 = arith.constant 16 : i32
        %shift_left3A_432 = vector.broadcast %shift_left3A_431 : i32 to vector<16xi32>
        %shift_left3A_433 = arith.shli %get3A_430, %shift_left3A_432 : vector<16xi32>
        %bitcast_convert_type3A_434 = tpu.bitcast %shift_left3A_433 : vector<16xi32> -> vector<16xf32>
        %and3A_435 = arith.andi %get3A_430, %broadcast_in_dim3A_3 : vector<16xi32>
        %bitcast_convert_type3A_436 = tpu.bitcast %and3A_435 : vector<16xi32> -> vector<16xf32>
        %get3A_437 = arith.index_cast %add3A_384 : i32 to index
        %get3A_438 = arith.constant 32 : index
        %get3A_439 = tpu.vector_load %arg11[%get3A_437, %get3A_438] {strides = array<i32>} : memref<128x64xi32, #tpu.memory_space<vmem>>, vector<16xi32>,
        %shift_left3A_440 = arith.constant 16 : i32
        %shift_left3A_441 = vector.broadcast %shift_left3A_440 : i32 to vector<16xi32>
        %shift_left3A_442 = arith.shli %get3A_439, %shift_left3A_441 : vector<16xi32>
        %bitcast_convert_type3A_443 = tpu.bitcast %shift_left3A_442 : vector<16xi32> -> vector<16xf32>
        %and3A_444 = arith.andi %get3A_439, %broadcast_in_dim3A_3 : vector<16xi32>
        %bitcast_convert_type3A_445 = tpu.bitcast %and3A_444 : vector<16xi32> -> vector<16xf32>
        %mul3A_446 = arith.mulf %bitcast_convert_type3A_434, %bitcast_convert_type3A_443 : vector<16xf32>
        %mul3A_447 = arith.mulf %bitcast_convert_type3A_436, %bitcast_convert_type3A_445 : vector<16xf32>
        %add3A_448 = arith.addf %mul3A_446, %mul3A_447 : vector<16xf32>
        %add3A_449 = arith.addf %add3A_427, %add3A_448 : vector<16xf32>
        %get3A_450 = arith.index_cast %add3A_384 : i32 to index
        %get3A_451 = arith.constant 48 : index
        %get3A_452 = tpu.vector_load %arg9[%get3A_450, %get3A_451] {strides = array<i32>} : memref<128x64xi32, #tpu.memory_space<vmem>>, vector<16xi32>,
        %shift_left3A_453 = arith.constant 16 : i32
        %shift_left3A_454 = vector.broadcast %shift_left3A_453 : i32 to vector<16xi32>
        %shift_left3A_455 = arith.shli %get3A_452, %shift_left3A_454 : vector<16xi32>
        %bitcast_convert_type3A_456 = tpu.bitcast %shift_left3A_455 : vector<16xi32> -> vector<16xf32>
        %and3A_457 = arith.andi %get3A_452, %broadcast_in_dim3A_3 : vector<16xi32>
        %bitcast_convert_type3A_458 = tpu.bitcast %and3A_457 : vector<16xi32> -> vector<16xf32>
        %get3A_459 = arith.index_cast %add3A_384 : i32 to index
        %get3A_460 = arith.constant 48 : index
        %get3A_461 = tpu.vector_load %arg11[%get3A_459, %get3A_460] {strides = array<i32>} : memref<128x64xi32, #tpu.memory_space<vmem>>, vector<16xi32>,
        %shift_left3A_462 = arith.constant 16 : i32
        %shift_left3A_463 = vector.broadcast %shift_left3A_462 : i32 to vector<16xi32>
        %shift_left3A_464 = arith.shli %get3A_461, %shift_left3A_463 : vector<16xi32>
        %bitcast_convert_type3A_465 = tpu.bitcast %shift_left3A_464 : vector<16xi32> -> vector<16xf32>
        %and3A_466 = arith.andi %get3A_461, %broadcast_in_dim3A_3 : vector<16xi32>
        %bitcast_convert_type3A_467 = tpu.bitcast %and3A_466 : vector<16xi32> -> vector<16xf32>
        %mul3A_468 = arith.mulf %bitcast_convert_type3A_456, %bitcast_convert_type3A_465 : vector<16xf32>
        %mul3A_469 = arith.mulf %bitcast_convert_type3A_458, %bitcast_convert_type3A_467 : vector<16xf32>
        %add3A_470 = arith.addf %mul3A_468, %mul3A_469 : vector<16xf32>
        %add3A_471 = arith.addf %add3A_449, %add3A_470 : vector<16xf32>
        %eq3A_472 = arith.constant 3 : i32
        %eq3A_473 = vector.broadcast %eq3A_472 : i32 to vector<16xi32>
        %eq3A_474 = arith.cmpi eq, %iota3A, %eq3A_473 : vector<16xi32>
        %reduce_sum3A_475 = arith.constant true
        %reduce_sum3A_476 = vector.broadcast %reduce_sum3A_475 : i1 to vector<16xi1>
        %reduce_sum3A_477 = tpu.scan <sum>, %add3A_471 masked %reduce_sum3A_476 : vector<16xf32>, vector<16xi1> -> vector<16xf32>
        %reduce_sum3A_478 = vector.extract %reduce_sum3A_477[15] : f32 from vector<16xf32>
        %broadcast_in_dim3A_479 = vector.broadcast %reduce_sum3A_478 : f32 to vector<16xf32>
        %select_n3A_480 = arith.select %eq3A_474, %broadcast_in_dim3A_479, %select_n3A_380 : vector<16xi1>, vector<16xf32>
        %mul3A_481 = arith.constant 16 : i32
        %mul3A_482 = arith.muli %scan3A_84, %mul3A_481 : i32
        %add3A_483 = arith.constant 4 : i32
        %add3A_484 = arith.addi %mul3A_482, %add3A_483 : i32
        %get3A_485 = arith.index_cast %add3A_484 : i32 to index
        %get3A_486 = arith.constant 0 : index
        %get3A_487 = tpu.vector_load %arg9[%get3A_485, %get3A_486] {strides = array<i32>} : memref<128x64xi32, #tpu.memory_space<vmem>>, vector<16xi32>,
        %shift_left3A_488 = arith.constant 16 : i32
        %shift_left3A_489 = vector.broadcast %shift_left3A_488 : i32 to vector<16xi32>
        %shift_left3A_490 = arith.shli %get3A_487, %shift_left3A_489 : vector<16xi32>
        %bitcast_convert_type3A_491 = tpu.bitcast %shift_left3A_490 : vector<16xi32> -> vector<16xf32>
        %and3A_492 = arith.andi %get3A_487, %broadcast_in_dim3A_3 : vector<16xi32>
        %bitcast_convert_type3A_493 = tpu.bitcast %and3A_492 : vector<16xi32> -> vector<16xf32>
        %get3A_494 = arith.index_cast %add3A_484 : i32 to index
        %get3A_495 = arith.constant 0 : index
        %get3A_496 = tpu.vector_load %arg11[%get3A_494, %get3A_495] {strides = array<i32>} : memref<128x64xi32, #tpu.memory_space<vmem>>, vector<16xi32>,
        %shift_left3A_497 = arith.constant 16 : i32
        %shift_left3A_498 = vector.broadcast %shift_left3A_497 : i32 to vector<16xi32>
        %shift_left3A_499 = arith.shli %get3A_496, %shift_left3A_498 : vector<16xi32>
        %bitcast_convert_type3A_500 = tpu.bitcast %shift_left3A_499 : vector<16xi32> -> vector<16xf32>
        %and3A_501 = arith.andi %get3A_496, %broadcast_in_dim3A_3 : vector<16xi32>
        %bitcast_convert_type3A_502 = tpu.bitcast %and3A_501 : vector<16xi32> -> vector<16xf32>
        %mul3A_503 = arith.mulf %bitcast_convert_type3A_491, %bitcast_convert_type3A_500 : vector<16xf32>
        %mul3A_504 = arith.mulf %bitcast_convert_type3A_493, %bitcast_convert_type3A_502 : vector<16xf32>
        %add3A_505 = arith.addf %mul3A_503, %mul3A_504 : vector<16xf32>
        %get3A_506 = arith.index_cast %add3A_484 : i32 to index
        %get3A_507 = arith.constant 16 : index
        %get3A_508 = tpu.vector_load %arg9[%get3A_506, %get3A_507] {strides = array<i32>} : memref<128x64xi32, #tpu.memory_space<vmem>>, vector<16xi32>,
        %shift_left3A_509 = arith.constant 16 : i32
        %shift_left3A_510 = vector.broadcast %shift_left3A_509 : i32 to vector<16xi32>
        %shift_left3A_511 = arith.shli %get3A_508, %shift_left3A_510 : vector<16xi32>
        %bitcast_convert_type3A_512 = tpu.bitcast %shift_left3A_511 : vector<16xi32> -> vector<16xf32>
        %and3A_513 = arith.andi %get3A_508, %broadcast_in_dim3A_3 : vector<16xi32>
        %bitcast_convert_type3A_514 = tpu.bitcast %and3A_513 : vector<16xi32> -> vector<16xf32>
        %get3A_515 = arith.index_cast %add3A_484 : i32 to index
        %get3A_516 = arith.constant 16 : index
        %get3A_517 = tpu.vector_load %arg11[%get3A_515, %get3A_516] {strides = array<i32>} : memref<128x64xi32, #tpu.memory_space<vmem>>, vector<16xi32>,
        %shift_left3A_518 = arith.constant 16 : i32
        %shift_left3A_519 = vector.broadcast %shift_left3A_518 : i32 to vector<16xi32>
        %shift_left3A_520 = arith.shli %get3A_517, %shift_left3A_519 : vector<16xi32>
        %bitcast_convert_type3A_521 = tpu.bitcast %shift_left3A_520 : vector<16xi32> -> vector<16xf32>
        %and3A_522 = arith.andi %get3A_517, %broadcast_in_dim3A_3 : vector<16xi32>
        %bitcast_convert_type3A_523 = tpu.bitcast %and3A_522 : vector<16xi32> -> vector<16xf32>
        %mul3A_524 = arith.mulf %bitcast_convert_type3A_512, %bitcast_convert_type3A_521 : vector<16xf32>
        %mul3A_525 = arith.mulf %bitcast_convert_type3A_514, %bitcast_convert_type3A_523 : vector<16xf32>
        %add3A_526 = arith.addf %mul3A_524, %mul3A_525 : vector<16xf32>
        %add3A_527 = arith.addf %add3A_505, %add3A_526 : vector<16xf32>
        %get3A_528 = arith.index_cast %add3A_484 : i32 to index
        %get3A_529 = arith.constant 32 : index
        %get3A_530 = tpu.vector_load %arg9[%get3A_528, %get3A_529] {strides = array<i32>} : memref<128x64xi32, #tpu.memory_space<vmem>>, vector<16xi32>,
        %shift_left3A_531 = arith.constant 16 : i32
        %shift_left3A_532 = vector.broadcast %shift_left3A_531 : i32 to vector<16xi32>
        %shift_left3A_533 = arith.shli %get3A_530, %shift_left3A_532 : vector<16xi32>
        %bitcast_convert_type3A_534 = tpu.bitcast %shift_left3A_533 : vector<16xi32> -> vector<16xf32>
        %and3A_535 = arith.andi %get3A_530, %broadcast_in_dim3A_3 : vector<16xi32>
        %bitcast_convert_type3A_536 = tpu.bitcast %and3A_535 : vector<16xi32> -> vector<16xf32>
        %get3A_537 = arith.index_cast %add3A_484 : i32 to index
        %get3A_538 = arith.constant 32 : index
        %get3A_539 = tpu.vector_load %arg11[%get3A_537, %get3A_538] {strides = array<i32>} : memref<128x64xi32, #tpu.memory_space<vmem>>, vector<16xi32>,
        %shift_left3A_540 = arith.constant 16 : i32
        %shift_left3A_541 = vector.broadcast %shift_left3A_540 : i32 to vector<16xi32>
        %shift_left3A_542 = arith.shli %get3A_539, %shift_left3A_541 : vector<16xi32>
        %bitcast_convert_type3A_543 = tpu.bitcast %shift_left3A_542 : vector<16xi32> -> vector<16xf32>
        %and3A_544 = arith.andi %get3A_539, %broadcast_in_dim3A_3 : vector<16xi32>
        %bitcast_convert_type3A_545 = tpu.bitcast %and3A_544 : vector<16xi32> -> vector<16xf32>
        %mul3A_546 = arith.mulf %bitcast_convert_type3A_534, %bitcast_convert_type3A_543 : vector<16xf32>
        %mul3A_547 = arith.mulf %bitcast_convert_type3A_536, %bitcast_convert_type3A_545 : vector<16xf32>
        %add3A_548 = arith.addf %mul3A_546, %mul3A_547 : vector<16xf32>
        %add3A_549 = arith.addf %add3A_527, %add3A_548 : vector<16xf32>
        %get3A_550 = arith.index_cast %add3A_484 : i32 to index
        %get3A_551 = arith.constant 48 : index
        %get3A_552 = tpu.vector_load %arg9[%get3A_550, %get3A_551] {strides = array<i32>} : memref<128x64xi32, #tpu.memory_space<vmem>>, vector<16xi32>,
        %shift_left3A_553 = arith.constant 16 : i32
        %shift_left3A_554 = vector.broadcast %shift_left3A_553 : i32 to vector<16xi32>
        %shift_left3A_555 = arith.shli %get3A_552, %shift_left3A_554 : vector<16xi32>
        %bitcast_convert_type3A_556 = tpu.bitcast %shift_left3A_555 : vector<16xi32> -> vector<16xf32>
        %and3A_557 = arith.andi %get3A_552, %broadcast_in_dim3A_3 : vector<16xi32>
        %bitcast_convert_type3A_558 = tpu.bitcast %and3A_557 : vector<16xi32> -> vector<16xf32>
        %get3A_559 = arith.index_cast %add3A_484 : i32 to index
        %get3A_560 = arith.constant 48 : index
        %get3A_561 = tpu.vector_load %arg11[%get3A_559, %get3A_560] {strides = array<i32>} : memref<128x64xi32, #tpu.memory_space<vmem>>, vector<16xi32>,
        %shift_left3A_562 = arith.constant 16 : i32
        %shift_left3A_563 = vector.broadcast %shift_left3A_562 : i32 to vector<16xi32>
        %shift_left3A_564 = arith.shli %get3A_561, %shift_left3A_563 : vector<16xi32>
        %bitcast_convert_type3A_565 = tpu.bitcast %shift_left3A_564 : vector<16xi32> -> vector<16xf32>
        %and3A_566 = arith.andi %get3A_561, %broadcast_in_dim3A_3 : vector<16xi32>
        %bitcast_convert_type3A_567 = tpu.bitcast %and3A_566 : vector<16xi32> -> vector<16xf32>
        %mul3A_568 = arith.mulf %bitcast_convert_type3A_556, %bitcast_convert_type3A_565 : vector<16xf32>
        %mul3A_569 = arith.mulf %bitcast_convert_type3A_558, %bitcast_convert_type3A_567 : vector<16xf32>
        %add3A_570 = arith.addf %mul3A_568, %mul3A_569 : vector<16xf32>
        %add3A_571 = arith.addf %add3A_549, %add3A_570 : vector<16xf32>
        %eq3A_572 = arith.constant 4 : i32
        %eq3A_573 = vector.broadcast %eq3A_572 : i32 to vector<16xi32>
        %eq3A_574 = arith.cmpi eq, %iota3A, %eq3A_573 : vector<16xi32>
        %reduce_sum3A_575 = arith.constant true
        %reduce_sum3A_576 = vector.broadcast %reduce_sum3A_575 : i1 to vector<16xi1>
        %reduce_sum3A_577 = tpu.scan <sum>, %add3A_571 masked %reduce_sum3A_576 : vector<16xf32>, vector<16xi1> -> vector<16xf32>
        %reduce_sum3A_578 = vector.extract %reduce_sum3A_577[15] : f32 from vector<16xf32>
        %broadcast_in_dim3A_579 = vector.broadcast %reduce_sum3A_578 : f32 to vector<16xf32>
        %select_n3A_580 = arith.select %eq3A_574, %broadcast_in_dim3A_579, %select_n3A_480 : vector<16xi1>, vector<16xf32>
        %mul3A_581 = arith.constant 16 : i32
        %mul3A_582 = arith.muli %scan3A_84, %mul3A_581 : i32
        %add3A_583 = arith.constant 5 : i32
        %add3A_584 = arith.addi %mul3A_582, %add3A_583 : i32
        %get3A_585 = arith.index_cast %add3A_584 : i32 to index
        %get3A_586 = arith.constant 0 : index
        %get3A_587 = tpu.vector_load %arg9[%get3A_585, %get3A_586] {strides = array<i32>} : memref<128x64xi32, #tpu.memory_space<vmem>>, vector<16xi32>,
        %shift_left3A_588 = arith.constant 16 : i32
        %shift_left3A_589 = vector.broadcast %shift_left3A_588 : i32 to vector<16xi32>
        %shift_left3A_590 = arith.shli %get3A_587, %shift_left3A_589 : vector<16xi32>
        %bitcast_convert_type3A_591 = tpu.bitcast %shift_left3A_590 : vector<16xi32> -> vector<16xf32>
        %and3A_592 = arith.andi %get3A_587, %broadcast_in_dim3A_3 : vector<16xi32>
        %bitcast_convert_type3A_593 = tpu.bitcast %and3A_592 : vector<16xi32> -> vector<16xf32>
        %get3A_594 = arith.index_cast %add3A_584 : i32 to index
        %get3A_595 = arith.constant 0 : index
        %get3A_596 = tpu.vector_load %arg11[%get3A_594, %get3A_595] {strides = array<i32>} : memref<128x64xi32, #tpu.memory_space<vmem>>, vector<16xi32>,
        %shift_left3A_597 = arith.constant 16 : i32
        %shift_left3A_598 = vector.broadcast %shift_left3A_597 : i32 to vector<16xi32>
        %shift_left3A_599 = arith.shli %get3A_596, %shift_left3A_598 : vector<16xi32>
        %bitcast_convert_type3A_600 = tpu.bitcast %shift_left3A_599 : vector<16xi32> -> vector<16xf32>
        %and3A_601 = arith.andi %get3A_596, %broadcast_in_dim3A_3 : vector<16xi32>
        %bitcast_convert_type3A_602 = tpu.bitcast %and3A_601 : vector<16xi32> -> vector<16xf32>
        %mul3A_603 = arith.mulf %bitcast_convert_type3A_591, %bitcast_convert_type3A_600 : vector<16xf32>
        %mul3A_604 = arith.mulf %bitcast_convert_type3A_593, %bitcast_convert_type3A_602 : vector<16xf32>
        %add3A_605 = arith.addf %mul3A_603, %mul3A_604 : vector<16xf32>
        %get3A_606 = arith.index_cast %add3A_584 : i32 to index
        %get3A_607 = arith.constant 16 : index
        %get3A_608 = tpu.vector_load %arg9[%get3A_606, %get3A_607] {strides = array<i32>} : memref<128x64xi32, #tpu.memory_space<vmem>>, vector<16xi32>,
        %shift_left3A_609 = arith.constant 16 : i32
        %shift_left3A_610 = vector.broadcast %shift_left3A_609 : i32 to vector<16xi32>
        %shift_left3A_611 = arith.shli %get3A_608, %shift_left3A_610 : vector<16xi32>
        %bitcast_convert_type3A_612 = tpu.bitcast %shift_left3A_611 : vector<16xi32> -> vector<16xf32>
        %and3A_613 = arith.andi %get3A_608, %broadcast_in_dim3A_3 : vector<16xi32>
        %bitcast_convert_type3A_614 = tpu.bitcast %and3A_613 : vector<16xi32> -> vector<16xf32>
        %get3A_615 = arith.index_cast %add3A_584 : i32 to index
        %get3A_616 = arith.constant 16 : index
        %get3A_617 = tpu.vector_load %arg11[%get3A_615, %get3A_616] {strides = array<i32>} : memref<128x64xi32, #tpu.memory_space<vmem>>, vector<16xi32>,
        %shift_left3A_618 = arith.constant 16 : i32
        %shift_left3A_619 = vector.broadcast %shift_left3A_618 : i32 to vector<16xi32>
        %shift_left3A_620 = arith.shli %get3A_617, %shift_left3A_619 : vector<16xi32>
        %bitcast_convert_type3A_621 = tpu.bitcast %shift_left3A_620 : vector<16xi32> -> vector<16xf32>
        %and3A_622 = arith.andi %get3A_617, %broadcast_in_dim3A_3 : vector<16xi32>
        %bitcast_convert_type3A_623 = tpu.bitcast %and3A_622 : vector<16xi32> -> vector<16xf32>
        %mul3A_624 = arith.mulf %bitcast_convert_type3A_612, %bitcast_convert_type3A_621 : vector<16xf32>
        %mul3A_625 = arith.mulf %bitcast_convert_type3A_614, %bitcast_convert_type3A_623 : vector<16xf32>
        %add3A_626 = arith.addf %mul3A_624, %mul3A_625 : vector<16xf32>
        %add3A_627 = arith.addf %add3A_605, %add3A_626 : vector<16xf32>
        %get3A_628 = arith.index_cast %add3A_584 : i32 to index
        %get3A_629 = arith.constant 32 : index
        %get3A_630 = tpu.vector_load %arg9[%get3A_628, %get3A_629] {strides = array<i32>} : memref<128x64xi32, #tpu.memory_space<vmem>>, vector<16xi32>,
        %shift_left3A_631 = arith.constant 16 : i32
        %shift_left3A_632 = vector.broadcast %shift_left3A_631 : i32 to vector<16xi32>
        %shift_left3A_633 = arith.shli %get3A_630, %shift_left3A_632 : vector<16xi32>
        %bitcast_convert_type3A_634 = tpu.bitcast %shift_left3A_633 : vector<16xi32> -> vector<16xf32>
        %and3A_635 = arith.andi %get3A_630, %broadcast_in_dim3A_3 : vector<16xi32>
        %bitcast_convert_type3A_636 = tpu.bitcast %and3A_635 : vector<16xi32> -> vector<16xf32>
        %get3A_637 = arith.index_cast %add3A_584 : i32 to index
        %get3A_638 = arith.constant 32 : index
        %get3A_639 = tpu.vector_load %arg11[%get3A_637, %get3A_638] {strides = array<i32>} : memref<128x64xi32, #tpu.memory_space<vmem>>, vector<16xi32>,
        %shift_left3A_640 = arith.constant 16 : i32
        %shift_left3A_641 = vector.broadcast %shift_left3A_640 : i32 to vector<16xi32>
        %shift_left3A_642 = arith.shli %get3A_639, %shift_left3A_641 : vector<16xi32>
        %bitcast_convert_type3A_643 = tpu.bitcast %shift_left3A_642 : vector<16xi32> -> vector<16xf32>
        %and3A_644 = arith.andi %get3A_639, %broadcast_in_dim3A_3 : vector<16xi32>
        %bitcast_convert_type3A_645 = tpu.bitcast %and3A_644 : vector<16xi32> -> vector<16xf32>
        %mul3A_646 = arith.mulf %bitcast_convert_type3A_634, %bitcast_convert_type3A_643 : vector<16xf32>
        %mul3A_647 = arith.mulf %bitcast_convert_type3A_636, %bitcast_convert_type3A_645 : vector<16xf32>
        %add3A_648 = arith.addf %mul3A_646, %mul3A_647 : vector<16xf32>
        %add3A_649 = arith.addf %add3A_627, %add3A_648 : vector<16xf32>
        %get3A_650 = arith.index_cast %add3A_584 : i32 to index
        %get3A_651 = arith.constant 48 : index
        %get3A_652 = tpu.vector_load %arg9[%get3A_650, %get3A_651] {strides = array<i32>} : memref<128x64xi32, #tpu.memory_space<vmem>>, vector<16xi32>,
        %shift_left3A_653 = arith.constant 16 : i32
        %shift_left3A_654 = vector.broadcast %shift_left3A_653 : i32 to vector<16xi32>
        %shift_left3A_655 = arith.shli %get3A_652, %shift_left3A_654 : vector<16xi32>
        %bitcast_convert_type3A_656 = tpu.bitcast %shift_left3A_655 : vector<16xi32> -> vector<16xf32>
        %and3A_657 = arith.andi %get3A_652, %broadcast_in_dim3A_3 : vector<16xi32>
        %bitcast_convert_type3A_658 = tpu.bitcast %and3A_657 : vector<16xi32> -> vector<16xf32>
        %get3A_659 = arith.index_cast %add3A_584 : i32 to index
        %get3A_660 = arith.constant 48 : index
        %get3A_661 = tpu.vector_load %arg11[%get3A_659, %get3A_660] {strides = array<i32>} : memref<128x64xi32, #tpu.memory_space<vmem>>, vector<16xi32>,
        %shift_left3A_662 = arith.constant 16 : i32
        %shift_left3A_663 = vector.broadcast %shift_left3A_662 : i32 to vector<16xi32>
        %shift_left3A_664 = arith.shli %get3A_661, %shift_left3A_663 : vector<16xi32>
        %bitcast_convert_type3A_665 = tpu.bitcast %shift_left3A_664 : vector<16xi32> -> vector<16xf32>
        %and3A_666 = arith.andi %get3A_661, %broadcast_in_dim3A_3 : vector<16xi32>
        %bitcast_convert_type3A_667 = tpu.bitcast %and3A_666 : vector<16xi32> -> vector<16xf32>
        %mul3A_668 = arith.mulf %bitcast_convert_type3A_656, %bitcast_convert_type3A_665 : vector<16xf32>
        %mul3A_669 = arith.mulf %bitcast_convert_type3A_658, %bitcast_convert_type3A_667 : vector<16xf32>
        %add3A_670 = arith.addf %mul3A_668, %mul3A_669 : vector<16xf32>
        %add3A_671 = arith.addf %add3A_649, %add3A_670 : vector<16xf32>
        %eq3A_672 = arith.constant 5 : i32
        %eq3A_673 = vector.broadcast %eq3A_672 : i32 to vector<16xi32>
        %eq3A_674 = arith.cmpi eq, %iota3A, %eq3A_673 : vector<16xi32>
        %reduce_sum3A_675 = arith.constant true
        %reduce_sum3A_676 = vector.broadcast %reduce_sum3A_675 : i1 to vector<16xi1>
        %reduce_sum3A_677 = tpu.scan <sum>, %add3A_671 masked %reduce_sum3A_676 : vector<16xf32>, vector<16xi1> -> vector<16xf32>
        %reduce_sum3A_678 = vector.extract %reduce_sum3A_677[15] : f32 from vector<16xf32>
        %broadcast_in_dim3A_679 = vector.broadcast %reduce_sum3A_678 : f32 to vector<16xf32>
        %select_n3A_680 = arith.select %eq3A_674, %broadcast_in_dim3A_679, %select_n3A_580 : vector<16xi1>, vector<16xf32>
        %mul3A_681 = arith.constant 16 : i32
        %mul3A_682 = arith.muli %scan3A_84, %mul3A_681 : i32
        %add3A_683 = arith.constant 6 : i32
        %add3A_684 = arith.addi %mul3A_682, %add3A_683 : i32
        %get3A_685 = arith.index_cast %add3A_684 : i32 to index
        %get3A_686 = arith.constant 0 : index
        %get3A_687 = tpu.vector_load %arg9[%get3A_685, %get3A_686] {strides = array<i32>} : memref<128x64xi32, #tpu.memory_space<vmem>>, vector<16xi32>,
        %shift_left3A_688 = arith.constant 16 : i32
        %shift_left3A_689 = vector.broadcast %shift_left3A_688 : i32 to vector<16xi32>
        %shift_left3A_690 = arith.shli %get3A_687, %shift_left3A_689 : vector<16xi32>
        %bitcast_convert_type3A_691 = tpu.bitcast %shift_left3A_690 : vector<16xi32> -> vector<16xf32>
        %and3A_692 = arith.andi %get3A_687, %broadcast_in_dim3A_3 : vector<16xi32>
        %bitcast_convert_type3A_693 = tpu.bitcast %and3A_692 : vector<16xi32> -> vector<16xf32>
        %get3A_694 = arith.index_cast %add3A_684 : i32 to index
        %get3A_695 = arith.constant 0 : index
        %get3A_696 = tpu.vector_load %arg11[%get3A_694, %get3A_695] {strides = array<i32>} : memref<128x64xi32, #tpu.memory_space<vmem>>, vector<16xi32>,
        %shift_left3A_697 = arith.constant 16 : i32
        %shift_left3A_698 = vector.broadcast %shift_left3A_697 : i32 to vector<16xi32>
        %shift_left3A_699 = arith.shli %get3A_696, %shift_left3A_698 : vector<16xi32>
        %bitcast_convert_type3A_700 = tpu.bitcast %shift_left3A_699 : vector<16xi32> -> vector<16xf32>
        %and3A_701 = arith.andi %get3A_696, %broadcast_in_dim3A_3 : vector<16xi32>
        %bitcast_convert_type3A_702 = tpu.bitcast %and3A_701 : vector<16xi32> -> vector<16xf32>
        %mul3A_703 = arith.mulf %bitcast_convert_type3A_691, %bitcast_convert_type3A_700 : vector<16xf32>
        %mul3A_704 = arith.mulf %bitcast_convert_type3A_693, %bitcast_convert_type3A_702 : vector<16xf32>
        %add3A_705 = arith.addf %mul3A_703, %mul3A_704 : vector<16xf32>
        %get3A_706 = arith.index_cast %add3A_684 : i32 to index
        %get3A_707 = arith.constant 16 : index
        %get3A_708 = tpu.vector_load %arg9[%get3A_706, %get3A_707] {strides = array<i32>} : memref<128x64xi32, #tpu.memory_space<vmem>>, vector<16xi32>,
        %shift_left3A_709 = arith.constant 16 : i32
        %shift_left3A_710 = vector.broadcast %shift_left3A_709 : i32 to vector<16xi32>
        %shift_left3A_711 = arith.shli %get3A_708, %shift_left3A_710 : vector<16xi32>
        %bitcast_convert_type3A_712 = tpu.bitcast %shift_left3A_711 : vector<16xi32> -> vector<16xf32>
        %and3A_713 = arith.andi %get3A_708, %broadcast_in_dim3A_3 : vector<16xi32>
        %bitcast_convert_type3A_714 = tpu.bitcast %and3A_713 : vector<16xi32> -> vector<16xf32>
        %get3A_715 = arith.index_cast %add3A_684 : i32 to index
        %get3A_716 = arith.constant 16 : index
        %get3A_717 = tpu.vector_load %arg11[%get3A_715, %get3A_716] {strides = array<i32>} : memref<128x64xi32, #tpu.memory_space<vmem>>, vector<16xi32>,
        %shift_left3A_718 = arith.constant 16 : i32
        %shift_left3A_719 = vector.broadcast %shift_left3A_718 : i32 to vector<16xi32>
        %shift_left3A_720 = arith.shli %get3A_717, %shift_left3A_719 : vector<16xi32>
        %bitcast_convert_type3A_721 = tpu.bitcast %shift_left3A_720 : vector<16xi32> -> vector<16xf32>
        %and3A_722 = arith.andi %get3A_717, %broadcast_in_dim3A_3 : vector<16xi32>
        %bitcast_convert_type3A_723 = tpu.bitcast %and3A_722 : vector<16xi32> -> vector<16xf32>
        %mul3A_724 = arith.mulf %bitcast_convert_type3A_712, %bitcast_convert_type3A_721 : vector<16xf32>
        %mul3A_725 = arith.mulf %bitcast_convert_type3A_714, %bitcast_convert_type3A_723 : vector<16xf32>
        %add3A_726 = arith.addf %mul3A_724, %mul3A_725 : vector<16xf32>
        %add3A_727 = arith.addf %add3A_705, %add3A_726 : vector<16xf32>
        %get3A_728 = arith.index_cast %add3A_684 : i32 to index
        %get3A_729 = arith.constant 32 : index
        %get3A_730 = tpu.vector_load %arg9[%get3A_728, %get3A_729] {strides = array<i32>} : memref<128x64xi32, #tpu.memory_space<vmem>>, vector<16xi32>,
        %shift_left3A_731 = arith.constant 16 : i32
        %shift_left3A_732 = vector.broadcast %shift_left3A_731 : i32 to vector<16xi32>
        %shift_left3A_733 = arith.shli %get3A_730, %shift_left3A_732 : vector<16xi32>
        %bitcast_convert_type3A_734 = tpu.bitcast %shift_left3A_733 : vector<16xi32> -> vector<16xf32>
        %and3A_735 = arith.andi %get3A_730, %broadcast_in_dim3A_3 : vector<16xi32>
        %bitcast_convert_type3A_736 = tpu.bitcast %and3A_735 : vector<16xi32> -> vector<16xf32>
        %get3A_737 = arith.index_cast %add3A_684 : i32 to index
        %get3A_738 = arith.constant 32 : index
        %get3A_739 = tpu.vector_load %arg11[%get3A_737, %get3A_738] {strides = array<i32>} : memref<128x64xi32, #tpu.memory_space<vmem>>, vector<16xi32>,
        %shift_left3A_740 = arith.constant 16 : i32
        %shift_left3A_741 = vector.broadcast %shift_left3A_740 : i32 to vector<16xi32>
        %shift_left3A_742 = arith.shli %get3A_739, %shift_left3A_741 : vector<16xi32>
        %bitcast_convert_type3A_743 = tpu.bitcast %shift_left3A_742 : vector<16xi32> -> vector<16xf32>
        %and3A_744 = arith.andi %get3A_739, %broadcast_in_dim3A_3 : vector<16xi32>
        %bitcast_convert_type3A_745 = tpu.bitcast %and3A_744 : vector<16xi32> -> vector<16xf32>
        %mul3A_746 = arith.mulf %bitcast_convert_type3A_734, %bitcast_convert_type3A_743 : vector<16xf32>
        %mul3A_747 = arith.mulf %bitcast_convert_type3A_736, %bitcast_convert_type3A_745 : vector<16xf32>
        %add3A_748 = arith.addf %mul3A_746, %mul3A_747 : vector<16xf32>
        %add3A_749 = arith.addf %add3A_727, %add3A_748 : vector<16xf32>
        %get3A_750 = arith.index_cast %add3A_684 : i32 to index
        %get3A_751 = arith.constant 48 : index
        %get3A_752 = tpu.vector_load %arg9[%get3A_750, %get3A_751] {strides = array<i32>} : memref<128x64xi32, #tpu.memory_space<vmem>>, vector<16xi32>,
        %shift_left3A_753 = arith.constant 16 : i32
        %shift_left3A_754 = vector.broadcast %shift_left3A_753 : i32 to vector<16xi32>
        %shift_left3A_755 = arith.shli %get3A_752, %shift_left3A_754 : vector<16xi32>
        %bitcast_convert_type3A_756 = tpu.bitcast %shift_left3A_755 : vector<16xi32> -> vector<16xf32>
        %and3A_757 = arith.andi %get3A_752, %broadcast_in_dim3A_3 : vector<16xi32>
        %bitcast_convert_type3A_758 = tpu.bitcast %and3A_757 : vector<16xi32> -> vector<16xf32>
        %get3A_759 = arith.index_cast %add3A_684 : i32 to index
        %get3A_760 = arith.constant 48 : index
        %get3A_761 = tpu.vector_load %arg11[%get3A_759, %get3A_760] {strides = array<i32>} : memref<128x64xi32, #tpu.memory_space<vmem>>, vector<16xi32>,
        %shift_left3A_762 = arith.constant 16 : i32
        %shift_left3A_763 = vector.broadcast %shift_left3A_762 : i32 to vector<16xi32>
        %shift_left3A_764 = arith.shli %get3A_761, %shift_left3A_763 : vector<16xi32>
        %bitcast_convert_type3A_765 = tpu.bitcast %shift_left3A_764 : vector<16xi32> -> vector<16xf32>
        %and3A_766 = arith.andi %get3A_761, %broadcast_in_dim3A_3 : vector<16xi32>
        %bitcast_convert_type3A_767 = tpu.bitcast %and3A_766 : vector<16xi32> -> vector<16xf32>
        %mul3A_768 = arith.mulf %bitcast_convert_type3A_756, %bitcast_convert_type3A_765 : vector<16xf32>
        %mul3A_769 = arith.mulf %bitcast_convert_type3A_758, %bitcast_convert_type3A_767 : vector<16xf32>
        %add3A_770 = arith.addf %mul3A_768, %mul3A_769 : vector<16xf32>
        %add3A_771 = arith.addf %add3A_749, %add3A_770 : vector<16xf32>
        %eq3A_772 = arith.constant 6 : i32
        %eq3A_773 = vector.broadcast %eq3A_772 : i32 to vector<16xi32>
        %eq3A_774 = arith.cmpi eq, %iota3A, %eq3A_773 : vector<16xi32>
        %reduce_sum3A_775 = arith.constant true
        %reduce_sum3A_776 = vector.broadcast %reduce_sum3A_775 : i1 to vector<16xi1>
        %reduce_sum3A_777 = tpu.scan <sum>, %add3A_771 masked %reduce_sum3A_776 : vector<16xf32>, vector<16xi1> -> vector<16xf32>
        %reduce_sum3A_778 = vector.extract %reduce_sum3A_777[15] : f32 from vector<16xf32>
        %broadcast_in_dim3A_779 = vector.broadcast %reduce_sum3A_778 : f32 to vector<16xf32>
        %select_n3A_780 = arith.select %eq3A_774, %broadcast_in_dim3A_779, %select_n3A_680 : vector<16xi1>, vector<16xf32>
        %mul3A_781 = arith.constant 16 : i32
        %mul3A_782 = arith.muli %scan3A_84, %mul3A_781 : i32
        %add3A_783 = arith.constant 7 : i32
        %add3A_784 = arith.addi %mul3A_782, %add3A_783 : i32
        %get3A_785 = arith.index_cast %add3A_784 : i32 to index
        %get3A_786 = arith.constant 0 : index
        %get3A_787 = tpu.vector_load %arg9[%get3A_785, %get3A_786] {strides = array<i32>} : memref<128x64xi32, #tpu.memory_space<vmem>>, vector<16xi32>,
        %shift_left3A_788 = arith.constant 16 : i32
        %shift_left3A_789 = vector.broadcast %shift_left3A_788 : i32 to vector<16xi32>
        %shift_left3A_790 = arith.shli %get3A_787, %shift_left3A_789 : vector<16xi32>
        %bitcast_convert_type3A_791 = tpu.bitcast %shift_left3A_790 : vector<16xi32> -> vector<16xf32>
        %and3A_792 = arith.andi %get3A_787, %broadcast_in_dim3A_3 : vector<16xi32>
        %bitcast_convert_type3A_793 = tpu.bitcast %and3A_792 : vector<16xi32> -> vector<16xf32>
        %get3A_794 = arith.index_cast %add3A_784 : i32 to index
        %get3A_795 = arith.constant 0 : index
        %get3A_796 = tpu.vector_load %arg11[%get3A_794, %get3A_795] {strides = array<i32>} : memref<128x64xi32, #tpu.memory_space<vmem>>, vector<16xi32>,
        %shift_left3A_797 = arith.constant 16 : i32
        %shift_left3A_798 = vector.broadcast %shift_left3A_797 : i32 to vector<16xi32>
        %shift_left3A_799 = arith.shli %get3A_796, %shift_left3A_798 : vector<16xi32>
        %bitcast_convert_type3A_800 = tpu.bitcast %shift_left3A_799 : vector<16xi32> -> vector<16xf32>
        %and3A_801 = arith.andi %get3A_796, %broadcast_in_dim3A_3 : vector<16xi32>
        %bitcast_convert_type3A_802 = tpu.bitcast %and3A_801 : vector<16xi32> -> vector<16xf32>
        %mul3A_803 = arith.mulf %bitcast_convert_type3A_791, %bitcast_convert_type3A_800 : vector<16xf32>
        %mul3A_804 = arith.mulf %bitcast_convert_type3A_793, %bitcast_convert_type3A_802 : vector<16xf32>
        %add3A_805 = arith.addf %mul3A_803, %mul3A_804 : vector<16xf32>
        %get3A_806 = arith.index_cast %add3A_784 : i32 to index
        %get3A_807 = arith.constant 16 : index
        %get3A_808 = tpu.vector_load %arg9[%get3A_806, %get3A_807] {strides = array<i32>} : memref<128x64xi32, #tpu.memory_space<vmem>>, vector<16xi32>,
        %shift_left3A_809 = arith.constant 16 : i32
        %shift_left3A_810 = vector.broadcast %shift_left3A_809 : i32 to vector<16xi32>
        %shift_left3A_811 = arith.shli %get3A_808, %shift_left3A_810 : vector<16xi32>
        %bitcast_convert_type3A_812 = tpu.bitcast %shift_left3A_811 : vector<16xi32> -> vector<16xf32>
        %and3A_813 = arith.andi %get3A_808, %broadcast_in_dim3A_3 : vector<16xi32>
        %bitcast_convert_type3A_814 = tpu.bitcast %and3A_813 : vector<16xi32> -> vector<16xf32>
        %get3A_815 = arith.index_cast %add3A_784 : i32 to index
        %get3A_816 = arith.constant 16 : index
        %get3A_817 = tpu.vector_load %arg11[%get3A_815, %get3A_816] {strides = array<i32>} : memref<128x64xi32, #tpu.memory_space<vmem>>, vector<16xi32>,
        %shift_left3A_818 = arith.constant 16 : i32
        %shift_left3A_819 = vector.broadcast %shift_left3A_818 : i32 to vector<16xi32>
        %shift_left3A_820 = arith.shli %get3A_817, %shift_left3A_819 : vector<16xi32>
        %bitcast_convert_type3A_821 = tpu.bitcast %shift_left3A_820 : vector<16xi32> -> vector<16xf32>
        %and3A_822 = arith.andi %get3A_817, %broadcast_in_dim3A_3 : vector<16xi32>
        %bitcast_convert_type3A_823 = tpu.bitcast %and3A_822 : vector<16xi32> -> vector<16xf32>
        %mul3A_824 = arith.mulf %bitcast_convert_type3A_812, %bitcast_convert_type3A_821 : vector<16xf32>
        %mul3A_825 = arith.mulf %bitcast_convert_type3A_814, %bitcast_convert_type3A_823 : vector<16xf32>
        %add3A_826 = arith.addf %mul3A_824, %mul3A_825 : vector<16xf32>
        %add3A_827 = arith.addf %add3A_805, %add3A_826 : vector<16xf32>
        %get3A_828 = arith.index_cast %add3A_784 : i32 to index
        %get3A_829 = arith.constant 32 : index
        %get3A_830 = tpu.vector_load %arg9[%get3A_828, %get3A_829] {strides = array<i32>} : memref<128x64xi32, #tpu.memory_space<vmem>>, vector<16xi32>,
        %shift_left3A_831 = arith.constant 16 : i32
        %shift_left3A_832 = vector.broadcast %shift_left3A_831 : i32 to vector<16xi32>
        %shift_left3A_833 = arith.shli %get3A_830, %shift_left3A_832 : vector<16xi32>
        %bitcast_convert_type3A_834 = tpu.bitcast %shift_left3A_833 : vector<16xi32> -> vector<16xf32>
        %and3A_835 = arith.andi %get3A_830, %broadcast_in_dim3A_3 : vector<16xi32>
        %bitcast_convert_type3A_836 = tpu.bitcast %and3A_835 : vector<16xi32> -> vector<16xf32>
        %get3A_837 = arith.index_cast %add3A_784 : i32 to index
        %get3A_838 = arith.constant 32 : index
        %get3A_839 = tpu.vector_load %arg11[%get3A_837, %get3A_838] {strides = array<i32>} : memref<128x64xi32, #tpu.memory_space<vmem>>, vector<16xi32>,
        %shift_left3A_840 = arith.constant 16 : i32
        %shift_left3A_841 = vector.broadcast %shift_left3A_840 : i32 to vector<16xi32>
        %shift_left3A_842 = arith.shli %get3A_839, %shift_left3A_841 : vector<16xi32>
        %bitcast_convert_type3A_843 = tpu.bitcast %shift_left3A_842 : vector<16xi32> -> vector<16xf32>
        %and3A_844 = arith.andi %get3A_839, %broadcast_in_dim3A_3 : vector<16xi32>
        %bitcast_convert_type3A_845 = tpu.bitcast %and3A_844 : vector<16xi32> -> vector<16xf32>
        %mul3A_846 = arith.mulf %bitcast_convert_type3A_834, %bitcast_convert_type3A_843 : vector<16xf32>
        %mul3A_847 = arith.mulf %bitcast_convert_type3A_836, %bitcast_convert_type3A_845 : vector<16xf32>
        %add3A_848 = arith.addf %mul3A_846, %mul3A_847 : vector<16xf32>
        %add3A_849 = arith.addf %add3A_827, %add3A_848 : vector<16xf32>
        %get3A_850 = arith.index_cast %add3A_784 : i32 to index
        %get3A_851 = arith.constant 48 : index
        %get3A_852 = tpu.vector_load %arg9[%get3A_850, %get3A_851] {strides = array<i32>} : memref<128x64xi32, #tpu.memory_space<vmem>>, vector<16xi32>,
        %shift_left3A_853 = arith.constant 16 : i32
        %shift_left3A_854 = vector.broadcast %shift_left3A_853 : i32 to vector<16xi32>
        %shift_left3A_855 = arith.shli %get3A_852, %shift_left3A_854 : vector<16xi32>
        %bitcast_convert_type3A_856 = tpu.bitcast %shift_left3A_855 : vector<16xi32> -> vector<16xf32>
        %and3A_857 = arith.andi %get3A_852, %broadcast_in_dim3A_3 : vector<16xi32>
        %bitcast_convert_type3A_858 = tpu.bitcast %and3A_857 : vector<16xi32> -> vector<16xf32>
        %get3A_859 = arith.index_cast %add3A_784 : i32 to index
        %get3A_860 = arith.constant 48 : index
        %get3A_861 = tpu.vector_load %arg11[%get3A_859, %get3A_860] {strides = array<i32>} : memref<128x64xi32, #tpu.memory_space<vmem>>, vector<16xi32>,
        %shift_left3A_862 = arith.constant 16 : i32
        %shift_left3A_863 = vector.broadcast %shift_left3A_862 : i32 to vector<16xi32>
        %shift_left3A_864 = arith.shli %get3A_861, %shift_left3A_863 : vector<16xi32>
        %bitcast_convert_type3A_865 = tpu.bitcast %shift_left3A_864 : vector<16xi32> -> vector<16xf32>
        %and3A_866 = arith.andi %get3A_861, %broadcast_in_dim3A_3 : vector<16xi32>
        %bitcast_convert_type3A_867 = tpu.bitcast %and3A_866 : vector<16xi32> -> vector<16xf32>
        %mul3A_868 = arith.mulf %bitcast_convert_type3A_856, %bitcast_convert_type3A_865 : vector<16xf32>
        %mul3A_869 = arith.mulf %bitcast_convert_type3A_858, %bitcast_convert_type3A_867 : vector<16xf32>
        %add3A_870 = arith.addf %mul3A_868, %mul3A_869 : vector<16xf32>
        %add3A_871 = arith.addf %add3A_849, %add3A_870 : vector<16xf32>
        %eq3A_872 = arith.constant 7 : i32
        %eq3A_873 = vector.broadcast %eq3A_872 : i32 to vector<16xi32>
        %eq3A_874 = arith.cmpi eq, %iota3A, %eq3A_873 : vector<16xi32>
        %reduce_sum3A_875 = arith.constant true
        %reduce_sum3A_876 = vector.broadcast %reduce_sum3A_875 : i1 to vector<16xi1>
        %reduce_sum3A_877 = tpu.scan <sum>, %add3A_871 masked %reduce_sum3A_876 : vector<16xf32>, vector<16xi1> -> vector<16xf32>
        %reduce_sum3A_878 = vector.extract %reduce_sum3A_877[15] : f32 from vector<16xf32>
        %broadcast_in_dim3A_879 = vector.broadcast %reduce_sum3A_878 : f32 to vector<16xf32>
        %select_n3A_880 = arith.select %eq3A_874, %broadcast_in_dim3A_879, %select_n3A_780 : vector<16xi1>, vector<16xf32>
        %mul3A_881 = arith.constant 16 : i32
        %mul3A_882 = arith.muli %scan3A_84, %mul3A_881 : i32
        %add3A_883 = arith.constant 8 : i32
        %add3A_884 = arith.addi %mul3A_882, %add3A_883 : i32
        %get3A_885 = arith.index_cast %add3A_884 : i32 to index
        %get3A_886 = arith.constant 0 : index
        %get3A_887 = tpu.vector_load %arg9[%get3A_885, %get3A_886] {strides = array<i32>} : memref<128x64xi32, #tpu.memory_space<vmem>>, vector<16xi32>,
        %shift_left3A_888 = arith.constant 16 : i32
        %shift_left3A_889 = vector.broadcast %shift_left3A_888 : i32 to vector<16xi32>
        %shift_left3A_890 = arith.shli %get3A_887, %shift_left3A_889 : vector<16xi32>
        %bitcast_convert_type3A_891 = tpu.bitcast %shift_left3A_890 : vector<16xi32> -> vector<16xf32>
        %and3A_892 = arith.andi %get3A_887, %broadcast_in_dim3A_3 : vector<16xi32>
        %bitcast_convert_type3A_893 = tpu.bitcast %and3A_892 : vector<16xi32> -> vector<16xf32>
        %get3A_894 = arith.index_cast %add3A_884 : i32 to index
        %get3A_895 = arith.constant 0 : index
        %get3A_896 = tpu.vector_load %arg11[%get3A_894, %get3A_895] {strides = array<i32>} : memref<128x64xi32, #tpu.memory_space<vmem>>, vector<16xi32>,
        %shift_left3A_897 = arith.constant 16 : i32
        %shift_left3A_898 = vector.broadcast %shift_left3A_897 : i32 to vector<16xi32>
        %shift_left3A_899 = arith.shli %get3A_896, %shift_left3A_898 : vector<16xi32>
        %bitcast_convert_type3A_900 = tpu.bitcast %shift_left3A_899 : vector<16xi32> -> vector<16xf32>
        %and3A_901 = arith.andi %get3A_896, %broadcast_in_dim3A_3 : vector<16xi32>
        %bitcast_convert_type3A_902 = tpu.bitcast %and3A_901 : vector<16xi32> -> vector<16xf32>
        %mul3A_903 = arith.mulf %bitcast_convert_type3A_891, %bitcast_convert_type3A_900 : vector<16xf32>
        %mul3A_904 = arith.mulf %bitcast_convert_type3A_893, %bitcast_convert_type3A_902 : vector<16xf32>
        %add3A_905 = arith.addf %mul3A_903, %mul3A_904 : vector<16xf32>
        %get3A_906 = arith.index_cast %add3A_884 : i32 to index
        %get3A_907 = arith.constant 16 : index
        %get3A_908 = tpu.vector_load %arg9[%get3A_906, %get3A_907] {strides = array<i32>} : memref<128x64xi32, #tpu.memory_space<vmem>>, vector<16xi32>,
        %shift_left3A_909 = arith.constant 16 : i32
        %shift_left3A_910 = vector.broadcast %shift_left3A_909 : i32 to vector<16xi32>
        %shift_left3A_911 = arith.shli %get3A_908, %shift_left3A_910 : vector<16xi32>
        %bitcast_convert_type3A_912 = tpu.bitcast %shift_left3A_911 : vector<16xi32> -> vector<16xf32>
        %and3A_913 = arith.andi %get3A_908, %broadcast_in_dim3A_3 : vector<16xi32>
        %bitcast_convert_type3A_914 = tpu.bitcast %and3A_913 : vector<16xi32> -> vector<16xf32>
        %get3A_915 = arith.index_cast %add3A_884 : i32 to index
        %get3A_916 = arith.constant 16 : index
        %get3A_917 = tpu.vector_load %arg11[%get3A_915, %get3A_916] {strides = array<i32>} : memref<128x64xi32, #tpu.memory_space<vmem>>, vector<16xi32>,
        %shift_left3A_918 = arith.constant 16 : i32
        %shift_left3A_919 = vector.broadcast %shift_left3A_918 : i32 to vector<16xi32>
        %shift_left3A_920 = arith.shli %get3A_917, %shift_left3A_919 : vector<16xi32>
        %bitcast_convert_type3A_921 = tpu.bitcast %shift_left3A_920 : vector<16xi32> -> vector<16xf32>
        %and3A_922 = arith.andi %get3A_917, %broadcast_in_dim3A_3 : vector<16xi32>
        %bitcast_convert_type3A_923 = tpu.bitcast %and3A_922 : vector<16xi32> -> vector<16xf32>
        %mul3A_924 = arith.mulf %bitcast_convert_type3A_912, %bitcast_convert_type3A_921 : vector<16xf32>
        %mul3A_925 = arith.mulf %bitcast_convert_type3A_914, %bitcast_convert_type3A_923 : vector<16xf32>
        %add3A_926 = arith.addf %mul3A_924, %mul3A_925 : vector<16xf32>
        %add3A_927 = arith.addf %add3A_905, %add3A_926 : vector<16xf32>
        %get3A_928 = arith.index_cast %add3A_884 : i32 to index
        %get3A_929 = arith.constant 32 : index
        %get3A_930 = tpu.vector_load %arg9[%get3A_928, %get3A_929] {strides = array<i32>} : memref<128x64xi32, #tpu.memory_space<vmem>>, vector<16xi32>,
        %shift_left3A_931 = arith.constant 16 : i32
        %shift_left3A_932 = vector.broadcast %shift_left3A_931 : i32 to vector<16xi32>
        %shift_left3A_933 = arith.shli %get3A_930, %shift_left3A_932 : vector<16xi32>
        %bitcast_convert_type3A_934 = tpu.bitcast %shift_left3A_933 : vector<16xi32> -> vector<16xf32>
        %and3A_935 = arith.andi %get3A_930, %broadcast_in_dim3A_3 : vector<16xi32>
        %bitcast_convert_type3A_936 = tpu.bitcast %and3A_935 : vector<16xi32> -> vector<16xf32>
        %get3A_937 = arith.index_cast %add3A_884 : i32 to index
        %get3A_938 = arith.constant 32 : index
        %get3A_939 = tpu.vector_load %arg11[%get3A_937, %get3A_938] {strides = array<i32>} : memref<128x64xi32, #tpu.memory_space<vmem>>, vector<16xi32>,
        %shift_left3A_940 = arith.constant 16 : i32
        %shift_left3A_941 = vector.broadcast %shift_left3A_940 : i32 to vector<16xi32>
        %shift_left3A_942 = arith.shli %get3A_939, %shift_left3A_941 : vector<16xi32>
        %bitcast_convert_type3A_943 = tpu.bitcast %shift_left3A_942 : vector<16xi32> -> vector<16xf32>
        %and3A_944 = arith.andi %get3A_939, %broadcast_in_dim3A_3 : vector<16xi32>
        %bitcast_convert_type3A_945 = tpu.bitcast %and3A_944 : vector<16xi32> -> vector<16xf32>
        %mul3A_946 = arith.mulf %bitcast_convert_type3A_934, %bitcast_convert_type3A_943 : vector<16xf32>
        %mul3A_947 = arith.mulf %bitcast_convert_type3A_936, %bitcast_convert_type3A_945 : vector<16xf32>
        %add3A_948 = arith.addf %mul3A_946, %mul3A_947 : vector<16xf32>
        %add3A_949 = arith.addf %add3A_927, %add3A_948 : vector<16xf32>
        %get3A_950 = arith.index_cast %add3A_884 : i32 to index
        %get3A_951 = arith.constant 48 : index
        %get3A_952 = tpu.vector_load %arg9[%get3A_950, %get3A_951] {strides = array<i32>} : memref<128x64xi32, #tpu.memory_space<vmem>>, vector<16xi32>,
        %shift_left3A_953 = arith.constant 16 : i32
        %shift_left3A_954 = vector.broadcast %shift_left3A_953 : i32 to vector<16xi32>
        %shift_left3A_955 = arith.shli %get3A_952, %shift_left3A_954 : vector<16xi32>
        %bitcast_convert_type3A_956 = tpu.bitcast %shift_left3A_955 : vector<16xi32> -> vector<16xf32>
        %and3A_957 = arith.andi %get3A_952, %broadcast_in_dim3A_3 : vector<16xi32>
        %bitcast_convert_type3A_958 = tpu.bitcast %and3A_957 : vector<16xi32> -> vector<16xf32>
        %get3A_959 = arith.index_cast %add3A_884 : i32 to index
        %get3A_960 = arith.constant 48 : index
        %get3A_961 = tpu.vector_load %arg11[%get3A_959, %get3A_960] {strides = array<i32>} : memref<128x64xi32, #tpu.memory_space<vmem>>, vector<16xi32>,
        %shift_left3A_962 = arith.constant 16 : i32
        %shift_left3A_963 = vector.broadcast %shift_left3A_962 : i32 to vector<16xi32>
        %shift_left3A_964 = arith.shli %get3A_961, %shift_left3A_963 : vector<16xi32>
        %bitcast_convert_type3A_965 = tpu.bitcast %shift_left3A_964 : vector<16xi32> -> vector<16xf32>
        %and3A_966 = arith.andi %get3A_961, %broadcast_in_dim3A_3 : vector<16xi32>
        %bitcast_convert_type3A_967 = tpu.bitcast %and3A_966 : vector<16xi32> -> vector<16xf32>
        %mul3A_968 = arith.mulf %bitcast_convert_type3A_956, %bitcast_convert_type3A_965 : vector<16xf32>
        %mul3A_969 = arith.mulf %bitcast_convert_type3A_958, %bitcast_convert_type3A_967 : vector<16xf32>
        %add3A_970 = arith.addf %mul3A_968, %mul3A_969 : vector<16xf32>
        %add3A_971 = arith.addf %add3A_949, %add3A_970 : vector<16xf32>
        %eq3A_972 = arith.constant 8 : i32
        %eq3A_973 = vector.broadcast %eq3A_972 : i32 to vector<16xi32>
        %eq3A_974 = arith.cmpi eq, %iota3A, %eq3A_973 : vector<16xi32>
        %reduce_sum3A_975 = arith.constant true
        %reduce_sum3A_976 = vector.broadcast %reduce_sum3A_975 : i1 to vector<16xi1>
        %reduce_sum3A_977 = tpu.scan <sum>, %add3A_971 masked %reduce_sum3A_976 : vector<16xf32>, vector<16xi1> -> vector<16xf32>
        %reduce_sum3A_978 = vector.extract %reduce_sum3A_977[15] : f32 from vector<16xf32>
        %broadcast_in_dim3A_979 = vector.broadcast %reduce_sum3A_978 : f32 to vector<16xf32>
        %select_n3A_980 = arith.select %eq3A_974, %broadcast_in_dim3A_979, %select_n3A_880 : vector<16xi1>, vector<16xf32>
        %mul3A_981 = arith.constant 16 : i32
        %mul3A_982 = arith.muli %scan3A_84, %mul3A_981 : i32
        %add3A_983 = arith.constant 9 : i32
        %add3A_984 = arith.addi %mul3A_982, %add3A_983 : i32
        %get3A_985 = arith.index_cast %add3A_984 : i32 to index
        %get3A_986 = arith.constant 0 : index
        %get3A_987 = tpu.vector_load %arg9[%get3A_985, %get3A_986] {strides = array<i32>} : memref<128x64xi32, #tpu.memory_space<vmem>>, vector<16xi32>,
        %shift_left3A_988 = arith.constant 16 : i32
        %shift_left3A_989 = vector.broadcast %shift_left3A_988 : i32 to vector<16xi32>
        %shift_left3A_990 = arith.shli %get3A_987, %shift_left3A_989 : vector<16xi32>
        %bitcast_convert_type3A_991 = tpu.bitcast %shift_left3A_990 : vector<16xi32> -> vector<16xf32>
        %and3A_992 = arith.andi %get3A_987, %broadcast_in_dim3A_3 : vector<16xi32>
        %bitcast_convert_type3A_993 = tpu.bitcast %and3A_992 : vector<16xi32> -> vector<16xf32>
        %get3A_994 = arith.index_cast %add3A_984 : i32 to index
        %get3A_995 = arith.constant 0 : index
        %get3A_996 = tpu.vector_load %arg11[%get3A_994, %get3A_995] {strides = array<i32>} : memref<128x64xi32, #tpu.memory_space<vmem>>, vector<16xi32>,
        %shift_left3A_997 = arith.constant 16 : i32
        %shift_left3A_998 = vector.broadcast %shift_left3A_997 : i32 to vector<16xi32>
        %shift_left3A_999 = arith.shli %get3A_996, %shift_left3A_998 : vector<16xi32>
        %bitcast_convert_type3A_1000 = tpu.bitcast %shift_left3A_999 : vector<16xi32> -> vector<16xf32>
        %and3A_1001 = arith.andi %get3A_996, %broadcast_in_dim3A_3 : vector<16xi32>
        %bitcast_convert_type3A_1002 = tpu.bitcast %and3A_1001 : vector<16xi32> -> vector<16xf32>
        %mul3A_1003 = arith.mulf %bitcast_convert_type3A_991, %bitcast_convert_type3A_1000 : vector<16xf32>
        %mul3A_1004 = arith.mulf %bitcast_convert_type3A_993, %bitcast_convert_type3A_1002 : vector<16xf32>
        %add3A_1005 = arith.addf %mul3A_1003, %mul3A_1004 : vector<16xf32>
        %get3A_1006 = arith.index_cast %add3A_984 : i32 to index
        %get3A_1007 = arith.constant 16 : index
        %get3A_1008 = tpu.vector_load %arg9[%get3A_1006, %get3A_1007] {strides = array<i32>} : memref<128x64xi32, #tpu.memory_space<vmem>>, vector<16xi32>,
        %shift_left3A_1009 = arith.constant 16 : i32
        %shift_left3A_1010 = vector.broadcast %shift_left3A_1009 : i32 to vector<16xi32>
        %shift_left3A_1011 = arith.shli %get3A_1008, %shift_left3A_1010 : vector<16xi32>
        %bitcast_convert_type3A_1012 = tpu.bitcast %shift_left3A_1011 : vector<16xi32> -> vector<16xf32>
        %and3A_1013 = arith.andi %get3A_1008, %broadcast_in_dim3A_3 : vector<16xi32>
        %bitcast_convert_type3A_1014 = tpu.bitcast %and3A_1013 : vector<16xi32> -> vector<16xf32>
        %get3A_1015 = arith.index_cast %add3A_984 : i32 to index
        %get3A_1016 = arith.constant 16 : index
        %get3A_1017 = tpu.vector_load %arg11[%get3A_1015, %get3A_1016] {strides = array<i32>} : memref<128x64xi32, #tpu.memory_space<vmem>>, vector<16xi32>,
        %shift_left3A_1018 = arith.constant 16 : i32
        %shift_left3A_1019 = vector.broadcast %shift_left3A_1018 : i32 to vector<16xi32>
        %shift_left3A_1020 = arith.shli %get3A_1017, %shift_left3A_1019 : vector<16xi32>
        %bitcast_convert_type3A_1021 = tpu.bitcast %shift_left3A_1020 : vector<16xi32> -> vector<16xf32>
        %and3A_1022 = arith.andi %get3A_1017, %broadcast_in_dim3A_3 : vector<16xi32>
        %bitcast_convert_type3A_1023 = tpu.bitcast %and3A_1022 : vector<16xi32> -> vector<16xf32>
        %mul3A_1024 = arith.mulf %bitcast_convert_type3A_1012, %bitcast_convert_type3A_1021 : vector<16xf32>
        %mul3A_1025 = arith.mulf %bitcast_convert_type3A_1014, %bitcast_convert_type3A_1023 : vector<16xf32>
        %add3A_1026 = arith.addf %mul3A_1024, %mul3A_1025 : vector<16xf32>
        %add3A_1027 = arith.addf %add3A_1005, %add3A_1026 : vector<16xf32>
        %get3A_1028 = arith.index_cast %add3A_984 : i32 to index
        %get3A_1029 = arith.constant 32 : index
        %get3A_1030 = tpu.vector_load %arg9[%get3A_1028, %get3A_1029] {strides = array<i32>} : memref<128x64xi32, #tpu.memory_space<vmem>>, vector<16xi32>,
        %shift_left3A_1031 = arith.constant 16 : i32
        %shift_left3A_1032 = vector.broadcast %shift_left3A_1031 : i32 to vector<16xi32>
        %shift_left3A_1033 = arith.shli %get3A_1030, %shift_left3A_1032 : vector<16xi32>
        %bitcast_convert_type3A_1034 = tpu.bitcast %shift_left3A_1033 : vector<16xi32> -> vector<16xf32>
        %and3A_1035 = arith.andi %get3A_1030, %broadcast_in_dim3A_3 : vector<16xi32>
        %bitcast_convert_type3A_1036 = tpu.bitcast %and3A_1035 : vector<16xi32> -> vector<16xf32>
        %get3A_1037 = arith.index_cast %add3A_984 : i32 to index
        %get3A_1038 = arith.constant 32 : index
        %get3A_1039 = tpu.vector_load %arg11[%get3A_1037, %get3A_1038] {strides = array<i32>} : memref<128x64xi32, #tpu.memory_space<vmem>>, vector<16xi32>,
        %shift_left3A_1040 = arith.constant 16 : i32
        %shift_left3A_1041 = vector.broadcast %shift_left3A_1040 : i32 to vector<16xi32>
        %shift_left3A_1042 = arith.shli %get3A_1039, %shift_left3A_1041 : vector<16xi32>
        %bitcast_convert_type3A_1043 = tpu.bitcast %shift_left3A_1042 : vector<16xi32> -> vector<16xf32>
        %and3A_1044 = arith.andi %get3A_1039, %broadcast_in_dim3A_3 : vector<16xi32>
        %bitcast_convert_type3A_1045 = tpu.bitcast %and3A_1044 : vector<16xi32> -> vector<16xf32>
        %mul3A_1046 = arith.mulf %bitcast_convert_type3A_1034, %bitcast_convert_type3A_1043 : vector<16xf32>
        %mul3A_1047 = arith.mulf %bitcast_convert_type3A_1036, %bitcast_convert_type3A_1045 : vector<16xf32>
        %add3A_1048 = arith.addf %mul3A_1046, %mul3A_1047 : vector<16xf32>
        %add3A_1049 = arith.addf %add3A_1027, %add3A_1048 : vector<16xf32>
        %get3A_1050 = arith.index_cast %add3A_984 : i32 to index
        %get3A_1051 = arith.constant 48 : index
        %get3A_1052 = tpu.vector_load %arg9[%get3A_1050, %get3A_1051] {strides = array<i32>} : memref<128x64xi32, #tpu.memory_space<vmem>>, vector<16xi32>,
        %shift_left3A_1053 = arith.constant 16 : i32
        %shift_left3A_1054 = vector.broadcast %shift_left3A_1053 : i32 to vector<16xi32>
        %shift_left3A_1055 = arith.shli %get3A_1052, %shift_left3A_1054 : vector<16xi32>
        %bitcast_convert_type3A_1056 = tpu.bitcast %shift_left3A_1055 : vector<16xi32> -> vector<16xf32>
        %and3A_1057 = arith.andi %get3A_1052, %broadcast_in_dim3A_3 : vector<16xi32>
        %bitcast_convert_type3A_1058 = tpu.bitcast %and3A_1057 : vector<16xi32> -> vector<16xf32>
        %get3A_1059 = arith.index_cast %add3A_984 : i32 to index
        %get3A_1060 = arith.constant 48 : index
        %get3A_1061 = tpu.vector_load %arg11[%get3A_1059, %get3A_1060] {strides = array<i32>} : memref<128x64xi32, #tpu.memory_space<vmem>>, vector<16xi32>,
        %shift_left3A_1062 = arith.constant 16 : i32
        %shift_left3A_1063 = vector.broadcast %shift_left3A_1062 : i32 to vector<16xi32>
        %shift_left3A_1064 = arith.shli %get3A_1061, %shift_left3A_1063 : vector<16xi32>
        %bitcast_convert_type3A_1065 = tpu.bitcast %shift_left3A_1064 : vector<16xi32> -> vector<16xf32>
        %and3A_1066 = arith.andi %get3A_1061, %broadcast_in_dim3A_3 : vector<16xi32>
        %bitcast_convert_type3A_1067 = tpu.bitcast %and3A_1066 : vector<16xi32> -> vector<16xf32>
        %mul3A_1068 = arith.mulf %bitcast_convert_type3A_1056, %bitcast_convert_type3A_1065 : vector<16xf32>
        %mul3A_1069 = arith.mulf %bitcast_convert_type3A_1058, %bitcast_convert_type3A_1067 : vector<16xf32>
        %add3A_1070 = arith.addf %mul3A_1068, %mul3A_1069 : vector<16xf32>
        %add3A_1071 = arith.addf %add3A_1049, %add3A_1070 : vector<16xf32>
        %eq3A_1072 = arith.constant 9 : i32
        %eq3A_1073 = vector.broadcast %eq3A_1072 : i32 to vector<16xi32>
        %eq3A_1074 = arith.cmpi eq, %iota3A, %eq3A_1073 : vector<16xi32>
        %reduce_sum3A_1075 = arith.constant true
        %reduce_sum3A_1076 = vector.broadcast %reduce_sum3A_1075 : i1 to vector<16xi1>
        %reduce_sum3A_1077 = tpu.scan <sum>, %add3A_1071 masked %reduce_sum3A_1076 : vector<16xf32>, vector<16xi1> -> vector<16xf32>
        %reduce_sum3A_1078 = vector.extract %reduce_sum3A_1077[15] : f32 from vector<16xf32>
        %broadcast_in_dim3A_1079 = vector.broadcast %reduce_sum3A_1078 : f32 to vector<16xf32>
        %select_n3A_1080 = arith.select %eq3A_1074, %broadcast_in_dim3A_1079, %select_n3A_980 : vector<16xi1>, vector<16xf32>
        %mul3A_1081 = arith.constant 16 : i32
        %mul3A_1082 = arith.muli %scan3A_84, %mul3A_1081 : i32
        %add3A_1083 = arith.constant 10 : i32
        %add3A_1084 = arith.addi %mul3A_1082, %add3A_1083 : i32
        %get3A_1085 = arith.index_cast %add3A_1084 : i32 to index
        %get3A_1086 = arith.constant 0 : index
        %get3A_1087 = tpu.vector_load %arg9[%get3A_1085, %get3A_1086] {strides = array<i32>} : memref<128x64xi32, #tpu.memory_space<vmem>>, vector<16xi32>,
        %shift_left3A_1088 = arith.constant 16 : i32
        %shift_left3A_1089 = vector.broadcast %shift_left3A_1088 : i32 to vector<16xi32>
        %shift_left3A_1090 = arith.shli %get3A_1087, %shift_left3A_1089 : vector<16xi32>
        %bitcast_convert_type3A_1091 = tpu.bitcast %shift_left3A_1090 : vector<16xi32> -> vector<16xf32>
        %and3A_1092 = arith.andi %get3A_1087, %broadcast_in_dim3A_3 : vector<16xi32>
        %bitcast_convert_type3A_1093 = tpu.bitcast %and3A_1092 : vector<16xi32> -> vector<16xf32>
        %get3A_1094 = arith.index_cast %add3A_1084 : i32 to index
        %get3A_1095 = arith.constant 0 : index
        %get3A_1096 = tpu.vector_load %arg11[%get3A_1094, %get3A_1095] {strides = array<i32>} : memref<128x64xi32, #tpu.memory_space<vmem>>, vector<16xi32>,
        %shift_left3A_1097 = arith.constant 16 : i32
        %shift_left3A_1098 = vector.broadcast %shift_left3A_1097 : i32 to vector<16xi32>
        %shift_left3A_1099 = arith.shli %get3A_1096, %shift_left3A_1098 : vector<16xi32>
        %bitcast_convert_type3A_1100 = tpu.bitcast %shift_left3A_1099 : vector<16xi32> -> vector<16xf32>
        %and3A_1101 = arith.andi %get3A_1096, %broadcast_in_dim3A_3 : vector<16xi32>
        %bitcast_convert_type3A_1102 = tpu.bitcast %and3A_1101 : vector<16xi32> -> vector<16xf32>
        %mul3A_1103 = arith.mulf %bitcast_convert_type3A_1091, %bitcast_convert_type3A_1100 : vector<16xf32>
        %mul3A_1104 = arith.mulf %bitcast_convert_type3A_1093, %bitcast_convert_type3A_1102 : vector<16xf32>
        %add3A_1105 = arith.addf %mul3A_1103, %mul3A_1104 : vector<16xf32>
        %get3A_1106 = arith.index_cast %add3A_1084 : i32 to index
        %get3A_1107 = arith.constant 16 : index
        %get3A_1108 = tpu.vector_load %arg9[%get3A_1106, %get3A_1107] {strides = array<i32>} : memref<128x64xi32, #tpu.memory_space<vmem>>, vector<16xi32>,
        %shift_left3A_1109 = arith.constant 16 : i32
        %shift_left3A_1110 = vector.broadcast %shift_left3A_1109 : i32 to vector<16xi32>
        %shift_left3A_1111 = arith.shli %get3A_1108, %shift_left3A_1110 : vector<16xi32>
        %bitcast_convert_type3A_1112 = tpu.bitcast %shift_left3A_1111 : vector<16xi32> -> vector<16xf32>
        %and3A_1113 = arith.andi %get3A_1108, %broadcast_in_dim3A_3 : vector<16xi32>
        %bitcast_convert_type3A_1114 = tpu.bitcast %and3A_1113 : vector<16xi32> -> vector<16xf32>
        %get3A_1115 = arith.index_cast %add3A_1084 : i32 to index
        %get3A_1116 = arith.constant 16 : index
        %get3A_1117 = tpu.vector_load %arg11[%get3A_1115, %get3A_1116] {strides = array<i32>} : memref<128x64xi32, #tpu.memory_space<vmem>>, vector<16xi32>,
        %shift_left3A_1118 = arith.constant 16 : i32
        %shift_left3A_1119 = vector.broadcast %shift_left3A_1118 : i32 to vector<16xi32>
        %shift_left3A_1120 = arith.shli %get3A_1117, %shift_left3A_1119 : vector<16xi32>
        %bitcast_convert_type3A_1121 = tpu.bitcast %shift_left3A_1120 : vector<16xi32> -> vector<16xf32>
        %and3A_1122 = arith.andi %get3A_1117, %broadcast_in_dim3A_3 : vector<16xi32>
        %bitcast_convert_type3A_1123 = tpu.bitcast %and3A_1122 : vector<16xi32> -> vector<16xf32>
        %mul3A_1124 = arith.mulf %bitcast_convert_type3A_1112, %bitcast_convert_type3A_1121 : vector<16xf32>
        %mul3A_1125 = arith.mulf %bitcast_convert_type3A_1114, %bitcast_convert_type3A_1123 : vector<16xf32>
        %add3A_1126 = arith.addf %mul3A_1124, %mul3A_1125 : vector<16xf32>
        %add3A_1127 = arith.addf %add3A_1105, %add3A_1126 : vector<16xf32>
        %get3A_1128 = arith.index_cast %add3A_1084 : i32 to index
        %get3A_1129 = arith.constant 32 : index
        %get3A_1130 = tpu.vector_load %arg9[%get3A_1128, %get3A_1129] {strides = array<i32>} : memref<128x64xi32, #tpu.memory_space<vmem>>, vector<16xi32>,
        %shift_left3A_1131 = arith.constant 16 : i32
        %shift_left3A_1132 = vector.broadcast %shift_left3A_1131 : i32 to vector<16xi32>
        %shift_left3A_1133 = arith.shli %get3A_1130, %shift_left3A_1132 : vector<16xi32>
        %bitcast_convert_type3A_1134 = tpu.bitcast %shift_left3A_1133 : vector<16xi32> -> vector<16xf32>
        %and3A_1135 = arith.andi %get3A_1130, %broadcast_in_dim3A_3 : vector<16xi32>
        %bitcast_convert_type3A_1136 = tpu.bitcast %and3A_1135 : vector<16xi32> -> vector<16xf32>
        %get3A_1137 = arith.index_cast %add3A_1084 : i32 to index
        %get3A_1138 = arith.constant 32 : index
        %get3A_1139 = tpu.vector_load %arg11[%get3A_1137, %get3A_1138] {strides = array<i32>} : memref<128x64xi32, #tpu.memory_space<vmem>>, vector<16xi32>,
        %shift_left3A_1140 = arith.constant 16 : i32
        %shift_left3A_1141 = vector.broadcast %shift_left3A_1140 : i32 to vector<16xi32>
        %shift_left3A_1142 = arith.shli %get3A_1139, %shift_left3A_1141 : vector<16xi32>
        %bitcast_convert_type3A_1143 = tpu.bitcast %shift_left3A_1142 : vector<16xi32> -> vector<16xf32>
        %and3A_1144 = arith.andi %get3A_1139, %broadcast_in_dim3A_3 : vector<16xi32>
        %bitcast_convert_type3A_1145 = tpu.bitcast %and3A_1144 : vector<16xi32> -> vector<16xf32>
        %mul3A_1146 = arith.mulf %bitcast_convert_type3A_1134, %bitcast_convert_type3A_1143 : vector<16xf32>
        %mul3A_1147 = arith.mulf %bitcast_convert_type3A_1136, %bitcast_convert_type3A_1145 : vector<16xf32>
        %add3A_1148 = arith.addf %mul3A_1146, %mul3A_1147 : vector<16xf32>
        %add3A_1149 = arith.addf %add3A_1127, %add3A_1148 : vector<16xf32>
        %get3A_1150 = arith.index_cast %add3A_1084 : i32 to index
        %get3A_1151 = arith.constant 48 : index
        %get3A_1152 = tpu.vector_load %arg9[%get3A_1150, %get3A_1151] {strides = array<i32>} : memref<128x64xi32, #tpu.memory_space<vmem>>, vector<16xi32>,
        %shift_left3A_1153 = arith.constant 16 : i32
        %shift_left3A_1154 = vector.broadcast %shift_left3A_1153 : i32 to vector<16xi32>
        %shift_left3A_1155 = arith.shli %get3A_1152, %shift_left3A_1154 : vector<16xi32>
        %bitcast_convert_type3A_1156 = tpu.bitcast %shift_left3A_1155 : vector<16xi32> -> vector<16xf32>
        %and3A_1157 = arith.andi %get3A_1152, %broadcast_in_dim3A_3 : vector<16xi32>
        %bitcast_convert_type3A_1158 = tpu.bitcast %and3A_1157 : vector<16xi32> -> vector<16xf32>
        %get3A_1159 = arith.index_cast %add3A_1084 : i32 to index
        %get3A_1160 = arith.constant 48 : index
        %get3A_1161 = tpu.vector_load %arg11[%get3A_1159, %get3A_1160] {strides = array<i32>} : memref<128x64xi32, #tpu.memory_space<vmem>>, vector<16xi32>,
        %shift_left3A_1162 = arith.constant 16 : i32
        %shift_left3A_1163 = vector.broadcast %shift_left3A_1162 : i32 to vector<16xi32>
        %shift_left3A_1164 = arith.shli %get3A_1161, %shift_left3A_1163 : vector<16xi32>
        %bitcast_convert_type3A_1165 = tpu.bitcast %shift_left3A_1164 : vector<16xi32> -> vector<16xf32>
        %and3A_1166 = arith.andi %get3A_1161, %broadcast_in_dim3A_3 : vector<16xi32>
        %bitcast_convert_type3A_1167 = tpu.bitcast %and3A_1166 : vector<16xi32> -> vector<16xf32>
        %mul3A_1168 = arith.mulf %bitcast_convert_type3A_1156, %bitcast_convert_type3A_1165 : vector<16xf32>
        %mul3A_1169 = arith.mulf %bitcast_convert_type3A_1158, %bitcast_convert_type3A_1167 : vector<16xf32>
        %add3A_1170 = arith.addf %mul3A_1168, %mul3A_1169 : vector<16xf32>
        %add3A_1171 = arith.addf %add3A_1149, %add3A_1170 : vector<16xf32>
        %eq3A_1172 = arith.constant 10 : i32
        %eq3A_1173 = vector.broadcast %eq3A_1172 : i32 to vector<16xi32>
        %eq3A_1174 = arith.cmpi eq, %iota3A, %eq3A_1173 : vector<16xi32>
        %reduce_sum3A_1175 = arith.constant true
        %reduce_sum3A_1176 = vector.broadcast %reduce_sum3A_1175 : i1 to vector<16xi1>
        %reduce_sum3A_1177 = tpu.scan <sum>, %add3A_1171 masked %reduce_sum3A_1176 : vector<16xf32>, vector<16xi1> -> vector<16xf32>
        %reduce_sum3A_1178 = vector.extract %reduce_sum3A_1177[15] : f32 from vector<16xf32>
        %broadcast_in_dim3A_1179 = vector.broadcast %reduce_sum3A_1178 : f32 to vector<16xf32>
        %select_n3A_1180 = arith.select %eq3A_1174, %broadcast_in_dim3A_1179, %select_n3A_1080 : vector<16xi1>, vector<16xf32>
        %mul3A_1181 = arith.constant 16 : i32
        %mul3A_1182 = arith.muli %scan3A_84, %mul3A_1181 : i32
        %add3A_1183 = arith.constant 11 : i32
        %add3A_1184 = arith.addi %mul3A_1182, %add3A_1183 : i32
        %get3A_1185 = arith.index_cast %add3A_1184 : i32 to index
        %get3A_1186 = arith.constant 0 : index
        %get3A_1187 = tpu.vector_load %arg9[%get3A_1185, %get3A_1186] {strides = array<i32>} : memref<128x64xi32, #tpu.memory_space<vmem>>, vector<16xi32>,
        %shift_left3A_1188 = arith.constant 16 : i32
        %shift_left3A_1189 = vector.broadcast %shift_left3A_1188 : i32 to vector<16xi32>
        %shift_left3A_1190 = arith.shli %get3A_1187, %shift_left3A_1189 : vector<16xi32>
        %bitcast_convert_type3A_1191 = tpu.bitcast %shift_left3A_1190 : vector<16xi32> -> vector<16xf32>
        %and3A_1192 = arith.andi %get3A_1187, %broadcast_in_dim3A_3 : vector<16xi32>
        %bitcast_convert_type3A_1193 = tpu.bitcast %and3A_1192 : vector<16xi32> -> vector<16xf32>
        %get3A_1194 = arith.index_cast %add3A_1184 : i32 to index
        %get3A_1195 = arith.constant 0 : index
        %get3A_1196 = tpu.vector_load %arg11[%get3A_1194, %get3A_1195] {strides = array<i32>} : memref<128x64xi32, #tpu.memory_space<vmem>>, vector<16xi32>,
        %shift_left3A_1197 = arith.constant 16 : i32
        %shift_left3A_1198 = vector.broadcast %shift_left3A_1197 : i32 to vector<16xi32>
        %shift_left3A_1199 = arith.shli %get3A_1196, %shift_left3A_1198 : vector<16xi32>
        %bitcast_convert_type3A_1200 = tpu.bitcast %shift_left3A_1199 : vector<16xi32> -> vector<16xf32>
        %and3A_1201 = arith.andi %get3A_1196, %broadcast_in_dim3A_3 : vector<16xi32>
        %bitcast_convert_type3A_1202 = tpu.bitcast %and3A_1201 : vector<16xi32> -> vector<16xf32>
        %mul3A_1203 = arith.mulf %bitcast_convert_type3A_1191, %bitcast_convert_type3A_1200 : vector<16xf32>
        %mul3A_1204 = arith.mulf %bitcast_convert_type3A_1193, %bitcast_convert_type3A_1202 : vector<16xf32>
        %add3A_1205 = arith.addf %mul3A_1203, %mul3A_1204 : vector<16xf32>
        %get3A_1206 = arith.index_cast %add3A_1184 : i32 to index
        %get3A_1207 = arith.constant 16 : index
        %get3A_1208 = tpu.vector_load %arg9[%get3A_1206, %get3A_1207] {strides = array<i32>} : memref<128x64xi32, #tpu.memory_space<vmem>>, vector<16xi32>,
        %shift_left3A_1209 = arith.constant 16 : i32
        %shift_left3A_1210 = vector.broadcast %shift_left3A_1209 : i32 to vector<16xi32>
        %shift_left3A_1211 = arith.shli %get3A_1208, %shift_left3A_1210 : vector<16xi32>
        %bitcast_convert_type3A_1212 = tpu.bitcast %shift_left3A_1211 : vector<16xi32> -> vector<16xf32>
        %and3A_1213 = arith.andi %get3A_1208, %broadcast_in_dim3A_3 : vector<16xi32>
        %bitcast_convert_type3A_1214 = tpu.bitcast %and3A_1213 : vector<16xi32> -> vector<16xf32>
        %get3A_1215 = arith.index_cast %add3A_1184 : i32 to index
        %get3A_1216 = arith.constant 16 : index
        %get3A_1217 = tpu.vector_load %arg11[%get3A_1215, %get3A_1216] {strides = array<i32>} : memref<128x64xi32, #tpu.memory_space<vmem>>, vector<16xi32>,
        %shift_left3A_1218 = arith.constant 16 : i32
        %shift_left3A_1219 = vector.broadcast %shift_left3A_1218 : i32 to vector<16xi32>
        %shift_left3A_1220 = arith.shli %get3A_1217, %shift_left3A_1219 : vector<16xi32>
        %bitcast_convert_type3A_1221 = tpu.bitcast %shift_left3A_1220 : vector<16xi32> -> vector<16xf32>
        %and3A_1222 = arith.andi %get3A_1217, %broadcast_in_dim3A_3 : vector<16xi32>
        %bitcast_convert_type3A_1223 = tpu.bitcast %and3A_1222 : vector<16xi32> -> vector<16xf32>
        %mul3A_1224 = arith.mulf %bitcast_convert_type3A_1212, %bitcast_convert_type3A_1221 : vector<16xf32>
        %mul3A_1225 = arith.mulf %bitcast_convert_type3A_1214, %bitcast_convert_type3A_1223 : vector<16xf32>
        %add3A_1226 = arith.addf %mul3A_1224, %mul3A_1225 : vector<16xf32>
        %add3A_1227 = arith.addf %add3A_1205, %add3A_1226 : vector<16xf32>
        %get3A_1228 = arith.index_cast %add3A_1184 : i32 to index
        %get3A_1229 = arith.constant 32 : index
        %get3A_1230 = tpu.vector_load %arg9[%get3A_1228, %get3A_1229] {strides = array<i32>} : memref<128x64xi32, #tpu.memory_space<vmem>>, vector<16xi32>,
        %shift_left3A_1231 = arith.constant 16 : i32
        %shift_left3A_1232 = vector.broadcast %shift_left3A_1231 : i32 to vector<16xi32>
        %shift_left3A_1233 = arith.shli %get3A_1230, %shift_left3A_1232 : vector<16xi32>
        %bitcast_convert_type3A_1234 = tpu.bitcast %shift_left3A_1233 : vector<16xi32> -> vector<16xf32>
        %and3A_1235 = arith.andi %get3A_1230, %broadcast_in_dim3A_3 : vector<16xi32>
        %bitcast_convert_type3A_1236 = tpu.bitcast %and3A_1235 : vector<16xi32> -> vector<16xf32>
        %get3A_1237 = arith.index_cast %add3A_1184 : i32 to index
        %get3A_1238 = arith.constant 32 : index
        %get3A_1239 = tpu.vector_load %arg11[%get3A_1237, %get3A_1238] {strides = array<i32>} : memref<128x64xi32, #tpu.memory_space<vmem>>, vector<16xi32>,
        %shift_left3A_1240 = arith.constant 16 : i32
        %shift_left3A_1241 = vector.broadcast %shift_left3A_1240 : i32 to vector<16xi32>
        %shift_left3A_1242 = arith.shli %get3A_1239, %shift_left3A_1241 : vector<16xi32>
        %bitcast_convert_type3A_1243 = tpu.bitcast %shift_left3A_1242 : vector<16xi32> -> vector<16xf32>
        %and3A_1244 = arith.andi %get3A_1239, %broadcast_in_dim3A_3 : vector<16xi32>
        %bitcast_convert_type3A_1245 = tpu.bitcast %and3A_1244 : vector<16xi32> -> vector<16xf32>
        %mul3A_1246 = arith.mulf %bitcast_convert_type3A_1234, %bitcast_convert_type3A_1243 : vector<16xf32>
        %mul3A_1247 = arith.mulf %bitcast_convert_type3A_1236, %bitcast_convert_type3A_1245 : vector<16xf32>
        %add3A_1248 = arith.addf %mul3A_1246, %mul3A_1247 : vector<16xf32>
        %add3A_1249 = arith.addf %add3A_1227, %add3A_1248 : vector<16xf32>
        %get3A_1250 = arith.index_cast %add3A_1184 : i32 to index
        %get3A_1251 = arith.constant 48 : index
        %get3A_1252 = tpu.vector_load %arg9[%get3A_1250, %get3A_1251] {strides = array<i32>} : memref<128x64xi32, #tpu.memory_space<vmem>>, vector<16xi32>,
        %shift_left3A_1253 = arith.constant 16 : i32
        %shift_left3A_1254 = vector.broadcast %shift_left3A_1253 : i32 to vector<16xi32>
        %shift_left3A_1255 = arith.shli %get3A_1252, %shift_left3A_1254 : vector<16xi32>
        %bitcast_convert_type3A_1256 = tpu.bitcast %shift_left3A_1255 : vector<16xi32> -> vector<16xf32>
        %and3A_1257 = arith.andi %get3A_1252, %broadcast_in_dim3A_3 : vector<16xi32>
        %bitcast_convert_type3A_1258 = tpu.bitcast %and3A_1257 : vector<16xi32> -> vector<16xf32>
        %get3A_1259 = arith.index_cast %add3A_1184 : i32 to index
        %get3A_1260 = arith.constant 48 : index
        %get3A_1261 = tpu.vector_load %arg11[%get3A_1259, %get3A_1260] {strides = array<i32>} : memref<128x64xi32, #tpu.memory_space<vmem>>, vector<16xi32>,
        %shift_left3A_1262 = arith.constant 16 : i32
        %shift_left3A_1263 = vector.broadcast %shift_left3A_1262 : i32 to vector<16xi32>
        %shift_left3A_1264 = arith.shli %get3A_1261, %shift_left3A_1263 : vector<16xi32>
        %bitcast_convert_type3A_1265 = tpu.bitcast %shift_left3A_1264 : vector<16xi32> -> vector<16xf32>
        %and3A_1266 = arith.andi %get3A_1261, %broadcast_in_dim3A_3 : vector<16xi32>
        %bitcast_convert_type3A_1267 = tpu.bitcast %and3A_1266 : vector<16xi32> -> vector<16xf32>
        %mul3A_1268 = arith.mulf %bitcast_convert_type3A_1256, %bitcast_convert_type3A_1265 : vector<16xf32>
        %mul3A_1269 = arith.mulf %bitcast_convert_type3A_1258, %bitcast_convert_type3A_1267 : vector<16xf32>
        %add3A_1270 = arith.addf %mul3A_1268, %mul3A_1269 : vector<16xf32>
        %add3A_1271 = arith.addf %add3A_1249, %add3A_1270 : vector<16xf32>
        %eq3A_1272 = arith.constant 11 : i32
        %eq3A_1273 = vector.broadcast %eq3A_1272 : i32 to vector<16xi32>
        %eq3A_1274 = arith.cmpi eq, %iota3A, %eq3A_1273 : vector<16xi32>
        %reduce_sum3A_1275 = arith.constant true
        %reduce_sum3A_1276 = vector.broadcast %reduce_sum3A_1275 : i1 to vector<16xi1>
        %reduce_sum3A_1277 = tpu.scan <sum>, %add3A_1271 masked %reduce_sum3A_1276 : vector<16xf32>, vector<16xi1> -> vector<16xf32>
        %reduce_sum3A_1278 = vector.extract %reduce_sum3A_1277[15] : f32 from vector<16xf32>
        %broadcast_in_dim3A_1279 = vector.broadcast %reduce_sum3A_1278 : f32 to vector<16xf32>
        %select_n3A_1280 = arith.select %eq3A_1274, %broadcast_in_dim3A_1279, %select_n3A_1180 : vector<16xi1>, vector<16xf32>
        %mul3A_1281 = arith.constant 16 : i32
        %mul3A_1282 = arith.muli %scan3A_84, %mul3A_1281 : i32
        %add3A_1283 = arith.constant 12 : i32
        %add3A_1284 = arith.addi %mul3A_1282, %add3A_1283 : i32
        %get3A_1285 = arith.index_cast %add3A_1284 : i32 to index
        %get3A_1286 = arith.constant 0 : index
        %get3A_1287 = tpu.vector_load %arg9[%get3A_1285, %get3A_1286] {strides = array<i32>} : memref<128x64xi32, #tpu.memory_space<vmem>>, vector<16xi32>,
        %shift_left3A_1288 = arith.constant 16 : i32
        %shift_left3A_1289 = vector.broadcast %shift_left3A_1288 : i32 to vector<16xi32>
        %shift_left3A_1290 = arith.shli %get3A_1287, %shift_left3A_1289 : vector<16xi32>
        %bitcast_convert_type3A_1291 = tpu.bitcast %shift_left3A_1290 : vector<16xi32> -> vector<16xf32>
        %and3A_1292 = arith.andi %get3A_1287, %broadcast_in_dim3A_3 : vector<16xi32>
        %bitcast_convert_type3A_1293 = tpu.bitcast %and3A_1292 : vector<16xi32> -> vector<16xf32>
        %get3A_1294 = arith.index_cast %add3A_1284 : i32 to index
        %get3A_1295 = arith.constant 0 : index
        %get3A_1296 = tpu.vector_load %arg11[%get3A_1294, %get3A_1295] {strides = array<i32>} : memref<128x64xi32, #tpu.memory_space<vmem>>, vector<16xi32>,
        %shift_left3A_1297 = arith.constant 16 : i32
        %shift_left3A_1298 = vector.broadcast %shift_left3A_1297 : i32 to vector<16xi32>
        %shift_left3A_1299 = arith.shli %get3A_1296, %shift_left3A_1298 : vector<16xi32>
        %bitcast_convert_type3A_1300 = tpu.bitcast %shift_left3A_1299 : vector<16xi32> -> vector<16xf32>
        %and3A_1301 = arith.andi %get3A_1296, %broadcast_in_dim3A_3 : vector<16xi32>
        %bitcast_convert_type3A_1302 = tpu.bitcast %and3A_1301 : vector<16xi32> -> vector<16xf32>
        %mul3A_1303 = arith.mulf %bitcast_convert_type3A_1291, %bitcast_convert_type3A_1300 : vector<16xf32>
        %mul3A_1304 = arith.mulf %bitcast_convert_type3A_1293, %bitcast_convert_type3A_1302 : vector<16xf32>
        %add3A_1305 = arith.addf %mul3A_1303, %mul3A_1304 : vector<16xf32>
        %get3A_1306 = arith.index_cast %add3A_1284 : i32 to index
        %get3A_1307 = arith.constant 16 : index
        %get3A_1308 = tpu.vector_load %arg9[%get3A_1306, %get3A_1307] {strides = array<i32>} : memref<128x64xi32, #tpu.memory_space<vmem>>, vector<16xi32>,
        %shift_left3A_1309 = arith.constant 16 : i32
        %shift_left3A_1310 = vector.broadcast %shift_left3A_1309 : i32 to vector<16xi32>
        %shift_left3A_1311 = arith.shli %get3A_1308, %shift_left3A_1310 : vector<16xi32>
        %bitcast_convert_type3A_1312 = tpu.bitcast %shift_left3A_1311 : vector<16xi32> -> vector<16xf32>
        %and3A_1313 = arith.andi %get3A_1308, %broadcast_in_dim3A_3 : vector<16xi32>
        %bitcast_convert_type3A_1314 = tpu.bitcast %and3A_1313 : vector<16xi32> -> vector<16xf32>
        %get3A_1315 = arith.index_cast %add3A_1284 : i32 to index
        %get3A_1316 = arith.constant 16 : index
        %get3A_1317 = tpu.vector_load %arg11[%get3A_1315, %get3A_1316] {strides = array<i32>} : memref<128x64xi32, #tpu.memory_space<vmem>>, vector<16xi32>,
        %shift_left3A_1318 = arith.constant 16 : i32
        %shift_left3A_1319 = vector.broadcast %shift_left3A_1318 : i32 to vector<16xi32>
        %shift_left3A_1320 = arith.shli %get3A_1317, %shift_left3A_1319 : vector<16xi32>
        %bitcast_convert_type3A_1321 = tpu.bitcast %shift_left3A_1320 : vector<16xi32> -> vector<16xf32>
        %and3A_1322 = arith.andi %get3A_1317, %broadcast_in_dim3A_3 : vector<16xi32>
        %bitcast_convert_type3A_1323 = tpu.bitcast %and3A_1322 : vector<16xi32> -> vector<16xf32>
        %mul3A_1324 = arith.mulf %bitcast_convert_type3A_1312, %bitcast_convert_type3A_1321 : vector<16xf32>
        %mul3A_1325 = arith.mulf %bitcast_convert_type3A_1314, %bitcast_convert_type3A_1323 : vector<16xf32>
        %add3A_1326 = arith.addf %mul3A_1324, %mul3A_1325 : vector<16xf32>
        %add3A_1327 = arith.addf %add3A_1305, %add3A_1326 : vector<16xf32>
        %get3A_1328 = arith.index_cast %add3A_1284 : i32 to index
        %get3A_1329 = arith.constant 32 : index
        %get3A_1330 = tpu.vector_load %arg9[%get3A_1328, %get3A_1329] {strides = array<i32>} : memref<128x64xi32, #tpu.memory_space<vmem>>, vector<16xi32>,
        %shift_left3A_1331 = arith.constant 16 : i32
        %shift_left3A_1332 = vector.broadcast %shift_left3A_1331 : i32 to vector<16xi32>
        %shift_left3A_1333 = arith.shli %get3A_1330, %shift_left3A_1332 : vector<16xi32>
        %bitcast_convert_type3A_1334 = tpu.bitcast %shift_left3A_1333 : vector<16xi32> -> vector<16xf32>
        %and3A_1335 = arith.andi %get3A_1330, %broadcast_in_dim3A_3 : vector<16xi32>
        %bitcast_convert_type3A_1336 = tpu.bitcast %and3A_1335 : vector<16xi32> -> vector<16xf32>
        %get3A_1337 = arith.index_cast %add3A_1284 : i32 to index
        %get3A_1338 = arith.constant 32 : index
        %get3A_1339 = tpu.vector_load %arg11[%get3A_1337, %get3A_1338] {strides = array<i32>} : memref<128x64xi32, #tpu.memory_space<vmem>>, vector<16xi32>,
        %shift_left3A_1340 = arith.constant 16 : i32
        %shift_left3A_1341 = vector.broadcast %shift_left3A_1340 : i32 to vector<16xi32>
        %shift_left3A_1342 = arith.shli %get3A_1339, %shift_left3A_1341 : vector<16xi32>
        %bitcast_convert_type3A_1343 = tpu.bitcast %shift_left3A_1342 : vector<16xi32> -> vector<16xf32>
        %and3A_1344 = arith.andi %get3A_1339, %broadcast_in_dim3A_3 : vector<16xi32>
        %bitcast_convert_type3A_1345 = tpu.bitcast %and3A_1344 : vector<16xi32> -> vector<16xf32>
        %mul3A_1346 = arith.mulf %bitcast_convert_type3A_1334, %bitcast_convert_type3A_1343 : vector<16xf32>
        %mul3A_1347 = arith.mulf %bitcast_convert_type3A_1336, %bitcast_convert_type3A_1345 : vector<16xf32>
        %add3A_1348 = arith.addf %mul3A_1346, %mul3A_1347 : vector<16xf32>
        %add3A_1349 = arith.addf %add3A_1327, %add3A_1348 : vector<16xf32>
        %get3A_1350 = arith.index_cast %add3A_1284 : i32 to index
        %get3A_1351 = arith.constant 48 : index
        %get3A_1352 = tpu.vector_load %arg9[%get3A_1350, %get3A_1351] {strides = array<i32>} : memref<128x64xi32, #tpu.memory_space<vmem>>, vector<16xi32>,
        %shift_left3A_1353 = arith.constant 16 : i32
        %shift_left3A_1354 = vector.broadcast %shift_left3A_1353 : i32 to vector<16xi32>
        %shift_left3A_1355 = arith.shli %get3A_1352, %shift_left3A_1354 : vector<16xi32>
        %bitcast_convert_type3A_1356 = tpu.bitcast %shift_left3A_1355 : vector<16xi32> -> vector<16xf32>
        %and3A_1357 = arith.andi %get3A_1352, %broadcast_in_dim3A_3 : vector<16xi32>
        %bitcast_convert_type3A_1358 = tpu.bitcast %and3A_1357 : vector<16xi32> -> vector<16xf32>
        %get3A_1359 = arith.index_cast %add3A_1284 : i32 to index
        %get3A_1360 = arith.constant 48 : index
        %get3A_1361 = tpu.vector_load %arg11[%get3A_1359, %get3A_1360] {strides = array<i32>} : memref<128x64xi32, #tpu.memory_space<vmem>>, vector<16xi32>,
        %shift_left3A_1362 = arith.constant 16 : i32
        %shift_left3A_1363 = vector.broadcast %shift_left3A_1362 : i32 to vector<16xi32>
        %shift_left3A_1364 = arith.shli %get3A_1361, %shift_left3A_1363 : vector<16xi32>
        %bitcast_convert_type3A_1365 = tpu.bitcast %shift_left3A_1364 : vector<16xi32> -> vector<16xf32>
        %and3A_1366 = arith.andi %get3A_1361, %broadcast_in_dim3A_3 : vector<16xi32>
        %bitcast_convert_type3A_1367 = tpu.bitcast %and3A_1366 : vector<16xi32> -> vector<16xf32>
        %mul3A_1368 = arith.mulf %bitcast_convert_type3A_1356, %bitcast_convert_type3A_1365 : vector<16xf32>
        %mul3A_1369 = arith.mulf %bitcast_convert_type3A_1358, %bitcast_convert_type3A_1367 : vector<16xf32>
        %add3A_1370 = arith.addf %mul3A_1368, %mul3A_1369 : vector<16xf32>
        %add3A_1371 = arith.addf %add3A_1349, %add3A_1370 : vector<16xf32>
        %eq3A_1372 = arith.constant 12 : i32
        %eq3A_1373 = vector.broadcast %eq3A_1372 : i32 to vector<16xi32>
        %eq3A_1374 = arith.cmpi eq, %iota3A, %eq3A_1373 : vector<16xi32>
        %reduce_sum3A_1375 = arith.constant true
        %reduce_sum3A_1376 = vector.broadcast %reduce_sum3A_1375 : i1 to vector<16xi1>
        %reduce_sum3A_1377 = tpu.scan <sum>, %add3A_1371 masked %reduce_sum3A_1376 : vector<16xf32>, vector<16xi1> -> vector<16xf32>
        %reduce_sum3A_1378 = vector.extract %reduce_sum3A_1377[15] : f32 from vector<16xf32>
        %broadcast_in_dim3A_1379 = vector.broadcast %reduce_sum3A_1378 : f32 to vector<16xf32>
        %select_n3A_1380 = arith.select %eq3A_1374, %broadcast_in_dim3A_1379, %select_n3A_1280 : vector<16xi1>, vector<16xf32>
        %mul3A_1381 = arith.constant 16 : i32
        %mul3A_1382 = arith.muli %scan3A_84, %mul3A_1381 : i32
        %add3A_1383 = arith.constant 13 : i32
        %add3A_1384 = arith.addi %mul3A_1382, %add3A_1383 : i32
        %get3A_1385 = arith.index_cast %add3A_1384 : i32 to index
        %get3A_1386 = arith.constant 0 : index
        %get3A_1387 = tpu.vector_load %arg9[%get3A_1385, %get3A_1386] {strides = array<i32>} : memref<128x64xi32, #tpu.memory_space<vmem>>, vector<16xi32>,
        %shift_left3A_1388 = arith.constant 16 : i32
        %shift_left3A_1389 = vector.broadcast %shift_left3A_1388 : i32 to vector<16xi32>
        %shift_left3A_1390 = arith.shli %get3A_1387, %shift_left3A_1389 : vector<16xi32>
        %bitcast_convert_type3A_1391 = tpu.bitcast %shift_left3A_1390 : vector<16xi32> -> vector<16xf32>
        %and3A_1392 = arith.andi %get3A_1387, %broadcast_in_dim3A_3 : vector<16xi32>
        %bitcast_convert_type3A_1393 = tpu.bitcast %and3A_1392 : vector<16xi32> -> vector<16xf32>
        %get3A_1394 = arith.index_cast %add3A_1384 : i32 to index
        %get3A_1395 = arith.constant 0 : index
        %get3A_1396 = tpu.vector_load %arg11[%get3A_1394, %get3A_1395] {strides = array<i32>} : memref<128x64xi32, #tpu.memory_space<vmem>>, vector<16xi32>,
        %shift_left3A_1397 = arith.constant 16 : i32
        %shift_left3A_1398 = vector.broadcast %shift_left3A_1397 : i32 to vector<16xi32>
        %shift_left3A_1399 = arith.shli %get3A_1396, %shift_left3A_1398 : vector<16xi32>
        %bitcast_convert_type3A_1400 = tpu.bitcast %shift_left3A_1399 : vector<16xi32> -> vector<16xf32>
        %and3A_1401 = arith.andi %get3A_1396, %broadcast_in_dim3A_3 : vector<16xi32>
        %bitcast_convert_type3A_1402 = tpu.bitcast %and3A_1401 : vector<16xi32> -> vector<16xf32>
        %mul3A_1403 = arith.mulf %bitcast_convert_type3A_1391, %bitcast_convert_type3A_1400 : vector<16xf32>
        %mul3A_1404 = arith.mulf %bitcast_convert_type3A_1393, %bitcast_convert_type3A_1402 : vector<16xf32>
        %add3A_1405 = arith.addf %mul3A_1403, %mul3A_1404 : vector<16xf32>
        %get3A_1406 = arith.index_cast %add3A_1384 : i32 to index
        %get3A_1407 = arith.constant 16 : index
        %get3A_1408 = tpu.vector_load %arg9[%get3A_1406, %get3A_1407] {strides = array<i32>} : memref<128x64xi32, #tpu.memory_space<vmem>>, vector<16xi32>,
        %shift_left3A_1409 = arith.constant 16 : i32
        %shift_left3A_1410 = vector.broadcast %shift_left3A_1409 : i32 to vector<16xi32>
        %shift_left3A_1411 = arith.shli %get3A_1408, %shift_left3A_1410 : vector<16xi32>
        %bitcast_convert_type3A_1412 = tpu.bitcast %shift_left3A_1411 : vector<16xi32> -> vector<16xf32>
        %and3A_1413 = arith.andi %get3A_1408, %broadcast_in_dim3A_3 : vector<16xi32>
        %bitcast_convert_type3A_1414 = tpu.bitcast %and3A_1413 : vector<16xi32> -> vector<16xf32>
        %get3A_1415 = arith.index_cast %add3A_1384 : i32 to index
        %get3A_1416 = arith.constant 16 : index
        %get3A_1417 = tpu.vector_load %arg11[%get3A_1415, %get3A_1416] {strides = array<i32>} : memref<128x64xi32, #tpu.memory_space<vmem>>, vector<16xi32>,
        %shift_left3A_1418 = arith.constant 16 : i32
        %shift_left3A_1419 = vector.broadcast %shift_left3A_1418 : i32 to vector<16xi32>
        %shift_left3A_1420 = arith.shli %get3A_1417, %shift_left3A_1419 : vector<16xi32>
        %bitcast_convert_type3A_1421 = tpu.bitcast %shift_left3A_1420 : vector<16xi32> -> vector<16xf32>
        %and3A_1422 = arith.andi %get3A_1417, %broadcast_in_dim3A_3 : vector<16xi32>
        %bitcast_convert_type3A_1423 = tpu.bitcast %and3A_1422 : vector<16xi32> -> vector<16xf32>
        %mul3A_1424 = arith.mulf %bitcast_convert_type3A_1412, %bitcast_convert_type3A_1421 : vector<16xf32>
        %mul3A_1425 = arith.mulf %bitcast_convert_type3A_1414, %bitcast_convert_type3A_1423 : vector<16xf32>
        %add3A_1426 = arith.addf %mul3A_1424, %mul3A_1425 : vector<16xf32>
        %add3A_1427 = arith.addf %add3A_1405, %add3A_1426 : vector<16xf32>
        %get3A_1428 = arith.index_cast %add3A_1384 : i32 to index
        %get3A_1429 = arith.constant 32 : index
        %get3A_1430 = tpu.vector_load %arg9[%get3A_1428, %get3A_1429] {strides = array<i32>} : memref<128x64xi32, #tpu.memory_space<vmem>>, vector<16xi32>,
        %shift_left3A_1431 = arith.constant 16 : i32
        %shift_left3A_1432 = vector.broadcast %shift_left3A_1431 : i32 to vector<16xi32>
        %shift_left3A_1433 = arith.shli %get3A_1430, %shift_left3A_1432 : vector<16xi32>
        %bitcast_convert_type3A_1434 = tpu.bitcast %shift_left3A_1433 : vector<16xi32> -> vector<16xf32>
        %and3A_1435 = arith.andi %get3A_1430, %broadcast_in_dim3A_3 : vector<16xi32>
        %bitcast_convert_type3A_1436 = tpu.bitcast %and3A_1435 : vector<16xi32> -> vector<16xf32>
        %get3A_1437 = arith.index_cast %add3A_1384 : i32 to index
        %get3A_1438 = arith.constant 32 : index
        %get3A_1439 = tpu.vector_load %arg11[%get3A_1437, %get3A_1438] {strides = array<i32>} : memref<128x64xi32, #tpu.memory_space<vmem>>, vector<16xi32>,
        %shift_left3A_1440 = arith.constant 16 : i32
        %shift_left3A_1441 = vector.broadcast %shift_left3A_1440 : i32 to vector<16xi32>
        %shift_left3A_1442 = arith.shli %get3A_1439, %shift_left3A_1441 : vector<16xi32>
        %bitcast_convert_type3A_1443 = tpu.bitcast %shift_left3A_1442 : vector<16xi32> -> vector<16xf32>
        %and3A_1444 = arith.andi %get3A_1439, %broadcast_in_dim3A_3 : vector<16xi32>
        %bitcast_convert_type3A_1445 = tpu.bitcast %and3A_1444 : vector<16xi32> -> vector<16xf32>
        %mul3A_1446 = arith.mulf %bitcast_convert_type3A_1434, %bitcast_convert_type3A_1443 : vector<16xf32>
        %mul3A_1447 = arith.mulf %bitcast_convert_type3A_1436, %bitcast_convert_type3A_1445 : vector<16xf32>
        %add3A_1448 = arith.addf %mul3A_1446, %mul3A_1447 : vector<16xf32>
        %add3A_1449 = arith.addf %add3A_1427, %add3A_1448 : vector<16xf32>
        %get3A_1450 = arith.index_cast %add3A_1384 : i32 to index
        %get3A_1451 = arith.constant 48 : index
        %get3A_1452 = tpu.vector_load %arg9[%get3A_1450, %get3A_1451] {strides = array<i32>} : memref<128x64xi32, #tpu.memory_space<vmem>>, vector<16xi32>,
        %shift_left3A_1453 = arith.constant 16 : i32
        %shift_left3A_1454 = vector.broadcast %shift_left3A_1453 : i32 to vector<16xi32>
        %shift_left3A_1455 = arith.shli %get3A_1452, %shift_left3A_1454 : vector<16xi32>
        %bitcast_convert_type3A_1456 = tpu.bitcast %shift_left3A_1455 : vector<16xi32> -> vector<16xf32>
        %and3A_1457 = arith.andi %get3A_1452, %broadcast_in_dim3A_3 : vector<16xi32>
        %bitcast_convert_type3A_1458 = tpu.bitcast %and3A_1457 : vector<16xi32> -> vector<16xf32>
        %get3A_1459 = arith.index_cast %add3A_1384 : i32 to index
        %get3A_1460 = arith.constant 48 : index
        %get3A_1461 = tpu.vector_load %arg11[%get3A_1459, %get3A_1460] {strides = array<i32>} : memref<128x64xi32, #tpu.memory_space<vmem>>, vector<16xi32>,
        %shift_left3A_1462 = arith.constant 16 : i32
        %shift_left3A_1463 = vector.broadcast %shift_left3A_1462 : i32 to vector<16xi32>
        %shift_left3A_1464 = arith.shli %get3A_1461, %shift_left3A_1463 : vector<16xi32>
        %bitcast_convert_type3A_1465 = tpu.bitcast %shift_left3A_1464 : vector<16xi32> -> vector<16xf32>
        %and3A_1466 = arith.andi %get3A_1461, %broadcast_in_dim3A_3 : vector<16xi32>
        %bitcast_convert_type3A_1467 = tpu.bitcast %and3A_1466 : vector<16xi32> -> vector<16xf32>
        %mul3A_1468 = arith.mulf %bitcast_convert_type3A_1456, %bitcast_convert_type3A_1465 : vector<16xf32>
        %mul3A_1469 = arith.mulf %bitcast_convert_type3A_1458, %bitcast_convert_type3A_1467 : vector<16xf32>
        %add3A_1470 = arith.addf %mul3A_1468, %mul3A_1469 : vector<16xf32>
        %add3A_1471 = arith.addf %add3A_1449, %add3A_1470 : vector<16xf32>
        %eq3A_1472 = arith.constant 13 : i32
        %eq3A_1473 = vector.broadcast %eq3A_1472 : i32 to vector<16xi32>
        %eq3A_1474 = arith.cmpi eq, %iota3A, %eq3A_1473 : vector<16xi32>
        %reduce_sum3A_1475 = arith.constant true
        %reduce_sum3A_1476 = vector.broadcast %reduce_sum3A_1475 : i1 to vector<16xi1>
        %reduce_sum3A_1477 = tpu.scan <sum>, %add3A_1471 masked %reduce_sum3A_1476 : vector<16xf32>, vector<16xi1> -> vector<16xf32>
        %reduce_sum3A_1478 = vector.extract %reduce_sum3A_1477[15] : f32 from vector<16xf32>
        %broadcast_in_dim3A_1479 = vector.broadcast %reduce_sum3A_1478 : f32 to vector<16xf32>
        %select_n3A_1480 = arith.select %eq3A_1474, %broadcast_in_dim3A_1479, %select_n3A_1380 : vector<16xi1>, vector<16xf32>
        %mul3A_1481 = arith.constant 16 : i32
        %mul3A_1482 = arith.muli %scan3A_84, %mul3A_1481 : i32
        %add3A_1483 = arith.constant 14 : i32
        %add3A_1484 = arith.addi %mul3A_1482, %add3A_1483 : i32
        %get3A_1485 = arith.index_cast %add3A_1484 : i32 to index
        %get3A_1486 = arith.constant 0 : index
        %get3A_1487 = tpu.vector_load %arg9[%get3A_1485, %get3A_1486] {strides = array<i32>} : memref<128x64xi32, #tpu.memory_space<vmem>>, vector<16xi32>,
        %shift_left3A_1488 = arith.constant 16 : i32
        %shift_left3A_1489 = vector.broadcast %shift_left3A_1488 : i32 to vector<16xi32>
        %shift_left3A_1490 = arith.shli %get3A_1487, %shift_left3A_1489 : vector<16xi32>
        %bitcast_convert_type3A_1491 = tpu.bitcast %shift_left3A_1490 : vector<16xi32> -> vector<16xf32>
        %and3A_1492 = arith.andi %get3A_1487, %broadcast_in_dim3A_3 : vector<16xi32>
        %bitcast_convert_type3A_1493 = tpu.bitcast %and3A_1492 : vector<16xi32> -> vector<16xf32>
        %get3A_1494 = arith.index_cast %add3A_1484 : i32 to index
        %get3A_1495 = arith.constant 0 : index
        %get3A_1496 = tpu.vector_load %arg11[%get3A_1494, %get3A_1495] {strides = array<i32>} : memref<128x64xi32, #tpu.memory_space<vmem>>, vector<16xi32>,
        %shift_left3A_1497 = arith.constant 16 : i32
        %shift_left3A_1498 = vector.broadcast %shift_left3A_1497 : i32 to vector<16xi32>
        %shift_left3A_1499 = arith.shli %get3A_1496, %shift_left3A_1498 : vector<16xi32>
        %bitcast_convert_type3A_1500 = tpu.bitcast %shift_left3A_1499 : vector<16xi32> -> vector<16xf32>
        %and3A_1501 = arith.andi %get3A_1496, %broadcast_in_dim3A_3 : vector<16xi32>
        %bitcast_convert_type3A_1502 = tpu.bitcast %and3A_1501 : vector<16xi32> -> vector<16xf32>
        %mul3A_1503 = arith.mulf %bitcast_convert_type3A_1491, %bitcast_convert_type3A_1500 : vector<16xf32>
        %mul3A_1504 = arith.mulf %bitcast_convert_type3A_1493, %bitcast_convert_type3A_1502 : vector<16xf32>
        %add3A_1505 = arith.addf %mul3A_1503, %mul3A_1504 : vector<16xf32>
        %get3A_1506 = arith.index_cast %add3A_1484 : i32 to index
        %get3A_1507 = arith.constant 16 : index
        %get3A_1508 = tpu.vector_load %arg9[%get3A_1506, %get3A_1507] {strides = array<i32>} : memref<128x64xi32, #tpu.memory_space<vmem>>, vector<16xi32>,
        %shift_left3A_1509 = arith.constant 16 : i32
        %shift_left3A_1510 = vector.broadcast %shift_left3A_1509 : i32 to vector<16xi32>
        %shift_left3A_1511 = arith.shli %get3A_1508, %shift_left3A_1510 : vector<16xi32>
        %bitcast_convert_type3A_1512 = tpu.bitcast %shift_left3A_1511 : vector<16xi32> -> vector<16xf32>
        %and3A_1513 = arith.andi %get3A_1508, %broadcast_in_dim3A_3 : vector<16xi32>
        %bitcast_convert_type3A_1514 = tpu.bitcast %and3A_1513 : vector<16xi32> -> vector<16xf32>
        %get3A_1515 = arith.index_cast %add3A_1484 : i32 to index
        %get3A_1516 = arith.constant 16 : index
        %get3A_1517 = tpu.vector_load %arg11[%get3A_1515, %get3A_1516] {strides = array<i32>} : memref<128x64xi32, #tpu.memory_space<vmem>>, vector<16xi32>,
        %shift_left3A_1518 = arith.constant 16 : i32
        %shift_left3A_1519 = vector.broadcast %shift_left3A_1518 : i32 to vector<16xi32>
        %shift_left3A_1520 = arith.shli %get3A_1517, %shift_left3A_1519 : vector<16xi32>
        %bitcast_convert_type3A_1521 = tpu.bitcast %shift_left3A_1520 : vector<16xi32> -> vector<16xf32>
        %and3A_1522 = arith.andi %get3A_1517, %broadcast_in_dim3A_3 : vector<16xi32>
        %bitcast_convert_type3A_1523 = tpu.bitcast %and3A_1522 : vector<16xi32> -> vector<16xf32>
        %mul3A_1524 = arith.mulf %bitcast_convert_type3A_1512, %bitcast_convert_type3A_1521 : vector<16xf32>
        %mul3A_1525 = arith.mulf %bitcast_convert_type3A_1514, %bitcast_convert_type3A_1523 : vector<16xf32>
        %add3A_1526 = arith.addf %mul3A_1524, %mul3A_1525 : vector<16xf32>
        %add3A_1527 = arith.addf %add3A_1505, %add3A_1526 : vector<16xf32>
        %get3A_1528 = arith.index_cast %add3A_1484 : i32 to index
        %get3A_1529 = arith.constant 32 : index
        %get3A_1530 = tpu.vector_load %arg9[%get3A_1528, %get3A_1529] {strides = array<i32>} : memref<128x64xi32, #tpu.memory_space<vmem>>, vector<16xi32>,
        %shift_left3A_1531 = arith.constant 16 : i32
        %shift_left3A_1532 = vector.broadcast %shift_left3A_1531 : i32 to vector<16xi32>
        %shift_left3A_1533 = arith.shli %get3A_1530, %shift_left3A_1532 : vector<16xi32>
        %bitcast_convert_type3A_1534 = tpu.bitcast %shift_left3A_1533 : vector<16xi32> -> vector<16xf32>
        %and3A_1535 = arith.andi %get3A_1530, %broadcast_in_dim3A_3 : vector<16xi32>
        %bitcast_convert_type3A_1536 = tpu.bitcast %and3A_1535 : vector<16xi32> -> vector<16xf32>
        %get3A_1537 = arith.index_cast %add3A_1484 : i32 to index
        %get3A_1538 = arith.constant 32 : index
        %get3A_1539 = tpu.vector_load %arg11[%get3A_1537, %get3A_1538] {strides = array<i32>} : memref<128x64xi32, #tpu.memory_space<vmem>>, vector<16xi32>,
        %shift_left3A_1540 = arith.constant 16 : i32
        %shift_left3A_1541 = vector.broadcast %shift_left3A_1540 : i32 to vector<16xi32>
        %shift_left3A_1542 = arith.shli %get3A_1539, %shift_left3A_1541 : vector<16xi32>
        %bitcast_convert_type3A_1543 = tpu.bitcast %shift_left3A_1542 : vector<16xi32> -> vector<16xf32>
        %and3A_1544 = arith.andi %get3A_1539, %broadcast_in_dim3A_3 : vector<16xi32>
        %bitcast_convert_type3A_1545 = tpu.bitcast %and3A_1544 : vector<16xi32> -> vector<16xf32>
        %mul3A_1546 = arith.mulf %bitcast_convert_type3A_1534, %bitcast_convert_type3A_1543 : vector<16xf32>
        %mul3A_1547 = arith.mulf %bitcast_convert_type3A_1536, %bitcast_convert_type3A_1545 : vector<16xf32>
        %add3A_1548 = arith.addf %mul3A_1546, %mul3A_1547 : vector<16xf32>
        %add3A_1549 = arith.addf %add3A_1527, %add3A_1548 : vector<16xf32>
        %get3A_1550 = arith.index_cast %add3A_1484 : i32 to index
        %get3A_1551 = arith.constant 48 : index
        %get3A_1552 = tpu.vector_load %arg9[%get3A_1550, %get3A_1551] {strides = array<i32>} : memref<128x64xi32, #tpu.memory_space<vmem>>, vector<16xi32>,
        %shift_left3A_1553 = arith.constant 16 : i32
        %shift_left3A_1554 = vector.broadcast %shift_left3A_1553 : i32 to vector<16xi32>
        %shift_left3A_1555 = arith.shli %get3A_1552, %shift_left3A_1554 : vector<16xi32>
        %bitcast_convert_type3A_1556 = tpu.bitcast %shift_left3A_1555 : vector<16xi32> -> vector<16xf32>
        %and3A_1557 = arith.andi %get3A_1552, %broadcast_in_dim3A_3 : vector<16xi32>
        %bitcast_convert_type3A_1558 = tpu.bitcast %and3A_1557 : vector<16xi32> -> vector<16xf32>
        %get3A_1559 = arith.index_cast %add3A_1484 : i32 to index
        %get3A_1560 = arith.constant 48 : index
        %get3A_1561 = tpu.vector_load %arg11[%get3A_1559, %get3A_1560] {strides = array<i32>} : memref<128x64xi32, #tpu.memory_space<vmem>>, vector<16xi32>,
        %shift_left3A_1562 = arith.constant 16 : i32
        %shift_left3A_1563 = vector.broadcast %shift_left3A_1562 : i32 to vector<16xi32>
        %shift_left3A_1564 = arith.shli %get3A_1561, %shift_left3A_1563 : vector<16xi32>
        %bitcast_convert_type3A_1565 = tpu.bitcast %shift_left3A_1564 : vector<16xi32> -> vector<16xf32>
        %and3A_1566 = arith.andi %get3A_1561, %broadcast_in_dim3A_3 : vector<16xi32>
        %bitcast_convert_type3A_1567 = tpu.bitcast %and3A_1566 : vector<16xi32> -> vector<16xf32>
        %mul3A_1568 = arith.mulf %bitcast_convert_type3A_1556, %bitcast_convert_type3A_1565 : vector<16xf32>
        %mul3A_1569 = arith.mulf %bitcast_convert_type3A_1558, %bitcast_convert_type3A_1567 : vector<16xf32>
        %add3A_1570 = arith.addf %mul3A_1568, %mul3A_1569 : vector<16xf32>
        %add3A_1571 = arith.addf %add3A_1549, %add3A_1570 : vector<16xf32>
        %eq3A_1572 = arith.constant 14 : i32
        %eq3A_1573 = vector.broadcast %eq3A_1572 : i32 to vector<16xi32>
        %eq3A_1574 = arith.cmpi eq, %iota3A, %eq3A_1573 : vector<16xi32>
        %reduce_sum3A_1575 = arith.constant true
        %reduce_sum3A_1576 = vector.broadcast %reduce_sum3A_1575 : i1 to vector<16xi1>
        %reduce_sum3A_1577 = tpu.scan <sum>, %add3A_1571 masked %reduce_sum3A_1576 : vector<16xf32>, vector<16xi1> -> vector<16xf32>
        %reduce_sum3A_1578 = vector.extract %reduce_sum3A_1577[15] : f32 from vector<16xf32>
        %broadcast_in_dim3A_1579 = vector.broadcast %reduce_sum3A_1578 : f32 to vector<16xf32>
        %select_n3A_1580 = arith.select %eq3A_1574, %broadcast_in_dim3A_1579, %select_n3A_1480 : vector<16xi1>, vector<16xf32>
        %mul3A_1581 = arith.constant 16 : i32
        %mul3A_1582 = arith.muli %scan3A_84, %mul3A_1581 : i32
        %add3A_1583 = arith.constant 15 : i32
        %add3A_1584 = arith.addi %mul3A_1582, %add3A_1583 : i32
        %get3A_1585 = arith.index_cast %add3A_1584 : i32 to index
        %get3A_1586 = arith.constant 0 : index
        %get3A_1587 = tpu.vector_load %arg9[%get3A_1585, %get3A_1586] {strides = array<i32>} : memref<128x64xi32, #tpu.memory_space<vmem>>, vector<16xi32>,
        %shift_left3A_1588 = arith.constant 16 : i32
        %shift_left3A_1589 = vector.broadcast %shift_left3A_1588 : i32 to vector<16xi32>
        %shift_left3A_1590 = arith.shli %get3A_1587, %shift_left3A_1589 : vector<16xi32>
        %bitcast_convert_type3A_1591 = tpu.bitcast %shift_left3A_1590 : vector<16xi32> -> vector<16xf32>
        %and3A_1592 = arith.andi %get3A_1587, %broadcast_in_dim3A_3 : vector<16xi32>
        %bitcast_convert_type3A_1593 = tpu.bitcast %and3A_1592 : vector<16xi32> -> vector<16xf32>
        %get3A_1594 = arith.index_cast %add3A_1584 : i32 to index
        %get3A_1595 = arith.constant 0 : index
        %get3A_1596 = tpu.vector_load %arg11[%get3A_1594, %get3A_1595] {strides = array<i32>} : memref<128x64xi32, #tpu.memory_space<vmem>>, vector<16xi32>,
        %shift_left3A_1597 = arith.constant 16 : i32
        %shift_left3A_1598 = vector.broadcast %shift_left3A_1597 : i32 to vector<16xi32>
        %shift_left3A_1599 = arith.shli %get3A_1596, %shift_left3A_1598 : vector<16xi32>
        %bitcast_convert_type3A_1600 = tpu.bitcast %shift_left3A_1599 : vector<16xi32> -> vector<16xf32>
        %and3A_1601 = arith.andi %get3A_1596, %broadcast_in_dim3A_3 : vector<16xi32>
        %bitcast_convert_type3A_1602 = tpu.bitcast %and3A_1601 : vector<16xi32> -> vector<16xf32>
        %mul3A_1603 = arith.mulf %bitcast_convert_type3A_1591, %bitcast_convert_type3A_1600 : vector<16xf32>
        %mul3A_1604 = arith.mulf %bitcast_convert_type3A_1593, %bitcast_convert_type3A_1602 : vector<16xf32>
        %add3A_1605 = arith.addf %mul3A_1603, %mul3A_1604 : vector<16xf32>
        %get3A_1606 = arith.index_cast %add3A_1584 : i32 to index
        %get3A_1607 = arith.constant 16 : index
        %get3A_1608 = tpu.vector_load %arg9[%get3A_1606, %get3A_1607] {strides = array<i32>} : memref<128x64xi32, #tpu.memory_space<vmem>>, vector<16xi32>,
        %shift_left3A_1609 = arith.constant 16 : i32
        %shift_left3A_1610 = vector.broadcast %shift_left3A_1609 : i32 to vector<16xi32>
        %shift_left3A_1611 = arith.shli %get3A_1608, %shift_left3A_1610 : vector<16xi32>
        %bitcast_convert_type3A_1612 = tpu.bitcast %shift_left3A_1611 : vector<16xi32> -> vector<16xf32>
        %and3A_1613 = arith.andi %get3A_1608, %broadcast_in_dim3A_3 : vector<16xi32>
        %bitcast_convert_type3A_1614 = tpu.bitcast %and3A_1613 : vector<16xi32> -> vector<16xf32>
        %get3A_1615 = arith.index_cast %add3A_1584 : i32 to index
        %get3A_1616 = arith.constant 16 : index
        %get3A_1617 = tpu.vector_load %arg11[%get3A_1615, %get3A_1616] {strides = array<i32>} : memref<128x64xi32, #tpu.memory_space<vmem>>, vector<16xi32>,
        %shift_left3A_1618 = arith.constant 16 : i32
        %shift_left3A_1619 = vector.broadcast %shift_left3A_1618 : i32 to vector<16xi32>
        %shift_left3A_1620 = arith.shli %get3A_1617, %shift_left3A_1619 : vector<16xi32>
        %bitcast_convert_type3A_1621 = tpu.bitcast %shift_left3A_1620 : vector<16xi32> -> vector<16xf32>
        %and3A_1622 = arith.andi %get3A_1617, %broadcast_in_dim3A_3 : vector<16xi32>
        %bitcast_convert_type3A_1623 = tpu.bitcast %and3A_1622 : vector<16xi32> -> vector<16xf32>
        %mul3A_1624 = arith.mulf %bitcast_convert_type3A_1612, %bitcast_convert_type3A_1621 : vector<16xf32>
        %mul3A_1625 = arith.mulf %bitcast_convert_type3A_1614, %bitcast_convert_type3A_1623 : vector<16xf32>
        %add3A_1626 = arith.addf %mul3A_1624, %mul3A_1625 : vector<16xf32>
        %add3A_1627 = arith.addf %add3A_1605, %add3A_1626 : vector<16xf32>
        %get3A_1628 = arith.index_cast %add3A_1584 : i32 to index
        %get3A_1629 = arith.constant 32 : index
        %get3A_1630 = tpu.vector_load %arg9[%get3A_1628, %get3A_1629] {strides = array<i32>} : memref<128x64xi32, #tpu.memory_space<vmem>>, vector<16xi32>,
        %shift_left3A_1631 = arith.constant 16 : i32
        %shift_left3A_1632 = vector.broadcast %shift_left3A_1631 : i32 to vector<16xi32>
        %shift_left3A_1633 = arith.shli %get3A_1630, %shift_left3A_1632 : vector<16xi32>
        %bitcast_convert_type3A_1634 = tpu.bitcast %shift_left3A_1633 : vector<16xi32> -> vector<16xf32>
        %and3A_1635 = arith.andi %get3A_1630, %broadcast_in_dim3A_3 : vector<16xi32>
        %bitcast_convert_type3A_1636 = tpu.bitcast %and3A_1635 : vector<16xi32> -> vector<16xf32>
        %get3A_1637 = arith.index_cast %add3A_1584 : i32 to index
        %get3A_1638 = arith.constant 32 : index
        %get3A_1639 = tpu.vector_load %arg11[%get3A_1637, %get3A_1638] {strides = array<i32>} : memref<128x64xi32, #tpu.memory_space<vmem>>, vector<16xi32>,
        %shift_left3A_1640 = arith.constant 16 : i32
        %shift_left3A_1641 = vector.broadcast %shift_left3A_1640 : i32 to vector<16xi32>
        %shift_left3A_1642 = arith.shli %get3A_1639, %shift_left3A_1641 : vector<16xi32>
        %bitcast_convert_type3A_1643 = tpu.bitcast %shift_left3A_1642 : vector<16xi32> -> vector<16xf32>
        %and3A_1644 = arith.andi %get3A_1639, %broadcast_in_dim3A_3 : vector<16xi32>
        %bitcast_convert_type3A_1645 = tpu.bitcast %and3A_1644 : vector<16xi32> -> vector<16xf32>
        %mul3A_1646 = arith.mulf %bitcast_convert_type3A_1634, %bitcast_convert_type3A_1643 : vector<16xf32>
        %mul3A_1647 = arith.mulf %bitcast_convert_type3A_1636, %bitcast_convert_type3A_1645 : vector<16xf32>
        %add3A_1648 = arith.addf %mul3A_1646, %mul3A_1647 : vector<16xf32>
        %add3A_1649 = arith.addf %add3A_1627, %add3A_1648 : vector<16xf32>
        %get3A_1650 = arith.index_cast %add3A_1584 : i32 to index
        %get3A_1651 = arith.constant 48 : index
        %get3A_1652 = tpu.vector_load %arg9[%get3A_1650, %get3A_1651] {strides = array<i32>} : memref<128x64xi32, #tpu.memory_space<vmem>>, vector<16xi32>,
        %shift_left3A_1653 = arith.constant 16 : i32
        %shift_left3A_1654 = vector.broadcast %shift_left3A_1653 : i32 to vector<16xi32>
        %shift_left3A_1655 = arith.shli %get3A_1652, %shift_left3A_1654 : vector<16xi32>
        %bitcast_convert_type3A_1656 = tpu.bitcast %shift_left3A_1655 : vector<16xi32> -> vector<16xf32>
        %and3A_1657 = arith.andi %get3A_1652, %broadcast_in_dim3A_3 : vector<16xi32>
        %bitcast_convert_type3A_1658 = tpu.bitcast %and3A_1657 : vector<16xi32> -> vector<16xf32>
        %get3A_1659 = arith.index_cast %add3A_1584 : i32 to index
        %get3A_1660 = arith.constant 48 : index
        %get3A_1661 = tpu.vector_load %arg11[%get3A_1659, %get3A_1660] {strides = array<i32>} : memref<128x64xi32, #tpu.memory_space<vmem>>, vector<16xi32>,
        %shift_left3A_1662 = arith.constant 16 : i32
        %shift_left3A_1663 = vector.broadcast %shift_left3A_1662 : i32 to vector<16xi32>
        %shift_left3A_1664 = arith.shli %get3A_1661, %shift_left3A_1663 : vector<16xi32>
        %bitcast_convert_type3A_1665 = tpu.bitcast %shift_left3A_1664 : vector<16xi32> -> vector<16xf32>
        %and3A_1666 = arith.andi %get3A_1661, %broadcast_in_dim3A_3 : vector<16xi32>
        %bitcast_convert_type3A_1667 = tpu.bitcast %and3A_1666 : vector<16xi32> -> vector<16xf32>
        %mul3A_1668 = arith.mulf %bitcast_convert_type3A_1656, %bitcast_convert_type3A_1665 : vector<16xf32>
        %mul3A_1669 = arith.mulf %bitcast_convert_type3A_1658, %bitcast_convert_type3A_1667 : vector<16xf32>
        %add3A_1670 = arith.addf %mul3A_1668, %mul3A_1669 : vector<16xf32>
        %add3A_1671 = arith.addf %add3A_1649, %add3A_1670 : vector<16xf32>
        %eq3A_1672 = arith.constant 15 : i32
        %eq3A_1673 = vector.broadcast %eq3A_1672 : i32 to vector<16xi32>
        %eq3A_1674 = arith.cmpi eq, %iota3A, %eq3A_1673 : vector<16xi32>
        %reduce_sum3A_1675 = arith.constant true
        %reduce_sum3A_1676 = vector.broadcast %reduce_sum3A_1675 : i1 to vector<16xi1>
        %reduce_sum3A_1677 = tpu.scan <sum>, %add3A_1671 masked %reduce_sum3A_1676 : vector<16xf32>, vector<16xi1> -> vector<16xf32>
        %reduce_sum3A_1678 = vector.extract %reduce_sum3A_1677[15] : f32 from vector<16xf32>
        %broadcast_in_dim3A_1679 = vector.broadcast %reduce_sum3A_1678 : f32 to vector<16xf32>
        %select_n3A_1680 = arith.select %eq3A_1674, %broadcast_in_dim3A_1679, %select_n3A_1580 : vector<16xi1>, vector<16xf32>
        %mul3A_1681 = arith.constant 16 : i32
        %mul3A_1682 = arith.muli %scan3A_84, %mul3A_1681 : i32
        %swap3A = arith.index_cast %mul3A_24 : i32 to index
        %swap3A_1683 = arith.index_cast %mul3A_1682 : i32 to index
        %swap3A_1684 = tpu.vector_load %arg13[%swap3A, %swap3A_1683] {strides = array<i32>} : memref<80x128xf32, #tpu.memory_space<vmem>>, vector<16xf32>,
        tpu.vector_store %arg13[%swap3A, %swap3A_1683], %select_n3A_1680 {strides = array<i32>} : memref<80x128xf32, #tpu.memory_space<vmem>>, vector<16xf32>,
      }
      %scan3A_55 = arith.constant 8 : i32
      %add3A_56 = arith.constant 1 : i32
      %add3A_57 = arith.addi %scan3A_22, %add3A_56 : i32
      %lt3A = arith.constant 40 : i32
      %lt3A_58 = arith.cmpi slt, %add3A_57, %lt3A : i32
      %convert_element_type3A_59 = arith.extui %lt3A_58 : i1 to i32
      %cond3A_60 = arith.constant 0 : i32
      %cond3A_61 = arith.cmpi ne, %convert_element_type3A_59, %cond3A_60 : i32
      scf.if %cond3A_61 {
        %add3A_84 = arith.constant 2 : i32
        %add3A_85 = arith.addi %mul3A_24, %add3A_84 : i32
        %dma_start3A_86 = arith.constant 0 : i32
        %dma_start3A_87 = tpu.memref_slice %arg7[%add3A_85, %dma_start3A_86] : memref<80x128xi32, #tpu.memory_space<vmem>> -> memref<1x128xi32, #tpu.memory_space<vmem>>
        %dma_start3A_88 = tpu.memref_squeeze %dma_start3A_87 : memref<1x128xi32, #tpu.memory_space<vmem>> -> memref<128xi32, #tpu.memory_space<vmem>>
        %dma_start3A_89 = arith.constant 0 : i32
        %dma_start3A_90 = arith.constant 0 : i32
        %dma_start3A_91 = tpu.memref_slice %arg6[%dma_start3A_89, %dma_start3A_90] : memref<10000x64xi32, #tpu.memory_space<vmem_shared>> -> memref<10000x64xi32, #tpu.memory_space<vmem_shared>>
        tpu.enqueue_indirect_dma source(%dma_start3A_91 : memref<10000x64xi32, #tpu.memory_space<vmem_shared>>) target(%arg9 : memref<128x64xi32, #tpu.memory_space<vmem>>) offsets(%dma_start3A_88 : memref<128xi32, #tpu.memory_space<vmem>>) semaphore(%arg14 : memref<!tpu.dma_semaphore, #tpu.memory_space<semaphore_mem>>)
        %dma_start3A_92 = arith.constant 0 : i32
        %dma_start3A_93 = tpu.memref_slice %arg8[%add3A_85, %dma_start3A_92] : memref<80x128xi32, #tpu.memory_space<vmem>> -> memref<1x128xi32, #tpu.memory_space<vmem>>
        %dma_start3A_94 = tpu.memref_squeeze %dma_start3A_93 : memref<1x128xi32, #tpu.memory_space<vmem>> -> memref<128xi32, #tpu.memory_space<vmem>>
        %dma_start3A_95 = arith.constant 0 : i32
        %dma_start3A_96 = arith.constant 0 : i32
        %dma_start3A_97 = tpu.memref_slice %arg6[%dma_start3A_95, %dma_start3A_96] : memref<10000x64xi32, #tpu.memory_space<vmem_shared>> -> memref<10000x64xi32, #tpu.memory_space<vmem_shared>>
        tpu.enqueue_indirect_dma source(%dma_start3A_97 : memref<10000x64xi32, #tpu.memory_space<vmem_shared>>) target(%arg11 : memref<128x64xi32, #tpu.memory_space<vmem>>) offsets(%dma_start3A_94 : memref<128xi32, #tpu.memory_space<vmem>>) semaphore(%arg16 : memref<!tpu.dma_semaphore, #tpu.memory_space<semaphore_mem>>)
      } else {
      }
      %add3A_62 = arith.constant 1 : i32
      %add3A_63 = arith.addi %mul3A_24, %add3A_62 : i32
      %dma_wait3A_64 = arith.constant 0 : i32
      %dma_wait3A_65 = tpu.memref_slice %arg7[%add3A_63, %dma_wait3A_64] : memref<80x128xi32, #tpu.memory_space<vmem>> -> memref<1x128xi32, #tpu.memory_space<vmem>>
      %dma_wait3A_66 = tpu.memref_squeeze %dma_wait3A_65 : memref<1x128xi32, #tpu.memory_space<vmem>> -> memref<128xi32, #tpu.memory_space<vmem>>
      %dma_wait3A_67 = arith.constant 0 : i32
      %dma_wait3A_68 = arith.constant 0 : i32
      %dma_wait3A_69 = tpu.memref_slice %arg6[%dma_wait3A_67, %dma_wait3A_68] : memref<10000x64xi32, #tpu.memory_space<vmem_shared>> -> memref<10000x64xi32, #tpu.memory_space<vmem_shared>>
      tpu.wait_indirect_dma semaphore(%arg15 : memref<!tpu.dma_semaphore, #tpu.memory_space<semaphore_mem>>) src(%dma_wait3A_69 : memref<10000x64xi32, #tpu.memory_space<vmem_shared>>) dst(%arg10 : memref<128x64xi32, #tpu.memory_space<vmem>>)
      %dma_wait3A_70 = arith.constant 0 : i32
      %dma_wait3A_71 = tpu.memref_slice %arg8[%add3A_63, %dma_wait3A_70] : memref<80x128xi32, #tpu.memory_space<vmem>> -> memref<1x128xi32, #tpu.memory_space<vmem>>
      %dma_wait3A_72 = tpu.memref_squeeze %dma_wait3A_71 : memref<1x128xi32, #tpu.memory_space<vmem>> -> memref<128xi32, #tpu.memory_space<vmem>>
      %dma_wait3A_73 = arith.constant 0 : i32
      %dma_wait3A_74 = arith.constant 0 : i32
      %dma_wait3A_75 = tpu.memref_slice %arg6[%dma_wait3A_73, %dma_wait3A_74] : memref<10000x64xi32, #tpu.memory_space<vmem_shared>> -> memref<10000x64xi32, #tpu.memory_space<vmem_shared>>
      tpu.wait_indirect_dma semaphore(%arg17 : memref<!tpu.dma_semaphore, #tpu.memory_space<semaphore_mem>>) src(%dma_wait3A_75 : memref<10000x64xi32, #tpu.memory_space<vmem_shared>>) dst(%arg12 : memref<128x64xi32, #tpu.memory_space<vmem>>)
      %add3A_76 = arith.constant 1 : i32
      %add3A_77 = arith.addi %mul3A_24, %add3A_76 : i32
      %scan3A_78 = arith.constant 0 : i32
      %scan3A_79 = arith.constant 0 : i32
      %scan3A_80 = arith.constant 8 : i32
      %scan3A_81 = arith.addi %scan3A_79, %scan3A_80 : i32
      %scan3A_82 = arith.constant 1 : i32
      scf.for %scan3A_84 = %scan3A_79 to %scan3A_81 step %scan3A_82  : i32 {
        %broadcast_in_dim3A_85 = arith.constant 0.000000e+00 : f32
        %broadcast_in_dim3A_86 = vector.broadcast %broadcast_in_dim3A_85 : f32 to vector<16xf32>
        %mul3A_87 = arith.constant 16 : i32
        %mul3A_88 = arith.muli %scan3A_84, %mul3A_87 : i32
        %add3A_89 = arith.constant 0 : i32
        %add3A_90 = arith.addi %mul3A_88, %add3A_89 : i32
        %get3A = arith.index_cast %add3A_90 : i32 to index
        %get3A_91 = arith.constant 0 : index
        %get3A_92 = tpu.vector_load %arg10[%get3A, %get3A_91] {strides = array<i32>} : memref<128x64xi32, #tpu.memory_space<vmem>>, vector<16xi32>,
        %shift_left3A = arith.constant 16 : i32
        %shift_left3A_93 = vector.broadcast %shift_left3A : i32 to vector<16xi32>
        %shift_left3A_94 = arith.shli %get3A_92, %shift_left3A_93 : vector<16xi32>
        %bitcast_convert_type3A = tpu.bitcast %shift_left3A_94 : vector<16xi32> -> vector<16xf32>
        %and3A = arith.andi %get3A_92, %broadcast_in_dim3A_3 : vector<16xi32>
        %bitcast_convert_type3A_95 = tpu.bitcast %and3A : vector<16xi32> -> vector<16xf32>
        %get3A_96 = arith.index_cast %add3A_90 : i32 to index
        %get3A_97 = arith.constant 0 : index
        %get3A_98 = tpu.vector_load %arg12[%get3A_96, %get3A_97] {strides = array<i32>} : memref<128x64xi32, #tpu.memory_space<vmem>>, vector<16xi32>,
        %shift_left3A_99 = arith.constant 16 : i32
        %shift_left3A_100 = vector.broadcast %shift_left3A_99 : i32 to vector<16xi32>
        %shift_left3A_101 = arith.shli %get3A_98, %shift_left3A_100 : vector<16xi32>
        %bitcast_convert_type3A_102 = tpu.bitcast %shift_left3A_101 : vector<16xi32> -> vector<16xf32>
        %and3A_103 = arith.andi %get3A_98, %broadcast_in_dim3A_3 : vector<16xi32>
        %bitcast_convert_type3A_104 = tpu.bitcast %and3A_103 : vector<16xi32> -> vector<16xf32>
        %mul3A_105 = arith.mulf %bitcast_convert_type3A, %bitcast_convert_type3A_102 : vector<16xf32>
        %mul3A_106 = arith.mulf %bitcast_convert_type3A_95, %bitcast_convert_type3A_104 : vector<16xf32>
        %add3A_107 = arith.addf %mul3A_105, %mul3A_106 : vector<16xf32>
        %get3A_108 = arith.index_cast %add3A_90 : i32 to index
        %get3A_109 = arith.constant 16 : index
        %get3A_110 = tpu.vector_load %arg10[%get3A_108, %get3A_109] {strides = array<i32>} : memref<128x64xi32, #tpu.memory_space<vmem>>, vector<16xi32>,
        %shift_left3A_111 = arith.constant 16 : i32
        %shift_left3A_112 = vector.broadcast %shift_left3A_111 : i32 to vector<16xi32>
        %shift_left3A_113 = arith.shli %get3A_110, %shift_left3A_112 : vector<16xi32>
        %bitcast_convert_type3A_114 = tpu.bitcast %shift_left3A_113 : vector<16xi32> -> vector<16xf32>
        %and3A_115 = arith.andi %get3A_110, %broadcast_in_dim3A_3 : vector<16xi32>
        %bitcast_convert_type3A_116 = tpu.bitcast %and3A_115 : vector<16xi32> -> vector<16xf32>
        %get3A_117 = arith.index_cast %add3A_90 : i32 to index
        %get3A_118 = arith.constant 16 : index
        %get3A_119 = tpu.vector_load %arg12[%get3A_117, %get3A_118] {strides = array<i32>} : memref<128x64xi32, #tpu.memory_space<vmem>>, vector<16xi32>,
        %shift_left3A_120 = arith.constant 16 : i32
        %shift_left3A_121 = vector.broadcast %shift_left3A_120 : i32 to vector<16xi32>
        %shift_left3A_122 = arith.shli %get3A_119, %shift_left3A_121 : vector<16xi32>
        %bitcast_convert_type3A_123 = tpu.bitcast %shift_left3A_122 : vector<16xi32> -> vector<16xf32>
        %and3A_124 = arith.andi %get3A_119, %broadcast_in_dim3A_3 : vector<16xi32>
        %bitcast_convert_type3A_125 = tpu.bitcast %and3A_124 : vector<16xi32> -> vector<16xf32>
        %mul3A_126 = arith.mulf %bitcast_convert_type3A_114, %bitcast_convert_type3A_123 : vector<16xf32>
        %mul3A_127 = arith.mulf %bitcast_convert_type3A_116, %bitcast_convert_type3A_125 : vector<16xf32>
        %add3A_128 = arith.addf %mul3A_126, %mul3A_127 : vector<16xf32>
        %add3A_129 = arith.addf %add3A_107, %add3A_128 : vector<16xf32>
        %get3A_130 = arith.index_cast %add3A_90 : i32 to index
        %get3A_131 = arith.constant 32 : index
        %get3A_132 = tpu.vector_load %arg10[%get3A_130, %get3A_131] {strides = array<i32>} : memref<128x64xi32, #tpu.memory_space<vmem>>, vector<16xi32>,
        %shift_left3A_133 = arith.constant 16 : i32
        %shift_left3A_134 = vector.broadcast %shift_left3A_133 : i32 to vector<16xi32>
        %shift_left3A_135 = arith.shli %get3A_132, %shift_left3A_134 : vector<16xi32>
        %bitcast_convert_type3A_136 = tpu.bitcast %shift_left3A_135 : vector<16xi32> -> vector<16xf32>
        %and3A_137 = arith.andi %get3A_132, %broadcast_in_dim3A_3 : vector<16xi32>
        %bitcast_convert_type3A_138 = tpu.bitcast %and3A_137 : vector<16xi32> -> vector<16xf32>
        %get3A_139 = arith.index_cast %add3A_90 : i32 to index
        %get3A_140 = arith.constant 32 : index
        %get3A_141 = tpu.vector_load %arg12[%get3A_139, %get3A_140] {strides = array<i32>} : memref<128x64xi32, #tpu.memory_space<vmem>>, vector<16xi32>,
        %shift_left3A_142 = arith.constant 16 : i32
        %shift_left3A_143 = vector.broadcast %shift_left3A_142 : i32 to vector<16xi32>
        %shift_left3A_144 = arith.shli %get3A_141, %shift_left3A_143 : vector<16xi32>
        %bitcast_convert_type3A_145 = tpu.bitcast %shift_left3A_144 : vector<16xi32> -> vector<16xf32>
        %and3A_146 = arith.andi %get3A_141, %broadcast_in_dim3A_3 : vector<16xi32>
        %bitcast_convert_type3A_147 = tpu.bitcast %and3A_146 : vector<16xi32> -> vector<16xf32>
        %mul3A_148 = arith.mulf %bitcast_convert_type3A_136, %bitcast_convert_type3A_145 : vector<16xf32>
        %mul3A_149 = arith.mulf %bitcast_convert_type3A_138, %bitcast_convert_type3A_147 : vector<16xf32>
        %add3A_150 = arith.addf %mul3A_148, %mul3A_149 : vector<16xf32>
        %add3A_151 = arith.addf %add3A_129, %add3A_150 : vector<16xf32>
        %get3A_152 = arith.index_cast %add3A_90 : i32 to index
        %get3A_153 = arith.constant 48 : index
        %get3A_154 = tpu.vector_load %arg10[%get3A_152, %get3A_153] {strides = array<i32>} : memref<128x64xi32, #tpu.memory_space<vmem>>, vector<16xi32>,
        %shift_left3A_155 = arith.constant 16 : i32
        %shift_left3A_156 = vector.broadcast %shift_left3A_155 : i32 to vector<16xi32>
        %shift_left3A_157 = arith.shli %get3A_154, %shift_left3A_156 : vector<16xi32>
        %bitcast_convert_type3A_158 = tpu.bitcast %shift_left3A_157 : vector<16xi32> -> vector<16xf32>
        %and3A_159 = arith.andi %get3A_154, %broadcast_in_dim3A_3 : vector<16xi32>
        %bitcast_convert_type3A_160 = tpu.bitcast %and3A_159 : vector<16xi32> -> vector<16xf32>
        %get3A_161 = arith.index_cast %add3A_90 : i32 to index
        %get3A_162 = arith.constant 48 : index
        %get3A_163 = tpu.vector_load %arg12[%get3A_161, %get3A_162] {strides = array<i32>} : memref<128x64xi32, #tpu.memory_space<vmem>>, vector<16xi32>,
        %shift_left3A_164 = arith.constant 16 : i32
        %shift_left3A_165 = vector.broadcast %shift_left3A_164 : i32 to vector<16xi32>
        %shift_left3A_166 = arith.shli %get3A_163, %shift_left3A_165 : vector<16xi32>
        %bitcast_convert_type3A_167 = tpu.bitcast %shift_left3A_166 : vector<16xi32> -> vector<16xf32>
        %and3A_168 = arith.andi %get3A_163, %broadcast_in_dim3A_3 : vector<16xi32>
        %bitcast_convert_type3A_169 = tpu.bitcast %and3A_168 : vector<16xi32> -> vector<16xf32>
        %mul3A_170 = arith.mulf %bitcast_convert_type3A_158, %bitcast_convert_type3A_167 : vector<16xf32>
        %mul3A_171 = arith.mulf %bitcast_convert_type3A_160, %bitcast_convert_type3A_169 : vector<16xf32>
        %add3A_172 = arith.addf %mul3A_170, %mul3A_171 : vector<16xf32>
        %add3A_173 = arith.addf %add3A_151, %add3A_172 : vector<16xf32>
        %eq3A_174 = arith.constant 0 : i32
        %eq3A_175 = vector.broadcast %eq3A_174 : i32 to vector<16xi32>
        %eq3A_176 = arith.cmpi eq, %iota3A, %eq3A_175 : vector<16xi32>
        %reduce_sum3A = arith.constant true
        %reduce_sum3A_177 = vector.broadcast %reduce_sum3A : i1 to vector<16xi1>
        %reduce_sum3A_178 = tpu.scan <sum>, %add3A_173 masked %reduce_sum3A_177 : vector<16xf32>, vector<16xi1> -> vector<16xf32>
        %reduce_sum3A_179 = vector.extract %reduce_sum3A_178[15] : f32 from vector<16xf32>
        %broadcast_in_dim3A_180 = vector.broadcast %reduce_sum3A_179 : f32 to vector<16xf32>
        %select_n3A = arith.select %eq3A_176, %broadcast_in_dim3A_180, %broadcast_in_dim3A_86 : vector<16xi1>, vector<16xf32>
        %mul3A_181 = arith.constant 16 : i32
        %mul3A_182 = arith.muli %scan3A_84, %mul3A_181 : i32
        %add3A_183 = arith.constant 1 : i32
        %add3A_184 = arith.addi %mul3A_182, %add3A_183 : i32
        %get3A_185 = arith.index_cast %add3A_184 : i32 to index
        %get3A_186 = arith.constant 0 : index
        %get3A_187 = tpu.vector_load %arg10[%get3A_185, %get3A_186] {strides = array<i32>} : memref<128x64xi32, #tpu.memory_space<vmem>>, vector<16xi32>,
        %shift_left3A_188 = arith.constant 16 : i32
        %shift_left3A_189 = vector.broadcast %shift_left3A_188 : i32 to vector<16xi32>
        %shift_left3A_190 = arith.shli %get3A_187, %shift_left3A_189 : vector<16xi32>
        %bitcast_convert_type3A_191 = tpu.bitcast %shift_left3A_190 : vector<16xi32> -> vector<16xf32>
        %and3A_192 = arith.andi %get3A_187, %broadcast_in_dim3A_3 : vector<16xi32>
        %bitcast_convert_type3A_193 = tpu.bitcast %and3A_192 : vector<16xi32> -> vector<16xf32>
        %get3A_194 = arith.index_cast %add3A_184 : i32 to index
        %get3A_195 = arith.constant 0 : index
        %get3A_196 = tpu.vector_load %arg12[%get3A_194, %get3A_195] {strides = array<i32>} : memref<128x64xi32, #tpu.memory_space<vmem>>, vector<16xi32>,
        %shift_left3A_197 = arith.constant 16 : i32
        %shift_left3A_198 = vector.broadcast %shift_left3A_197 : i32 to vector<16xi32>
        %shift_left3A_199 = arith.shli %get3A_196, %shift_left3A_198 : vector<16xi32>
        %bitcast_convert_type3A_200 = tpu.bitcast %shift_left3A_199 : vector<16xi32> -> vector<16xf32>
        %and3A_201 = arith.andi %get3A_196, %broadcast_in_dim3A_3 : vector<16xi32>
        %bitcast_convert_type3A_202 = tpu.bitcast %and3A_201 : vector<16xi32> -> vector<16xf32>
        %mul3A_203 = arith.mulf %bitcast_convert_type3A_191, %bitcast_convert_type3A_200 : vector<16xf32>
        %mul3A_204 = arith.mulf %bitcast_convert_type3A_193, %bitcast_convert_type3A_202 : vector<16xf32>
        %add3A_205 = arith.addf %mul3A_203, %mul3A_204 : vector<16xf32>
        %get3A_206 = arith.index_cast %add3A_184 : i32 to index
        %get3A_207 = arith.constant 16 : index
        %get3A_208 = tpu.vector_load %arg10[%get3A_206, %get3A_207] {strides = array<i32>} : memref<128x64xi32, #tpu.memory_space<vmem>>, vector<16xi32>,
        %shift_left3A_209 = arith.constant 16 : i32
        %shift_left3A_210 = vector.broadcast %shift_left3A_209 : i32 to vector<16xi32>
        %shift_left3A_211 = arith.shli %get3A_208, %shift_left3A_210 : vector<16xi32>
        %bitcast_convert_type3A_212 = tpu.bitcast %shift_left3A_211 : vector<16xi32> -> vector<16xf32>
        %and3A_213 = arith.andi %get3A_208, %broadcast_in_dim3A_3 : vector<16xi32>
        %bitcast_convert_type3A_214 = tpu.bitcast %and3A_213 : vector<16xi32> -> vector<16xf32>
        %get3A_215 = arith.index_cast %add3A_184 : i32 to index
        %get3A_216 = arith.constant 16 : index
        %get3A_217 = tpu.vector_load %arg12[%get3A_215, %get3A_216] {strides = array<i32>} : memref<128x64xi32, #tpu.memory_space<vmem>>, vector<16xi32>,
        %shift_left3A_218 = arith.constant 16 : i32
        %shift_left3A_219 = vector.broadcast %shift_left3A_218 : i32 to vector<16xi32>
        %shift_left3A_220 = arith.shli %get3A_217, %shift_left3A_219 : vector<16xi32>
        %bitcast_convert_type3A_221 = tpu.bitcast %shift_left3A_220 : vector<16xi32> -> vector<16xf32>
        %and3A_222 = arith.andi %get3A_217, %broadcast_in_dim3A_3 : vector<16xi32>
        %bitcast_convert_type3A_223 = tpu.bitcast %and3A_222 : vector<16xi32> -> vector<16xf32>
        %mul3A_224 = arith.mulf %bitcast_convert_type3A_212, %bitcast_convert_type3A_221 : vector<16xf32>
        %mul3A_225 = arith.mulf %bitcast_convert_type3A_214, %bitcast_convert_type3A_223 : vector<16xf32>
        %add3A_226 = arith.addf %mul3A_224, %mul3A_225 : vector<16xf32>
        %add3A_227 = arith.addf %add3A_205, %add3A_226 : vector<16xf32>
        %get3A_228 = arith.index_cast %add3A_184 : i32 to index
        %get3A_229 = arith.constant 32 : index
        %get3A_230 = tpu.vector_load %arg10[%get3A_228, %get3A_229] {strides = array<i32>} : memref<128x64xi32, #tpu.memory_space<vmem>>, vector<16xi32>,
        %shift_left3A_231 = arith.constant 16 : i32
        %shift_left3A_232 = vector.broadcast %shift_left3A_231 : i32 to vector<16xi32>
        %shift_left3A_233 = arith.shli %get3A_230, %shift_left3A_232 : vector<16xi32>
        %bitcast_convert_type3A_234 = tpu.bitcast %shift_left3A_233 : vector<16xi32> -> vector<16xf32>
        %and3A_235 = arith.andi %get3A_230, %broadcast_in_dim3A_3 : vector<16xi32>
        %bitcast_convert_type3A_236 = tpu.bitcast %and3A_235 : vector<16xi32> -> vector<16xf32>
        %get3A_237 = arith.index_cast %add3A_184 : i32 to index
        %get3A_238 = arith.constant 32 : index
        %get3A_239 = tpu.vector_load %arg12[%get3A_237, %get3A_238] {strides = array<i32>} : memref<128x64xi32, #tpu.memory_space<vmem>>, vector<16xi32>,
        %shift_left3A_240 = arith.constant 16 : i32
        %shift_left3A_241 = vector.broadcast %shift_left3A_240 : i32 to vector<16xi32>
        %shift_left3A_242 = arith.shli %get3A_239, %shift_left3A_241 : vector<16xi32>
        %bitcast_convert_type3A_243 = tpu.bitcast %shift_left3A_242 : vector<16xi32> -> vector<16xf32>
        %and3A_244 = arith.andi %get3A_239, %broadcast_in_dim3A_3 : vector<16xi32>
        %bitcast_convert_type3A_245 = tpu.bitcast %and3A_244 : vector<16xi32> -> vector<16xf32>
        %mul3A_246 = arith.mulf %bitcast_convert_type3A_234, %bitcast_convert_type3A_243 : vector<16xf32>
        %mul3A_247 = arith.mulf %bitcast_convert_type3A_236, %bitcast_convert_type3A_245 : vector<16xf32>
        %add3A_248 = arith.addf %mul3A_246, %mul3A_247 : vector<16xf32>
        %add3A_249 = arith.addf %add3A_227, %add3A_248 : vector<16xf32>
        %get3A_250 = arith.index_cast %add3A_184 : i32 to index
        %get3A_251 = arith.constant 48 : index
        %get3A_252 = tpu.vector_load %arg10[%get3A_250, %get3A_251] {strides = array<i32>} : memref<128x64xi32, #tpu.memory_space<vmem>>, vector<16xi32>,
        %shift_left3A_253 = arith.constant 16 : i32
        %shift_left3A_254 = vector.broadcast %shift_left3A_253 : i32 to vector<16xi32>
        %shift_left3A_255 = arith.shli %get3A_252, %shift_left3A_254 : vector<16xi32>
        %bitcast_convert_type3A_256 = tpu.bitcast %shift_left3A_255 : vector<16xi32> -> vector<16xf32>
        %and3A_257 = arith.andi %get3A_252, %broadcast_in_dim3A_3 : vector<16xi32>
        %bitcast_convert_type3A_258 = tpu.bitcast %and3A_257 : vector<16xi32> -> vector<16xf32>
        %get3A_259 = arith.index_cast %add3A_184 : i32 to index
        %get3A_260 = arith.constant 48 : index
        %get3A_261 = tpu.vector_load %arg12[%get3A_259, %get3A_260] {strides = array<i32>} : memref<128x64xi32, #tpu.memory_space<vmem>>, vector<16xi32>,
        %shift_left3A_262 = arith.constant 16 : i32
        %shift_left3A_263 = vector.broadcast %shift_left3A_262 : i32 to vector<16xi32>
        %shift_left3A_264 = arith.shli %get3A_261, %shift_left3A_263 : vector<16xi32>
        %bitcast_convert_type3A_265 = tpu.bitcast %shift_left3A_264 : vector<16xi32> -> vector<16xf32>
        %and3A_266 = arith.andi %get3A_261, %broadcast_in_dim3A_3 : vector<16xi32>
        %bitcast_convert_type3A_267 = tpu.bitcast %and3A_266 : vector<16xi32> -> vector<16xf32>
        %mul3A_268 = arith.mulf %bitcast_convert_type3A_256, %bitcast_convert_type3A_265 : vector<16xf32>
        %mul3A_269 = arith.mulf %bitcast_convert_type3A_258, %bitcast_convert_type3A_267 : vector<16xf32>
        %add3A_270 = arith.addf %mul3A_268, %mul3A_269 : vector<16xf32>
        %add3A_271 = arith.addf %add3A_249, %add3A_270 : vector<16xf32>
        %eq3A_272 = arith.constant 1 : i32
        %eq3A_273 = vector.broadcast %eq3A_272 : i32 to vector<16xi32>
        %eq3A_274 = arith.cmpi eq, %iota3A, %eq3A_273 : vector<16xi32>
        %reduce_sum3A_275 = arith.constant true
        %reduce_sum3A_276 = vector.broadcast %reduce_sum3A_275 : i1 to vector<16xi1>
        %reduce_sum3A_277 = tpu.scan <sum>, %add3A_271 masked %reduce_sum3A_276 : vector<16xf32>, vector<16xi1> -> vector<16xf32>
        %reduce_sum3A_278 = vector.extract %reduce_sum3A_277[15] : f32 from vector<16xf32>
        %broadcast_in_dim3A_279 = vector.broadcast %reduce_sum3A_278 : f32 to vector<16xf32>
        %select_n3A_280 = arith.select %eq3A_274, %broadcast_in_dim3A_279, %select_n3A : vector<16xi1>, vector<16xf32>
        %mul3A_281 = arith.constant 16 : i32
        %mul3A_282 = arith.muli %scan3A_84, %mul3A_281 : i32
        %add3A_283 = arith.constant 2 : i32
        %add3A_284 = arith.addi %mul3A_282, %add3A_283 : i32
        %get3A_285 = arith.index_cast %add3A_284 : i32 to index
        %get3A_286 = arith.constant 0 : index
        %get3A_287 = tpu.vector_load %arg10[%get3A_285, %get3A_286] {strides = array<i32>} : memref<128x64xi32, #tpu.memory_space<vmem>>, vector<16xi32>,
        %shift_left3A_288 = arith.constant 16 : i32
        %shift_left3A_289 = vector.broadcast %shift_left3A_288 : i32 to vector<16xi32>
        %shift_left3A_290 = arith.shli %get3A_287, %shift_left3A_289 : vector<16xi32>
        %bitcast_convert_type3A_291 = tpu.bitcast %shift_left3A_290 : vector<16xi32> -> vector<16xf32>
        %and3A_292 = arith.andi %get3A_287, %broadcast_in_dim3A_3 : vector<16xi32>
        %bitcast_convert_type3A_293 = tpu.bitcast %and3A_292 : vector<16xi32> -> vector<16xf32>
        %get3A_294 = arith.index_cast %add3A_284 : i32 to index
        %get3A_295 = arith.constant 0 : index
        %get3A_296 = tpu.vector_load %arg12[%get3A_294, %get3A_295] {strides = array<i32>} : memref<128x64xi32, #tpu.memory_space<vmem>>, vector<16xi32>,
        %shift_left3A_297 = arith.constant 16 : i32
        %shift_left3A_298 = vector.broadcast %shift_left3A_297 : i32 to vector<16xi32>
        %shift_left3A_299 = arith.shli %get3A_296, %shift_left3A_298 : vector<16xi32>
        %bitcast_convert_type3A_300 = tpu.bitcast %shift_left3A_299 : vector<16xi32> -> vector<16xf32>
        %and3A_301 = arith.andi %get3A_296, %broadcast_in_dim3A_3 : vector<16xi32>
        %bitcast_convert_type3A_302 = tpu.bitcast %and3A_301 : vector<16xi32> -> vector<16xf32>
        %mul3A_303 = arith.mulf %bitcast_convert_type3A_291, %bitcast_convert_type3A_300 : vector<16xf32>
        %mul3A_304 = arith.mulf %bitcast_convert_type3A_293, %bitcast_convert_type3A_302 : vector<16xf32>
        %add3A_305 = arith.addf %mul3A_303, %mul3A_304 : vector<16xf32>
        %get3A_306 = arith.index_cast %add3A_284 : i32 to index
        %get3A_307 = arith.constant 16 : index
        %get3A_308 = tpu.vector_load %arg10[%get3A_306, %get3A_307] {strides = array<i32>} : memref<128x64xi32, #tpu.memory_space<vmem>>, vector<16xi32>,
        %shift_left3A_309 = arith.constant 16 : i32
        %shift_left3A_310 = vector.broadcast %shift_left3A_309 : i32 to vector<16xi32>
        %shift_left3A_311 = arith.shli %get3A_308, %shift_left3A_310 : vector<16xi32>
        %bitcast_convert_type3A_312 = tpu.bitcast %shift_left3A_311 : vector<16xi32> -> vector<16xf32>
        %and3A_313 = arith.andi %get3A_308, %broadcast_in_dim3A_3 : vector<16xi32>
        %bitcast_convert_type3A_314 = tpu.bitcast %and3A_313 : vector<16xi32> -> vector<16xf32>
        %get3A_315 = arith.index_cast %add3A_284 : i32 to index
        %get3A_316 = arith.constant 16 : index
        %get3A_317 = tpu.vector_load %arg12[%get3A_315, %get3A_316] {strides = array<i32>} : memref<128x64xi32, #tpu.memory_space<vmem>>, vector<16xi32>,
        %shift_left3A_318 = arith.constant 16 : i32
        %shift_left3A_319 = vector.broadcast %shift_left3A_318 : i32 to vector<16xi32>
        %shift_left3A_320 = arith.shli %get3A_317, %shift_left3A_319 : vector<16xi32>
        %bitcast_convert_type3A_321 = tpu.bitcast %shift_left3A_320 : vector<16xi32> -> vector<16xf32>
        %and3A_322 = arith.andi %get3A_317, %broadcast_in_dim3A_3 : vector<16xi32>
        %bitcast_convert_type3A_323 = tpu.bitcast %and3A_322 : vector<16xi32> -> vector<16xf32>
        %mul3A_324 = arith.mulf %bitcast_convert_type3A_312, %bitcast_convert_type3A_321 : vector<16xf32>
        %mul3A_325 = arith.mulf %bitcast_convert_type3A_314, %bitcast_convert_type3A_323 : vector<16xf32>
        %add3A_326 = arith.addf %mul3A_324, %mul3A_325 : vector<16xf32>
        %add3A_327 = arith.addf %add3A_305, %add3A_326 : vector<16xf32>
        %get3A_328 = arith.index_cast %add3A_284 : i32 to index
        %get3A_329 = arith.constant 32 : index
        %get3A_330 = tpu.vector_load %arg10[%get3A_328, %get3A_329] {strides = array<i32>} : memref<128x64xi32, #tpu.memory_space<vmem>>, vector<16xi32>,
        %shift_left3A_331 = arith.constant 16 : i32
        %shift_left3A_332 = vector.broadcast %shift_left3A_331 : i32 to vector<16xi32>
        %shift_left3A_333 = arith.shli %get3A_330, %shift_left3A_332 : vector<16xi32>
        %bitcast_convert_type3A_334 = tpu.bitcast %shift_left3A_333 : vector<16xi32> -> vector<16xf32>
        %and3A_335 = arith.andi %get3A_330, %broadcast_in_dim3A_3 : vector<16xi32>
        %bitcast_convert_type3A_336 = tpu.bitcast %and3A_335 : vector<16xi32> -> vector<16xf32>
        %get3A_337 = arith.index_cast %add3A_284 : i32 to index
        %get3A_338 = arith.constant 32 : index
        %get3A_339 = tpu.vector_load %arg12[%get3A_337, %get3A_338] {strides = array<i32>} : memref<128x64xi32, #tpu.memory_space<vmem>>, vector<16xi32>,
        %shift_left3A_340 = arith.constant 16 : i32
        %shift_left3A_341 = vector.broadcast %shift_left3A_340 : i32 to vector<16xi32>
        %shift_left3A_342 = arith.shli %get3A_339, %shift_left3A_341 : vector<16xi32>
        %bitcast_convert_type3A_343 = tpu.bitcast %shift_left3A_342 : vector<16xi32> -> vector<16xf32>
        %and3A_344 = arith.andi %get3A_339, %broadcast_in_dim3A_3 : vector<16xi32>
        %bitcast_convert_type3A_345 = tpu.bitcast %and3A_344 : vector<16xi32> -> vector<16xf32>
        %mul3A_346 = arith.mulf %bitcast_convert_type3A_334, %bitcast_convert_type3A_343 : vector<16xf32>
        %mul3A_347 = arith.mulf %bitcast_convert_type3A_336, %bitcast_convert_type3A_345 : vector<16xf32>
        %add3A_348 = arith.addf %mul3A_346, %mul3A_347 : vector<16xf32>
        %add3A_349 = arith.addf %add3A_327, %add3A_348 : vector<16xf32>
        %get3A_350 = arith.index_cast %add3A_284 : i32 to index
        %get3A_351 = arith.constant 48 : index
        %get3A_352 = tpu.vector_load %arg10[%get3A_350, %get3A_351] {strides = array<i32>} : memref<128x64xi32, #tpu.memory_space<vmem>>, vector<16xi32>,
        %shift_left3A_353 = arith.constant 16 : i32
        %shift_left3A_354 = vector.broadcast %shift_left3A_353 : i32 to vector<16xi32>
        %shift_left3A_355 = arith.shli %get3A_352, %shift_left3A_354 : vector<16xi32>
        %bitcast_convert_type3A_356 = tpu.bitcast %shift_left3A_355 : vector<16xi32> -> vector<16xf32>
        %and3A_357 = arith.andi %get3A_352, %broadcast_in_dim3A_3 : vector<16xi32>
        %bitcast_convert_type3A_358 = tpu.bitcast %and3A_357 : vector<16xi32> -> vector<16xf32>
        %get3A_359 = arith.index_cast %add3A_284 : i32 to index
        %get3A_360 = arith.constant 48 : index
        %get3A_361 = tpu.vector_load %arg12[%get3A_359, %get3A_360] {strides = array<i32>} : memref<128x64xi32, #tpu.memory_space<vmem>>, vector<16xi32>,
        %shift_left3A_362 = arith.constant 16 : i32
        %shift_left3A_363 = vector.broadcast %shift_left3A_362 : i32 to vector<16xi32>
        %shift_left3A_364 = arith.shli %get3A_361, %shift_left3A_363 : vector<16xi32>
        %bitcast_convert_type3A_365 = tpu.bitcast %shift_left3A_364 : vector<16xi32> -> vector<16xf32>
        %and3A_366 = arith.andi %get3A_361, %broadcast_in_dim3A_3 : vector<16xi32>
        %bitcast_convert_type3A_367 = tpu.bitcast %and3A_366 : vector<16xi32> -> vector<16xf32>
        %mul3A_368 = arith.mulf %bitcast_convert_type3A_356, %bitcast_convert_type3A_365 : vector<16xf32>
        %mul3A_369 = arith.mulf %bitcast_convert_type3A_358, %bitcast_convert_type3A_367 : vector<16xf32>
        %add3A_370 = arith.addf %mul3A_368, %mul3A_369 : vector<16xf32>
        %add3A_371 = arith.addf %add3A_349, %add3A_370 : vector<16xf32>
        %eq3A_372 = arith.constant 2 : i32
        %eq3A_373 = vector.broadcast %eq3A_372 : i32 to vector<16xi32>
        %eq3A_374 = arith.cmpi eq, %iota3A, %eq3A_373 : vector<16xi32>
        %reduce_sum3A_375 = arith.constant true
        %reduce_sum3A_376 = vector.broadcast %reduce_sum3A_375 : i1 to vector<16xi1>
        %reduce_sum3A_377 = tpu.scan <sum>, %add3A_371 masked %reduce_sum3A_376 : vector<16xf32>, vector<16xi1> -> vector<16xf32>
        %reduce_sum3A_378 = vector.extract %reduce_sum3A_377[15] : f32 from vector<16xf32>
        %broadcast_in_dim3A_379 = vector.broadcast %reduce_sum3A_378 : f32 to vector<16xf32>
        %select_n3A_380 = arith.select %eq3A_374, %broadcast_in_dim3A_379, %select_n3A_280 : vector<16xi1>, vector<16xf32>
        %mul3A_381 = arith.constant 16 : i32
        %mul3A_382 = arith.muli %scan3A_84, %mul3A_381 : i32
        %add3A_383 = arith.constant 3 : i32
        %add3A_384 = arith.addi %mul3A_382, %add3A_383 : i32
        %get3A_385 = arith.index_cast %add3A_384 : i32 to index
        %get3A_386 = arith.constant 0 : index
        %get3A_387 = tpu.vector_load %arg10[%get3A_385, %get3A_386] {strides = array<i32>} : memref<128x64xi32, #tpu.memory_space<vmem>>, vector<16xi32>,
        %shift_left3A_388 = arith.constant 16 : i32
        %shift_left3A_389 = vector.broadcast %shift_left3A_388 : i32 to vector<16xi32>
        %shift_left3A_390 = arith.shli %get3A_387, %shift_left3A_389 : vector<16xi32>
        %bitcast_convert_type3A_391 = tpu.bitcast %shift_left3A_390 : vector<16xi32> -> vector<16xf32>
        %and3A_392 = arith.andi %get3A_387, %broadcast_in_dim3A_3 : vector<16xi32>
        %bitcast_convert_type3A_393 = tpu.bitcast %and3A_392 : vector<16xi32> -> vector<16xf32>
        %get3A_394 = arith.index_cast %add3A_384 : i32 to index
        %get3A_395 = arith.constant 0 : index
        %get3A_396 = tpu.vector_load %arg12[%get3A_394, %get3A_395] {strides = array<i32>} : memref<128x64xi32, #tpu.memory_space<vmem>>, vector<16xi32>,
        %shift_left3A_397 = arith.constant 16 : i32
        %shift_left3A_398 = vector.broadcast %shift_left3A_397 : i32 to vector<16xi32>
        %shift_left3A_399 = arith.shli %get3A_396, %shift_left3A_398 : vector<16xi32>
        %bitcast_convert_type3A_400 = tpu.bitcast %shift_left3A_399 : vector<16xi32> -> vector<16xf32>
        %and3A_401 = arith.andi %get3A_396, %broadcast_in_dim3A_3 : vector<16xi32>
        %bitcast_convert_type3A_402 = tpu.bitcast %and3A_401 : vector<16xi32> -> vector<16xf32>
        %mul3A_403 = arith.mulf %bitcast_convert_type3A_391, %bitcast_convert_type3A_400 : vector<16xf32>
        %mul3A_404 = arith.mulf %bitcast_convert_type3A_393, %bitcast_convert_type3A_402 : vector<16xf32>
        %add3A_405 = arith.addf %mul3A_403, %mul3A_404 : vector<16xf32>
        %get3A_406 = arith.index_cast %add3A_384 : i32 to index
        %get3A_407 = arith.constant 16 : index
        %get3A_408 = tpu.vector_load %arg10[%get3A_406, %get3A_407] {strides = array<i32>} : memref<128x64xi32, #tpu.memory_space<vmem>>, vector<16xi32>,
        %shift_left3A_409 = arith.constant 16 : i32
        %shift_left3A_410 = vector.broadcast %shift_left3A_409 : i32 to vector<16xi32>
        %shift_left3A_411 = arith.shli %get3A_408, %shift_left3A_410 : vector<16xi32>
        %bitcast_convert_type3A_412 = tpu.bitcast %shift_left3A_411 : vector<16xi32> -> vector<16xf32>
        %and3A_413 = arith.andi %get3A_408, %broadcast_in_dim3A_3 : vector<16xi32>
        %bitcast_convert_type3A_414 = tpu.bitcast %and3A_413 : vector<16xi32> -> vector<16xf32>
        %get3A_415 = arith.index_cast %add3A_384 : i32 to index
        %get3A_416 = arith.constant 16 : index
        %get3A_417 = tpu.vector_load %arg12[%get3A_415, %get3A_416] {strides = array<i32>} : memref<128x64xi32, #tpu.memory_space<vmem>>, vector<16xi32>,
        %shift_left3A_418 = arith.constant 16 : i32
        %shift_left3A_419 = vector.broadcast %shift_left3A_418 : i32 to vector<16xi32>
        %shift_left3A_420 = arith.shli %get3A_417, %shift_left3A_419 : vector<16xi32>
        %bitcast_convert_type3A_421 = tpu.bitcast %shift_left3A_420 : vector<16xi32> -> vector<16xf32>
        %and3A_422 = arith.andi %get3A_417, %broadcast_in_dim3A_3 : vector<16xi32>
        %bitcast_convert_type3A_423 = tpu.bitcast %and3A_422 : vector<16xi32> -> vector<16xf32>
        %mul3A_424 = arith.mulf %bitcast_convert_type3A_412, %bitcast_convert_type3A_421 : vector<16xf32>
        %mul3A_425 = arith.mulf %bitcast_convert_type3A_414, %bitcast_convert_type3A_423 : vector<16xf32>
        %add3A_426 = arith.addf %mul3A_424, %mul3A_425 : vector<16xf32>
        %add3A_427 = arith.addf %add3A_405, %add3A_426 : vector<16xf32>
        %get3A_428 = arith.index_cast %add3A_384 : i32 to index
        %get3A_429 = arith.constant 32 : index
        %get3A_430 = tpu.vector_load %arg10[%get3A_428, %get3A_429] {strides = array<i32>} : memref<128x64xi32, #tpu.memory_space<vmem>>, vector<16xi32>,
        %shift_left3A_431 = arith.constant 16 : i32
        %shift_left3A_432 = vector.broadcast %shift_left3A_431 : i32 to vector<16xi32>
        %shift_left3A_433 = arith.shli %get3A_430, %shift_left3A_432 : vector<16xi32>
        %bitcast_convert_type3A_434 = tpu.bitcast %shift_left3A_433 : vector<16xi32> -> vector<16xf32>
        %and3A_435 = arith.andi %get3A_430, %broadcast_in_dim3A_3 : vector<16xi32>
        %bitcast_convert_type3A_436 = tpu.bitcast %and3A_435 : vector<16xi32> -> vector<16xf32>
        %get3A_437 = arith.index_cast %add3A_384 : i32 to index
        %get3A_438 = arith.constant 32 : index
        %get3A_439 = tpu.vector_load %arg12[%get3A_437, %get3A_438] {strides = array<i32>} : memref<128x64xi32, #tpu.memory_space<vmem>>, vector<16xi32>,
        %shift_left3A_440 = arith.constant 16 : i32
        %shift_left3A_441 = vector.broadcast %shift_left3A_440 : i32 to vector<16xi32>
        %shift_left3A_442 = arith.shli %get3A_439, %shift_left3A_441 : vector<16xi32>
        %bitcast_convert_type3A_443 = tpu.bitcast %shift_left3A_442 : vector<16xi32> -> vector<16xf32>
        %and3A_444 = arith.andi %get3A_439, %broadcast_in_dim3A_3 : vector<16xi32>
        %bitcast_convert_type3A_445 = tpu.bitcast %and3A_444 : vector<16xi32> -> vector<16xf32>
        %mul3A_446 = arith.mulf %bitcast_convert_type3A_434, %bitcast_convert_type3A_443 : vector<16xf32>
        %mul3A_447 = arith.mulf %bitcast_convert_type3A_436, %bitcast_convert_type3A_445 : vector<16xf32>
        %add3A_448 = arith.addf %mul3A_446, %mul3A_447 : vector<16xf32>
        %add3A_449 = arith.addf %add3A_427, %add3A_448 : vector<16xf32>
        %get3A_450 = arith.index_cast %add3A_384 : i32 to index
        %get3A_451 = arith.constant 48 : index
        %get3A_452 = tpu.vector_load %arg10[%get3A_450, %get3A_451] {strides = array<i32>} : memref<128x64xi32, #tpu.memory_space<vmem>>, vector<16xi32>,
        %shift_left3A_453 = arith.constant 16 : i32
        %shift_left3A_454 = vector.broadcast %shift_left3A_453 : i32 to vector<16xi32>
        %shift_left3A_455 = arith.shli %get3A_452, %shift_left3A_454 : vector<16xi32>
        %bitcast_convert_type3A_456 = tpu.bitcast %shift_left3A_455 : vector<16xi32> -> vector<16xf32>
        %and3A_457 = arith.andi %get3A_452, %broadcast_in_dim3A_3 : vector<16xi32>
        %bitcast_convert_type3A_458 = tpu.bitcast %and3A_457 : vector<16xi32> -> vector<16xf32>
        %get3A_459 = arith.index_cast %add3A_384 : i32 to index
        %get3A_460 = arith.constant 48 : index
        %get3A_461 = tpu.vector_load %arg12[%get3A_459, %get3A_460] {strides = array<i32>} : memref<128x64xi32, #tpu.memory_space<vmem>>, vector<16xi32>,
        %shift_left3A_462 = arith.constant 16 : i32
        %shift_left3A_463 = vector.broadcast %shift_left3A_462 : i32 to vector<16xi32>
        %shift_left3A_464 = arith.shli %get3A_461, %shift_left3A_463 : vector<16xi32>
        %bitcast_convert_type3A_465 = tpu.bitcast %shift_left3A_464 : vector<16xi32> -> vector<16xf32>
        %and3A_466 = arith.andi %get3A_461, %broadcast_in_dim3A_3 : vector<16xi32>
        %bitcast_convert_type3A_467 = tpu.bitcast %and3A_466 : vector<16xi32> -> vector<16xf32>
        %mul3A_468 = arith.mulf %bitcast_convert_type3A_456, %bitcast_convert_type3A_465 : vector<16xf32>
        %mul3A_469 = arith.mulf %bitcast_convert_type3A_458, %bitcast_convert_type3A_467 : vector<16xf32>
        %add3A_470 = arith.addf %mul3A_468, %mul3A_469 : vector<16xf32>
        %add3A_471 = arith.addf %add3A_449, %add3A_470 : vector<16xf32>
        %eq3A_472 = arith.constant 3 : i32
        %eq3A_473 = vector.broadcast %eq3A_472 : i32 to vector<16xi32>
        %eq3A_474 = arith.cmpi eq, %iota3A, %eq3A_473 : vector<16xi32>
        %reduce_sum3A_475 = arith.constant true
        %reduce_sum3A_476 = vector.broadcast %reduce_sum3A_475 : i1 to vector<16xi1>
        %reduce_sum3A_477 = tpu.scan <sum>, %add3A_471 masked %reduce_sum3A_476 : vector<16xf32>, vector<16xi1> -> vector<16xf32>
        %reduce_sum3A_478 = vector.extract %reduce_sum3A_477[15] : f32 from vector<16xf32>
        %broadcast_in_dim3A_479 = vector.broadcast %reduce_sum3A_478 : f32 to vector<16xf32>
        %select_n3A_480 = arith.select %eq3A_474, %broadcast_in_dim3A_479, %select_n3A_380 : vector<16xi1>, vector<16xf32>
        %mul3A_481 = arith.constant 16 : i32
        %mul3A_482 = arith.muli %scan3A_84, %mul3A_481 : i32
        %add3A_483 = arith.constant 4 : i32
        %add3A_484 = arith.addi %mul3A_482, %add3A_483 : i32
        %get3A_485 = arith.index_cast %add3A_484 : i32 to index
        %get3A_486 = arith.constant 0 : index
        %get3A_487 = tpu.vector_load %arg10[%get3A_485, %get3A_486] {strides = array<i32>} : memref<128x64xi32, #tpu.memory_space<vmem>>, vector<16xi32>,
        %shift_left3A_488 = arith.constant 16 : i32
        %shift_left3A_489 = vector.broadcast %shift_left3A_488 : i32 to vector<16xi32>
        %shift_left3A_490 = arith.shli %get3A_487, %shift_left3A_489 : vector<16xi32>
        %bitcast_convert_type3A_491 = tpu.bitcast %shift_left3A_490 : vector<16xi32> -> vector<16xf32>
        %and3A_492 = arith.andi %get3A_487, %broadcast_in_dim3A_3 : vector<16xi32>
        %bitcast_convert_type3A_493 = tpu.bitcast %and3A_492 : vector<16xi32> -> vector<16xf32>
        %get3A_494 = arith.index_cast %add3A_484 : i32 to index
        %get3A_495 = arith.constant 0 : index
        %get3A_496 = tpu.vector_load %arg12[%get3A_494, %get3A_495] {strides = array<i32>} : memref<128x64xi32, #tpu.memory_space<vmem>>, vector<16xi32>,
        %shift_left3A_497 = arith.constant 16 : i32
        %shift_left3A_498 = vector.broadcast %shift_left3A_497 : i32 to vector<16xi32>
        %shift_left3A_499 = arith.shli %get3A_496, %shift_left3A_498 : vector<16xi32>
        %bitcast_convert_type3A_500 = tpu.bitcast %shift_left3A_499 : vector<16xi32> -> vector<16xf32>
        %and3A_501 = arith.andi %get3A_496, %broadcast_in_dim3A_3 : vector<16xi32>
        %bitcast_convert_type3A_502 = tpu.bitcast %and3A_501 : vector<16xi32> -> vector<16xf32>
        %mul3A_503 = arith.mulf %bitcast_convert_type3A_491, %bitcast_convert_type3A_500 : vector<16xf32>
        %mul3A_504 = arith.mulf %bitcast_convert_type3A_493, %bitcast_convert_type3A_502 : vector<16xf32>
        %add3A_505 = arith.addf %mul3A_503, %mul3A_504 : vector<16xf32>
        %get3A_506 = arith.index_cast %add3A_484 : i32 to index
        %get3A_507 = arith.constant 16 : index
        %get3A_508 = tpu.vector_load %arg10[%get3A_506, %get3A_507] {strides = array<i32>} : memref<128x64xi32, #tpu.memory_space<vmem>>, vector<16xi32>,
        %shift_left3A_509 = arith.constant 16 : i32
        %shift_left3A_510 = vector.broadcast %shift_left3A_509 : i32 to vector<16xi32>
        %shift_left3A_511 = arith.shli %get3A_508, %shift_left3A_510 : vector<16xi32>
        %bitcast_convert_type3A_512 = tpu.bitcast %shift_left3A_511 : vector<16xi32> -> vector<16xf32>
        %and3A_513 = arith.andi %get3A_508, %broadcast_in_dim3A_3 : vector<16xi32>
        %bitcast_convert_type3A_514 = tpu.bitcast %and3A_513 : vector<16xi32> -> vector<16xf32>
        %get3A_515 = arith.index_cast %add3A_484 : i32 to index
        %get3A_516 = arith.constant 16 : index
        %get3A_517 = tpu.vector_load %arg12[%get3A_515, %get3A_516] {strides = array<i32>} : memref<128x64xi32, #tpu.memory_space<vmem>>, vector<16xi32>,
        %shift_left3A_518 = arith.constant 16 : i32
        %shift_left3A_519 = vector.broadcast %shift_left3A_518 : i32 to vector<16xi32>
        %shift_left3A_520 = arith.shli %get3A_517, %shift_left3A_519 : vector<16xi32>
        %bitcast_convert_type3A_521 = tpu.bitcast %shift_left3A_520 : vector<16xi32> -> vector<16xf32>
        %and3A_522 = arith.andi %get3A_517, %broadcast_in_dim3A_3 : vector<16xi32>
        %bitcast_convert_type3A_523 = tpu.bitcast %and3A_522 : vector<16xi32> -> vector<16xf32>
        %mul3A_524 = arith.mulf %bitcast_convert_type3A_512, %bitcast_convert_type3A_521 : vector<16xf32>
        %mul3A_525 = arith.mulf %bitcast_convert_type3A_514, %bitcast_convert_type3A_523 : vector<16xf32>
        %add3A_526 = arith.addf %mul3A_524, %mul3A_525 : vector<16xf32>
        %add3A_527 = arith.addf %add3A_505, %add3A_526 : vector<16xf32>
        %get3A_528 = arith.index_cast %add3A_484 : i32 to index
        %get3A_529 = arith.constant 32 : index
        %get3A_530 = tpu.vector_load %arg10[%get3A_528, %get3A_529] {strides = array<i32>} : memref<128x64xi32, #tpu.memory_space<vmem>>, vector<16xi32>,
        %shift_left3A_531 = arith.constant 16 : i32
        %shift_left3A_532 = vector.broadcast %shift_left3A_531 : i32 to vector<16xi32>
        %shift_left3A_533 = arith.shli %get3A_530, %shift_left3A_532 : vector<16xi32>
        %bitcast_convert_type3A_534 = tpu.bitcast %shift_left3A_533 : vector<16xi32> -> vector<16xf32>
        %and3A_535 = arith.andi %get3A_530, %broadcast_in_dim3A_3 : vector<16xi32>
        %bitcast_convert_type3A_536 = tpu.bitcast %and3A_535 : vector<16xi32> -> vector<16xf32>
        %get3A_537 = arith.index_cast %add3A_484 : i32 to index
        %get3A_538 = arith.constant 32 : index
        %get3A_539 = tpu.vector_load %arg12[%get3A_537, %get3A_538] {strides = array<i32>} : memref<128x64xi32, #tpu.memory_space<vmem>>, vector<16xi32>,
        %shift_left3A_540 = arith.constant 16 : i32
        %shift_left3A_541 = vector.broadcast %shift_left3A_540 : i32 to vector<16xi32>
        %shift_left3A_542 = arith.shli %get3A_539, %shift_left3A_541 : vector<16xi32>
        %bitcast_convert_type3A_543 = tpu.bitcast %shift_left3A_542 : vector<16xi32> -> vector<16xf32>
        %and3A_544 = arith.andi %get3A_539, %broadcast_in_dim3A_3 : vector<16xi32>
        %bitcast_convert_type3A_545 = tpu.bitcast %and3A_544 : vector<16xi32> -> vector<16xf32>
        %mul3A_546 = arith.mulf %bitcast_convert_type3A_534, %bitcast_convert_type3A_543 : vector<16xf32>
        %mul3A_547 = arith.mulf %bitcast_convert_type3A_536, %bitcast_convert_type3A_545 : vector<16xf32>
        %add3A_548 = arith.addf %mul3A_546, %mul3A_547 : vector<16xf32>
        %add3A_549 = arith.addf %add3A_527, %add3A_548 : vector<16xf32>
        %get3A_550 = arith.index_cast %add3A_484 : i32 to index
        %get3A_551 = arith.constant 48 : index
        %get3A_552 = tpu.vector_load %arg10[%get3A_550, %get3A_551] {strides = array<i32>} : memref<128x64xi32, #tpu.memory_space<vmem>>, vector<16xi32>,
        %shift_left3A_553 = arith.constant 16 : i32
        %shift_left3A_554 = vector.broadcast %shift_left3A_553 : i32 to vector<16xi32>
        %shift_left3A_555 = arith.shli %get3A_552, %shift_left3A_554 : vector<16xi32>
        %bitcast_convert_type3A_556 = tpu.bitcast %shift_left3A_555 : vector<16xi32> -> vector<16xf32>
        %and3A_557 = arith.andi %get3A_552, %broadcast_in_dim3A_3 : vector<16xi32>
        %bitcast_convert_type3A_558 = tpu.bitcast %and3A_557 : vector<16xi32> -> vector<16xf32>
        %get3A_559 = arith.index_cast %add3A_484 : i32 to index
        %get3A_560 = arith.constant 48 : index
        %get3A_561 = tpu.vector_load %arg12[%get3A_559, %get3A_560] {strides = array<i32>} : memref<128x64xi32, #tpu.memory_space<vmem>>, vector<16xi32>,
        %shift_left3A_562 = arith.constant 16 : i32
        %shift_left3A_563 = vector.broadcast %shift_left3A_562 : i32 to vector<16xi32>
        %shift_left3A_564 = arith.shli %get3A_561, %shift_left3A_563 : vector<16xi32>
        %bitcast_convert_type3A_565 = tpu.bitcast %shift_left3A_564 : vector<16xi32> -> vector<16xf32>
        %and3A_566 = arith.andi %get3A_561, %broadcast_in_dim3A_3 : vector<16xi32>
        %bitcast_convert_type3A_567 = tpu.bitcast %and3A_566 : vector<16xi32> -> vector<16xf32>
        %mul3A_568 = arith.mulf %bitcast_convert_type3A_556, %bitcast_convert_type3A_565 : vector<16xf32>
        %mul3A_569 = arith.mulf %bitcast_convert_type3A_558, %bitcast_convert_type3A_567 : vector<16xf32>
        %add3A_570 = arith.addf %mul3A_568, %mul3A_569 : vector<16xf32>
        %add3A_571 = arith.addf %add3A_549, %add3A_570 : vector<16xf32>
        %eq3A_572 = arith.constant 4 : i32
        %eq3A_573 = vector.broadcast %eq3A_572 : i32 to vector<16xi32>
        %eq3A_574 = arith.cmpi eq, %iota3A, %eq3A_573 : vector<16xi32>
        %reduce_sum3A_575 = arith.constant true
        %reduce_sum3A_576 = vector.broadcast %reduce_sum3A_575 : i1 to vector<16xi1>
        %reduce_sum3A_577 = tpu.scan <sum>, %add3A_571 masked %reduce_sum3A_576 : vector<16xf32>, vector<16xi1> -> vector<16xf32>
        %reduce_sum3A_578 = vector.extract %reduce_sum3A_577[15] : f32 from vector<16xf32>
        %broadcast_in_dim3A_579 = vector.broadcast %reduce_sum3A_578 : f32 to vector<16xf32>
        %select_n3A_580 = arith.select %eq3A_574, %broadcast_in_dim3A_579, %select_n3A_480 : vector<16xi1>, vector<16xf32>
        %mul3A_581 = arith.constant 16 : i32
        %mul3A_582 = arith.muli %scan3A_84, %mul3A_581 : i32
        %add3A_583 = arith.constant 5 : i32
        %add3A_584 = arith.addi %mul3A_582, %add3A_583 : i32
        %get3A_585 = arith.index_cast %add3A_584 : i32 to index
        %get3A_586 = arith.constant 0 : index
        %get3A_587 = tpu.vector_load %arg10[%get3A_585, %get3A_586] {strides = array<i32>} : memref<128x64xi32, #tpu.memory_space<vmem>>, vector<16xi32>,
        %shift_left3A_588 = arith.constant 16 : i32
        %shift_left3A_589 = vector.broadcast %shift_left3A_588 : i32 to vector<16xi32>
        %shift_left3A_590 = arith.shli %get3A_587, %shift_left3A_589 : vector<16xi32>
        %bitcast_convert_type3A_591 = tpu.bitcast %shift_left3A_590 : vector<16xi32> -> vector<16xf32>
        %and3A_592 = arith.andi %get3A_587, %broadcast_in_dim3A_3 : vector<16xi32>
        %bitcast_convert_type3A_593 = tpu.bitcast %and3A_592 : vector<16xi32> -> vector<16xf32>
        %get3A_594 = arith.index_cast %add3A_584 : i32 to index
        %get3A_595 = arith.constant 0 : index
        %get3A_596 = tpu.vector_load %arg12[%get3A_594, %get3A_595] {strides = array<i32>} : memref<128x64xi32, #tpu.memory_space<vmem>>, vector<16xi32>,
        %shift_left3A_597 = arith.constant 16 : i32
        %shift_left3A_598 = vector.broadcast %shift_left3A_597 : i32 to vector<16xi32>
        %shift_left3A_599 = arith.shli %get3A_596, %shift_left3A_598 : vector<16xi32>
        %bitcast_convert_type3A_600 = tpu.bitcast %shift_left3A_599 : vector<16xi32> -> vector<16xf32>
        %and3A_601 = arith.andi %get3A_596, %broadcast_in_dim3A_3 : vector<16xi32>
        %bitcast_convert_type3A_602 = tpu.bitcast %and3A_601 : vector<16xi32> -> vector<16xf32>
        %mul3A_603 = arith.mulf %bitcast_convert_type3A_591, %bitcast_convert_type3A_600 : vector<16xf32>
        %mul3A_604 = arith.mulf %bitcast_convert_type3A_593, %bitcast_convert_type3A_602 : vector<16xf32>
        %add3A_605 = arith.addf %mul3A_603, %mul3A_604 : vector<16xf32>
        %get3A_606 = arith.index_cast %add3A_584 : i32 to index
        %get3A_607 = arith.constant 16 : index
        %get3A_608 = tpu.vector_load %arg10[%get3A_606, %get3A_607] {strides = array<i32>} : memref<128x64xi32, #tpu.memory_space<vmem>>, vector<16xi32>,
        %shift_left3A_609 = arith.constant 16 : i32
        %shift_left3A_610 = vector.broadcast %shift_left3A_609 : i32 to vector<16xi32>
        %shift_left3A_611 = arith.shli %get3A_608, %shift_left3A_610 : vector<16xi32>
        %bitcast_convert_type3A_612 = tpu.bitcast %shift_left3A_611 : vector<16xi32> -> vector<16xf32>
        %and3A_613 = arith.andi %get3A_608, %broadcast_in_dim3A_3 : vector<16xi32>
        %bitcast_convert_type3A_614 = tpu.bitcast %and3A_613 : vector<16xi32> -> vector<16xf32>
        %get3A_615 = arith.index_cast %add3A_584 : i32 to index
        %get3A_616 = arith.constant 16 : index
        %get3A_617 = tpu.vector_load %arg12[%get3A_615, %get3A_616] {strides = array<i32>} : memref<128x64xi32, #tpu.memory_space<vmem>>, vector<16xi32>,
        %shift_left3A_618 = arith.constant 16 : i32
        %shift_left3A_619 = vector.broadcast %shift_left3A_618 : i32 to vector<16xi32>
        %shift_left3A_620 = arith.shli %get3A_617, %shift_left3A_619 : vector<16xi32>
        %bitcast_convert_type3A_621 = tpu.bitcast %shift_left3A_620 : vector<16xi32> -> vector<16xf32>
        %and3A_622 = arith.andi %get3A_617, %broadcast_in_dim3A_3 : vector<16xi32>
        %bitcast_convert_type3A_623 = tpu.bitcast %and3A_622 : vector<16xi32> -> vector<16xf32>
        %mul3A_624 = arith.mulf %bitcast_convert_type3A_612, %bitcast_convert_type3A_621 : vector<16xf32>
        %mul3A_625 = arith.mulf %bitcast_convert_type3A_614, %bitcast_convert_type3A_623 : vector<16xf32>
        %add3A_626 = arith.addf %mul3A_624, %mul3A_625 : vector<16xf32>
        %add3A_627 = arith.addf %add3A_605, %add3A_626 : vector<16xf32>
        %get3A_628 = arith.index_cast %add3A_584 : i32 to index
        %get3A_629 = arith.constant 32 : index
        %get3A_630 = tpu.vector_load %arg10[%get3A_628, %get3A_629] {strides = array<i32>} : memref<128x64xi32, #tpu.memory_space<vmem>>, vector<16xi32>,
        %shift_left3A_631 = arith.constant 16 : i32
        %shift_left3A_632 = vector.broadcast %shift_left3A_631 : i32 to vector<16xi32>
        %shift_left3A_633 = arith.shli %get3A_630, %shift_left3A_632 : vector<16xi32>
        %bitcast_convert_type3A_634 = tpu.bitcast %shift_left3A_633 : vector<16xi32> -> vector<16xf32>
        %and3A_635 = arith.andi %get3A_630, %broadcast_in_dim3A_3 : vector<16xi32>
        %bitcast_convert_type3A_636 = tpu.bitcast %and3A_635 : vector<16xi32> -> vector<16xf32>
        %get3A_637 = arith.index_cast %add3A_584 : i32 to index
        %get3A_638 = arith.constant 32 : index
        %get3A_639 = tpu.vector_load %arg12[%get3A_637, %get3A_638] {strides = array<i32>} : memref<128x64xi32, #tpu.memory_space<vmem>>, vector<16xi32>,
        %shift_left3A_640 = arith.constant 16 : i32
        %shift_left3A_641 = vector.broadcast %shift_left3A_640 : i32 to vector<16xi32>
        %shift_left3A_642 = arith.shli %get3A_639, %shift_left3A_641 : vector<16xi32>
        %bitcast_convert_type3A_643 = tpu.bitcast %shift_left3A_642 : vector<16xi32> -> vector<16xf32>
        %and3A_644 = arith.andi %get3A_639, %broadcast_in_dim3A_3 : vector<16xi32>
        %bitcast_convert_type3A_645 = tpu.bitcast %and3A_644 : vector<16xi32> -> vector<16xf32>
        %mul3A_646 = arith.mulf %bitcast_convert_type3A_634, %bitcast_convert_type3A_643 : vector<16xf32>
        %mul3A_647 = arith.mulf %bitcast_convert_type3A_636, %bitcast_convert_type3A_645 : vector<16xf32>
        %add3A_648 = arith.addf %mul3A_646, %mul3A_647 : vector<16xf32>
        %add3A_649 = arith.addf %add3A_627, %add3A_648 : vector<16xf32>
        %get3A_650 = arith.index_cast %add3A_584 : i32 to index
        %get3A_651 = arith.constant 48 : index
        %get3A_652 = tpu.vector_load %arg10[%get3A_650, %get3A_651] {strides = array<i32>} : memref<128x64xi32, #tpu.memory_space<vmem>>, vector<16xi32>,
        %shift_left3A_653 = arith.constant 16 : i32
        %shift_left3A_654 = vector.broadcast %shift_left3A_653 : i32 to vector<16xi32>
        %shift_left3A_655 = arith.shli %get3A_652, %shift_left3A_654 : vector<16xi32>
        %bitcast_convert_type3A_656 = tpu.bitcast %shift_left3A_655 : vector<16xi32> -> vector<16xf32>
        %and3A_657 = arith.andi %get3A_652, %broadcast_in_dim3A_3 : vector<16xi32>
        %bitcast_convert_type3A_658 = tpu.bitcast %and3A_657 : vector<16xi32> -> vector<16xf32>
        %get3A_659 = arith.index_cast %add3A_584 : i32 to index
        %get3A_660 = arith.constant 48 : index
        %get3A_661 = tpu.vector_load %arg12[%get3A_659, %get3A_660] {strides = array<i32>} : memref<128x64xi32, #tpu.memory_space<vmem>>, vector<16xi32>,
        %shift_left3A_662 = arith.constant 16 : i32
        %shift_left3A_663 = vector.broadcast %shift_left3A_662 : i32 to vector<16xi32>
        %shift_left3A_664 = arith.shli %get3A_661, %shift_left3A_663 : vector<16xi32>
        %bitcast_convert_type3A_665 = tpu.bitcast %shift_left3A_664 : vector<16xi32> -> vector<16xf32>
        %and3A_666 = arith.andi %get3A_661, %broadcast_in_dim3A_3 : vector<16xi32>
        %bitcast_convert_type3A_667 = tpu.bitcast %and3A_666 : vector<16xi32> -> vector<16xf32>
        %mul3A_668 = arith.mulf %bitcast_convert_type3A_656, %bitcast_convert_type3A_665 : vector<16xf32>
        %mul3A_669 = arith.mulf %bitcast_convert_type3A_658, %bitcast_convert_type3A_667 : vector<16xf32>
        %add3A_670 = arith.addf %mul3A_668, %mul3A_669 : vector<16xf32>
        %add3A_671 = arith.addf %add3A_649, %add3A_670 : vector<16xf32>
        %eq3A_672 = arith.constant 5 : i32
        %eq3A_673 = vector.broadcast %eq3A_672 : i32 to vector<16xi32>
        %eq3A_674 = arith.cmpi eq, %iota3A, %eq3A_673 : vector<16xi32>
        %reduce_sum3A_675 = arith.constant true
        %reduce_sum3A_676 = vector.broadcast %reduce_sum3A_675 : i1 to vector<16xi1>
        %reduce_sum3A_677 = tpu.scan <sum>, %add3A_671 masked %reduce_sum3A_676 : vector<16xf32>, vector<16xi1> -> vector<16xf32>
        %reduce_sum3A_678 = vector.extract %reduce_sum3A_677[15] : f32 from vector<16xf32>
        %broadcast_in_dim3A_679 = vector.broadcast %reduce_sum3A_678 : f32 to vector<16xf32>
        %select_n3A_680 = arith.select %eq3A_674, %broadcast_in_dim3A_679, %select_n3A_580 : vector<16xi1>, vector<16xf32>
        %mul3A_681 = arith.constant 16 : i32
        %mul3A_682 = arith.muli %scan3A_84, %mul3A_681 : i32
        %add3A_683 = arith.constant 6 : i32
        %add3A_684 = arith.addi %mul3A_682, %add3A_683 : i32
        %get3A_685 = arith.index_cast %add3A_684 : i32 to index
        %get3A_686 = arith.constant 0 : index
        %get3A_687 = tpu.vector_load %arg10[%get3A_685, %get3A_686] {strides = array<i32>} : memref<128x64xi32, #tpu.memory_space<vmem>>, vector<16xi32>,
        %shift_left3A_688 = arith.constant 16 : i32
        %shift_left3A_689 = vector.broadcast %shift_left3A_688 : i32 to vector<16xi32>
        %shift_left3A_690 = arith.shli %get3A_687, %shift_left3A_689 : vector<16xi32>
        %bitcast_convert_type3A_691 = tpu.bitcast %shift_left3A_690 : vector<16xi32> -> vector<16xf32>
        %and3A_692 = arith.andi %get3A_687, %broadcast_in_dim3A_3 : vector<16xi32>
        %bitcast_convert_type3A_693 = tpu.bitcast %and3A_692 : vector<16xi32> -> vector<16xf32>
        %get3A_694 = arith.index_cast %add3A_684 : i32 to index
        %get3A_695 = arith.constant 0 : index
        %get3A_696 = tpu.vector_load %arg12[%get3A_694, %get3A_695] {strides = array<i32>} : memref<128x64xi32, #tpu.memory_space<vmem>>, vector<16xi32>,
        %shift_left3A_697 = arith.constant 16 : i32
        %shift_left3A_698 = vector.broadcast %shift_left3A_697 : i32 to vector<16xi32>
        %shift_left3A_699 = arith.shli %get3A_696, %shift_left3A_698 : vector<16xi32>
        %bitcast_convert_type3A_700 = tpu.bitcast %shift_left3A_699 : vector<16xi32> -> vector<16xf32>
        %and3A_701 = arith.andi %get3A_696, %broadcast_in_dim3A_3 : vector<16xi32>
        %bitcast_convert_type3A_702 = tpu.bitcast %and3A_701 : vector<16xi32> -> vector<16xf32>
        %mul3A_703 = arith.mulf %bitcast_convert_type3A_691, %bitcast_convert_type3A_700 : vector<16xf32>
        %mul3A_704 = arith.mulf %bitcast_convert_type3A_693, %bitcast_convert_type3A_702 : vector<16xf32>
        %add3A_705 = arith.addf %mul3A_703, %mul3A_704 : vector<16xf32>
        %get3A_706 = arith.index_cast %add3A_684 : i32 to index
        %get3A_707 = arith.constant 16 : index
        %get3A_708 = tpu.vector_load %arg10[%get3A_706, %get3A_707] {strides = array<i32>} : memref<128x64xi32, #tpu.memory_space<vmem>>, vector<16xi32>,
        %shift_left3A_709 = arith.constant 16 : i32
        %shift_left3A_710 = vector.broadcast %shift_left3A_709 : i32 to vector<16xi32>
        %shift_left3A_711 = arith.shli %get3A_708, %shift_left3A_710 : vector<16xi32>
        %bitcast_convert_type3A_712 = tpu.bitcast %shift_left3A_711 : vector<16xi32> -> vector<16xf32>
        %and3A_713 = arith.andi %get3A_708, %broadcast_in_dim3A_3 : vector<16xi32>
        %bitcast_convert_type3A_714 = tpu.bitcast %and3A_713 : vector<16xi32> -> vector<16xf32>
        %get3A_715 = arith.index_cast %add3A_684 : i32 to index
        %get3A_716 = arith.constant 16 : index
        %get3A_717 = tpu.vector_load %arg12[%get3A_715, %get3A_716] {strides = array<i32>} : memref<128x64xi32, #tpu.memory_space<vmem>>, vector<16xi32>,
        %shift_left3A_718 = arith.constant 16 : i32
        %shift_left3A_719 = vector.broadcast %shift_left3A_718 : i32 to vector<16xi32>
        %shift_left3A_720 = arith.shli %get3A_717, %shift_left3A_719 : vector<16xi32>
        %bitcast_convert_type3A_721 = tpu.bitcast %shift_left3A_720 : vector<16xi32> -> vector<16xf32>
        %and3A_722 = arith.andi %get3A_717, %broadcast_in_dim3A_3 : vector<16xi32>
        %bitcast_convert_type3A_723 = tpu.bitcast %and3A_722 : vector<16xi32> -> vector<16xf32>
        %mul3A_724 = arith.mulf %bitcast_convert_type3A_712, %bitcast_convert_type3A_721 : vector<16xf32>
        %mul3A_725 = arith.mulf %bitcast_convert_type3A_714, %bitcast_convert_type3A_723 : vector<16xf32>
        %add3A_726 = arith.addf %mul3A_724, %mul3A_725 : vector<16xf32>
        %add3A_727 = arith.addf %add3A_705, %add3A_726 : vector<16xf32>
        %get3A_728 = arith.index_cast %add3A_684 : i32 to index
        %get3A_729 = arith.constant 32 : index
        %get3A_730 = tpu.vector_load %arg10[%get3A_728, %get3A_729] {strides = array<i32>} : memref<128x64xi32, #tpu.memory_space<vmem>>, vector<16xi32>,
        %shift_left3A_731 = arith.constant 16 : i32
        %shift_left3A_732 = vector.broadcast %shift_left3A_731 : i32 to vector<16xi32>
        %shift_left3A_733 = arith.shli %get3A_730, %shift_left3A_732 : vector<16xi32>
        %bitcast_convert_type3A_734 = tpu.bitcast %shift_left3A_733 : vector<16xi32> -> vector<16xf32>
        %and3A_735 = arith.andi %get3A_730, %broadcast_in_dim3A_3 : vector<16xi32>
        %bitcast_convert_type3A_736 = tpu.bitcast %and3A_735 : vector<16xi32> -> vector<16xf32>
        %get3A_737 = arith.index_cast %add3A_684 : i32 to index
        %get3A_738 = arith.constant 32 : index
        %get3A_739 = tpu.vector_load %arg12[%get3A_737, %get3A_738] {strides = array<i32>} : memref<128x64xi32, #tpu.memory_space<vmem>>, vector<16xi32>,
        %shift_left3A_740 = arith.constant 16 : i32
        %shift_left3A_741 = vector.broadcast %shift_left3A_740 : i32 to vector<16xi32>
        %shift_left3A_742 = arith.shli %get3A_739, %shift_left3A_741 : vector<16xi32>
        %bitcast_convert_type3A_743 = tpu.bitcast %shift_left3A_742 : vector<16xi32> -> vector<16xf32>
        %and3A_744 = arith.andi %get3A_739, %broadcast_in_dim3A_3 : vector<16xi32>
        %bitcast_convert_type3A_745 = tpu.bitcast %and3A_744 : vector<16xi32> -> vector<16xf32>
        %mul3A_746 = arith.mulf %bitcast_convert_type3A_734, %bitcast_convert_type3A_743 : vector<16xf32>
        %mul3A_747 = arith.mulf %bitcast_convert_type3A_736, %bitcast_convert_type3A_745 : vector<16xf32>
        %add3A_748 = arith.addf %mul3A_746, %mul3A_747 : vector<16xf32>
        %add3A_749 = arith.addf %add3A_727, %add3A_748 : vector<16xf32>
        %get3A_750 = arith.index_cast %add3A_684 : i32 to index
        %get3A_751 = arith.constant 48 : index
        %get3A_752 = tpu.vector_load %arg10[%get3A_750, %get3A_751] {strides = array<i32>} : memref<128x64xi32, #tpu.memory_space<vmem>>, vector<16xi32>,
        %shift_left3A_753 = arith.constant 16 : i32
        %shift_left3A_754 = vector.broadcast %shift_left3A_753 : i32 to vector<16xi32>
        %shift_left3A_755 = arith.shli %get3A_752, %shift_left3A_754 : vector<16xi32>
        %bitcast_convert_type3A_756 = tpu.bitcast %shift_left3A_755 : vector<16xi32> -> vector<16xf32>
        %and3A_757 = arith.andi %get3A_752, %broadcast_in_dim3A_3 : vector<16xi32>
        %bitcast_convert_type3A_758 = tpu.bitcast %and3A_757 : vector<16xi32> -> vector<16xf32>
        %get3A_759 = arith.index_cast %add3A_684 : i32 to index
        %get3A_760 = arith.constant 48 : index
        %get3A_761 = tpu.vector_load %arg12[%get3A_759, %get3A_760] {strides = array<i32>} : memref<128x64xi32, #tpu.memory_space<vmem>>, vector<16xi32>,
        %shift_left3A_762 = arith.constant 16 : i32
        %shift_left3A_763 = vector.broadcast %shift_left3A_762 : i32 to vector<16xi32>
        %shift_left3A_764 = arith.shli %get3A_761, %shift_left3A_763 : vector<16xi32>
        %bitcast_convert_type3A_765 = tpu.bitcast %shift_left3A_764 : vector<16xi32> -> vector<16xf32>
        %and3A_766 = arith.andi %get3A_761, %broadcast_in_dim3A_3 : vector<16xi32>
        %bitcast_convert_type3A_767 = tpu.bitcast %and3A_766 : vector<16xi32> -> vector<16xf32>
        %mul3A_768 = arith.mulf %bitcast_convert_type3A_756, %bitcast_convert_type3A_765 : vector<16xf32>
        %mul3A_769 = arith.mulf %bitcast_convert_type3A_758, %bitcast_convert_type3A_767 : vector<16xf32>
        %add3A_770 = arith.addf %mul3A_768, %mul3A_769 : vector<16xf32>
        %add3A_771 = arith.addf %add3A_749, %add3A_770 : vector<16xf32>
        %eq3A_772 = arith.constant 6 : i32
        %eq3A_773 = vector.broadcast %eq3A_772 : i32 to vector<16xi32>
        %eq3A_774 = arith.cmpi eq, %iota3A, %eq3A_773 : vector<16xi32>
        %reduce_sum3A_775 = arith.constant true
        %reduce_sum3A_776 = vector.broadcast %reduce_sum3A_775 : i1 to vector<16xi1>
        %reduce_sum3A_777 = tpu.scan <sum>, %add3A_771 masked %reduce_sum3A_776 : vector<16xf32>, vector<16xi1> -> vector<16xf32>
        %reduce_sum3A_778 = vector.extract %reduce_sum3A_777[15] : f32 from vector<16xf32>
        %broadcast_in_dim3A_779 = vector.broadcast %reduce_sum3A_778 : f32 to vector<16xf32>
        %select_n3A_780 = arith.select %eq3A_774, %broadcast_in_dim3A_779, %select_n3A_680 : vector<16xi1>, vector<16xf32>
        %mul3A_781 = arith.constant 16 : i32
        %mul3A_782 = arith.muli %scan3A_84, %mul3A_781 : i32
        %add3A_783 = arith.constant 7 : i32
        %add3A_784 = arith.addi %mul3A_782, %add3A_783 : i32
        %get3A_785 = arith.index_cast %add3A_784 : i32 to index
        %get3A_786 = arith.constant 0 : index
        %get3A_787 = tpu.vector_load %arg10[%get3A_785, %get3A_786] {strides = array<i32>} : memref<128x64xi32, #tpu.memory_space<vmem>>, vector<16xi32>,
        %shift_left3A_788 = arith.constant 16 : i32
        %shift_left3A_789 = vector.broadcast %shift_left3A_788 : i32 to vector<16xi32>
        %shift_left3A_790 = arith.shli %get3A_787, %shift_left3A_789 : vector<16xi32>
        %bitcast_convert_type3A_791 = tpu.bitcast %shift_left3A_790 : vector<16xi32> -> vector<16xf32>
        %and3A_792 = arith.andi %get3A_787, %broadcast_in_dim3A_3 : vector<16xi32>
        %bitcast_convert_type3A_793 = tpu.bitcast %and3A_792 : vector<16xi32> -> vector<16xf32>
        %get3A_794 = arith.index_cast %add3A_784 : i32 to index
        %get3A_795 = arith.constant 0 : index
        %get3A_796 = tpu.vector_load %arg12[%get3A_794, %get3A_795] {strides = array<i32>} : memref<128x64xi32, #tpu.memory_space<vmem>>, vector<16xi32>,
        %shift_left3A_797 = arith.constant 16 : i32
        %shift_left3A_798 = vector.broadcast %shift_left3A_797 : i32 to vector<16xi32>
        %shift_left3A_799 = arith.shli %get3A_796, %shift_left3A_798 : vector<16xi32>
        %bitcast_convert_type3A_800 = tpu.bitcast %shift_left3A_799 : vector<16xi32> -> vector<16xf32>
        %and3A_801 = arith.andi %get3A_796, %broadcast_in_dim3A_3 : vector<16xi32>
        %bitcast_convert_type3A_802 = tpu.bitcast %and3A_801 : vector<16xi32> -> vector<16xf32>
        %mul3A_803 = arith.mulf %bitcast_convert_type3A_791, %bitcast_convert_type3A_800 : vector<16xf32>
        %mul3A_804 = arith.mulf %bitcast_convert_type3A_793, %bitcast_convert_type3A_802 : vector<16xf32>
        %add3A_805 = arith.addf %mul3A_803, %mul3A_804 : vector<16xf32>
        %get3A_806 = arith.index_cast %add3A_784 : i32 to index
        %get3A_807 = arith.constant 16 : index
        %get3A_808 = tpu.vector_load %arg10[%get3A_806, %get3A_807] {strides = array<i32>} : memref<128x64xi32, #tpu.memory_space<vmem>>, vector<16xi32>,
        %shift_left3A_809 = arith.constant 16 : i32
        %shift_left3A_810 = vector.broadcast %shift_left3A_809 : i32 to vector<16xi32>
        %shift_left3A_811 = arith.shli %get3A_808, %shift_left3A_810 : vector<16xi32>
        %bitcast_convert_type3A_812 = tpu.bitcast %shift_left3A_811 : vector<16xi32> -> vector<16xf32>
        %and3A_813 = arith.andi %get3A_808, %broadcast_in_dim3A_3 : vector<16xi32>
        %bitcast_convert_type3A_814 = tpu.bitcast %and3A_813 : vector<16xi32> -> vector<16xf32>
        %get3A_815 = arith.index_cast %add3A_784 : i32 to index
        %get3A_816 = arith.constant 16 : index
        %get3A_817 = tpu.vector_load %arg12[%get3A_815, %get3A_816] {strides = array<i32>} : memref<128x64xi32, #tpu.memory_space<vmem>>, vector<16xi32>,
        %shift_left3A_818 = arith.constant 16 : i32
        %shift_left3A_819 = vector.broadcast %shift_left3A_818 : i32 to vector<16xi32>
        %shift_left3A_820 = arith.shli %get3A_817, %shift_left3A_819 : vector<16xi32>
        %bitcast_convert_type3A_821 = tpu.bitcast %shift_left3A_820 : vector<16xi32> -> vector<16xf32>
        %and3A_822 = arith.andi %get3A_817, %broadcast_in_dim3A_3 : vector<16xi32>
        %bitcast_convert_type3A_823 = tpu.bitcast %and3A_822 : vector<16xi32> -> vector<16xf32>
        %mul3A_824 = arith.mulf %bitcast_convert_type3A_812, %bitcast_convert_type3A_821 : vector<16xf32>
        %mul3A_825 = arith.mulf %bitcast_convert_type3A_814, %bitcast_convert_type3A_823 : vector<16xf32>
        %add3A_826 = arith.addf %mul3A_824, %mul3A_825 : vector<16xf32>
        %add3A_827 = arith.addf %add3A_805, %add3A_826 : vector<16xf32>
        %get3A_828 = arith.index_cast %add3A_784 : i32 to index
        %get3A_829 = arith.constant 32 : index
        %get3A_830 = tpu.vector_load %arg10[%get3A_828, %get3A_829] {strides = array<i32>} : memref<128x64xi32, #tpu.memory_space<vmem>>, vector<16xi32>,
        %shift_left3A_831 = arith.constant 16 : i32
        %shift_left3A_832 = vector.broadcast %shift_left3A_831 : i32 to vector<16xi32>
        %shift_left3A_833 = arith.shli %get3A_830, %shift_left3A_832 : vector<16xi32>
        %bitcast_convert_type3A_834 = tpu.bitcast %shift_left3A_833 : vector<16xi32> -> vector<16xf32>
        %and3A_835 = arith.andi %get3A_830, %broadcast_in_dim3A_3 : vector<16xi32>
        %bitcast_convert_type3A_836 = tpu.bitcast %and3A_835 : vector<16xi32> -> vector<16xf32>
        %get3A_837 = arith.index_cast %add3A_784 : i32 to index
        %get3A_838 = arith.constant 32 : index
        %get3A_839 = tpu.vector_load %arg12[%get3A_837, %get3A_838] {strides = array<i32>} : memref<128x64xi32, #tpu.memory_space<vmem>>, vector<16xi32>,
        %shift_left3A_840 = arith.constant 16 : i32
        %shift_left3A_841 = vector.broadcast %shift_left3A_840 : i32 to vector<16xi32>
        %shift_left3A_842 = arith.shli %get3A_839, %shift_left3A_841 : vector<16xi32>
        %bitcast_convert_type3A_843 = tpu.bitcast %shift_left3A_842 : vector<16xi32> -> vector<16xf32>
        %and3A_844 = arith.andi %get3A_839, %broadcast_in_dim3A_3 : vector<16xi32>
        %bitcast_convert_type3A_845 = tpu.bitcast %and3A_844 : vector<16xi32> -> vector<16xf32>
        %mul3A_846 = arith.mulf %bitcast_convert_type3A_834, %bitcast_convert_type3A_843 : vector<16xf32>
        %mul3A_847 = arith.mulf %bitcast_convert_type3A_836, %bitcast_convert_type3A_845 : vector<16xf32>
        %add3A_848 = arith.addf %mul3A_846, %mul3A_847 : vector<16xf32>
        %add3A_849 = arith.addf %add3A_827, %add3A_848 : vector<16xf32>
        %get3A_850 = arith.index_cast %add3A_784 : i32 to index
        %get3A_851 = arith.constant 48 : index
        %get3A_852 = tpu.vector_load %arg10[%get3A_850, %get3A_851] {strides = array<i32>} : memref<128x64xi32, #tpu.memory_space<vmem>>, vector<16xi32>,
        %shift_left3A_853 = arith.constant 16 : i32
        %shift_left3A_854 = vector.broadcast %shift_left3A_853 : i32 to vector<16xi32>
        %shift_left3A_855 = arith.shli %get3A_852, %shift_left3A_854 : vector<16xi32>
        %bitcast_convert_type3A_856 = tpu.bitcast %shift_left3A_855 : vector<16xi32> -> vector<16xf32>
        %and3A_857 = arith.andi %get3A_852, %broadcast_in_dim3A_3 : vector<16xi32>
        %bitcast_convert_type3A_858 = tpu.bitcast %and3A_857 : vector<16xi32> -> vector<16xf32>
        %get3A_859 = arith.index_cast %add3A_784 : i32 to index
        %get3A_860 = arith.constant 48 : index
        %get3A_861 = tpu.vector_load %arg12[%get3A_859, %get3A_860] {strides = array<i32>} : memref<128x64xi32, #tpu.memory_space<vmem>>, vector<16xi32>,
        %shift_left3A_862 = arith.constant 16 : i32
        %shift_left3A_863 = vector.broadcast %shift_left3A_862 : i32 to vector<16xi32>
        %shift_left3A_864 = arith.shli %get3A_861, %shift_left3A_863 : vector<16xi32>
        %bitcast_convert_type3A_865 = tpu.bitcast %shift_left3A_864 : vector<16xi32> -> vector<16xf32>
        %and3A_866 = arith.andi %get3A_861, %broadcast_in_dim3A_3 : vector<16xi32>
        %bitcast_convert_type3A_867 = tpu.bitcast %and3A_866 : vector<16xi32> -> vector<16xf32>
        %mul3A_868 = arith.mulf %bitcast_convert_type3A_856, %bitcast_convert_type3A_865 : vector<16xf32>
        %mul3A_869 = arith.mulf %bitcast_convert_type3A_858, %bitcast_convert_type3A_867 : vector<16xf32>
        %add3A_870 = arith.addf %mul3A_868, %mul3A_869 : vector<16xf32>
        %add3A_871 = arith.addf %add3A_849, %add3A_870 : vector<16xf32>
        %eq3A_872 = arith.constant 7 : i32
        %eq3A_873 = vector.broadcast %eq3A_872 : i32 to vector<16xi32>
        %eq3A_874 = arith.cmpi eq, %iota3A, %eq3A_873 : vector<16xi32>
        %reduce_sum3A_875 = arith.constant true
        %reduce_sum3A_876 = vector.broadcast %reduce_sum3A_875 : i1 to vector<16xi1>
        %reduce_sum3A_877 = tpu.scan <sum>, %add3A_871 masked %reduce_sum3A_876 : vector<16xf32>, vector<16xi1> -> vector<16xf32>
        %reduce_sum3A_878 = vector.extract %reduce_sum3A_877[15] : f32 from vector<16xf32>
        %broadcast_in_dim3A_879 = vector.broadcast %reduce_sum3A_878 : f32 to vector<16xf32>
        %select_n3A_880 = arith.select %eq3A_874, %broadcast_in_dim3A_879, %select_n3A_780 : vector<16xi1>, vector<16xf32>
        %mul3A_881 = arith.constant 16 : i32
        %mul3A_882 = arith.muli %scan3A_84, %mul3A_881 : i32
        %add3A_883 = arith.constant 8 : i32
        %add3A_884 = arith.addi %mul3A_882, %add3A_883 : i32
        %get3A_885 = arith.index_cast %add3A_884 : i32 to index
        %get3A_886 = arith.constant 0 : index
        %get3A_887 = tpu.vector_load %arg10[%get3A_885, %get3A_886] {strides = array<i32>} : memref<128x64xi32, #tpu.memory_space<vmem>>, vector<16xi32>,
        %shift_left3A_888 = arith.constant 16 : i32
        %shift_left3A_889 = vector.broadcast %shift_left3A_888 : i32 to vector<16xi32>
        %shift_left3A_890 = arith.shli %get3A_887, %shift_left3A_889 : vector<16xi32>
        %bitcast_convert_type3A_891 = tpu.bitcast %shift_left3A_890 : vector<16xi32> -> vector<16xf32>
        %and3A_892 = arith.andi %get3A_887, %broadcast_in_dim3A_3 : vector<16xi32>
        %bitcast_convert_type3A_893 = tpu.bitcast %and3A_892 : vector<16xi32> -> vector<16xf32>
        %get3A_894 = arith.index_cast %add3A_884 : i32 to index
        %get3A_895 = arith.constant 0 : index
        %get3A_896 = tpu.vector_load %arg12[%get3A_894, %get3A_895] {strides = array<i32>} : memref<128x64xi32, #tpu.memory_space<vmem>>, vector<16xi32>,
        %shift_left3A_897 = arith.constant 16 : i32
        %shift_left3A_898 = vector.broadcast %shift_left3A_897 : i32 to vector<16xi32>
        %shift_left3A_899 = arith.shli %get3A_896, %shift_left3A_898 : vector<16xi32>
        %bitcast_convert_type3A_900 = tpu.bitcast %shift_left3A_899 : vector<16xi32> -> vector<16xf32>
        %and3A_901 = arith.andi %get3A_896, %broadcast_in_dim3A_3 : vector<16xi32>
        %bitcast_convert_type3A_902 = tpu.bitcast %and3A_901 : vector<16xi32> -> vector<16xf32>
        %mul3A_903 = arith.mulf %bitcast_convert_type3A_891, %bitcast_convert_type3A_900 : vector<16xf32>
        %mul3A_904 = arith.mulf %bitcast_convert_type3A_893, %bitcast_convert_type3A_902 : vector<16xf32>
        %add3A_905 = arith.addf %mul3A_903, %mul3A_904 : vector<16xf32>
        %get3A_906 = arith.index_cast %add3A_884 : i32 to index
        %get3A_907 = arith.constant 16 : index
        %get3A_908 = tpu.vector_load %arg10[%get3A_906, %get3A_907] {strides = array<i32>} : memref<128x64xi32, #tpu.memory_space<vmem>>, vector<16xi32>,
        %shift_left3A_909 = arith.constant 16 : i32
        %shift_left3A_910 = vector.broadcast %shift_left3A_909 : i32 to vector<16xi32>
        %shift_left3A_911 = arith.shli %get3A_908, %shift_left3A_910 : vector<16xi32>
        %bitcast_convert_type3A_912 = tpu.bitcast %shift_left3A_911 : vector<16xi32> -> vector<16xf32>
        %and3A_913 = arith.andi %get3A_908, %broadcast_in_dim3A_3 : vector<16xi32>
        %bitcast_convert_type3A_914 = tpu.bitcast %and3A_913 : vector<16xi32> -> vector<16xf32>
        %get3A_915 = arith.index_cast %add3A_884 : i32 to index
        %get3A_916 = arith.constant 16 : index
        %get3A_917 = tpu.vector_load %arg12[%get3A_915, %get3A_916] {strides = array<i32>} : memref<128x64xi32, #tpu.memory_space<vmem>>, vector<16xi32>,
        %shift_left3A_918 = arith.constant 16 : i32
        %shift_left3A_919 = vector.broadcast %shift_left3A_918 : i32 to vector<16xi32>
        %shift_left3A_920 = arith.shli %get3A_917, %shift_left3A_919 : vector<16xi32>
        %bitcast_convert_type3A_921 = tpu.bitcast %shift_left3A_920 : vector<16xi32> -> vector<16xf32>
        %and3A_922 = arith.andi %get3A_917, %broadcast_in_dim3A_3 : vector<16xi32>
        %bitcast_convert_type3A_923 = tpu.bitcast %and3A_922 : vector<16xi32> -> vector<16xf32>
        %mul3A_924 = arith.mulf %bitcast_convert_type3A_912, %bitcast_convert_type3A_921 : vector<16xf32>
        %mul3A_925 = arith.mulf %bitcast_convert_type3A_914, %bitcast_convert_type3A_923 : vector<16xf32>
        %add3A_926 = arith.addf %mul3A_924, %mul3A_925 : vector<16xf32>
        %add3A_927 = arith.addf %add3A_905, %add3A_926 : vector<16xf32>
        %get3A_928 = arith.index_cast %add3A_884 : i32 to index
        %get3A_929 = arith.constant 32 : index
        %get3A_930 = tpu.vector_load %arg10[%get3A_928, %get3A_929] {strides = array<i32>} : memref<128x64xi32, #tpu.memory_space<vmem>>, vector<16xi32>,
        %shift_left3A_931 = arith.constant 16 : i32
        %shift_left3A_932 = vector.broadcast %shift_left3A_931 : i32 to vector<16xi32>
        %shift_left3A_933 = arith.shli %get3A_930, %shift_left3A_932 : vector<16xi32>
        %bitcast_convert_type3A_934 = tpu.bitcast %shift_left3A_933 : vector<16xi32> -> vector<16xf32>
        %and3A_935 = arith.andi %get3A_930, %broadcast_in_dim3A_3 : vector<16xi32>
        %bitcast_convert_type3A_936 = tpu.bitcast %and3A_935 : vector<16xi32> -> vector<16xf32>
        %get3A_937 = arith.index_cast %add3A_884 : i32 to index
        %get3A_938 = arith.constant 32 : index
        %get3A_939 = tpu.vector_load %arg12[%get3A_937, %get3A_938] {strides = array<i32>} : memref<128x64xi32, #tpu.memory_space<vmem>>, vector<16xi32>,
        %shift_left3A_940 = arith.constant 16 : i32
        %shift_left3A_941 = vector.broadcast %shift_left3A_940 : i32 to vector<16xi32>
        %shift_left3A_942 = arith.shli %get3A_939, %shift_left3A_941 : vector<16xi32>
        %bitcast_convert_type3A_943 = tpu.bitcast %shift_left3A_942 : vector<16xi32> -> vector<16xf32>
        %and3A_944 = arith.andi %get3A_939, %broadcast_in_dim3A_3 : vector<16xi32>
        %bitcast_convert_type3A_945 = tpu.bitcast %and3A_944 : vector<16xi32> -> vector<16xf32>
        %mul3A_946 = arith.mulf %bitcast_convert_type3A_934, %bitcast_convert_type3A_943 : vector<16xf32>
        %mul3A_947 = arith.mulf %bitcast_convert_type3A_936, %bitcast_convert_type3A_945 : vector<16xf32>
        %add3A_948 = arith.addf %mul3A_946, %mul3A_947 : vector<16xf32>
        %add3A_949 = arith.addf %add3A_927, %add3A_948 : vector<16xf32>
        %get3A_950 = arith.index_cast %add3A_884 : i32 to index
        %get3A_951 = arith.constant 48 : index
        %get3A_952 = tpu.vector_load %arg10[%get3A_950, %get3A_951] {strides = array<i32>} : memref<128x64xi32, #tpu.memory_space<vmem>>, vector<16xi32>,
        %shift_left3A_953 = arith.constant 16 : i32
        %shift_left3A_954 = vector.broadcast %shift_left3A_953 : i32 to vector<16xi32>
        %shift_left3A_955 = arith.shli %get3A_952, %shift_left3A_954 : vector<16xi32>
        %bitcast_convert_type3A_956 = tpu.bitcast %shift_left3A_955 : vector<16xi32> -> vector<16xf32>
        %and3A_957 = arith.andi %get3A_952, %broadcast_in_dim3A_3 : vector<16xi32>
        %bitcast_convert_type3A_958 = tpu.bitcast %and3A_957 : vector<16xi32> -> vector<16xf32>
        %get3A_959 = arith.index_cast %add3A_884 : i32 to index
        %get3A_960 = arith.constant 48 : index
        %get3A_961 = tpu.vector_load %arg12[%get3A_959, %get3A_960] {strides = array<i32>} : memref<128x64xi32, #tpu.memory_space<vmem>>, vector<16xi32>,
        %shift_left3A_962 = arith.constant 16 : i32
        %shift_left3A_963 = vector.broadcast %shift_left3A_962 : i32 to vector<16xi32>
        %shift_left3A_964 = arith.shli %get3A_961, %shift_left3A_963 : vector<16xi32>
        %bitcast_convert_type3A_965 = tpu.bitcast %shift_left3A_964 : vector<16xi32> -> vector<16xf32>
        %and3A_966 = arith.andi %get3A_961, %broadcast_in_dim3A_3 : vector<16xi32>
        %bitcast_convert_type3A_967 = tpu.bitcast %and3A_966 : vector<16xi32> -> vector<16xf32>
        %mul3A_968 = arith.mulf %bitcast_convert_type3A_956, %bitcast_convert_type3A_965 : vector<16xf32>
        %mul3A_969 = arith.mulf %bitcast_convert_type3A_958, %bitcast_convert_type3A_967 : vector<16xf32>
        %add3A_970 = arith.addf %mul3A_968, %mul3A_969 : vector<16xf32>
        %add3A_971 = arith.addf %add3A_949, %add3A_970 : vector<16xf32>
        %eq3A_972 = arith.constant 8 : i32
        %eq3A_973 = vector.broadcast %eq3A_972 : i32 to vector<16xi32>
        %eq3A_974 = arith.cmpi eq, %iota3A, %eq3A_973 : vector<16xi32>
        %reduce_sum3A_975 = arith.constant true
        %reduce_sum3A_976 = vector.broadcast %reduce_sum3A_975 : i1 to vector<16xi1>
        %reduce_sum3A_977 = tpu.scan <sum>, %add3A_971 masked %reduce_sum3A_976 : vector<16xf32>, vector<16xi1> -> vector<16xf32>
        %reduce_sum3A_978 = vector.extract %reduce_sum3A_977[15] : f32 from vector<16xf32>
        %broadcast_in_dim3A_979 = vector.broadcast %reduce_sum3A_978 : f32 to vector<16xf32>
        %select_n3A_980 = arith.select %eq3A_974, %broadcast_in_dim3A_979, %select_n3A_880 : vector<16xi1>, vector<16xf32>
        %mul3A_981 = arith.constant 16 : i32
        %mul3A_982 = arith.muli %scan3A_84, %mul3A_981 : i32
        %add3A_983 = arith.constant 9 : i32
        %add3A_984 = arith.addi %mul3A_982, %add3A_983 : i32
        %get3A_985 = arith.index_cast %add3A_984 : i32 to index
        %get3A_986 = arith.constant 0 : index
        %get3A_987 = tpu.vector_load %arg10[%get3A_985, %get3A_986] {strides = array<i32>} : memref<128x64xi32, #tpu.memory_space<vmem>>, vector<16xi32>,
        %shift_left3A_988 = arith.constant 16 : i32
        %shift_left3A_989 = vector.broadcast %shift_left3A_988 : i32 to vector<16xi32>
        %shift_left3A_990 = arith.shli %get3A_987, %shift_left3A_989 : vector<16xi32>
        %bitcast_convert_type3A_991 = tpu.bitcast %shift_left3A_990 : vector<16xi32> -> vector<16xf32>
        %and3A_992 = arith.andi %get3A_987, %broadcast_in_dim3A_3 : vector<16xi32>
        %bitcast_convert_type3A_993 = tpu.bitcast %and3A_992 : vector<16xi32> -> vector<16xf32>
        %get3A_994 = arith.index_cast %add3A_984 : i32 to index
        %get3A_995 = arith.constant 0 : index
        %get3A_996 = tpu.vector_load %arg12[%get3A_994, %get3A_995] {strides = array<i32>} : memref<128x64xi32, #tpu.memory_space<vmem>>, vector<16xi32>,
        %shift_left3A_997 = arith.constant 16 : i32
        %shift_left3A_998 = vector.broadcast %shift_left3A_997 : i32 to vector<16xi32>
        %shift_left3A_999 = arith.shli %get3A_996, %shift_left3A_998 : vector<16xi32>
        %bitcast_convert_type3A_1000 = tpu.bitcast %shift_left3A_999 : vector<16xi32> -> vector<16xf32>
        %and3A_1001 = arith.andi %get3A_996, %broadcast_in_dim3A_3 : vector<16xi32>
        %bitcast_convert_type3A_1002 = tpu.bitcast %and3A_1001 : vector<16xi32> -> vector<16xf32>
        %mul3A_1003 = arith.mulf %bitcast_convert_type3A_991, %bitcast_convert_type3A_1000 : vector<16xf32>
        %mul3A_1004 = arith.mulf %bitcast_convert_type3A_993, %bitcast_convert_type3A_1002 : vector<16xf32>
        %add3A_1005 = arith.addf %mul3A_1003, %mul3A_1004 : vector<16xf32>
        %get3A_1006 = arith.index_cast %add3A_984 : i32 to index
        %get3A_1007 = arith.constant 16 : index
        %get3A_1008 = tpu.vector_load %arg10[%get3A_1006, %get3A_1007] {strides = array<i32>} : memref<128x64xi32, #tpu.memory_space<vmem>>, vector<16xi32>,
        %shift_left3A_1009 = arith.constant 16 : i32
        %shift_left3A_1010 = vector.broadcast %shift_left3A_1009 : i32 to vector<16xi32>
        %shift_left3A_1011 = arith.shli %get3A_1008, %shift_left3A_1010 : vector<16xi32>
        %bitcast_convert_type3A_1012 = tpu.bitcast %shift_left3A_1011 : vector<16xi32> -> vector<16xf32>
        %and3A_1013 = arith.andi %get3A_1008, %broadcast_in_dim3A_3 : vector<16xi32>
        %bitcast_convert_type3A_1014 = tpu.bitcast %and3A_1013 : vector<16xi32> -> vector<16xf32>
        %get3A_1015 = arith.index_cast %add3A_984 : i32 to index
        %get3A_1016 = arith.constant 16 : index
        %get3A_1017 = tpu.vector_load %arg12[%get3A_1015, %get3A_1016] {strides = array<i32>} : memref<128x64xi32, #tpu.memory_space<vmem>>, vector<16xi32>,
        %shift_left3A_1018 = arith.constant 16 : i32
        %shift_left3A_1019 = vector.broadcast %shift_left3A_1018 : i32 to vector<16xi32>
        %shift_left3A_1020 = arith.shli %get3A_1017, %shift_left3A_1019 : vector<16xi32>
        %bitcast_convert_type3A_1021 = tpu.bitcast %shift_left3A_1020 : vector<16xi32> -> vector<16xf32>
        %and3A_1022 = arith.andi %get3A_1017, %broadcast_in_dim3A_3 : vector<16xi32>
        %bitcast_convert_type3A_1023 = tpu.bitcast %and3A_1022 : vector<16xi32> -> vector<16xf32>
        %mul3A_1024 = arith.mulf %bitcast_convert_type3A_1012, %bitcast_convert_type3A_1021 : vector<16xf32>
        %mul3A_1025 = arith.mulf %bitcast_convert_type3A_1014, %bitcast_convert_type3A_1023 : vector<16xf32>
        %add3A_1026 = arith.addf %mul3A_1024, %mul3A_1025 : vector<16xf32>
        %add3A_1027 = arith.addf %add3A_1005, %add3A_1026 : vector<16xf32>
        %get3A_1028 = arith.index_cast %add3A_984 : i32 to index
        %get3A_1029 = arith.constant 32 : index
        %get3A_1030 = tpu.vector_load %arg10[%get3A_1028, %get3A_1029] {strides = array<i32>} : memref<128x64xi32, #tpu.memory_space<vmem>>, vector<16xi32>,
        %shift_left3A_1031 = arith.constant 16 : i32
        %shift_left3A_1032 = vector.broadcast %shift_left3A_1031 : i32 to vector<16xi32>
        %shift_left3A_1033 = arith.shli %get3A_1030, %shift_left3A_1032 : vector<16xi32>
        %bitcast_convert_type3A_1034 = tpu.bitcast %shift_left3A_1033 : vector<16xi32> -> vector<16xf32>
        %and3A_1035 = arith.andi %get3A_1030, %broadcast_in_dim3A_3 : vector<16xi32>
        %bitcast_convert_type3A_1036 = tpu.bitcast %and3A_1035 : vector<16xi32> -> vector<16xf32>
        %get3A_1037 = arith.index_cast %add3A_984 : i32 to index
        %get3A_1038 = arith.constant 32 : index
        %get3A_1039 = tpu.vector_load %arg12[%get3A_1037, %get3A_1038] {strides = array<i32>} : memref<128x64xi32, #tpu.memory_space<vmem>>, vector<16xi32>,
        %shift_left3A_1040 = arith.constant 16 : i32
        %shift_left3A_1041 = vector.broadcast %shift_left3A_1040 : i32 to vector<16xi32>
        %shift_left3A_1042 = arith.shli %get3A_1039, %shift_left3A_1041 : vector<16xi32>
        %bitcast_convert_type3A_1043 = tpu.bitcast %shift_left3A_1042 : vector<16xi32> -> vector<16xf32>
        %and3A_1044 = arith.andi %get3A_1039, %broadcast_in_dim3A_3 : vector<16xi32>
        %bitcast_convert_type3A_1045 = tpu.bitcast %and3A_1044 : vector<16xi32> -> vector<16xf32>
        %mul3A_1046 = arith.mulf %bitcast_convert_type3A_1034, %bitcast_convert_type3A_1043 : vector<16xf32>
        %mul3A_1047 = arith.mulf %bitcast_convert_type3A_1036, %bitcast_convert_type3A_1045 : vector<16xf32>
        %add3A_1048 = arith.addf %mul3A_1046, %mul3A_1047 : vector<16xf32>
        %add3A_1049 = arith.addf %add3A_1027, %add3A_1048 : vector<16xf32>
        %get3A_1050 = arith.index_cast %add3A_984 : i32 to index
        %get3A_1051 = arith.constant 48 : index
        %get3A_1052 = tpu.vector_load %arg10[%get3A_1050, %get3A_1051] {strides = array<i32>} : memref<128x64xi32, #tpu.memory_space<vmem>>, vector<16xi32>,
        %shift_left3A_1053 = arith.constant 16 : i32
        %shift_left3A_1054 = vector.broadcast %shift_left3A_1053 : i32 to vector<16xi32>
        %shift_left3A_1055 = arith.shli %get3A_1052, %shift_left3A_1054 : vector<16xi32>
        %bitcast_convert_type3A_1056 = tpu.bitcast %shift_left3A_1055 : vector<16xi32> -> vector<16xf32>
        %and3A_1057 = arith.andi %get3A_1052, %broadcast_in_dim3A_3 : vector<16xi32>
        %bitcast_convert_type3A_1058 = tpu.bitcast %and3A_1057 : vector<16xi32> -> vector<16xf32>
        %get3A_1059 = arith.index_cast %add3A_984 : i32 to index
        %get3A_1060 = arith.constant 48 : index
        %get3A_1061 = tpu.vector_load %arg12[%get3A_1059, %get3A_1060] {strides = array<i32>} : memref<128x64xi32, #tpu.memory_space<vmem>>, vector<16xi32>,
        %shift_left3A_1062 = arith.constant 16 : i32
        %shift_left3A_1063 = vector.broadcast %shift_left3A_1062 : i32 to vector<16xi32>
        %shift_left3A_1064 = arith.shli %get3A_1061, %shift_left3A_1063 : vector<16xi32>
        %bitcast_convert_type3A_1065 = tpu.bitcast %shift_left3A_1064 : vector<16xi32> -> vector<16xf32>
        %and3A_1066 = arith.andi %get3A_1061, %broadcast_in_dim3A_3 : vector<16xi32>
        %bitcast_convert_type3A_1067 = tpu.bitcast %and3A_1066 : vector<16xi32> -> vector<16xf32>
        %mul3A_1068 = arith.mulf %bitcast_convert_type3A_1056, %bitcast_convert_type3A_1065 : vector<16xf32>
        %mul3A_1069 = arith.mulf %bitcast_convert_type3A_1058, %bitcast_convert_type3A_1067 : vector<16xf32>
        %add3A_1070 = arith.addf %mul3A_1068, %mul3A_1069 : vector<16xf32>
        %add3A_1071 = arith.addf %add3A_1049, %add3A_1070 : vector<16xf32>
        %eq3A_1072 = arith.constant 9 : i32
        %eq3A_1073 = vector.broadcast %eq3A_1072 : i32 to vector<16xi32>
        %eq3A_1074 = arith.cmpi eq, %iota3A, %eq3A_1073 : vector<16xi32>
        %reduce_sum3A_1075 = arith.constant true
        %reduce_sum3A_1076 = vector.broadcast %reduce_sum3A_1075 : i1 to vector<16xi1>
        %reduce_sum3A_1077 = tpu.scan <sum>, %add3A_1071 masked %reduce_sum3A_1076 : vector<16xf32>, vector<16xi1> -> vector<16xf32>
        %reduce_sum3A_1078 = vector.extract %reduce_sum3A_1077[15] : f32 from vector<16xf32>
        %broadcast_in_dim3A_1079 = vector.broadcast %reduce_sum3A_1078 : f32 to vector<16xf32>
        %select_n3A_1080 = arith.select %eq3A_1074, %broadcast_in_dim3A_1079, %select_n3A_980 : vector<16xi1>, vector<16xf32>
        %mul3A_1081 = arith.constant 16 : i32
        %mul3A_1082 = arith.muli %scan3A_84, %mul3A_1081 : i32
        %add3A_1083 = arith.constant 10 : i32
        %add3A_1084 = arith.addi %mul3A_1082, %add3A_1083 : i32
        %get3A_1085 = arith.index_cast %add3A_1084 : i32 to index
        %get3A_1086 = arith.constant 0 : index
        %get3A_1087 = tpu.vector_load %arg10[%get3A_1085, %get3A_1086] {strides = array<i32>} : memref<128x64xi32, #tpu.memory_space<vmem>>, vector<16xi32>,
        %shift_left3A_1088 = arith.constant 16 : i32
        %shift_left3A_1089 = vector.broadcast %shift_left3A_1088 : i32 to vector<16xi32>
        %shift_left3A_1090 = arith.shli %get3A_1087, %shift_left3A_1089 : vector<16xi32>
        %bitcast_convert_type3A_1091 = tpu.bitcast %shift_left3A_1090 : vector<16xi32> -> vector<16xf32>
        %and3A_1092 = arith.andi %get3A_1087, %broadcast_in_dim3A_3 : vector<16xi32>
        %bitcast_convert_type3A_1093 = tpu.bitcast %and3A_1092 : vector<16xi32> -> vector<16xf32>
        %get3A_1094 = arith.index_cast %add3A_1084 : i32 to index
        %get3A_1095 = arith.constant 0 : index
        %get3A_1096 = tpu.vector_load %arg12[%get3A_1094, %get3A_1095] {strides = array<i32>} : memref<128x64xi32, #tpu.memory_space<vmem>>, vector<16xi32>,
        %shift_left3A_1097 = arith.constant 16 : i32
        %shift_left3A_1098 = vector.broadcast %shift_left3A_1097 : i32 to vector<16xi32>
        %shift_left3A_1099 = arith.shli %get3A_1096, %shift_left3A_1098 : vector<16xi32>
        %bitcast_convert_type3A_1100 = tpu.bitcast %shift_left3A_1099 : vector<16xi32> -> vector<16xf32>
        %and3A_1101 = arith.andi %get3A_1096, %broadcast_in_dim3A_3 : vector<16xi32>
        %bitcast_convert_type3A_1102 = tpu.bitcast %and3A_1101 : vector<16xi32> -> vector<16xf32>
        %mul3A_1103 = arith.mulf %bitcast_convert_type3A_1091, %bitcast_convert_type3A_1100 : vector<16xf32>
        %mul3A_1104 = arith.mulf %bitcast_convert_type3A_1093, %bitcast_convert_type3A_1102 : vector<16xf32>
        %add3A_1105 = arith.addf %mul3A_1103, %mul3A_1104 : vector<16xf32>
        %get3A_1106 = arith.index_cast %add3A_1084 : i32 to index
        %get3A_1107 = arith.constant 16 : index
        %get3A_1108 = tpu.vector_load %arg10[%get3A_1106, %get3A_1107] {strides = array<i32>} : memref<128x64xi32, #tpu.memory_space<vmem>>, vector<16xi32>,
        %shift_left3A_1109 = arith.constant 16 : i32
        %shift_left3A_1110 = vector.broadcast %shift_left3A_1109 : i32 to vector<16xi32>
        %shift_left3A_1111 = arith.shli %get3A_1108, %shift_left3A_1110 : vector<16xi32>
        %bitcast_convert_type3A_1112 = tpu.bitcast %shift_left3A_1111 : vector<16xi32> -> vector<16xf32>
        %and3A_1113 = arith.andi %get3A_1108, %broadcast_in_dim3A_3 : vector<16xi32>
        %bitcast_convert_type3A_1114 = tpu.bitcast %and3A_1113 : vector<16xi32> -> vector<16xf32>
        %get3A_1115 = arith.index_cast %add3A_1084 : i32 to index
        %get3A_1116 = arith.constant 16 : index
        %get3A_1117 = tpu.vector_load %arg12[%get3A_1115, %get3A_1116] {strides = array<i32>} : memref<128x64xi32, #tpu.memory_space<vmem>>, vector<16xi32>,
        %shift_left3A_1118 = arith.constant 16 : i32
        %shift_left3A_1119 = vector.broadcast %shift_left3A_1118 : i32 to vector<16xi32>
        %shift_left3A_1120 = arith.shli %get3A_1117, %shift_left3A_1119 : vector<16xi32>
        %bitcast_convert_type3A_1121 = tpu.bitcast %shift_left3A_1120 : vector<16xi32> -> vector<16xf32>
        %and3A_1122 = arith.andi %get3A_1117, %broadcast_in_dim3A_3 : vector<16xi32>
        %bitcast_convert_type3A_1123 = tpu.bitcast %and3A_1122 : vector<16xi32> -> vector<16xf32>
        %mul3A_1124 = arith.mulf %bitcast_convert_type3A_1112, %bitcast_convert_type3A_1121 : vector<16xf32>
        %mul3A_1125 = arith.mulf %bitcast_convert_type3A_1114, %bitcast_convert_type3A_1123 : vector<16xf32>
        %add3A_1126 = arith.addf %mul3A_1124, %mul3A_1125 : vector<16xf32>
        %add3A_1127 = arith.addf %add3A_1105, %add3A_1126 : vector<16xf32>
        %get3A_1128 = arith.index_cast %add3A_1084 : i32 to index
        %get3A_1129 = arith.constant 32 : index
        %get3A_1130 = tpu.vector_load %arg10[%get3A_1128, %get3A_1129] {strides = array<i32>} : memref<128x64xi32, #tpu.memory_space<vmem>>, vector<16xi32>,
        %shift_left3A_1131 = arith.constant 16 : i32
        %shift_left3A_1132 = vector.broadcast %shift_left3A_1131 : i32 to vector<16xi32>
        %shift_left3A_1133 = arith.shli %get3A_1130, %shift_left3A_1132 : vector<16xi32>
        %bitcast_convert_type3A_1134 = tpu.bitcast %shift_left3A_1133 : vector<16xi32> -> vector<16xf32>
        %and3A_1135 = arith.andi %get3A_1130, %broadcast_in_dim3A_3 : vector<16xi32>
        %bitcast_convert_type3A_1136 = tpu.bitcast %and3A_1135 : vector<16xi32> -> vector<16xf32>
        %get3A_1137 = arith.index_cast %add3A_1084 : i32 to index
        %get3A_1138 = arith.constant 32 : index
        %get3A_1139 = tpu.vector_load %arg12[%get3A_1137, %get3A_1138] {strides = array<i32>} : memref<128x64xi32, #tpu.memory_space<vmem>>, vector<16xi32>,
        %shift_left3A_1140 = arith.constant 16 : i32
        %shift_left3A_1141 = vector.broadcast %shift_left3A_1140 : i32 to vector<16xi32>
        %shift_left3A_1142 = arith.shli %get3A_1139, %shift_left3A_1141 : vector<16xi32>
        %bitcast_convert_type3A_1143 = tpu.bitcast %shift_left3A_1142 : vector<16xi32> -> vector<16xf32>
        %and3A_1144 = arith.andi %get3A_1139, %broadcast_in_dim3A_3 : vector<16xi32>
        %bitcast_convert_type3A_1145 = tpu.bitcast %and3A_1144 : vector<16xi32> -> vector<16xf32>
        %mul3A_1146 = arith.mulf %bitcast_convert_type3A_1134, %bitcast_convert_type3A_1143 : vector<16xf32>
        %mul3A_1147 = arith.mulf %bitcast_convert_type3A_1136, %bitcast_convert_type3A_1145 : vector<16xf32>
        %add3A_1148 = arith.addf %mul3A_1146, %mul3A_1147 : vector<16xf32>
        %add3A_1149 = arith.addf %add3A_1127, %add3A_1148 : vector<16xf32>
        %get3A_1150 = arith.index_cast %add3A_1084 : i32 to index
        %get3A_1151 = arith.constant 48 : index
        %get3A_1152 = tpu.vector_load %arg10[%get3A_1150, %get3A_1151] {strides = array<i32>} : memref<128x64xi32, #tpu.memory_space<vmem>>, vector<16xi32>,
        %shift_left3A_1153 = arith.constant 16 : i32
        %shift_left3A_1154 = vector.broadcast %shift_left3A_1153 : i32 to vector<16xi32>
        %shift_left3A_1155 = arith.shli %get3A_1152, %shift_left3A_1154 : vector<16xi32>
        %bitcast_convert_type3A_1156 = tpu.bitcast %shift_left3A_1155 : vector<16xi32> -> vector<16xf32>
        %and3A_1157 = arith.andi %get3A_1152, %broadcast_in_dim3A_3 : vector<16xi32>
        %bitcast_convert_type3A_1158 = tpu.bitcast %and3A_1157 : vector<16xi32> -> vector<16xf32>
        %get3A_1159 = arith.index_cast %add3A_1084 : i32 to index
        %get3A_1160 = arith.constant 48 : index
        %get3A_1161 = tpu.vector_load %arg12[%get3A_1159, %get3A_1160] {strides = array<i32>} : memref<128x64xi32, #tpu.memory_space<vmem>>, vector<16xi32>,
        %shift_left3A_1162 = arith.constant 16 : i32
        %shift_left3A_1163 = vector.broadcast %shift_left3A_1162 : i32 to vector<16xi32>
        %shift_left3A_1164 = arith.shli %get3A_1161, %shift_left3A_1163 : vector<16xi32>
        %bitcast_convert_type3A_1165 = tpu.bitcast %shift_left3A_1164 : vector<16xi32> -> vector<16xf32>
        %and3A_1166 = arith.andi %get3A_1161, %broadcast_in_dim3A_3 : vector<16xi32>
        %bitcast_convert_type3A_1167 = tpu.bitcast %and3A_1166 : vector<16xi32> -> vector<16xf32>
        %mul3A_1168 = arith.mulf %bitcast_convert_type3A_1156, %bitcast_convert_type3A_1165 : vector<16xf32>
        %mul3A_1169 = arith.mulf %bitcast_convert_type3A_1158, %bitcast_convert_type3A_1167 : vector<16xf32>
        %add3A_1170 = arith.addf %mul3A_1168, %mul3A_1169 : vector<16xf32>
        %add3A_1171 = arith.addf %add3A_1149, %add3A_1170 : vector<16xf32>
        %eq3A_1172 = arith.constant 10 : i32
        %eq3A_1173 = vector.broadcast %eq3A_1172 : i32 to vector<16xi32>
        %eq3A_1174 = arith.cmpi eq, %iota3A, %eq3A_1173 : vector<16xi32>
        %reduce_sum3A_1175 = arith.constant true
        %reduce_sum3A_1176 = vector.broadcast %reduce_sum3A_1175 : i1 to vector<16xi1>
        %reduce_sum3A_1177 = tpu.scan <sum>, %add3A_1171 masked %reduce_sum3A_1176 : vector<16xf32>, vector<16xi1> -> vector<16xf32>
        %reduce_sum3A_1178 = vector.extract %reduce_sum3A_1177[15] : f32 from vector<16xf32>
        %broadcast_in_dim3A_1179 = vector.broadcast %reduce_sum3A_1178 : f32 to vector<16xf32>
        %select_n3A_1180 = arith.select %eq3A_1174, %broadcast_in_dim3A_1179, %select_n3A_1080 : vector<16xi1>, vector<16xf32>
        %mul3A_1181 = arith.constant 16 : i32
        %mul3A_1182 = arith.muli %scan3A_84, %mul3A_1181 : i32
        %add3A_1183 = arith.constant 11 : i32
        %add3A_1184 = arith.addi %mul3A_1182, %add3A_1183 : i32
        %get3A_1185 = arith.index_cast %add3A_1184 : i32 to index
        %get3A_1186 = arith.constant 0 : index
        %get3A_1187 = tpu.vector_load %arg10[%get3A_1185, %get3A_1186] {strides = array<i32>} : memref<128x64xi32, #tpu.memory_space<vmem>>, vector<16xi32>,
        %shift_left3A_1188 = arith.constant 16 : i32
        %shift_left3A_1189 = vector.broadcast %shift_left3A_1188 : i32 to vector<16xi32>
        %shift_left3A_1190 = arith.shli %get3A_1187, %shift_left3A_1189 : vector<16xi32>
        %bitcast_convert_type3A_1191 = tpu.bitcast %shift_left3A_1190 : vector<16xi32> -> vector<16xf32>
        %and3A_1192 = arith.andi %get3A_1187, %broadcast_in_dim3A_3 : vector<16xi32>
        %bitcast_convert_type3A_1193 = tpu.bitcast %and3A_1192 : vector<16xi32> -> vector<16xf32>
        %get3A_1194 = arith.index_cast %add3A_1184 : i32 to index
        %get3A_1195 = arith.constant 0 : index
        %get3A_1196 = tpu.vector_load %arg12[%get3A_1194, %get3A_1195] {strides = array<i32>} : memref<128x64xi32, #tpu.memory_space<vmem>>, vector<16xi32>,
        %shift_left3A_1197 = arith.constant 16 : i32
        %shift_left3A_1198 = vector.broadcast %shift_left3A_1197 : i32 to vector<16xi32>
        %shift_left3A_1199 = arith.shli %get3A_1196, %shift_left3A_1198 : vector<16xi32>
        %bitcast_convert_type3A_1200 = tpu.bitcast %shift_left3A_1199 : vector<16xi32> -> vector<16xf32>
        %and3A_1201 = arith.andi %get3A_1196, %broadcast_in_dim3A_3 : vector<16xi32>
        %bitcast_convert_type3A_1202 = tpu.bitcast %and3A_1201 : vector<16xi32> -> vector<16xf32>
        %mul3A_1203 = arith.mulf %bitcast_convert_type3A_1191, %bitcast_convert_type3A_1200 : vector<16xf32>
        %mul3A_1204 = arith.mulf %bitcast_convert_type3A_1193, %bitcast_convert_type3A_1202 : vector<16xf32>
        %add3A_1205 = arith.addf %mul3A_1203, %mul3A_1204 : vector<16xf32>
        %get3A_1206 = arith.index_cast %add3A_1184 : i32 to index
        %get3A_1207 = arith.constant 16 : index
        %get3A_1208 = tpu.vector_load %arg10[%get3A_1206, %get3A_1207] {strides = array<i32>} : memref<128x64xi32, #tpu.memory_space<vmem>>, vector<16xi32>,
        %shift_left3A_1209 = arith.constant 16 : i32
        %shift_left3A_1210 = vector.broadcast %shift_left3A_1209 : i32 to vector<16xi32>
        %shift_left3A_1211 = arith.shli %get3A_1208, %shift_left3A_1210 : vector<16xi32>
        %bitcast_convert_type3A_1212 = tpu.bitcast %shift_left3A_1211 : vector<16xi32> -> vector<16xf32>
        %and3A_1213 = arith.andi %get3A_1208, %broadcast_in_dim3A_3 : vector<16xi32>
        %bitcast_convert_type3A_1214 = tpu.bitcast %and3A_1213 : vector<16xi32> -> vector<16xf32>
        %get3A_1215 = arith.index_cast %add3A_1184 : i32 to index
        %get3A_1216 = arith.constant 16 : index
        %get3A_1217 = tpu.vector_load %arg12[%get3A_1215, %get3A_1216] {strides = array<i32>} : memref<128x64xi32, #tpu.memory_space<vmem>>, vector<16xi32>,
        %shift_left3A_1218 = arith.constant 16 : i32
        %shift_left3A_1219 = vector.broadcast %shift_left3A_1218 : i32 to vector<16xi32>
        %shift_left3A_1220 = arith.shli %get3A_1217, %shift_left3A_1219 : vector<16xi32>
        %bitcast_convert_type3A_1221 = tpu.bitcast %shift_left3A_1220 : vector<16xi32> -> vector<16xf32>
        %and3A_1222 = arith.andi %get3A_1217, %broadcast_in_dim3A_3 : vector<16xi32>
        %bitcast_convert_type3A_1223 = tpu.bitcast %and3A_1222 : vector<16xi32> -> vector<16xf32>
        %mul3A_1224 = arith.mulf %bitcast_convert_type3A_1212, %bitcast_convert_type3A_1221 : vector<16xf32>
        %mul3A_1225 = arith.mulf %bitcast_convert_type3A_1214, %bitcast_convert_type3A_1223 : vector<16xf32>
        %add3A_1226 = arith.addf %mul3A_1224, %mul3A_1225 : vector<16xf32>
        %add3A_1227 = arith.addf %add3A_1205, %add3A_1226 : vector<16xf32>
        %get3A_1228 = arith.index_cast %add3A_1184 : i32 to index
        %get3A_1229 = arith.constant 32 : index
        %get3A_1230 = tpu.vector_load %arg10[%get3A_1228, %get3A_1229] {strides = array<i32>} : memref<128x64xi32, #tpu.memory_space<vmem>>, vector<16xi32>,
        %shift_left3A_1231 = arith.constant 16 : i32
        %shift_left3A_1232 = vector.broadcast %shift_left3A_1231 : i32 to vector<16xi32>
        %shift_left3A_1233 = arith.shli %get3A_1230, %shift_left3A_1232 : vector<16xi32>
        %bitcast_convert_type3A_1234 = tpu.bitcast %shift_left3A_1233 : vector<16xi32> -> vector<16xf32>
        %and3A_1235 = arith.andi %get3A_1230, %broadcast_in_dim3A_3 : vector<16xi32>
        %bitcast_convert_type3A_1236 = tpu.bitcast %and3A_1235 : vector<16xi32> -> vector<16xf32>
        %get3A_1237 = arith.index_cast %add3A_1184 : i32 to index
        %get3A_1238 = arith.constant 32 : index
        %get3A_1239 = tpu.vector_load %arg12[%get3A_1237, %get3A_1238] {strides = array<i32>} : memref<128x64xi32, #tpu.memory_space<vmem>>, vector<16xi32>,
        %shift_left3A_1240 = arith.constant 16 : i32
        %shift_left3A_1241 = vector.broadcast %shift_left3A_1240 : i32 to vector<16xi32>
        %shift_left3A_1242 = arith.shli %get3A_1239, %shift_left3A_1241 : vector<16xi32>
        %bitcast_convert_type3A_1243 = tpu.bitcast %shift_left3A_1242 : vector<16xi32> -> vector<16xf32>
        %and3A_1244 = arith.andi %get3A_1239, %broadcast_in_dim3A_3 : vector<16xi32>
        %bitcast_convert_type3A_1245 = tpu.bitcast %and3A_1244 : vector<16xi32> -> vector<16xf32>
        %mul3A_1246 = arith.mulf %bitcast_convert_type3A_1234, %bitcast_convert_type3A_1243 : vector<16xf32>
        %mul3A_1247 = arith.mulf %bitcast_convert_type3A_1236, %bitcast_convert_type3A_1245 : vector<16xf32>
        %add3A_1248 = arith.addf %mul3A_1246, %mul3A_1247 : vector<16xf32>
        %add3A_1249 = arith.addf %add3A_1227, %add3A_1248 : vector<16xf32>
        %get3A_1250 = arith.index_cast %add3A_1184 : i32 to index
        %get3A_1251 = arith.constant 48 : index
        %get3A_1252 = tpu.vector_load %arg10[%get3A_1250, %get3A_1251] {strides = array<i32>} : memref<128x64xi32, #tpu.memory_space<vmem>>, vector<16xi32>,
        %shift_left3A_1253 = arith.constant 16 : i32
        %shift_left3A_1254 = vector.broadcast %shift_left3A_1253 : i32 to vector<16xi32>
        %shift_left3A_1255 = arith.shli %get3A_1252, %shift_left3A_1254 : vector<16xi32>
        %bitcast_convert_type3A_1256 = tpu.bitcast %shift_left3A_1255 : vector<16xi32> -> vector<16xf32>
        %and3A_1257 = arith.andi %get3A_1252, %broadcast_in_dim3A_3 : vector<16xi32>
        %bitcast_convert_type3A_1258 = tpu.bitcast %and3A_1257 : vector<16xi32> -> vector<16xf32>
        %get3A_1259 = arith.index_cast %add3A_1184 : i32 to index
        %get3A_1260 = arith.constant 48 : index
        %get3A_1261 = tpu.vector_load %arg12[%get3A_1259, %get3A_1260] {strides = array<i32>} : memref<128x64xi32, #tpu.memory_space<vmem>>, vector<16xi32>,
        %shift_left3A_1262 = arith.constant 16 : i32
        %shift_left3A_1263 = vector.broadcast %shift_left3A_1262 : i32 to vector<16xi32>
        %shift_left3A_1264 = arith.shli %get3A_1261, %shift_left3A_1263 : vector<16xi32>
        %bitcast_convert_type3A_1265 = tpu.bitcast %shift_left3A_1264 : vector<16xi32> -> vector<16xf32>
        %and3A_1266 = arith.andi %get3A_1261, %broadcast_in_dim3A_3 : vector<16xi32>
        %bitcast_convert_type3A_1267 = tpu.bitcast %and3A_1266 : vector<16xi32> -> vector<16xf32>
        %mul3A_1268 = arith.mulf %bitcast_convert_type3A_1256, %bitcast_convert_type3A_1265 : vector<16xf32>
        %mul3A_1269 = arith.mulf %bitcast_convert_type3A_1258, %bitcast_convert_type3A_1267 : vector<16xf32>
        %add3A_1270 = arith.addf %mul3A_1268, %mul3A_1269 : vector<16xf32>
        %add3A_1271 = arith.addf %add3A_1249, %add3A_1270 : vector<16xf32>
        %eq3A_1272 = arith.constant 11 : i32
        %eq3A_1273 = vector.broadcast %eq3A_1272 : i32 to vector<16xi32>
        %eq3A_1274 = arith.cmpi eq, %iota3A, %eq3A_1273 : vector<16xi32>
        %reduce_sum3A_1275 = arith.constant true
        %reduce_sum3A_1276 = vector.broadcast %reduce_sum3A_1275 : i1 to vector<16xi1>
        %reduce_sum3A_1277 = tpu.scan <sum>, %add3A_1271 masked %reduce_sum3A_1276 : vector<16xf32>, vector<16xi1> -> vector<16xf32>
        %reduce_sum3A_1278 = vector.extract %reduce_sum3A_1277[15] : f32 from vector<16xf32>
        %broadcast_in_dim3A_1279 = vector.broadcast %reduce_sum3A_1278 : f32 to vector<16xf32>
        %select_n3A_1280 = arith.select %eq3A_1274, %broadcast_in_dim3A_1279, %select_n3A_1180 : vector<16xi1>, vector<16xf32>
        %mul3A_1281 = arith.constant 16 : i32
        %mul3A_1282 = arith.muli %scan3A_84, %mul3A_1281 : i32
        %add3A_1283 = arith.constant 12 : i32
        %add3A_1284 = arith.addi %mul3A_1282, %add3A_1283 : i32
        %get3A_1285 = arith.index_cast %add3A_1284 : i32 to index
        %get3A_1286 = arith.constant 0 : index
        %get3A_1287 = tpu.vector_load %arg10[%get3A_1285, %get3A_1286] {strides = array<i32>} : memref<128x64xi32, #tpu.memory_space<vmem>>, vector<16xi32>,
        %shift_left3A_1288 = arith.constant 16 : i32
        %shift_left3A_1289 = vector.broadcast %shift_left3A_1288 : i32 to vector<16xi32>
        %shift_left3A_1290 = arith.shli %get3A_1287, %shift_left3A_1289 : vector<16xi32>
        %bitcast_convert_type3A_1291 = tpu.bitcast %shift_left3A_1290 : vector<16xi32> -> vector<16xf32>
        %and3A_1292 = arith.andi %get3A_1287, %broadcast_in_dim3A_3 : vector<16xi32>
        %bitcast_convert_type3A_1293 = tpu.bitcast %and3A_1292 : vector<16xi32> -> vector<16xf32>
        %get3A_1294 = arith.index_cast %add3A_1284 : i32 to index
        %get3A_1295 = arith.constant 0 : index
        %get3A_1296 = tpu.vector_load %arg12[%get3A_1294, %get3A_1295] {strides = array<i32>} : memref<128x64xi32, #tpu.memory_space<vmem>>, vector<16xi32>,
        %shift_left3A_1297 = arith.constant 16 : i32
        %shift_left3A_1298 = vector.broadcast %shift_left3A_1297 : i32 to vector<16xi32>
        %shift_left3A_1299 = arith.shli %get3A_1296, %shift_left3A_1298 : vector<16xi32>
        %bitcast_convert_type3A_1300 = tpu.bitcast %shift_left3A_1299 : vector<16xi32> -> vector<16xf32>
        %and3A_1301 = arith.andi %get3A_1296, %broadcast_in_dim3A_3 : vector<16xi32>
        %bitcast_convert_type3A_1302 = tpu.bitcast %and3A_1301 : vector<16xi32> -> vector<16xf32>
        %mul3A_1303 = arith.mulf %bitcast_convert_type3A_1291, %bitcast_convert_type3A_1300 : vector<16xf32>
        %mul3A_1304 = arith.mulf %bitcast_convert_type3A_1293, %bitcast_convert_type3A_1302 : vector<16xf32>
        %add3A_1305 = arith.addf %mul3A_1303, %mul3A_1304 : vector<16xf32>
        %get3A_1306 = arith.index_cast %add3A_1284 : i32 to index
        %get3A_1307 = arith.constant 16 : index
        %get3A_1308 = tpu.vector_load %arg10[%get3A_1306, %get3A_1307] {strides = array<i32>} : memref<128x64xi32, #tpu.memory_space<vmem>>, vector<16xi32>,
        %shift_left3A_1309 = arith.constant 16 : i32
        %shift_left3A_1310 = vector.broadcast %shift_left3A_1309 : i32 to vector<16xi32>
        %shift_left3A_1311 = arith.shli %get3A_1308, %shift_left3A_1310 : vector<16xi32>
        %bitcast_convert_type3A_1312 = tpu.bitcast %shift_left3A_1311 : vector<16xi32> -> vector<16xf32>
        %and3A_1313 = arith.andi %get3A_1308, %broadcast_in_dim3A_3 : vector<16xi32>
        %bitcast_convert_type3A_1314 = tpu.bitcast %and3A_1313 : vector<16xi32> -> vector<16xf32>
        %get3A_1315 = arith.index_cast %add3A_1284 : i32 to index
        %get3A_1316 = arith.constant 16 : index
        %get3A_1317 = tpu.vector_load %arg12[%get3A_1315, %get3A_1316] {strides = array<i32>} : memref<128x64xi32, #tpu.memory_space<vmem>>, vector<16xi32>,
        %shift_left3A_1318 = arith.constant 16 : i32
        %shift_left3A_1319 = vector.broadcast %shift_left3A_1318 : i32 to vector<16xi32>
        %shift_left3A_1320 = arith.shli %get3A_1317, %shift_left3A_1319 : vector<16xi32>
        %bitcast_convert_type3A_1321 = tpu.bitcast %shift_left3A_1320 : vector<16xi32> -> vector<16xf32>
        %and3A_1322 = arith.andi %get3A_1317, %broadcast_in_dim3A_3 : vector<16xi32>
        %bitcast_convert_type3A_1323 = tpu.bitcast %and3A_1322 : vector<16xi32> -> vector<16xf32>
        %mul3A_1324 = arith.mulf %bitcast_convert_type3A_1312, %bitcast_convert_type3A_1321 : vector<16xf32>
        %mul3A_1325 = arith.mulf %bitcast_convert_type3A_1314, %bitcast_convert_type3A_1323 : vector<16xf32>
        %add3A_1326 = arith.addf %mul3A_1324, %mul3A_1325 : vector<16xf32>
        %add3A_1327 = arith.addf %add3A_1305, %add3A_1326 : vector<16xf32>
        %get3A_1328 = arith.index_cast %add3A_1284 : i32 to index
        %get3A_1329 = arith.constant 32 : index
        %get3A_1330 = tpu.vector_load %arg10[%get3A_1328, %get3A_1329] {strides = array<i32>} : memref<128x64xi32, #tpu.memory_space<vmem>>, vector<16xi32>,
        %shift_left3A_1331 = arith.constant 16 : i32
        %shift_left3A_1332 = vector.broadcast %shift_left3A_1331 : i32 to vector<16xi32>
        %shift_left3A_1333 = arith.shli %get3A_1330, %shift_left3A_1332 : vector<16xi32>
        %bitcast_convert_type3A_1334 = tpu.bitcast %shift_left3A_1333 : vector<16xi32> -> vector<16xf32>
        %and3A_1335 = arith.andi %get3A_1330, %broadcast_in_dim3A_3 : vector<16xi32>
        %bitcast_convert_type3A_1336 = tpu.bitcast %and3A_1335 : vector<16xi32> -> vector<16xf32>
        %get3A_1337 = arith.index_cast %add3A_1284 : i32 to index
        %get3A_1338 = arith.constant 32 : index
        %get3A_1339 = tpu.vector_load %arg12[%get3A_1337, %get3A_1338] {strides = array<i32>} : memref<128x64xi32, #tpu.memory_space<vmem>>, vector<16xi32>,
        %shift_left3A_1340 = arith.constant 16 : i32
        %shift_left3A_1341 = vector.broadcast %shift_left3A_1340 : i32 to vector<16xi32>
        %shift_left3A_1342 = arith.shli %get3A_1339, %shift_left3A_1341 : vector<16xi32>
        %bitcast_convert_type3A_1343 = tpu.bitcast %shift_left3A_1342 : vector<16xi32> -> vector<16xf32>
        %and3A_1344 = arith.andi %get3A_1339, %broadcast_in_dim3A_3 : vector<16xi32>
        %bitcast_convert_type3A_1345 = tpu.bitcast %and3A_1344 : vector<16xi32> -> vector<16xf32>
        %mul3A_1346 = arith.mulf %bitcast_convert_type3A_1334, %bitcast_convert_type3A_1343 : vector<16xf32>
        %mul3A_1347 = arith.mulf %bitcast_convert_type3A_1336, %bitcast_convert_type3A_1345 : vector<16xf32>
        %add3A_1348 = arith.addf %mul3A_1346, %mul3A_1347 : vector<16xf32>
        %add3A_1349 = arith.addf %add3A_1327, %add3A_1348 : vector<16xf32>
        %get3A_1350 = arith.index_cast %add3A_1284 : i32 to index
        %get3A_1351 = arith.constant 48 : index
        %get3A_1352 = tpu.vector_load %arg10[%get3A_1350, %get3A_1351] {strides = array<i32>} : memref<128x64xi32, #tpu.memory_space<vmem>>, vector<16xi32>,
        %shift_left3A_1353 = arith.constant 16 : i32
        %shift_left3A_1354 = vector.broadcast %shift_left3A_1353 : i32 to vector<16xi32>
        %shift_left3A_1355 = arith.shli %get3A_1352, %shift_left3A_1354 : vector<16xi32>
        %bitcast_convert_type3A_1356 = tpu.bitcast %shift_left3A_1355 : vector<16xi32> -> vector<16xf32>
        %and3A_1357 = arith.andi %get3A_1352, %broadcast_in_dim3A_3 : vector<16xi32>
        %bitcast_convert_type3A_1358 = tpu.bitcast %and3A_1357 : vector<16xi32> -> vector<16xf32>
        %get3A_1359 = arith.index_cast %add3A_1284 : i32 to index
        %get3A_1360 = arith.constant 48 : index
        %get3A_1361 = tpu.vector_load %arg12[%get3A_1359, %get3A_1360] {strides = array<i32>} : memref<128x64xi32, #tpu.memory_space<vmem>>, vector<16xi32>,
        %shift_left3A_1362 = arith.constant 16 : i32
        %shift_left3A_1363 = vector.broadcast %shift_left3A_1362 : i32 to vector<16xi32>
        %shift_left3A_1364 = arith.shli %get3A_1361, %shift_left3A_1363 : vector<16xi32>
        %bitcast_convert_type3A_1365 = tpu.bitcast %shift_left3A_1364 : vector<16xi32> -> vector<16xf32>
        %and3A_1366 = arith.andi %get3A_1361, %broadcast_in_dim3A_3 : vector<16xi32>
        %bitcast_convert_type3A_1367 = tpu.bitcast %and3A_1366 : vector<16xi32> -> vector<16xf32>
        %mul3A_1368 = arith.mulf %bitcast_convert_type3A_1356, %bitcast_convert_type3A_1365 : vector<16xf32>
        %mul3A_1369 = arith.mulf %bitcast_convert_type3A_1358, %bitcast_convert_type3A_1367 : vector<16xf32>
        %add3A_1370 = arith.addf %mul3A_1368, %mul3A_1369 : vector<16xf32>
        %add3A_1371 = arith.addf %add3A_1349, %add3A_1370 : vector<16xf32>
        %eq3A_1372 = arith.constant 12 : i32
        %eq3A_1373 = vector.broadcast %eq3A_1372 : i32 to vector<16xi32>
        %eq3A_1374 = arith.cmpi eq, %iota3A, %eq3A_1373 : vector<16xi32>
        %reduce_sum3A_1375 = arith.constant true
        %reduce_sum3A_1376 = vector.broadcast %reduce_sum3A_1375 : i1 to vector<16xi1>
        %reduce_sum3A_1377 = tpu.scan <sum>, %add3A_1371 masked %reduce_sum3A_1376 : vector<16xf32>, vector<16xi1> -> vector<16xf32>
        %reduce_sum3A_1378 = vector.extract %reduce_sum3A_1377[15] : f32 from vector<16xf32>
        %broadcast_in_dim3A_1379 = vector.broadcast %reduce_sum3A_1378 : f32 to vector<16xf32>
        %select_n3A_1380 = arith.select %eq3A_1374, %broadcast_in_dim3A_1379, %select_n3A_1280 : vector<16xi1>, vector<16xf32>
        %mul3A_1381 = arith.constant 16 : i32
        %mul3A_1382 = arith.muli %scan3A_84, %mul3A_1381 : i32
        %add3A_1383 = arith.constant 13 : i32
        %add3A_1384 = arith.addi %mul3A_1382, %add3A_1383 : i32
        %get3A_1385 = arith.index_cast %add3A_1384 : i32 to index
        %get3A_1386 = arith.constant 0 : index
        %get3A_1387 = tpu.vector_load %arg10[%get3A_1385, %get3A_1386] {strides = array<i32>} : memref<128x64xi32, #tpu.memory_space<vmem>>, vector<16xi32>,
        %shift_left3A_1388 = arith.constant 16 : i32
        %shift_left3A_1389 = vector.broadcast %shift_left3A_1388 : i32 to vector<16xi32>
        %shift_left3A_1390 = arith.shli %get3A_1387, %shift_left3A_1389 : vector<16xi32>
        %bitcast_convert_type3A_1391 = tpu.bitcast %shift_left3A_1390 : vector<16xi32> -> vector<16xf32>
        %and3A_1392 = arith.andi %get3A_1387, %broadcast_in_dim3A_3 : vector<16xi32>
        %bitcast_convert_type3A_1393 = tpu.bitcast %and3A_1392 : vector<16xi32> -> vector<16xf32>
        %get3A_1394 = arith.index_cast %add3A_1384 : i32 to index
        %get3A_1395 = arith.constant 0 : index
        %get3A_1396 = tpu.vector_load %arg12[%get3A_1394, %get3A_1395] {strides = array<i32>} : memref<128x64xi32, #tpu.memory_space<vmem>>, vector<16xi32>,
        %shift_left3A_1397 = arith.constant 16 : i32
        %shift_left3A_1398 = vector.broadcast %shift_left3A_1397 : i32 to vector<16xi32>
        %shift_left3A_1399 = arith.shli %get3A_1396, %shift_left3A_1398 : vector<16xi32>
        %bitcast_convert_type3A_1400 = tpu.bitcast %shift_left3A_1399 : vector<16xi32> -> vector<16xf32>
        %and3A_1401 = arith.andi %get3A_1396, %broadcast_in_dim3A_3 : vector<16xi32>
        %bitcast_convert_type3A_1402 = tpu.bitcast %and3A_1401 : vector<16xi32> -> vector<16xf32>
        %mul3A_1403 = arith.mulf %bitcast_convert_type3A_1391, %bitcast_convert_type3A_1400 : vector<16xf32>
        %mul3A_1404 = arith.mulf %bitcast_convert_type3A_1393, %bitcast_convert_type3A_1402 : vector<16xf32>
        %add3A_1405 = arith.addf %mul3A_1403, %mul3A_1404 : vector<16xf32>
        %get3A_1406 = arith.index_cast %add3A_1384 : i32 to index
        %get3A_1407 = arith.constant 16 : index
        %get3A_1408 = tpu.vector_load %arg10[%get3A_1406, %get3A_1407] {strides = array<i32>} : memref<128x64xi32, #tpu.memory_space<vmem>>, vector<16xi32>,
        %shift_left3A_1409 = arith.constant 16 : i32
        %shift_left3A_1410 = vector.broadcast %shift_left3A_1409 : i32 to vector<16xi32>
        %shift_left3A_1411 = arith.shli %get3A_1408, %shift_left3A_1410 : vector<16xi32>
        %bitcast_convert_type3A_1412 = tpu.bitcast %shift_left3A_1411 : vector<16xi32> -> vector<16xf32>
        %and3A_1413 = arith.andi %get3A_1408, %broadcast_in_dim3A_3 : vector<16xi32>
        %bitcast_convert_type3A_1414 = tpu.bitcast %and3A_1413 : vector<16xi32> -> vector<16xf32>
        %get3A_1415 = arith.index_cast %add3A_1384 : i32 to index
        %get3A_1416 = arith.constant 16 : index
        %get3A_1417 = tpu.vector_load %arg12[%get3A_1415, %get3A_1416] {strides = array<i32>} : memref<128x64xi32, #tpu.memory_space<vmem>>, vector<16xi32>,
        %shift_left3A_1418 = arith.constant 16 : i32
        %shift_left3A_1419 = vector.broadcast %shift_left3A_1418 : i32 to vector<16xi32>
        %shift_left3A_1420 = arith.shli %get3A_1417, %shift_left3A_1419 : vector<16xi32>
        %bitcast_convert_type3A_1421 = tpu.bitcast %shift_left3A_1420 : vector<16xi32> -> vector<16xf32>
        %and3A_1422 = arith.andi %get3A_1417, %broadcast_in_dim3A_3 : vector<16xi32>
        %bitcast_convert_type3A_1423 = tpu.bitcast %and3A_1422 : vector<16xi32> -> vector<16xf32>
        %mul3A_1424 = arith.mulf %bitcast_convert_type3A_1412, %bitcast_convert_type3A_1421 : vector<16xf32>
        %mul3A_1425 = arith.mulf %bitcast_convert_type3A_1414, %bitcast_convert_type3A_1423 : vector<16xf32>
        %add3A_1426 = arith.addf %mul3A_1424, %mul3A_1425 : vector<16xf32>
        %add3A_1427 = arith.addf %add3A_1405, %add3A_1426 : vector<16xf32>
        %get3A_1428 = arith.index_cast %add3A_1384 : i32 to index
        %get3A_1429 = arith.constant 32 : index
        %get3A_1430 = tpu.vector_load %arg10[%get3A_1428, %get3A_1429] {strides = array<i32>} : memref<128x64xi32, #tpu.memory_space<vmem>>, vector<16xi32>,
        %shift_left3A_1431 = arith.constant 16 : i32
        %shift_left3A_1432 = vector.broadcast %shift_left3A_1431 : i32 to vector<16xi32>
        %shift_left3A_1433 = arith.shli %get3A_1430, %shift_left3A_1432 : vector<16xi32>
        %bitcast_convert_type3A_1434 = tpu.bitcast %shift_left3A_1433 : vector<16xi32> -> vector<16xf32>
        %and3A_1435 = arith.andi %get3A_1430, %broadcast_in_dim3A_3 : vector<16xi32>
        %bitcast_convert_type3A_1436 = tpu.bitcast %and3A_1435 : vector<16xi32> -> vector<16xf32>
        %get3A_1437 = arith.index_cast %add3A_1384 : i32 to index
        %get3A_1438 = arith.constant 32 : index
        %get3A_1439 = tpu.vector_load %arg12[%get3A_1437, %get3A_1438] {strides = array<i32>} : memref<128x64xi32, #tpu.memory_space<vmem>>, vector<16xi32>,
        %shift_left3A_1440 = arith.constant 16 : i32
        %shift_left3A_1441 = vector.broadcast %shift_left3A_1440 : i32 to vector<16xi32>
        %shift_left3A_1442 = arith.shli %get3A_1439, %shift_left3A_1441 : vector<16xi32>
        %bitcast_convert_type3A_1443 = tpu.bitcast %shift_left3A_1442 : vector<16xi32> -> vector<16xf32>
        %and3A_1444 = arith.andi %get3A_1439, %broadcast_in_dim3A_3 : vector<16xi32>
        %bitcast_convert_type3A_1445 = tpu.bitcast %and3A_1444 : vector<16xi32> -> vector<16xf32>
        %mul3A_1446 = arith.mulf %bitcast_convert_type3A_1434, %bitcast_convert_type3A_1443 : vector<16xf32>
        %mul3A_1447 = arith.mulf %bitcast_convert_type3A_1436, %bitcast_convert_type3A_1445 : vector<16xf32>
        %add3A_1448 = arith.addf %mul3A_1446, %mul3A_1447 : vector<16xf32>
        %add3A_1449 = arith.addf %add3A_1427, %add3A_1448 : vector<16xf32>
        %get3A_1450 = arith.index_cast %add3A_1384 : i32 to index
        %get3A_1451 = arith.constant 48 : index
        %get3A_1452 = tpu.vector_load %arg10[%get3A_1450, %get3A_1451] {strides = array<i32>} : memref<128x64xi32, #tpu.memory_space<vmem>>, vector<16xi32>,
        %shift_left3A_1453 = arith.constant 16 : i32
        %shift_left3A_1454 = vector.broadcast %shift_left3A_1453 : i32 to vector<16xi32>
        %shift_left3A_1455 = arith.shli %get3A_1452, %shift_left3A_1454 : vector<16xi32>
        %bitcast_convert_type3A_1456 = tpu.bitcast %shift_left3A_1455 : vector<16xi32> -> vector<16xf32>
        %and3A_1457 = arith.andi %get3A_1452, %broadcast_in_dim3A_3 : vector<16xi32>
        %bitcast_convert_type3A_1458 = tpu.bitcast %and3A_1457 : vector<16xi32> -> vector<16xf32>
        %get3A_1459 = arith.index_cast %add3A_1384 : i32 to index
        %get3A_1460 = arith.constant 48 : index
        %get3A_1461 = tpu.vector_load %arg12[%get3A_1459, %get3A_1460] {strides = array<i32>} : memref<128x64xi32, #tpu.memory_space<vmem>>, vector<16xi32>,
        %shift_left3A_1462 = arith.constant 16 : i32
        %shift_left3A_1463 = vector.broadcast %shift_left3A_1462 : i32 to vector<16xi32>
        %shift_left3A_1464 = arith.shli %get3A_1461, %shift_left3A_1463 : vector<16xi32>
        %bitcast_convert_type3A_1465 = tpu.bitcast %shift_left3A_1464 : vector<16xi32> -> vector<16xf32>
        %and3A_1466 = arith.andi %get3A_1461, %broadcast_in_dim3A_3 : vector<16xi32>
        %bitcast_convert_type3A_1467 = tpu.bitcast %and3A_1466 : vector<16xi32> -> vector<16xf32>
        %mul3A_1468 = arith.mulf %bitcast_convert_type3A_1456, %bitcast_convert_type3A_1465 : vector<16xf32>
        %mul3A_1469 = arith.mulf %bitcast_convert_type3A_1458, %bitcast_convert_type3A_1467 : vector<16xf32>
        %add3A_1470 = arith.addf %mul3A_1468, %mul3A_1469 : vector<16xf32>
        %add3A_1471 = arith.addf %add3A_1449, %add3A_1470 : vector<16xf32>
        %eq3A_1472 = arith.constant 13 : i32
        %eq3A_1473 = vector.broadcast %eq3A_1472 : i32 to vector<16xi32>
        %eq3A_1474 = arith.cmpi eq, %iota3A, %eq3A_1473 : vector<16xi32>
        %reduce_sum3A_1475 = arith.constant true
        %reduce_sum3A_1476 = vector.broadcast %reduce_sum3A_1475 : i1 to vector<16xi1>
        %reduce_sum3A_1477 = tpu.scan <sum>, %add3A_1471 masked %reduce_sum3A_1476 : vector<16xf32>, vector<16xi1> -> vector<16xf32>
        %reduce_sum3A_1478 = vector.extract %reduce_sum3A_1477[15] : f32 from vector<16xf32>
        %broadcast_in_dim3A_1479 = vector.broadcast %reduce_sum3A_1478 : f32 to vector<16xf32>
        %select_n3A_1480 = arith.select %eq3A_1474, %broadcast_in_dim3A_1479, %select_n3A_1380 : vector<16xi1>, vector<16xf32>
        %mul3A_1481 = arith.constant 16 : i32
        %mul3A_1482 = arith.muli %scan3A_84, %mul3A_1481 : i32
        %add3A_1483 = arith.constant 14 : i32
        %add3A_1484 = arith.addi %mul3A_1482, %add3A_1483 : i32
        %get3A_1485 = arith.index_cast %add3A_1484 : i32 to index
        %get3A_1486 = arith.constant 0 : index
        %get3A_1487 = tpu.vector_load %arg10[%get3A_1485, %get3A_1486] {strides = array<i32>} : memref<128x64xi32, #tpu.memory_space<vmem>>, vector<16xi32>,
        %shift_left3A_1488 = arith.constant 16 : i32
        %shift_left3A_1489 = vector.broadcast %shift_left3A_1488 : i32 to vector<16xi32>
        %shift_left3A_1490 = arith.shli %get3A_1487, %shift_left3A_1489 : vector<16xi32>
        %bitcast_convert_type3A_1491 = tpu.bitcast %shift_left3A_1490 : vector<16xi32> -> vector<16xf32>
        %and3A_1492 = arith.andi %get3A_1487, %broadcast_in_dim3A_3 : vector<16xi32>
        %bitcast_convert_type3A_1493 = tpu.bitcast %and3A_1492 : vector<16xi32> -> vector<16xf32>
        %get3A_1494 = arith.index_cast %add3A_1484 : i32 to index
        %get3A_1495 = arith.constant 0 : index
        %get3A_1496 = tpu.vector_load %arg12[%get3A_1494, %get3A_1495] {strides = array<i32>} : memref<128x64xi32, #tpu.memory_space<vmem>>, vector<16xi32>,
        %shift_left3A_1497 = arith.constant 16 : i32
        %shift_left3A_1498 = vector.broadcast %shift_left3A_1497 : i32 to vector<16xi32>
        %shift_left3A_1499 = arith.shli %get3A_1496, %shift_left3A_1498 : vector<16xi32>
        %bitcast_convert_type3A_1500 = tpu.bitcast %shift_left3A_1499 : vector<16xi32> -> vector<16xf32>
        %and3A_1501 = arith.andi %get3A_1496, %broadcast_in_dim3A_3 : vector<16xi32>
        %bitcast_convert_type3A_1502 = tpu.bitcast %and3A_1501 : vector<16xi32> -> vector<16xf32>
        %mul3A_1503 = arith.mulf %bitcast_convert_type3A_1491, %bitcast_convert_type3A_1500 : vector<16xf32>
        %mul3A_1504 = arith.mulf %bitcast_convert_type3A_1493, %bitcast_convert_type3A_1502 : vector<16xf32>
        %add3A_1505 = arith.addf %mul3A_1503, %mul3A_1504 : vector<16xf32>
        %get3A_1506 = arith.index_cast %add3A_1484 : i32 to index
        %get3A_1507 = arith.constant 16 : index
        %get3A_1508 = tpu.vector_load %arg10[%get3A_1506, %get3A_1507] {strides = array<i32>} : memref<128x64xi32, #tpu.memory_space<vmem>>, vector<16xi32>,
        %shift_left3A_1509 = arith.constant 16 : i32
        %shift_left3A_1510 = vector.broadcast %shift_left3A_1509 : i32 to vector<16xi32>
        %shift_left3A_1511 = arith.shli %get3A_1508, %shift_left3A_1510 : vector<16xi32>
        %bitcast_convert_type3A_1512 = tpu.bitcast %shift_left3A_1511 : vector<16xi32> -> vector<16xf32>
        %and3A_1513 = arith.andi %get3A_1508, %broadcast_in_dim3A_3 : vector<16xi32>
        %bitcast_convert_type3A_1514 = tpu.bitcast %and3A_1513 : vector<16xi32> -> vector<16xf32>
        %get3A_1515 = arith.index_cast %add3A_1484 : i32 to index
        %get3A_1516 = arith.constant 16 : index
        %get3A_1517 = tpu.vector_load %arg12[%get3A_1515, %get3A_1516] {strides = array<i32>} : memref<128x64xi32, #tpu.memory_space<vmem>>, vector<16xi32>,
        %shift_left3A_1518 = arith.constant 16 : i32
        %shift_left3A_1519 = vector.broadcast %shift_left3A_1518 : i32 to vector<16xi32>
        %shift_left3A_1520 = arith.shli %get3A_1517, %shift_left3A_1519 : vector<16xi32>
        %bitcast_convert_type3A_1521 = tpu.bitcast %shift_left3A_1520 : vector<16xi32> -> vector<16xf32>
        %and3A_1522 = arith.andi %get3A_1517, %broadcast_in_dim3A_3 : vector<16xi32>
        %bitcast_convert_type3A_1523 = tpu.bitcast %and3A_1522 : vector<16xi32> -> vector<16xf32>
        %mul3A_1524 = arith.mulf %bitcast_convert_type3A_1512, %bitcast_convert_type3A_1521 : vector<16xf32>
        %mul3A_1525 = arith.mulf %bitcast_convert_type3A_1514, %bitcast_convert_type3A_1523 : vector<16xf32>
        %add3A_1526 = arith.addf %mul3A_1524, %mul3A_1525 : vector<16xf32>
        %add3A_1527 = arith.addf %add3A_1505, %add3A_1526 : vector<16xf32>
        %get3A_1528 = arith.index_cast %add3A_1484 : i32 to index
        %get3A_1529 = arith.constant 32 : index
        %get3A_1530 = tpu.vector_load %arg10[%get3A_1528, %get3A_1529] {strides = array<i32>} : memref<128x64xi32, #tpu.memory_space<vmem>>, vector<16xi32>,
        %shift_left3A_1531 = arith.constant 16 : i32
        %shift_left3A_1532 = vector.broadcast %shift_left3A_1531 : i32 to vector<16xi32>
        %shift_left3A_1533 = arith.shli %get3A_1530, %shift_left3A_1532 : vector<16xi32>
        %bitcast_convert_type3A_1534 = tpu.bitcast %shift_left3A_1533 : vector<16xi32> -> vector<16xf32>
        %and3A_1535 = arith.andi %get3A_1530, %broadcast_in_dim3A_3 : vector<16xi32>
        %bitcast_convert_type3A_1536 = tpu.bitcast %and3A_1535 : vector<16xi32> -> vector<16xf32>
        %get3A_1537 = arith.index_cast %add3A_1484 : i32 to index
        %get3A_1538 = arith.constant 32 : index
        %get3A_1539 = tpu.vector_load %arg12[%get3A_1537, %get3A_1538] {strides = array<i32>} : memref<128x64xi32, #tpu.memory_space<vmem>>, vector<16xi32>,
        %shift_left3A_1540 = arith.constant 16 : i32
        %shift_left3A_1541 = vector.broadcast %shift_left3A_1540 : i32 to vector<16xi32>
        %shift_left3A_1542 = arith.shli %get3A_1539, %shift_left3A_1541 : vector<16xi32>
        %bitcast_convert_type3A_1543 = tpu.bitcast %shift_left3A_1542 : vector<16xi32> -> vector<16xf32>
        %and3A_1544 = arith.andi %get3A_1539, %broadcast_in_dim3A_3 : vector<16xi32>
        %bitcast_convert_type3A_1545 = tpu.bitcast %and3A_1544 : vector<16xi32> -> vector<16xf32>
        %mul3A_1546 = arith.mulf %bitcast_convert_type3A_1534, %bitcast_convert_type3A_1543 : vector<16xf32>
        %mul3A_1547 = arith.mulf %bitcast_convert_type3A_1536, %bitcast_convert_type3A_1545 : vector<16xf32>
        %add3A_1548 = arith.addf %mul3A_1546, %mul3A_1547 : vector<16xf32>
        %add3A_1549 = arith.addf %add3A_1527, %add3A_1548 : vector<16xf32>
        %get3A_1550 = arith.index_cast %add3A_1484 : i32 to index
        %get3A_1551 = arith.constant 48 : index
        %get3A_1552 = tpu.vector_load %arg10[%get3A_1550, %get3A_1551] {strides = array<i32>} : memref<128x64xi32, #tpu.memory_space<vmem>>, vector<16xi32>,
        %shift_left3A_1553 = arith.constant 16 : i32
        %shift_left3A_1554 = vector.broadcast %shift_left3A_1553 : i32 to vector<16xi32>
        %shift_left3A_1555 = arith.shli %get3A_1552, %shift_left3A_1554 : vector<16xi32>
        %bitcast_convert_type3A_1556 = tpu.bitcast %shift_left3A_1555 : vector<16xi32> -> vector<16xf32>
        %and3A_1557 = arith.andi %get3A_1552, %broadcast_in_dim3A_3 : vector<16xi32>
        %bitcast_convert_type3A_1558 = tpu.bitcast %and3A_1557 : vector<16xi32> -> vector<16xf32>
        %get3A_1559 = arith.index_cast %add3A_1484 : i32 to index
        %get3A_1560 = arith.constant 48 : index
        %get3A_1561 = tpu.vector_load %arg12[%get3A_1559, %get3A_1560] {strides = array<i32>} : memref<128x64xi32, #tpu.memory_space<vmem>>, vector<16xi32>,
        %shift_left3A_1562 = arith.constant 16 : i32
        %shift_left3A_1563 = vector.broadcast %shift_left3A_1562 : i32 to vector<16xi32>
        %shift_left3A_1564 = arith.shli %get3A_1561, %shift_left3A_1563 : vector<16xi32>
        %bitcast_convert_type3A_1565 = tpu.bitcast %shift_left3A_1564 : vector<16xi32> -> vector<16xf32>
        %and3A_1566 = arith.andi %get3A_1561, %broadcast_in_dim3A_3 : vector<16xi32>
        %bitcast_convert_type3A_1567 = tpu.bitcast %and3A_1566 : vector<16xi32> -> vector<16xf32>
        %mul3A_1568 = arith.mulf %bitcast_convert_type3A_1556, %bitcast_convert_type3A_1565 : vector<16xf32>
        %mul3A_1569 = arith.mulf %bitcast_convert_type3A_1558, %bitcast_convert_type3A_1567 : vector<16xf32>
        %add3A_1570 = arith.addf %mul3A_1568, %mul3A_1569 : vector<16xf32>
        %add3A_1571 = arith.addf %add3A_1549, %add3A_1570 : vector<16xf32>
        %eq3A_1572 = arith.constant 14 : i32
        %eq3A_1573 = vector.broadcast %eq3A_1572 : i32 to vector<16xi32>
        %eq3A_1574 = arith.cmpi eq, %iota3A, %eq3A_1573 : vector<16xi32>
        %reduce_sum3A_1575 = arith.constant true
        %reduce_sum3A_1576 = vector.broadcast %reduce_sum3A_1575 : i1 to vector<16xi1>
        %reduce_sum3A_1577 = tpu.scan <sum>, %add3A_1571 masked %reduce_sum3A_1576 : vector<16xf32>, vector<16xi1> -> vector<16xf32>
        %reduce_sum3A_1578 = vector.extract %reduce_sum3A_1577[15] : f32 from vector<16xf32>
        %broadcast_in_dim3A_1579 = vector.broadcast %reduce_sum3A_1578 : f32 to vector<16xf32>
        %select_n3A_1580 = arith.select %eq3A_1574, %broadcast_in_dim3A_1579, %select_n3A_1480 : vector<16xi1>, vector<16xf32>
        %mul3A_1581 = arith.constant 16 : i32
        %mul3A_1582 = arith.muli %scan3A_84, %mul3A_1581 : i32
        %add3A_1583 = arith.constant 15 : i32
        %add3A_1584 = arith.addi %mul3A_1582, %add3A_1583 : i32
        %get3A_1585 = arith.index_cast %add3A_1584 : i32 to index
        %get3A_1586 = arith.constant 0 : index
        %get3A_1587 = tpu.vector_load %arg10[%get3A_1585, %get3A_1586] {strides = array<i32>} : memref<128x64xi32, #tpu.memory_space<vmem>>, vector<16xi32>,
        %shift_left3A_1588 = arith.constant 16 : i32
        %shift_left3A_1589 = vector.broadcast %shift_left3A_1588 : i32 to vector<16xi32>
        %shift_left3A_1590 = arith.shli %get3A_1587, %shift_left3A_1589 : vector<16xi32>
        %bitcast_convert_type3A_1591 = tpu.bitcast %shift_left3A_1590 : vector<16xi32> -> vector<16xf32>
        %and3A_1592 = arith.andi %get3A_1587, %broadcast_in_dim3A_3 : vector<16xi32>
        %bitcast_convert_type3A_1593 = tpu.bitcast %and3A_1592 : vector<16xi32> -> vector<16xf32>
        %get3A_1594 = arith.index_cast %add3A_1584 : i32 to index
        %get3A_1595 = arith.constant 0 : index
        %get3A_1596 = tpu.vector_load %arg12[%get3A_1594, %get3A_1595] {strides = array<i32>} : memref<128x64xi32, #tpu.memory_space<vmem>>, vector<16xi32>,
        %shift_left3A_1597 = arith.constant 16 : i32
        %shift_left3A_1598 = vector.broadcast %shift_left3A_1597 : i32 to vector<16xi32>
        %shift_left3A_1599 = arith.shli %get3A_1596, %shift_left3A_1598 : vector<16xi32>
        %bitcast_convert_type3A_1600 = tpu.bitcast %shift_left3A_1599 : vector<16xi32> -> vector<16xf32>
        %and3A_1601 = arith.andi %get3A_1596, %broadcast_in_dim3A_3 : vector<16xi32>
        %bitcast_convert_type3A_1602 = tpu.bitcast %and3A_1601 : vector<16xi32> -> vector<16xf32>
        %mul3A_1603 = arith.mulf %bitcast_convert_type3A_1591, %bitcast_convert_type3A_1600 : vector<16xf32>
        %mul3A_1604 = arith.mulf %bitcast_convert_type3A_1593, %bitcast_convert_type3A_1602 : vector<16xf32>
        %add3A_1605 = arith.addf %mul3A_1603, %mul3A_1604 : vector<16xf32>
        %get3A_1606 = arith.index_cast %add3A_1584 : i32 to index
        %get3A_1607 = arith.constant 16 : index
        %get3A_1608 = tpu.vector_load %arg10[%get3A_1606, %get3A_1607] {strides = array<i32>} : memref<128x64xi32, #tpu.memory_space<vmem>>, vector<16xi32>,
        %shift_left3A_1609 = arith.constant 16 : i32
        %shift_left3A_1610 = vector.broadcast %shift_left3A_1609 : i32 to vector<16xi32>
        %shift_left3A_1611 = arith.shli %get3A_1608, %shift_left3A_1610 : vector<16xi32>
        %bitcast_convert_type3A_1612 = tpu.bitcast %shift_left3A_1611 : vector<16xi32> -> vector<16xf32>
        %and3A_1613 = arith.andi %get3A_1608, %broadcast_in_dim3A_3 : vector<16xi32>
        %bitcast_convert_type3A_1614 = tpu.bitcast %and3A_1613 : vector<16xi32> -> vector<16xf32>
        %get3A_1615 = arith.index_cast %add3A_1584 : i32 to index
        %get3A_1616 = arith.constant 16 : index
        %get3A_1617 = tpu.vector_load %arg12[%get3A_1615, %get3A_1616] {strides = array<i32>} : memref<128x64xi32, #tpu.memory_space<vmem>>, vector<16xi32>,
        %shift_left3A_1618 = arith.constant 16 : i32
        %shift_left3A_1619 = vector.broadcast %shift_left3A_1618 : i32 to vector<16xi32>
        %shift_left3A_1620 = arith.shli %get3A_1617, %shift_left3A_1619 : vector<16xi32>
        %bitcast_convert_type3A_1621 = tpu.bitcast %shift_left3A_1620 : vector<16xi32> -> vector<16xf32>
        %and3A_1622 = arith.andi %get3A_1617, %broadcast_in_dim3A_3 : vector<16xi32>
        %bitcast_convert_type3A_1623 = tpu.bitcast %and3A_1622 : vector<16xi32> -> vector<16xf32>
        %mul3A_1624 = arith.mulf %bitcast_convert_type3A_1612, %bitcast_convert_type3A_1621 : vector<16xf32>
        %mul3A_1625 = arith.mulf %bitcast_convert_type3A_1614, %bitcast_convert_type3A_1623 : vector<16xf32>
        %add3A_1626 = arith.addf %mul3A_1624, %mul3A_1625 : vector<16xf32>
        %add3A_1627 = arith.addf %add3A_1605, %add3A_1626 : vector<16xf32>
        %get3A_1628 = arith.index_cast %add3A_1584 : i32 to index
        %get3A_1629 = arith.constant 32 : index
        %get3A_1630 = tpu.vector_load %arg10[%get3A_1628, %get3A_1629] {strides = array<i32>} : memref<128x64xi32, #tpu.memory_space<vmem>>, vector<16xi32>,
        %shift_left3A_1631 = arith.constant 16 : i32
        %shift_left3A_1632 = vector.broadcast %shift_left3A_1631 : i32 to vector<16xi32>
        %shift_left3A_1633 = arith.shli %get3A_1630, %shift_left3A_1632 : vector<16xi32>
        %bitcast_convert_type3A_1634 = tpu.bitcast %shift_left3A_1633 : vector<16xi32> -> vector<16xf32>
        %and3A_1635 = arith.andi %get3A_1630, %broadcast_in_dim3A_3 : vector<16xi32>
        %bitcast_convert_type3A_1636 = tpu.bitcast %and3A_1635 : vector<16xi32> -> vector<16xf32>
        %get3A_1637 = arith.index_cast %add3A_1584 : i32 to index
        %get3A_1638 = arith.constant 32 : index
        %get3A_1639 = tpu.vector_load %arg12[%get3A_1637, %get3A_1638] {strides = array<i32>} : memref<128x64xi32, #tpu.memory_space<vmem>>, vector<16xi32>,
        %shift_left3A_1640 = arith.constant 16 : i32
        %shift_left3A_1641 = vector.broadcast %shift_left3A_1640 : i32 to vector<16xi32>
        %shift_left3A_1642 = arith.shli %get3A_1639, %shift_left3A_1641 : vector<16xi32>
        %bitcast_convert_type3A_1643 = tpu.bitcast %shift_left3A_1642 : vector<16xi32> -> vector<16xf32>
        %and3A_1644 = arith.andi %get3A_1639, %broadcast_in_dim3A_3 : vector<16xi32>
        %bitcast_convert_type3A_1645 = tpu.bitcast %and3A_1644 : vector<16xi32> -> vector<16xf32>
        %mul3A_1646 = arith.mulf %bitcast_convert_type3A_1634, %bitcast_convert_type3A_1643 : vector<16xf32>
        %mul3A_1647 = arith.mulf %bitcast_convert_type3A_1636, %bitcast_convert_type3A_1645 : vector<16xf32>
        %add3A_1648 = arith.addf %mul3A_1646, %mul3A_1647 : vector<16xf32>
        %add3A_1649 = arith.addf %add3A_1627, %add3A_1648 : vector<16xf32>
        %get3A_1650 = arith.index_cast %add3A_1584 : i32 to index
        %get3A_1651 = arith.constant 48 : index
        %get3A_1652 = tpu.vector_load %arg10[%get3A_1650, %get3A_1651] {strides = array<i32>} : memref<128x64xi32, #tpu.memory_space<vmem>>, vector<16xi32>,
        %shift_left3A_1653 = arith.constant 16 : i32
        %shift_left3A_1654 = vector.broadcast %shift_left3A_1653 : i32 to vector<16xi32>
        %shift_left3A_1655 = arith.shli %get3A_1652, %shift_left3A_1654 : vector<16xi32>
        %bitcast_convert_type3A_1656 = tpu.bitcast %shift_left3A_1655 : vector<16xi32> -> vector<16xf32>
        %and3A_1657 = arith.andi %get3A_1652, %broadcast_in_dim3A_3 : vector<16xi32>
        %bitcast_convert_type3A_1658 = tpu.bitcast %and3A_1657 : vector<16xi32> -> vector<16xf32>
        %get3A_1659 = arith.index_cast %add3A_1584 : i32 to index
        %get3A_1660 = arith.constant 48 : index
        %get3A_1661 = tpu.vector_load %arg12[%get3A_1659, %get3A_1660] {strides = array<i32>} : memref<128x64xi32, #tpu.memory_space<vmem>>, vector<16xi32>,
        %shift_left3A_1662 = arith.constant 16 : i32
        %shift_left3A_1663 = vector.broadcast %shift_left3A_1662 : i32 to vector<16xi32>
        %shift_left3A_1664 = arith.shli %get3A_1661, %shift_left3A_1663 : vector<16xi32>
        %bitcast_convert_type3A_1665 = tpu.bitcast %shift_left3A_1664 : vector<16xi32> -> vector<16xf32>
        %and3A_1666 = arith.andi %get3A_1661, %broadcast_in_dim3A_3 : vector<16xi32>
        %bitcast_convert_type3A_1667 = tpu.bitcast %and3A_1666 : vector<16xi32> -> vector<16xf32>
        %mul3A_1668 = arith.mulf %bitcast_convert_type3A_1656, %bitcast_convert_type3A_1665 : vector<16xf32>
        %mul3A_1669 = arith.mulf %bitcast_convert_type3A_1658, %bitcast_convert_type3A_1667 : vector<16xf32>
        %add3A_1670 = arith.addf %mul3A_1668, %mul3A_1669 : vector<16xf32>
        %add3A_1671 = arith.addf %add3A_1649, %add3A_1670 : vector<16xf32>
        %eq3A_1672 = arith.constant 15 : i32
        %eq3A_1673 = vector.broadcast %eq3A_1672 : i32 to vector<16xi32>
        %eq3A_1674 = arith.cmpi eq, %iota3A, %eq3A_1673 : vector<16xi32>
        %reduce_sum3A_1675 = arith.constant true
        %reduce_sum3A_1676 = vector.broadcast %reduce_sum3A_1675 : i1 to vector<16xi1>
        %reduce_sum3A_1677 = tpu.scan <sum>, %add3A_1671 masked %reduce_sum3A_1676 : vector<16xf32>, vector<16xi1> -> vector<16xf32>
        %reduce_sum3A_1678 = vector.extract %reduce_sum3A_1677[15] : f32 from vector<16xf32>
        %broadcast_in_dim3A_1679 = vector.broadcast %reduce_sum3A_1678 : f32 to vector<16xf32>
        %select_n3A_1680 = arith.select %eq3A_1674, %broadcast_in_dim3A_1679, %select_n3A_1580 : vector<16xi1>, vector<16xf32>
        %mul3A_1681 = arith.constant 16 : i32
        %mul3A_1682 = arith.muli %scan3A_84, %mul3A_1681 : i32
        %swap3A = arith.index_cast %add3A_77 : i32 to index
        %swap3A_1683 = arith.index_cast %mul3A_1682 : i32 to index
        %swap3A_1684 = tpu.vector_load %arg13[%swap3A, %swap3A_1683] {strides = array<i32>} : memref<80x128xf32, #tpu.memory_space<vmem>>, vector<16xf32>,
        tpu.vector_store %arg13[%swap3A, %swap3A_1683], %select_n3A_1680 {strides = array<i32>} : memref<80x128xf32, #tpu.memory_space<vmem>>, vector<16xf32>,
      }
      %scan3A_83 = arith.constant 8 : i32
    }
    %scan3A_21 = arith.constant 40 : i32
    "tpu.region"() ({
      %run_scoped3A = tpu.sem_alloc : memref<!tpu.dma_semaphore, #tpu.memory_space<semaphore_mem>>
      %dma_start3A_22 = arith.constant 0 : i32
      %dma_start3A_23 = arith.constant 0 : i32
      %dma_start3A_24 = tpu.memref_slice %arg5[%add3A, %dma_start3A_22, %dma_start3A_23] : memref<32x80x128xf32, #tpu.memory_space<hbm>> -> memref<1x80x128xf32, #tpu.memory_space<hbm>>
      %dma_start3A_25 = tpu.memref_squeeze %dma_start3A_24 : memref<1x80x128xf32, #tpu.memory_space<hbm>> -> memref<80x128xf32, #tpu.memory_space<hbm>>
      %dma_start3A_26 = arith.constant 0 : i32
      %dma_start3A_27 = arith.constant 0 : i32
      %dma_start3A_28 = tpu.memref_slice %arg5[%add3A, %dma_start3A_26, %dma_start3A_27] : memref<32x80x128xf32, #tpu.memory_space<hbm>> -> memref<1x80x128xf32, #tpu.memory_space<hbm>>
      %dma_start3A_29 = tpu.memref_squeeze %dma_start3A_28 : memref<1x80x128xf32, #tpu.memory_space<hbm>> -> memref<80x128xf32, #tpu.memory_space<hbm>>
      tpu.enqueue_dma source(%arg13 : memref<80x128xf32, #tpu.memory_space<vmem>>) target(%dma_start3A_29 : memref<80x128xf32, #tpu.memory_space<hbm>>) target_semaphore(%run_scoped3A : memref<!tpu.dma_semaphore, #tpu.memory_space<semaphore_mem>>)
      %dma_wait3A = arith.constant 0 : i32
      %dma_wait3A_30 = arith.constant 0 : i32
      %dma_wait3A_31 = tpu.memref_slice %arg5[%add3A, %dma_wait3A, %dma_wait3A_30] : memref<32x80x128xf32, #tpu.memory_space<hbm>> -> memref<1x80x128xf32, #tpu.memory_space<hbm>>
      %dma_wait3A_32 = tpu.memref_squeeze %dma_wait3A_31 : memref<1x80x128xf32, #tpu.memory_space<hbm>> -> memref<80x128xf32, #tpu.memory_space<hbm>>
      %dma_wait3A_33 = arith.constant 0 : i32
      %dma_wait3A_34 = arith.constant 0 : i32
      %dma_wait3A_35 = tpu.memref_slice %arg5[%add3A, %dma_wait3A_33, %dma_wait3A_34] : memref<32x80x128xf32, #tpu.memory_space<hbm>> -> memref<1x80x128xf32, #tpu.memory_space<hbm>>
      %dma_wait3A_36 = tpu.memref_squeeze %dma_wait3A_35 : memref<1x80x128xf32, #tpu.memory_space<hbm>> -> memref<80x128xf32, #tpu.memory_space<hbm>>
      tpu.wait_dma2 semaphore(%run_scoped3A : memref<!tpu.dma_semaphore, #tpu.memory_space<semaphore_mem>>) src(%arg13 : memref<80x128xf32, #tpu.memory_space<vmem>>) dst(%dma_wait3A_36 : memref<80x128xf32, #tpu.memory_space<hbm>>)
      tpu.yield
    }) : () -> ()
    return
  }
}

</mosaic_0001>

<sc_bundles>
// kernel: _edge_scores.3.cloned.1.call-start
scs
__scs_entry_jumppad:
0x0: {  	(pc) =	sbr.rel $0x88, $3  }
0x1: {  	(tag) =	ssettag $0x0;
	lr =	simm.s32 $0x1  }
0x2: {  	[smem:$0x3F9E] =	sst lr;
	_ =	strace $0xD0000000  }
0x3: {  	_ = 	snop  }
0x4: {  	_ = 	snop  }
0x5: {  	_ = 	snop  }
0x6: {  	_ = 	snop  }
0x7: {  	_ = 	snop  }
__scs_overlays_trampoline_lowered:
0x8: {  	[smem:$0x3FAD] =	sst s0  }
0x9: {  	[smem:$0x3FAE] =	sst s1  }
0xa: {  	[smem:$0x3FAF] =	sst s2  }
0xb: {  	[smem:$0x3FB0] =	sst s3  }
0xc: {  	[smem:$0x3FB1] =	sst s4  }
0xd: {  	[smem:$0x3FB2] =	sst s5  }
0xe: {  	[smem:$0x3FB3] =	sst s6  }
0xf: {  	[smem:$0x3FB4] =	sst s7  }
0x10: {  	[smem:$0x3FB5] =	sst s8  }
0x11: {  	[smem:$0x3FB6] =	sst s9;
	s0 =	simm.s32 @!p0 $0x0  }
0x12: {  	s1 =	sld [smem:$0x3F9C];
	s0 =	simm.s32 @p0 $0x1  }
0x13: {  	[smem:$0x3FB7] =	sst s0;
	s0 =	simm.s32 @!p1 $0x0  }
0x14: {  	s2 =	sld [smem:$0x3F9B];
	s0 =	simm.s32 @p1 $0x1  }
0x15: {  	[smem:$0x3FB8] =	sst s0;
	s0 =	simm.s32 @!p2 $0x0  }
0x16: {  	s3 =	sld [smem:$0x3FDB];
	s0 =	simm.s32 @p2 $0x1  }
0x17: {  	s4 =	simm.s32 $0x1BF5;
	[smem:$0x3FBA] =	sst s0  }
0x18: {  	s0 =	sld [smem:$0x3F9D];
	_ =	swait.ge [sflag:s4], $0x0  }
0x19: {  	s7 =	sld [smem:$0x3F9E]  }
0x1a: {  	s8 =	sadd.s32 $0xFFFFE003, lr  }
0x1b: {  	s9 =	sadd.s32 $0xFFFFFEF7, lr;
	s5 =	simm.s32 $0xFFFFFFFF;
	p2 =	slt.u32 s8, $0xFFFFF086  }
0x1c: {  	p1 =	slt.u32 s9, $0xF7A;
	s5 =	simm.s32 @!p2 $0x0  }
0x1d: {  	s5 =	simm.s32 @p1 $0x1;
	p0 =	seq.s32 s7, s2  }
0x1e: {  	s7 =	smul.u32 @!p0 $0xF7A, s2;
	p2 =	seq.s32 @!p0 s5, $0x0  }
0x1f: {  	s9 =	smul.u32 $0xF7A, s1;
	s8 =	simm.s32 @!p0 $0x1BF5;
	p2 =	por !p2, p0  }
0x20: {  	[sflag:s8] =	ssyncset.s32 @!p0 $0xFFFFF086;
	s6 =	sadd.s32 @!p0 s3, s7;
	s7 =	simm.s32 @!p0 $0x108  }
0x21: {  	s3 =	sadd.s32 s3, s9;
	s6 =	sadd.s32 @!p0 $0x88, s6;
	s7 =	simm.s32 @p2 $0x1082  }
0x22: {  	[simem:s7], [sflag:s8] =	dma.local @!p0 [hbm:s6], $0xF7A  }
0x23: {  	s9 =	sor.u32 $0xD0000000, s2;
	s6 =	simm.s32 $0x108;
	_ =	swait.ge @!p0 [sflag:s8], $0x0  }
0x24: {  	s3 =	sadd.s32 $0x88, s3;
	s6 =	simm.s32 @!p1 $0x1082;
	[sflag:s4] =	ssyncset.s32 $0xFFFFF086  }
0x25: {  	[simem:s6], [sflag:s4] =	dma.local [hbm:s3], $0xF7A  }
0x26: {  	[smem:$0x3F9E] =	sst s1;
	(tag) =	ssettag s2;
	_ =	strace s9  }
0x27: {  	s1 =	sld [smem:$0x3FAE]  }
0x28: {  	s2 =	sld [smem:$0x3FAF]  }
0x29: {  	s4 =	sld [smem:$0x3FB1]  }
0x2a: {  	p0 =	seq.s32 s5, $0x0;
	s5 =	sld [smem:$0x3FB2]  }
0x2b: {  	s6 =	sld [smem:$0x3FB3]  }
0x2c: {  	s7 =	sld [smem:$0x3FB4]  }
0x2d: {  	s3 =	simm.s32 $0x108;
	s8 =	sld [smem:$0x3FB5]  }
0x2e: {  	s3 =	simm.s32 @!p0 $0x1082;
	s9 =	sld [smem:$0x3FB6]  }
0x2f: {  	lr =	sadd.s32 s0, s3;
	s0 =	sld [smem:$0x3FAD]  }
0x30: {  	s3 =	sld [smem:$0x3FB0]  }
0x31: {  	[smem:$0x3FB9] =	sst s10  }
0x32: {  	s10 =	sld [smem:$0x3FB7];
	_ =	sdelay $0x3  }
0x33: {  	p0 =	seq.s32 s10, $0x1;
	s10 =	sld [smem:$0x3FB9];
	_ =	sdelay $0x3  }
0x34: {  	[smem:$0x3FB9] =	sst s10  }
0x35: {  	s10 =	sld [smem:$0x3FB8];
	_ =	sdelay $0x3  }
0x36: {  	p1 =	seq.s32 s10, $0x1;
	s10 =	sld [smem:$0x3FB9];
	_ =	sdelay $0x3  }
0x37: {  	[smem:$0x3FB9] =	sst s10  }
0x38: {  	s10 =	sld [smem:$0x3FBA]  }
0x39: {  	_ = 	snop;
	(pc) =	sbr.ind lr, $3  }
0x3a: {  	_ = 	snop  }
0x3b: {  	_ = 	snop  }
0x3c: {  	p2 =	seq.s32 s10, $0x1;
	s10 =	sld [smem:$0x3FB9]  }
0x3d: {  	_ =	shalt  }
0x3e: {  	_ =	shalt  }
0x3f: {  	_ =	shalt  }
0x40: {  	_ =	shalt  }
0x41: {  	_ =	shalt  }
0x42: {  	_ =	shalt  }
0x43: {  	_ =	shalt  }
0x44: {  	_ =	shalt  }
0x45: {  	_ =	shalt  }
0x46: {  	_ =	shalt  }
0x47: {  	_ =	shalt  }
0x48: {  	_ =	shalt  }
0x49: {  	_ =	shalt  }
0x4a: {  	_ =	shalt  }
0x4b: {  	_ =	shalt  }
0x4c: {  	_ =	shalt  }
0x4d: {  	_ =	shalt  }
0x4e: {  	_ =	shalt  }
0x4f: {  	_ =	shalt  }
0x50: {  	_ =	shalt  }
0x51: {  	_ =	shalt  }
0x52: {  	_ =	shalt  }
0x53: {  	_ =	shalt  }
0x54: {  	_ =	shalt  }
0x55: {  	_ =	shalt  }
0x56: {  	_ =	shalt  }
0x57: {  	_ =	shalt  }
0x58: {  	_ =	shalt  }
0x59: {  	_ =	shalt  }
0x5a: {  	_ =	shalt  }
0x5b: {  	_ =	shalt  }
0x5c: {  	_ =	shalt  }
0x5d: {  	_ =	shalt  }
0x5e: {  	_ =	shalt  }
0x5f: {  	_ =	shalt  }
0x60: {  	_ =	shalt  }
0x61: {  	_ =	shalt  }
0x62: {  	_ =	shalt  }
0x63: {  	_ =	shalt  }
0x64: {  	_ =	shalt  }
0x65: {  	_ =	shalt  }
0x66: {  	_ =	shalt  }
0x67: {  	_ =	shalt  }
0x68: {  	_ =	shalt  }
0x69: {  	_ =	shalt  }
0x6a: {  	_ =	shalt  }
0x6b: {  	_ =	shalt  }
0x6c: {  	_ =	shalt  }
0x6d: {  	_ =	shalt  }
0x6e: {  	_ =	shalt  }
0x6f: {  	_ =	shalt  }
0x70: {  	_ =	shalt  }
0x71: {  	_ =	shalt  }
0x72: {  	_ =	shalt  }
0x73: {  	_ =	shalt  }
0x74: {  	_ =	shalt  }
0x75: {  	_ =	shalt  }
0x76: {  	_ =	shalt  }
0x77: {  	_ =	shalt  }
0x78: {  	_ =	shalt  }
0x79: {  	_ =	shalt  }
0x7a: {  	_ =	shalt  }
0x7b: {  	_ =	shalt  }
0x7c: {  	_ =	shalt  }
0x7d: {  	_ =	shalt  }
0x7e: {  	_ =	shalt  }
0x7f: {  	_ =	shalt  }
0x80: {  	_ =	shalt  }
0x81: {  	_ =	shalt  }
0x82: {  	_ =	shalt  }
0x83: {  	_ =	shalt  }
0x84: {  	_ =	shalt  }
0x85: {  	_ =	shalt  }
0x86: {  	_ =	shalt  }
0x87: {  	_ =	shalt  }
.Lfunc_end0:
.L_simem_size_0:
called_computation_lowered:
.L_overlay_start_0:
0x88: {  	s2 =	sld [smem:$0x3FD9]  }
0x89: {  	s3 =	sld [smem:$0x3FFE];
	_ =	sdelay $0x1  }
0x8a: {  	s1 =	srdreg.scid  }
0x8b: {  	s0 =	sand.u32 $0x1, s1  }
0x8c: {  	s17 =	sshll.u32 s0, $0xA;
	s2 =	sadd.s32 s3, s2  }
0x8d: {  	s2 =	sadd.s32 s2, s17  }
0x8e: {  	[smem:$0x3FC5] =	sst s2  }
0x8f: {  	_ = 	snop  }
0x90: {  	s2 =	sld [smem:$0x3FC8]  }
0x91: {  	s18 =	sld [smem:$0x3FC7]  }
0x92: {  	s4 =	sld [smem:$0x3FD0];
	(tm) =	ssettm $0x1  }
0x93: {  	s5 =	sld [smem:$0x3FFB];
	_ =	sdelay $0x3  }
0x94: {  	_ =	strace s5  }
0x95: {  	s5 =	sld [smem:$0x3FFC];
	_ =	sdelay $0x3  }
0x96: {  	_ =	strace s5  }
0x97: {  	s5 =	sld [smem:$0x3FFD];
	_ =	sdelay $0x3  }
0x98: {  	_ =	strace s5  }
0x99: {  	_ =	strace $0x8FFFFFFF  }
0x9a: {  	s19 =	sld [smem:$0x3FDB];
	_ =	sdelay $0x1  }
0x9b: {  	s6 =	simm.s32 $_scs_section_size  }
0x9c: {  	s7 =	simm.s32 $_size__tile_overlayer_lowered;
	s8 =	simm.s32 $_tile_overlayer_lowered  }
0x9d: {  	s22 =	simm.s32 $0x1BFF;
	s21 =	sshll.u32 s8, $0x1;
	s5 =	sadd.s32 s6, s19  }
0x9e: {  	s9 =	simm.s32 $0x0;
	s20 =	sshll.u32 s7, $0x1;
	s7 =	sadd.s32 s21, s5  }
0x9f: {  	[timem:s9], [sflag:s22] =	dma.local [hbm:s7], s20  }
0xa0: {  	_ =	swait.ge [sflag:s22], s20  }
0xa1: {  	s6 =	ssub.s32 $0x0, s20;
	[sflag:s22] =	ssyncset.done $0x0  }
0xa2: {  	[sflag:s22] =	ssyncadd.s32 s6;
	_ =	sdelay $0x1  }
0xa3: {  	s23 =	simm.s32 $0x1B8B  }
0xa4: {  	_ =	swait.ge [sflag:s23], $0x1  }
0xa5: {  	[sflag:s23] =	ssyncset.done $0x0  }
0xa6: {  	s25 =	simm.s32 $0x1B8E;
	s24 =	sld [smem:$0x3FFE];
	[sflag:s23] =	ssyncadd.s32 $0xFFFFFFFF  }
0xa7: {  	s26 =	simm.s32 $execute0_lowered;
	[smem:$0x3FD2] =	sst s25  }
0xa8: {  	s7 =	sshll.u32 s26, $0x1;
	_ =	strace $0x80000046;
	[dreg:$0x1] =	wrdreg $0xFFFFFFFF  }
0xa9: {  	s28 =	simm.s32 $_size_execute0_lowered;
	s5 =	sadd.s32 s5, s7;
	[dreg:$0x0] =	wrdreg $0x0  }
0xaa: {  	s7 =	sshll.u32 s28, $0x1;
	[dreg:$0x2] =	wrdreg s5  }
0xab: {  	[dreg:$0x3] =	wrdreg s7  }
0xac: {  	[dreg:$0x4] =	wrdreg $0xC0  }
0xad: {  	_ =	task [dreg:s9], $0x5FFFF  }
0xae: {  	[dreg:$0x1] =	wrdreg $0xFFFFFFFF  }
0xaf: {  	[dreg:$0x0] =	wrdreg $0x60  }
0xb0: {  	[dreg:$0x2] =	wrdreg s24  }
0xb1: {  	[dreg:$0x3] =	wrdreg s2  }
0xb2: {  	[dreg:$0x4] =	wrdreg s18  }
0xb3: {  	[dreg:$0x5] =	wrdreg s4  }
0xb4: {  	[dreg:$0x6] =	wrdreg $0x0  }
0xb5: {  	[dreg:$0x7] =	wrdreg $0x9  }
0xb6: {  	_ =	task.clear_ibuf [dreg:s9], $0x8FFFF;
	_ =	strace $0x90000046  }
0xb7: {  	s29 =	simm.s32 $0x9;
	_ =	strace $0x80000048  }
0xb8: {  	_ =	swait.ge [sflag:s29], $0x1  }
0xb9: {  	[sflag:s29] =	ssyncadd.s32 $0xFFFFFFFF  }
0xba: {  	_ =	strace $0x90000048  }
0xbb: {  	_ =	sfence  }
0xbc: {  	s30 =	sld [smem:$0x0];
	_ =	sdelay $0x2  }
0xbd: {  	s31 =	sshll.u32 s1, $0xD;
	s1 =	sshrl.u32 s1, $0x2  }
0xbe: {  	s3 =	sand.u32 $0x4000, s31;
	s1 =	sadd.s32 s1, s30  }
0xbf: {  	s0 =	sor.u32 s3, s0;
	s1 =	sshll.u32 s1, $0x11  }
0xc0: {  	s0 =	sor.u32 s1, s0  }
0xc1: {  	s0 =	sadd.s32 $0x8F2B, s0  }
0xc2: {  	[sflag:s0] =	ssyncadd.remote.s32 $0x1  }
0xc3: {  	_ =	sfence.sel $0xFFFF  }
0xc4: {  	[dreg:$0x0] =	wrdreg $0xFFFFFFFF;
	(pc) =	sbr.abs _section_cstart, $3  }
0xc5: {  	[dreg:$0x1] =	wrdreg $0xFFFFFFFF  }
0xc6: {  	_ =	task.clear_ibuf [dreg:s9], $0x2FFFF;
	_ =	strace $0x9FFFFFFF  }
0xc7: {  	(tm) =	ssettm $0x7FFFFFFF  }
tec
execute0_lowered:
.L_overlay_start_1:
0x0: {  	(tag) =	ssettag $0x1  }
0x1: {  	s3 =	rddreg [dreg:$0x0]  }
0x2: {  	s4 =	rddreg [dreg:$0x1]  }
0x3: {  	s5 =	rddreg [dreg:$0x2]  }
0x4: {  	s6 =	rddreg [dreg:$0x3]  }
0x5: {  	s0 =	srdreg.scid;
	s8 =	stileid.u32  }
0x6: {  	s1 =	rddreg [dreg:$0x4];
	s2 =	simm.s32 $0x0;
	s11 =	simm.s32 $0xC440  }
0x7: {  	s12 =	simm.s32 $0x80;
	s13 =	simm.s32 $0xEC40;
	s14 =	simm.s32 $0x12C40  }
0x8: {  	s15 =	simm.s32 $0x10C40;
	s16 =	simm.s32 $0x14C40;
	s17 =	simm.s32 $0x1  }
0x9: {  	s18 =	simm.s32 $0x3;
	s19 =	simm.s32 $0x2;
	s20 =	simm.s32 $0x4  }
0xa: {  	s21 =	simm.s32 $0x16C40;
	s7 =	sand.u32 $0x1, s0;
	s0 =	rddreg [dreg:$0x5]  }
0xb: {  	s22 =	simm.s32 $0x0;
	s9 =	sshll.u32 s8, $0x1;
	[smem:$0x7FF] =	sst s2  }
0xc: {  	vm0 =	vmmov $0x1;
	vm1 =	vmmov $0x3;
	vm2 =	vmmov $0x7;
	s3 =	sadd.s32 $0x400, s3;
	s9 =	sor.u32 s7, s9;
	s7 =	ssub.s32 $0x2, s7  }
0xd: {  	vm3 =	vmmov $0xf;
	vm4 =	vmmov $0x1f;
	vm5 =	vmmov $0x3f;
	p0 =	sne.s32 s8, $0x0;
	s9 =	smul.u32 $0x500, s9;
	s10 =	sshrl.u32 s7, $0x1  }
0xe: {  	vm6 =	vmmov $0x7f;
	vm7 =	vmmov $0xff;
	vm8 =	vmmov $0x1ff;
	_ =	strace $0x80000047;
	s8 =	sshrl.u32 @!p0 s1, $0x3;
	s7 =	ssub.s32 s7, s10  }
0xf: {  	vm9 =	vmmov $0x3ff;
	vm10 =	vmmov $0x7ff;
	vm11 =	vmmov $0xfff;
	s10 =	simm.s32 $0x5;
	s4 =	sadd.s32 s4, s9;
	s5 =	sadd.s32 s5, s9  }
0x10: {  	vm12 =	vmmov $0x1fff;
	vm13 =	vmmov $0x3fff;
	vm14 =	vmmov $0x7fff;
	s6 =	sadd.s32 s6, s9;
	s7 =	smax.u32 s7, $0x1;
	s9 =	simm.s32 $0x9C40  }
.LBB2_1:
0x11: {  	s23 =	simm.s32 @!p0 $0x1C05  }
0x12: {  	[spmem:s8], [sflag:s23] =	dma.local @!p0 [hbm:s3], $0x13880  }
0x13: {  	s23 =	simm.s32 @!p0 $0x5  }
0x14: {  	_ =	swait.ge @!p0 [sflag:s23], $0x13880  }
0x15: {  	[sflag:s23] =	ssyncset.done @!p0 $0x0  }
0x16: {  	[sflag:s23] =	ssyncadd.s32 @!p0 $0xFFFEC780  }
0x17: {  	[tilespmem:s9], [sflag:$0x5] =	stream.linear.gather [hbm4b:s4+s2], $0x2800, $0x38;
	[tilespmem:$0x19440] =	vst v63  }
0x18: {  	_ =	swait.ge [sflag:s10], $0x2800  }
0x19: {  	[sflag:s10] =	ssyncset.done $0x0  }
0x1a: {  	[sflag:s10] =	ssyncadd.s32 $0xFFFFD800  }
0x1b: {  	[tilespmem:s11], [sflag:$0x5] =	stream.linear.gather [hbm4b:s5+s2], $0x2800, $0x38;
	[tilespmem:$0x19440] =	vst v63  }
0x1c: {  	_ =	swait.ge [sflag:s10], $0x2800  }
0x1d: {  	[sflag:s10] =	ssyncset.done $0x0  }
0x1e: {  	[sflag:s10] =	ssyncadd.s32 $0xFFFFD800  }
0x1f: {  	[bflag:$0x0] =	sbarrier.arrive $0xFFFF  }
0x20: {  	[tilespmem:s13], [sflag:$0x1] =	stream.indirect.gather [spmem:s1], $0x40, s9, s12, $0xb8;
	[tilespmem:$0x19440] =	vst v63  }
0x21: {  	s24 =	simm.s32 $0x16C40;
	s25 =	simm.s32 $0x0;
	s23 =	simm.s32 $0x16CC0  }
0x22: {  	[tilespmem:s14], [sflag:$0x3] =	stream.indirect.gather [spmem:s1], $0x40, s11, s12, $0xb8;
	[tilespmem:$0x19440] =	vst v63  }
.LBB2_3:
0x23: {  	s26 =	sshll.u32 s25, $0x8  }
0x24: {  	s28 =	sadd.s32 $0x9CC0, s26  }
0x25: {  	[tilespmem:s15], [sflag:$0x2] =	stream.indirect.gather [spmem:s1], $0x40, s28, s12, $0xb8;
	[tilespmem:$0x19440] =	vst v63  }
0x26: {  	s28 =	sadd.s32 $0xC4C0, s26  }
0x27: {  	[tilespmem:s16], [sflag:$0x4] =	stream.indirect.gather [spmem:s1], $0x40, s28, s12, $0xb8;
	[tilespmem:$0x19440] =	vst v63  }
0x28: {  	_ =	swait.ge [sflag:s17], $0x2000  }
0x29: {  	[sflag:s17] =	ssyncset.done $0x0  }
0x2a: {  	[sflag:s17] =	ssyncadd.s32 $0xFFFFE000  }
0x2b: {  	_ =	swait.ge [sflag:s18], $0x2000  }
0x2c: {  	[sflag:s18] =	ssyncset.done $0x0  }
0x2d: {  	s28 =	simm.s32 $0x0;
	[sflag:s18] =	ssyncadd.s32 $0xFFFFE000  }
0x2e: {  	v1 =	vld [tilespmem:s28+$0xF030]  }
0x2f: {  	v2 =	vld [tilespmem:s28+$0xF020]  }
0x30: {  	v3 =	vld [tilespmem:s28+$0xEFF0]  }
0x31: {  	v4 =	vld [tilespmem:s28+$0x12FF0]  }
0x32: {  	v17 =	vld [tilespmem:s28+$0xEFC0]  }
0x33: {  	v19 =	vld [tilespmem:s28+$0x12F70]  }
0x34: {  	v30 =	vld [tilespmem:s28+$0x12F50]  }
0x35: {  	v36 =	vld [tilespmem:s28+$0x12F10]  }
0x36: {  	v52 =	vld [tilespmem:s28+$0x12E70]  }
0x37: {  	v37 =	vld [tilespmem:s28+$0x12ED0]  }
0x38: {  	v38 =	vld [tilespmem:s28+$0xEE60]  }
0x39: {  	v39 =	vld [tilespmem:s28+$0x12E60];
	v0 =	vshll.u32 v1, $0x10  }
0x3a: {  	v60 =	vld [tilespmem:s28+$0x12E80];
	v8 =	vshll.u32 v3, $0x10;
	v10 =	vshll.u32 v2, $0x10;
	v3 =	vand.u32 $0xFFFF0000, v3  }
0x3b: {  	v61 =	vld [tilespmem:s28+$0x12E90];
	v11 =	vshll.u32 v4, $0x10;
	v4 =	vand.u32 $0xFFFF0000, v4;
	v20 =	vshll.u32 v17, $0x10  }
0x3c: {  	v5 =	vld [tilespmem:s28+$0xF000];
	v23 =	vshll.u32 v19, $0x10;
	v19 =	vand.u32 $0xFFFF0000, v19;
	v35 =	vshll.u32 v30, $0x10  }
0x3d: {  	v6 =	vld [tilespmem:s28+$0x13000];
	v30 =	vand.u32 $0xFFFF0000, v30;
	v48 =	vshll.u32 v36, $0x10;
	v49 =	vand.u32 $0xFFFF0000, v36  }
0x3e: {  	v57 =	vshll.u32 v52, $0x10;
	v58 =	vand.u32 $0xFFFF0000, v52;
	v40 =	vshll.u32 v37, $0x10  }
0x3f: {  	v7 =	vld [tilespmem:s28+$0x13020];
	v37 =	vand.u32 $0xFFFF0000, v37;
	v41 =	vshll.u32 v38, $0x10;
	v38 =	vand.u32 $0xFFFF0000, v38  }
0x40: {  	v9 =	vld [tilespmem:s28+$0xF010];
	v42 =	vshll.u32 v39, $0x10;
	v45 =	vshll.u32 v60, $0x10;
	v36 =	vand.u32 $0xFFFF0000, v61  }
0x41: {  	v12 =	vld [tilespmem:s28+$0x13010];
	v39 =	vand.u32 $0xFFFF0000, v39;
	v8 =	vmul.f32 v11, v8;
	v11 =	vmul.f32 v4, v3  }
0x42: {  	v3 =	vshll.u32 v5, $0x10;
	v4 =	vand.u32 $0xFFFF0000, v5;
	v5 =	vshll.u32 v6, $0x10  }
0x43: {  	v14 =	vld [tilespmem:s28+$0xEFE0];
	v6 =	vand.u32 $0xFFFF0000, v6;
	v38 =	vmul.f32 v39, v38;
	v16 =	vmul.f32 v5, v3  }
0x44: {  	v15 =	vld [tilespmem:s28+$0x12FE0];
	v6 =	vmul.f32 v6, v4;
	v3 =	vshll.u32 v7, $0x10;
	v4 =	vand.u32 $0xFFFF0000, v2  }
0x45: {  	v5 =	vand.u32 $0xFFFF0000, v7;
	v7 =	vand.u32 $0xFFFF0000, v9;
	v3 =	vmul.f32 v3, v10;
	v10 =	vld [tilespmem:s28+$0x12FC0]  }
0x46: {  	v13 =	vld [tilespmem:s28+$0xEFB0];
	v18 =	vadd.f32 v11, v8;
	v11 =	vand.u32 $0xFFFF0000, v12;
	v4 =	vmul.f32 v5, v4  }
0x47: {  	v8 =	vld [tilespmem:s28+$0xEFD0];
	v2 =	vadd.f32 v6, v16;
	v6 =	vshll.u32 v9, $0x10;
	v9 =	vshll.u32 v12, $0x10  }
0x48: {  	v12 =	vld [tilespmem:s28+$0x12FD0];
	v16 =	vshll.u32 v14, $0x10;
	v7 =	vmul.f32 v11, v7;
	v11 =	vand.u32 $0xFFFF0000, v14  }
0x49: {  	v14 =	vshll.u32 v15, $0x10;
	v15 =	vand.u32 $0xFFFF0000, v15;
	v6 =	vmul.f32 v9, v6;
	v9 =	vld [tilespmem:s28+$0xEF70]  }
0x4a: {  	v14 =	vmul.f32 v14, v16;
	v11 =	vmul.f32 v15, v11;
	v16 =	vshll.u32 v10, $0x10  }
0x4b: {  	v22 =	vld [tilespmem:s28+$0xEFA0];
	v15 =	vand.u32 $0xFFFF0000, v17;
	v10 =	vand.u32 $0xFFFF0000, v10;
	v16 =	vmul.f32 v16, v20  }
0x4c: {  	v17 =	vld [tilespmem:s28+$0x12FB0];
	v10 =	vmul.f32 v10, v15;
	v15 =	vshll.u32 v8, $0x10;
	v20 =	vand.u32 $0xFFFF0000, v8  }
0x4d: {  	v24 =	vld [tilespmem:s28+$0x12F30];
	v21 =	vshll.u32 v12, $0x10;
	v12 =	vand.u32 $0xFFFF0000, v12;
	v8 =	vshll.u32 v13, $0x10  }
0x4e: {  	v15 =	vmul.f32 v21, v15;
	v12 =	vmul.f32 v12, v20;
	v20 =	vld [tilespmem:s28+$0xEF30];
	v21 =	vshll.u32 v9, $0x10  }
0x4f: {  	v25 =	vld [tilespmem:s28+$0xEF80];
	v9 =	vand.u32 $0xFFFF0000, v9;
	v16 =	vadd.f32 v10, v16;
	v21 =	vmul.f32 v23, v21  }
0x50: {  	v19 =	vmul.f32 v19, v9;
	v9 =	vand.u32 $0xFFFF0000, v13;
	v13 =	vld [tilespmem:s28+$0x12F60];
	v12 =	vadd.f32 v12, v15  }
0x51: {  	v14 =	vadd.f32 v11, v14;
	v11 =	vand.u32 $0xFFFF0000, v17;
	v10 =	vshll.u32 v17, $0x10;
	v15 =	vld [tilespmem:s28+$0xEF60]  }
0x52: {  	v23 =	vld [tilespmem:s28+$0x12FA0];
	v21 =	vadd.f32 v19, v21;
	v19 =	vshll.u32 v22, $0x10;
	v16 =	vadd.f32 v12, v16  }
0x53: {  	v27 =	vld [tilespmem:s28+$0x12F90];
	v12 =	vand.u32 $0xFFFF0000, v22;
	v22 =	vand.u32 $0xFFFF0000, v24;
	v17 =	vshll.u32 v20, $0x10  }
0x54: {  	v28 =	vld [tilespmem:s28+$0xEF20];
	v16 =	vadd.f32 v14, v16;
	v14 =	vand.u32 $0xFFFF0000, v20;
	v20 =	vshll.u32 v24, $0x10  }
0x55: {  	v24 =	vld [tilespmem:s28+$0x12F80];
	v26 =	vshll.u32 v13, $0x10;
	v13 =	vand.u32 $0xFFFF0000, v13;
	v17 =	vmul.f32 v20, v17  }
0x56: {  	v20 =	vmul.f32 v22, v14;
	v14 =	vshll.u32 v15, $0x10;
	v22 =	vld [tilespmem:s28+$0xEF90];
	v15 =	vand.u32 $0xFFFF0000, v15  }
0x57: {  	v46 =	vld [tilespmem:s28+$0xEF10];
	v26 =	vmul.f32 v26, v14;
	v15 =	vmul.f32 v13, v15;
	v13 =	vshll.u32 v23, $0x10  }
0x58: {  	v62 =	vld [tilespmem:s28+$0xEE50];
	v14 =	vand.u32 $0xFFFF0000, v23;
	v18 =	vadd.f32 v18, v16;
	v16 =	vand.u32 $0xFFFF0000, v25  }
0x59: {  	v13 =	vmul.f32 v13, v19;
	v19 =	vld [tilespmem:s28+$0x12F20];
	v29 =	vadd.f32 v20, v17;
	v20 =	vadd.f32 v15, v26  }
0x5a: {  	v17 =	vld [tilespmem:s28+$0xEF40];
	v15 =	vshll.u32 v25, $0x10;
	v23 =	vshll.u32 v24, $0x10;
	v24 =	vand.u32 $0xFFFF0000, v24  }
0x5b: {  	v25 =	vld [tilespmem:s28+$0x12F40];
	v23 =	vmul.f32 v23, v15;
	v24 =	vmul.f32 v24, v16;
	v15 =	vshll.u32 v22, $0x10  }
0x5c: {  	v63 =	vld [tilespmem:s28+$0x12DF0];
	v16 =	vand.u32 $0xFFFF0000, v22;
	v22 =	vshll.u32 v27, $0x10;
	v27 =	vand.u32 $0xFFFF0000, v27  }
0x5d: {  	v52 =	vshll.u32 v62, $0x10;
	v26 =	vld [tilespmem:s28+$0xEF50];
	v15 =	vmul.f32 v22, v15;
	v16 =	vmul.f32 v27, v16  }
0x5e: {  	v32 =	vld [tilespmem:s28+$0xEF00];
	v22 =	vshll.u32 v28, $0x10;
	v27 =	vand.u32 $0xFFFF0000, v28;
	v28 =	vshll.u32 v19, $0x10  }
0x5f: {  	v34 =	vld [tilespmem:s28+$0x12F00];
	v31 =	vshll.u32 v17, $0x10;
	v17 =	vand.u32 $0xFFFF0000, v17;
	v19 =	vand.u32 $0xFFFF0000, v19  }
0x60: {  	v56 =	vld [tilespmem:s28+$0xEEC0];
	v33 =	vshll.u32 v25, $0x10;
	v25 =	vand.u32 $0xFFFF0000, v25;
	v27 =	vmul.f32 v19, v27  }
0x61: {  	v44 =	vld [tilespmem:s28+$0xEE40];
	v39 =	vand.u32 $0xFFFF0000, v63;
	v31 =	vmul.f32 v33, v31;
	v25 =	vmul.f32 v25, v17  }
0x62: {  	v17 =	vshll.u32 v26, $0x10;
	v26 =	vand.u32 $0xFFFF0000, v26;
	v33 =	vand.u32 $0xFFFF0000, v46  }
0x63: {  	v55 =	vld [tilespmem:s28+$0x12EA0];
	v35 =	vmul.f32 v35, v17;
	v26 =	vmul.f32 v30, v26;
	v17 =	vadd.f32 v24, v23  }
0x64: {  	v19 =	vld [tilespmem:s28+$0x12EB0];
	v24 =	vmul.f32 v28, v22;
	v22 =	vshll.u32 v32, $0x10;
	v28 =	vand.u32 $0xFFFF0000, v32  }
0x65: {  	v23 =	vld [tilespmem:s28+$0xEEB0];
	v30 =	vshll.u32 v34, $0x10;
	v33 =	vmul.f32 v49, v33;
	v32 =	vand.u32 $0xFFFF0000, v56  }
0x66: {  	v49 =	vand.u32 $0xFFFF0000, v44;
	v25 =	vadd.f32 v25, v31;
	v31 =	vand.u32 $0xFFFF0000, v34  }
0x67: {  	v47 =	vld [tilespmem:s28+$0xEEF0];
	v30 =	vmul.f32 v30, v22;
	v26 =	vadd.f32 v26, v35;
	v28 =	vmul.f32 v31, v28  }
0x68: {  	v22 =	vld [tilespmem:s28+$0xEEE0];
	v31 =	vshll.u32 v46, $0x10;
	v24 =	vadd.f32 v27, v24;
	v35 =	vand.u32 $0xFFFF0000, v55  }
0x69: {  	v31 =	vmul.f32 v48, v31;
	v51 =	vshll.u32 v19, $0x10;
	v19 =	vand.u32 $0xFFFF0000, v19  }
0x6a: {  	v25 =	vadd.f32 v26, v25;
	v26 =	vld [tilespmem:s28+$0xEE70];
	v28 =	vadd.f32 v28, v30;
	v50 =	vshll.u32 v23, $0x10  }
0x6b: {  	v46 =	vld [tilespmem:s28+$0x12E40];
	v23 =	vand.u32 $0xFFFF0000, v23;
	v30 =	vadd.f32 v33, v31;
	v53 =	vmul.f32 v51, v50  }
0x6c: {  	v31 =	vld [tilespmem:s28+$0xEEA0];
	v23 =	vmul.f32 v19, v23;
	v54 =	vadd.f32 v20, v25;
	v19 =	vshll.u32 v47, $0x10  }
0x6d: {  	v20 =	vand.u32 $0xFFFF0000, v47;
	v27 =	vshll.u32 v22, $0x10;
	v28 =	vadd.f32 v30, v28  }
0x6e: {  	v25 =	vld [tilespmem:s28+$0x12EE0];
	v47 =	vshll.u32 v61, $0x10;
	v30 =	vadd.f32 v23, v53;
	v23 =	vadd.f32 v21, v54  }
0x6f: {  	v21 =	vshll.u32 v26, $0x10;
	v24 =	vadd.f32 v24, v28;
	v28 =	vld [tilespmem:s28+$0x12EC0];
	v26 =	vand.u32 $0xFFFF0000, v26  }
0x70: {  	v50 =	vshll.u32 v46, $0x10;
	v33 =	vmul.f32 v57, v21;
	v34 =	vmul.f32 v58, v26  }
0x71: {  	v59 =	vld [tilespmem:s28+$0xEED0];
	v21 =	vshll.u32 v31, $0x10;
	v26 =	vand.u32 $0xFFFF0000, v31;
	v31 =	vshll.u32 v55, $0x10  }
0x72: {  	v31 =	vmul.f32 v31, v21;
	v35 =	vmul.f32 v35, v26;
	v26 =	vadd.f32 v29, v24;
	v24 =	vld [tilespmem:s28+$0xEE80]  }
0x73: {  	v48 =	vld [tilespmem:s28+$0x12E50];
	v58 =	vshll.u32 v63, $0x10;
	v21 =	vshll.u32 v25, $0x10;
	v29 =	vshll.u32 v56, $0x10  }
0x74: {  	v63 =	vld [tilespmem:s28+$0x12DE0];
	v21 =	vmul.f32 v21, v27;
	v27 =	vadd.f32 v35, v31;
	v31 =	vshll.u32 v28, $0x10  }
0x75: {  	v33 =	vadd.f32 v34, v33;
	v28 =	vand.u32 $0xFFFF0000, v28;
	v29 =	vmul.f32 v31, v29;
	v31 =	vld [tilespmem:s28+$0xEE90]  }
0x76: {  	v35 =	vand.u32 $0xFFFF0000, v59;
	v28 =	vmul.f32 v28, v32;
	v32 =	vshll.u32 v59, $0x10;
	v59 =	vld [tilespmem:s28+$0x12DB0]  }
0x77: {  	v34 =	vand.u32 $0xFFFF0000, v60;
	v43 =	vshll.u32 v24, $0x10;
	v24 =	vand.u32 $0xFFFF0000, v24  }
0x78: {  	v51 =	vand.u32 $0xFFFF0000, v46;
	v43 =	vmul.f32 v45, v43;
	v34 =	vmul.f32 v34, v24  }
0x79: {  	v53 =	vand.u32 $0xFFFF0000, v62;
	v54 =	vshll.u32 v48, $0x10;
	v55 =	vand.u32 $0xFFFF0000, v48  }
0x7a: {  	v61 =	vld [tilespmem:s28+$0xEDE0];
	v45 =	vand.u32 $0xFFFF0000, v63;
	v34 =	vadd.f32 v34, v43;
	v43 =	vmul.f32 v54, v52  }
0x7b: {  	v56 =	vld [tilespmem:s28+$0xEDB0];
	v24 =	vshll.u32 v31, $0x10;
	v31 =	vand.u32 $0xFFFF0000, v31;
	v52 =	vshll.u32 v59, $0x10  }
0x7c: {  	v54 =	vld [tilespmem:s28+$0xEE10];
	v47 =	vmul.f32 v47, v24;
	v31 =	vmul.f32 v36, v31;
	v24 =	vadd.f32 v28, v29  }
0x7d: {  	v28 =	vld [tilespmem:s28+$0xEDF0];
	v36 =	vmul.f32 v42, v41;
	v29 =	vshll.u32 v44, $0x10;
	v44 =	vmul.f32 v55, v53  }
0x7e: {  	v41 =	vmul.f32 v51, v49;
	v53 =	vand.u32 $0xFFFF0000, v59;
	v55 =	vld [tilespmem:s28+$0x12E10];
	v42 =	vmul.f32 v50, v29  }
0x7f: {  	v51 =	vld [tilespmem:s28+$0x12E00];
	v31 =	vadd.f32 v31, v47;
	v60 =	vadd.f32 v44, v43;
	v43 =	vand.u32 $0xFFFF0000, v61  }
0x80: {  	v29 =	vld [tilespmem:s28+$0xEE20];
	v36 =	vadd.f32 v38, v36;
	v41 =	vadd.f32 v41, v42;
	v43 =	vmul.f32 v45, v43  }
0x81: {  	v50 =	vld [tilespmem:s28+$0xEE00];
	v42 =	vand.u32 $0xFFFF0000, v54;
	v31 =	vadd.f32 v31, v34;
	v34 =	vand.u32 $0xFFFF0000, v56  }
0x82: {  	v57 =	vshll.u32 v28, $0x10;
	v28 =	vand.u32 $0xFFFF0000, v28;
	v48 =	vadd.f32 v60, v41  }
0x83: {  	v45 =	vld [tilespmem:s28+$0x12DA0];
	v34 =	vmul.f32 v53, v34;
	v41 =	vand.u32 $0xFFFF0000, v55;
	v62 =	vmul.f32 v58, v57  }
0x84: {  	v39 =	vmul.f32 v39, v28;
	v31 =	vadd.f32 v27, v31;
	v27 =	vmul.f32 v40, v32  }
0x85: {  	v59 =	vld [tilespmem:s28+$0xEDD0];
	v28 =	vmul.f32 v37, v35;
	v49 =	vshll.u32 v29, $0x10;
	v57 =	vshll.u32 v51, $0x10  }
0x86: {  	v60 =	vld [tilespmem:s28+$0x12DD0];
	v37 =	vand.u32 $0xFFFF0000, v50;
	v36 =	vadd.f32 v36, v48;
	v48 =	vshll.u32 v55, $0x10  }
0x87: {  	v32 =	vld [tilespmem:s28+$0x12E20];
	v38 =	vadd.f32 v39, v62;
	v31 =	vadd.f32 v30, v31;
	v30 =	vshll.u32 v56, $0x10  }
0x88: {  	v58 =	vld [tilespmem:s28+$0x12DC0];
	v56 =	vshll.u32 v50, $0x10;
	v39 =	vand.u32 $0xFFFF0000, v51;
	v50 =	vshll.u32 v45, $0x10  }
0x89: {  	v45 =	vand.u32 $0xFFFF0000, v45;
	v40 =	vmul.f32 v52, v30;
	v30 =	vshll.u32 v61, $0x10  }
0x8a: {  	v62 =	vld [tilespmem:s28+$0xEDA0];
	v61 =	vshll.u32 v63, $0x10;
	v33 =	vadd.f32 v33, v36;
	v36 =	vmul.f32 v57, v56  }
0x8b: {  	v63 =	vld [tilespmem:s28+$0xEDC0];
	v37 =	vmul.f32 v39, v37;
	v39 =	vshll.u32 v54, $0x10;
	v44 =	vmul.f32 v61, v30  }
0x8c: {  	v52 =	vld [tilespmem:s28+$0xED80];
	v61 =	vshll.u32 v59, $0x10;
	v55 =	vshll.u32 v60, $0x10;
	v47 =	vand.u32 $0xFFFF0000, v60  }
0x8d: {  	v54 =	vld [tilespmem:s28+$0x12D80];
	v30 =	vshll.u32 v32, $0x10;
	v40 =	vadd.f32 v34, v40;
	v53 =	vshll.u32 v58, $0x10  }
0x8e: {  	v56 =	vld [tilespmem:s28+$0x12D90];
	v55 =	vmul.f32 v55, v61;
	v30 =	vmul.f32 v30, v49;
	v35 =	vadd.f32 v43, v44  }
0x8f: {  	v44 =	vand.u32 $0xFFFF0000, v58;
	v43 =	vand.u32 $0xFFFF0000, v59;
	v49 =	vshll.u32 v62, $0x10  }
0x90: {  	v46 =	vand.u32 $0xFFFF0000, v62;
	v43 =	vmul.f32 v47, v43;
	v51 =	vshll.u32 v63, $0x10  }
0x91: {  	v62 =	vld [tilespmem:s28+$0xED90];
	v34 =	vand.u32 $0xFFFF0000, v63;
	v47 =	vmul.f32 v50, v49;
	v45 =	vmul.f32 v45, v46  }
0x92: {  	v63 =	vshll.u32 v52, $0x10;
	v57 =	vshll.u32 v54, $0x10;
	v58 =	vand.u32 $0xFFFF0000, v54  }
0x93: {  	v46 =	vld [tilespmem:s28+$0x12D30];
	v61 =	vshll.u32 v56, $0x10;
	v51 =	vmul.f32 v53, v51;
	v44 =	vmul.f32 v44, v34  }
0x94: {  	v34 =	vadd.f32 v37, v36;
	v36 =	vld [tilespmem:s28+$0xED30];
	v43 =	vadd.f32 v43, v55;
	v55 =	vand.u32 $0xFFFF0000, v52  }
0x95: {  	v50 =	vmul.f32 v57, v63;
	v37 =	vld [tilespmem:s28+$0xED60];
	v49 =	vmul.f32 v58, v55;
	v45 =	vadd.f32 v45, v47  }
0x96: {  	v44 =	vadd.f32 v44, v51;
	v59 =	vshll.u32 v62, $0x10;
	v60 =	vand.u32 $0xFFFF0000, v62  }
0x97: {  	v58 =	vld [tilespmem:s28+$0x12CF0];
	v62 =	vand.u32 $0xFFFF0000, v56;
	v49 =	vadd.f32 v49, v50;
	v51 =	vmul.f32 v61, v59  }
0x98: {  	v55 =	vld [tilespmem:s28+$0x12D00];
	v52 =	vmul.f32 v62, v60;
	v43 =	vadd.f32 v43, v44;
	v57 =	vshll.u32 v46, $0x10  }
0x99: {  	v44 =	vld [tilespmem:s28+$0xECF0];
	v46 =	vand.u32 $0xFFFF0000, v46;
	v63 =	vshll.u32 v36, $0x10;
	v36 =	vand.u32 $0xFFFF0000, v36  }
0x9a: {  	v47 =	vshll.u32 v37, $0x10;
	v59 =	vadd.f32 v52, v51;
	v51 =	vld [tilespmem:s28+$0xED20];
	v60 =	vmul.f32 v57, v63  }
0x9b: {  	v46 =	vmul.f32 v46, v36;
	v43 =	vadd.f32 v35, v43;
	v35 =	vmul.f32 v48, v39;
	v48 =	vld [tilespmem:s28+$0x12D20]  }
0x9c: {  	v36 =	vmul.f32 v41, v42;
	v41 =	vld [tilespmem:s28+$0xED40];
	v56 =	vshll.u32 v58, $0x10;
	v61 =	vadd.f32 v59, v49  }
0x9d: {  	v63 =	vld [tilespmem:s28+$0x12D40];
	v57 =	vand.u32 $0xFFFF0000, v58;
	v46 =	vadd.f32 v46, v60;
	v38 =	vadd.f32 v38, v43  }
0x9e: {  	v62 =	vshll.u32 v44, $0x10;
	v44 =	vand.u32 $0xFFFF0000, v44;
	v45 =	vadd.f32 v45, v61  }
0x9f: {  	v39 =	vld [tilespmem:s28+$0x12D60];
	v42 =	vmul.f32 v56, v62;
	v44 =	vmul.f32 v57, v44;
	v57 =	vshll.u32 v55, $0x10  }
0xa0: {  	v52 =	vld [tilespmem:s28+$0xED00];
	v55 =	vand.u32 $0xFFFF0000, v55;
	v58 =	vshll.u32 v51, $0x10;
	v51 =	vand.u32 $0xFFFF0000, v51  }
0xa1: {  	v59 =	vld [tilespmem:s28+$0xEC70];
	v60 =	vshll.u32 v48, $0x10;
	v48 =	vand.u32 $0xFFFF0000, v48;
	v61 =	vshll.u32 v41, $0x10  }
0xa2: {  	v41 =	vand.u32 $0xFFFF0000, v41;
	v62 =	vshll.u32 v63, $0x10;
	v49 =	vmul.f32 v60, v58  }
0xa3: {  	v53 =	vld [tilespmem:s28+$0x12C70];
	v43 =	vand.u32 $0xFFFF0000, v63;
	v48 =	vmul.f32 v48, v51;
	v51 =	vmul.f32 v62, v61  }
0xa4: {  	v63 =	vld [tilespmem:s28+$0xED10];
	v41 =	vmul.f32 v43, v41;
	v43 =	vadd.f32 v44, v42;
	v60 =	vshll.u32 v39, $0x10  }
0xa5: {  	v42 =	vadd.f32 v40, v45;
	v61 =	vld [tilespmem:s28+$0x12D10];
	v62 =	vshll.u32 v52, $0x10;
	v52 =	vand.u32 $0xFFFF0000, v52  }
0xa6: {  	v56 =	vld [tilespmem:s28+$0x12D50];
	v50 =	vand.u32 $0xFFFF0000, v59;
	v54 =	vmul.f32 v57, v62;
	v52 =	vmul.f32 v55, v52  }
0xa7: {  	v58 =	vld [tilespmem:s28+$0xECE0];
	v45 =	vadd.f32 v48, v49;
	v40 =	vadd.f32 v41, v51;
	v41 =	vmul.f32 v60, v47  }
0xa8: {  	v47 =	vshll.u32 v59, $0x10;
	v49 =	vld [tilespmem:s28+$0xED50];
	v51 =	vshll.u32 v53, $0x10;
	v53 =	vand.u32 $0xFFFF0000, v53  }
0xa9: {  	v57 =	vld [tilespmem:s28+$0x12CE0];
	v47 =	vmul.f32 v51, v47;
	v50 =	vmul.f32 v53, v50;
	v55 =	vshll.u32 v63, $0x10  }
0xaa: {  	v51 =	vld [tilespmem:s28+$0xECC0];
	v44 =	vand.u32 $0xFFFF0000, v63;
	v59 =	vshll.u32 v61, $0x10;
	v48 =	vand.u32 $0xFFFF0000, v61  }
0xab: {  	v37 =	vand.u32 $0xFFFF0000, v37;
	v55 =	vmul.f32 v59, v55;
	v44 =	vmul.f32 v48, v44  }
0xac: {  	v52 =	vadd.f32 v52, v54;
	v61 =	vshll.u32 v56, $0x10;
	v54 =	vshll.u32 v58, $0x10;
	v59 =	vld [tilespmem:s28+$0x12CC0]  }
0xad: {  	v53 =	vld [tilespmem:s28+$0xECD0];
	v47 =	vadd.f32 v50, v47;
	v63 =	vshll.u32 v49, $0x10;
	v44 =	vadd.f32 v44, v55  }
0xae: {  	v48 =	vmul.f32 v61, v63;
	v55 =	vand.u32 $0xFFFF0000, v58;
	v58 =	vld [tilespmem:s28+$0x12CD0];
	v61 =	vshll.u32 v57, $0x10  }
0xaf: {  	v60 =	vld [tilespmem:s28+$0xEC60];
	v57 =	vand.u32 $0xFFFF0000, v57;
	v62 =	vand.u32 $0xFFFF0000, v51;
	v44 =	vadd.f32 v44, v52  }
0xb0: {  	v52 =	vmul.f32 v61, v54;
	v54 =	vmul.f32 v57, v55;
	v61 =	vshll.u32 v51, $0x10  }
0xb1: {  	v50 =	vld [tilespmem:s28+$0x12C60];
	v63 =	vshll.u32 v59, $0x10;
	v59 =	vand.u32 $0xFFFF0000, v59;
	v44 =	vadd.f32 v45, v44  }
0xb2: {  	v51 =	vmul.f32 v63, v61;
	v45 =	vmul.f32 v59, v62;
	v59 =	vshll.u32 v53, $0x10;
	v61 =	vld [tilespmem:s28+$0xEC40]  }
0xb3: {  	v53 =	vand.u32 $0xFFFF0000, v53;
	v63 =	vld [tilespmem:s28+$0x12C40];
	v62 =	vshll.u32 v58, $0x10;
	v58 =	vand.u32 $0xFFFF0000, v58  }
0xb4: {  	v39 =	vand.u32 $0xFFFF0000, v39;
	v57 =	vshll.u32 v60, $0x10;
	v53 =	vmul.f32 v58, v53;
	v58 =	vld [tilespmem:s28+$0xEC50]  }
0xb5: {  	v60 =	vand.u32 $0xFFFF0000, v60;
	v52 =	vadd.f32 v54, v52;
	v45 =	vadd.f32 v45, v51;
	v51 =	vld [tilespmem:s28+$0x12C50]  }
0xb6: {  	v59 =	vmul.f32 v62, v59;
	v62 =	vshll.u32 v50, $0x10;
	v50 =	vand.u32 $0xFFFF0000, v50  }
0xb7: {  	v44 =	vadd.f32 v46, v44;
	v57 =	vmul.f32 v62, v57;
	v50 =	vmul.f32 v50, v60  }
0xb8: {  	v53 =	vadd.f32 v53, v59;
	v46 =	vshll.u32 v61, $0x10;
	v54 =	vshll.u32 v63, $0x10  }
0xb9: {  	v59 =	vand.u32 $0xFFFF0000, v61;
	v60 =	vand.u32 $0xFFFF0000, v63;
	v61 =	vld [tilespmem:s28+$0xEC80];
	v46 =	vmul.f32 v54, v46  }
0xba: {  	v54 =	vmul.f32 v60, v59;
	v60 =	vld [tilespmem:s28+$0x12C80];
	v59 =	vshll.u32 v58, $0x10;
	v63 =	vshll.u32 v51, $0x10  }
0xbb: {  	v58 =	vand.u32 $0xFFFF0000, v58;
	v51 =	vand.u32 $0xFFFF0000, v51;
	v59 =	vmul.f32 v63, v59;
	v63 =	vld [tilespmem:s28+$0xEC90]  }
0xbc: {  	v56 =	vand.u32 $0xFFFF0000, v56;
	v49 =	vand.u32 $0xFFFF0000, v49;
	v51 =	vmul.f32 v51, v58;
	v58 =	vld [tilespmem:s28+$0x12C90]  }
0xbd: {  	v49 =	vmul.f32 v56, v49;
	v50 =	vadd.f32 v50, v57;
	v45 =	vadd.f32 v53, v45;
	v53 =	vld [tilespmem:s28+$0x12CA0]  }
0xbe: {  	v56 =	vld [tilespmem:s28+$0xECA0];
	v46 =	vadd.f32 v54, v46;
	v51 =	vadd.f32 v51, v59;
	v54 =	vshll.u32 v61, $0x10  }
0xbf: {  	v57 =	vand.u32 $0xFFFF0000, v61;
	v59 =	vshll.u32 v60, $0x10;
	v60 =	vand.u32 $0xFFFF0000, v60  }
0xc0: {  	v54 =	vmul.f32 v59, v54;
	v57 =	vmul.f32 v60, v57;
	v46 =	vadd.f32 v51, v46  }
0xc1: {  	v59 =	vshll.u32 v63, $0x10;
	v60 =	vand.u32 $0xFFFF0000, v63;
	v63 =	vshll.u32 v58, $0x10  }
0xc2: {  	v51 =	vshll.u32 v53, $0x10;
	v58 =	vand.u32 $0xFFFF0000, v58;
	v59 =	vmul.f32 v63, v59  }
0xc3: {  	v58 =	vmul.f32 v58, v60;
	v63 =	vshll.u32 v56, $0x10;
	v54 =	vadd.f32 v57, v54;
	v57 =	vld [tilespmem:s28+$0xECB0]  }
0xc4: {  	v3 =	vadd.f32 v4, v3;
	v37 =	vmul.f32 v39, v37;
	v51 =	vmul.f32 v51, v63;
	v63 =	vld [tilespmem:s28+$0x12D70]  }
0xc5: {  	v8 =	vmul.f32 v10, v8;
	(xrf2) =	vadd.scan.msk.f32 $0xffff, v18;
	v45 =	vadd.f32 v52, v45;
	v58 =	vadd.f32 v58, v59;
	v59 =	vld [tilespmem:s28+$0x12CB0]  }
0xc6: {  	v12 =	vmul.f32 v14, v12;
	v22 =	vand.u32 $0xFFFF0000, v22;
	(xrf2) =	vadd.scan.msk.f32 $0xffff, v23;
	v37 =	vadd.f32 v37, v41  }
0xc7: {  	(xrf2) =	vadd.scan.msk.f32 $0xffff, v26;
	v43 =	vadd.f32 v43, v45;
	v53 =	vand.u32 $0xFFFF0000, v53;
	v60 =	vld [tilespmem:s28+$0xED70];
	v56 =	vand.u32 $0xFFFF0000, v56  }
0xc8: {  	(xrf2) =	vadd.scan.msk.f32 $0xffff, v31;
	v31 =	vadd.f32 v50, v46;
	v53 =	vmul.f32 v53, v56;
	v26 =	vshll.u32 v57, $0x10  }
0xc9: {  	[tilespmem:$0x1FF30] =	vst v0;
	v57 =	vand.u32 $0xFFFF0000, v57;
	v0 =	vshll.u32 v63, $0x10;
	v23 =	vand.u32 $0xFFFF0000, v63  }
0xca: {  	v63 =	vshll.u32 v59, $0x10;
	v46 =	vand.u32 $0xFFFF0000, v59;
	v59 =	vadd.f32 v58, v54  }
0xcb: {  	v26 =	vmul.f32 v63, v26;
	v63 =	vadd.f32 v53, v51;
	v46 =	vmul.f32 v46, v57  }
0xcc: {  	(xrf2) =	vadd.scan.msk.f32 $0xffff, v33;
	v31 =	vadd.f32 v47, v31;
	v18 =	vshll.u32 v60, $0x10;
	v51 =	vadd.f32 v49, v48  }
0xcd: {  	(xrf2) =	vadd.scan.msk.f32 $0xffff, v38;
	v61 =	vld [tilespmem:s28+$0xEE30];
	v60 =	vand.u32 $0xFFFF0000, v60;
	v33 =	vadd.f32 v63, v59;
	v26 =	vadd.f32 v46, v26  }
0xce: {  	(xrf2) =	vadd.scan.msk.f32 $0xffff, v42;
	v52 =	vld [tilespmem:s28+$0x12E30];
	v0 =	vmul.f32 v0, v18;
	v23 =	vmul.f32 v23, v60;
	v18 =	vadd.f32 v51, v40  }
0xcf: {  	v25 =	vand.u32 $0xFFFF0000, v25;
	v29 =	vand.u32 $0xFFFF0000, v29;
	(xrf2) =	vadd.scan.msk.f32 $0xffff, v44;
	v26 =	vadd.f32 v26, v33  }
0xd0: {  	v32 =	vand.u32 $0xFFFF0000, v32;
	(xrf2) =	vadd.scan.msk.f32 $0xffff, v43;
	v0 =	vadd.f32 v23, v0;
	v18 =	vadd.f32 v37, v18  }
0xd1: {  	v6 =	vadd.f32 v7, v6;
	v22 =	vmul.f32 v25, v22;
	v29 =	vmul.f32 v32, v29;
	v55 =	vld [tilespmem:s28+$0x12EF0];
	(xrf2) =	vadd.scan.msk.f32 $0xffff, v31  }
0xd2: {  	v45 =	vshll.u32 v61, $0x10;
	v61 =	vand.u32 $0xFFFF0000, v61;
	v31, _, _ =	vpop (xrf2);
	v0 =	vadd.f32 v0, v18  }
0xd3: {  	v56 =	vshll.u32 v52, $0x10;
	v52 =	vand.u32 $0xFFFF0000, v52;
	v53 =	vadd.f32 v36, v35;
	(xrf2) =	vadd.scan.msk.f32 $0xffff, v26;
	v26, _, _ =	vpop (xrf2)  }
0xd4: {  	v21 =	vadd.f32 v22, v21;
	v29 =	vadd.f32 v29, v30;
	v30 =	vmul.f32 v52, v61;
	v25, _, _ =	vpop (xrf2)  }
0xd5: {  	v22 =	vld [tilespmem:s28+$0x13030];
	v23 =	vmul.f32 v56, v45;
	v54 =	vadd.f32 v53, v34;
	v18 =	vadd.f32 v28, v27;
	v28, _, _ =	vpop (xrf2)  }
0xd6: {  	v12 =	vadd.f32 v12, v13;
	v15 =	vadd.f32 v16, v15;
	v62 =	vshll.u32 v55, $0x10;
	(xrf2) =	vadd.scan.msk.f32 $0xffff, v0;
	v0, _, _ =	vpop (xrf2)  }
0xd7: {  	v55 =	vand.u32 $0xFFFF0000, v55;
	v23 =	vadd.f32 v30, v23;
	v27 =	vadd.f32 v29, v54;
	v14, _, _ =	vpop (xrf2)  }
0xd8: {  	v19 =	vmul.f32 v62, v19;
	v20 =	vmul.f32 v55, v20;
	v18 =	vadd.f32 v18, v24;
	v10, _, _ =	vpop (xrf2)  }
0xd9: {  	v9 =	vmul.f32 v11, v9;
	v15 =	vadd.f32 v15, v17;
	v23 =	vadd.f32 v23, v27;
	v11, _, _ =	vpop (xrf2)  }
0xda: {  	v4 =	vand.u32 $0xFFFF0000, v22;
	v16 =	vadd.f32 v21, v18;
	v18 =	vadd.f32 v20, v19;
	v5, _, _ =	vpop (xrf2)  }
0xdb: {  	v1 =	vand.u32 $0xFFFF0000, v1;
	v7 =	vadd.f32 v12, v15;
	v15 =	vld [tilespmem:$0x1FF30];
	(xrf2) =	vadd.scan.msk.f32 $0xffff, v23;
	v12, _, _ =	vpop (xrf2)  }
0xdc: {  	v2 =	vadd.f32 v6, v2;
	v13 =	vadd.f32 v18, v16;
	v6 =	vbroadcast v12, $0xF  }
0xdd: {  	v1 =	vmul.f32 v4, v1;
	v4, _, _ =	vpop (xrf2)  }
0xde: {  	(xrf2) =	vadd.scan.msk.f32 $0xffff, v13;
	v4 =	vbroadcast v4, $0xF  }
0xdf: {  	v8 =	vadd.f32 v9, v8;
	v9 =	vshll.u32 v22, $0x10;
	v5 =	vbroadcast v5, $0xF  }
0xe0: {  	v2 =	vadd.f32 v3, v2;
	v9 =	vmul.f32 v9, v15;
	v3 =	vsel vm0, v6, v4;
	v6, _, _ =	vpop (xrf2)  }
0xe1: {  	v7 =	vadd.f32 v8, v7;
	v3 =	vsel vm1, v3, v5;
	v5 =	vbroadcast v6, $0xF  }
0xe2: {  	v1 =	vadd.f32 v1, v9;
	v4 =	vbroadcast v11, $0xF  }
0xe3: {  	(xrf2) =	vadd.scan.msk.f32 $0xffff, v7  }
0xe4: {  	v1 =	vadd.f32 v1, v2;
	v2 =	vsel vm2, v3, v4;
	v3 =	vbroadcast v10, $0xF  }
0xe5: {  	v4 =	vbroadcast v14, $0xF;
	v2 =	vsel vm3, v2, v5;
	v5, _, _ =	vpop (xrf2)  }
0xe6: {  	(xrf2) =	vadd.scan.msk.f32 $0xffff, v1;
	v1 =	vsel vm4, v2, v3;
	v2 =	vbroadcast v5, $0xF  }
0xe7: {  	v0 =	vbroadcast v0, $0xF;
	v1 =	vsel vm5, v1, v4  }
0xe8: {  	v3, _, _ =	vpop (xrf2);
	v1 =	vsel vm6, v1, v2;
	v2 =	vbroadcast v28, $0xF  }
0xe9: {  	v0 =	vsel vm7, v1, v0;
	v1 =	vbroadcast v3, $0xF  }
0xea: {  	v0 =	vsel vm8, v0, v2;
	v2 =	vbroadcast v25, $0xF  }
0xeb: {  	v0 =	vsel vm9, v0, v1;
	v1 =	vbroadcast v26, $0xF  }
0xec: {  	v0 =	vsel vm10, v0, v2  }
0xed: {  	v3, _, _ =	vpop (xrf2);
	v0 =	vsel vm11, v0, v1;
	v1 =	vbroadcast v31, $0xF  }
0xee: {  	v2 =	vbroadcast v3, $0xF;
	_ =	sdelay $0x1  }
0xef: {  	v0 =	vsel vm12, v0, v2  }
0xf0: {  	v0 =	vsel vm13, v0, v1;
	v1, _, _ =	vpop (xrf2)  }
0xf1: {  	v0 =	vsel vm14, v0, v1  }
0xf2: {  	s28 =	simm.s32 $0x400;
	[tilespmem:s24+$0x0] =	vst v0  }
0xf3: {  	v0 =	vld [tilespmem:s28+$0xF030]  }
0xf4: {  	v1 =	vld [tilespmem:s28+$0xF020]  }
0xf5: {  	v2 =	vld [tilespmem:s28+$0xEFF0]  }
0xf6: {  	v3 =	vld [tilespmem:s28+$0x12FF0]  }
0xf7: {  	v5 =	vld [tilespmem:s28+$0x13000]  }
0xf8: {  	v11 =	vld [tilespmem:s28+$0xEFB0]  }
0xf9: {  	v4 =	vld [tilespmem:s28+$0xF000]  }
0xfa: {  	v6 =	vld [tilespmem:s28+$0x13020]  }
0xfb: {  	v8 =	vld [tilespmem:s28+$0xF010];
	v7 =	vshll.u32 v0, $0x10  }
0xfc: {  	v10 =	vld [tilespmem:s28+$0x13010];
	v9 =	vshll.u32 v1, $0x10;
	v0 =	vand.u32 $0xFFFF0000, v0;
	v12 =	vshll.u32 v5, $0x10  }
0xfd: {  	v22 =	vld [tilespmem:s28+$0x12F40];
	v5 =	vand.u32 $0xFFFF0000, v5;
	v1 =	vand.u32 $0xFFFF0000, v1;
	v14 =	vshll.u32 v11, $0x10;
	[tilespmem:$0x1FF40] =	vst v7  }
0xfe: {  	v23 =	vld [tilespmem:s28+$0x12F50];
	v7 =	vshll.u32 v2, $0x10;
	[tilespmem:$0x1FF50] =	vst v0;
	v0 =	vand.u32 $0xFFFF0000, v2;
	v2 =	vshll.u32 v3, $0x10  }
0xff: {  	v61 =	vld [tilespmem:s28+$0x12E40];
	v3 =	vand.u32 $0xFFFF0000, v3;
	[tilespmem:$0x1FF60] =	vst v1;
	v1 =	vand.u32 $0xFFFF0000, v6;
	v2 =	vmul.f32 v2, v7  }
0x100: {  	v62 =	vld [tilespmem:s28+$0xEE50];
	v0 =	vmul.f32 v3, v0;
	v3 =	vshll.u32 v4, $0x10;
	v4 =	vand.u32 $0xFFFF0000, v4  }
0x101: {  	v13 =	vld [tilespmem:s28+$0x12FE0];
	v3 =	vmul.f32 v12, v3;
	v4 =	vmul.f32 v5, v4;
	v5 =	vshll.u32 v6, $0x10  }
0x102: {  	v25 =	vshll.u32 v22, $0x10;
	v22 =	vand.u32 $0xFFFF0000, v22;
	v7 =	vld [tilespmem:s28+$0xEFE0];
	[tilespmem:$0x1FF70] =	vst v1;
	v1 =	vmul.f32 v5, v9  }
0x103: {  	v63 =	vld [tilespmem:s28+$0x12E50];
	v27 =	vshll.u32 v23, $0x10;
	v0 =	vadd.f32 v0, v2;
	v2 =	vadd.f32 v4, v3  }
0x104: {  	v23 =	vand.u32 $0xFFFF0000, v23;
	v44 =	vshll.u32 v61, $0x10;
	v45 =	vand.u32 $0xFFFF0000, v61;
	v12 =	vld [tilespmem:s28+$0xEFC0];
	[tilespmem:$0x1FF80] =	vst v1  }
0x105: {  	v46 =	vshll.u32 v62, $0x10;
	v5 =	vshll.u32 v10, $0x10;
	v1 =	vld [tilespmem:s28+$0x12FC0];
	[tilespmem:$0x1FF90] =	vst v2;
	v2 =	vshll.u32 v8, $0x10  }
0x106: {  	v47 =	vand.u32 $0xFFFF0000, v62;
	v6 =	vand.u32 $0xFFFF0000, v10;
	v3 =	vld [tilespmem:s28+$0xEFD0];
	v2 =	vmul.f32 v5, v2  }
0x107: {  	v4 =	vand.u32 $0xFFFF0000, v8;
	v8 =	vld [tilespmem:s28+$0x12FD0];
	v9 =	vshll.u32 v7, $0x10;
	v5 =	vshll.u32 v13, $0x10  }
0x108: {  	v55 =	vld [tilespmem:s28+$0x12E10];
	[tilespmem:$0x1FFA0] =	vst v2;
	v2 =	vmul.f32 v6, v4;
	v4 =	vand.u32 $0xFFFF0000, v7;
	v6 =	vand.u32 $0xFFFF0000, v13  }
0x109: {  	v10 =	vshll.u32 v12, $0x10;
	v5 =	vmul.f32 v5, v9;
	v7 =	vld [tilespmem:s28+$0x12F70];
	v4 =	vmul.f32 v6, v4  }
0x10a: {  	v6 =	vand.u32 $0xFFFF0000, v12;
	v9 =	vshll.u32 v1, $0x10;
	v1 =	vand.u32 $0xFFFF0000, v1;
	v12 =	vld [tilespmem:s28+$0x12FB0]  }
0x10b: {  	[tilespmem:$0x1FFB0] =	vst v2;
	v2 =	vld [tilespmem:s28+$0xEF70];
	v9 =	vmul.f32 v9, v10;
	v1 =	vmul.f32 v1, v6;
	v6 =	vshll.u32 v3, $0x10  }
0x10c: {  	v3 =	vand.u32 $0xFFFF0000, v3;
	v10 =	vshll.u32 v8, $0x10;
	v8 =	vand.u32 $0xFFFF0000, v8  }
0x10d: {  	v48 =	vshll.u32 v63, $0x10;
	v13 =	vld [tilespmem:s28+$0xEFA0];
	v6 =	vmul.f32 v10, v6;
	v3 =	vmul.f32 v8, v3  }
0x10e: {  	v15 =	vld [tilespmem:s28+$0x12F30];
	v49 =	vand.u32 $0xFFFF0000, v63;
	v40 =	vshll.u32 v55, $0x10;
	v34 =	vmul.f32 v48, v46  }
0x10f: {  	[tilespmem:$0x1FFC0] =	vst v14;
	v8 =	vld [tilespmem:s28+$0xEF30];
	v1 =	vadd.f32 v1, v9;
	v14 =	vshll.u32 v7, $0x10;
	v3 =	vadd.f32 v3, v6  }
0x110: {  	v7 =	vand.u32 $0xFFFF0000, v7;
	v9 =	vshll.u32 v12, $0x10;
	v10 =	vshll.u32 v2, $0x10  }
0x111: {  	v2 =	vand.u32 $0xFFFF0000, v2;
	v1 =	vadd.f32 v3, v1;
	v3 =	vadd.f32 v4, v5  }
0x112: {  	v6 =	vld [tilespmem:s28+$0xEF60];
	[tilespmem:$0x1FFE0] =	vst v9;
	v4 =	vshll.u32 v13, $0x10;
	v2 =	vmul.f32 v7, v2;
	v7 =	vand.u32 $0xFFFF0000, v11  }
0x113: {  	v9 =	vand.u32 $0xFFFF0000, v12;
	v12 =	vand.u32 $0xFFFF0000, v13;
	v14 =	vmul.f32 v14, v10;
	[tilespmem:$0x1FFD0] =	vst v7;
	v7 =	vld [tilespmem:s28+$0x12F60]  }
0x114: {  	v5 =	vld [tilespmem:s28+$0x12FA0];
	v13 =	vand.u32 $0xFFFF0000, v15;
	v1 =	vadd.f32 v3, v1;
	v3 =	vand.u32 $0xFFFF0000, v8  }
0x115: {  	v2 =	vadd.f32 v2, v14;
	v14 =	vshll.u32 v8, $0x10;
	v8 =	vshll.u32 v15, $0x10;
	v15 =	vld [tilespmem:s28+$0x12F80]  }
0x116: {  	v16 =	vld [tilespmem:s28+$0xEF80];
	v41 =	vand.u32 $0xFFFF0000, v55;
	v35 =	vmul.f32 v49, v47;
	v3 =	vmul.f32 v13, v3  }
0x117: {  	v17 =	vld [tilespmem:s28+$0xEF90];
	v13 =	vshll.u32 v6, $0x10;
	v6 =	vand.u32 $0xFFFF0000, v6;
	v8 =	vmul.f32 v8, v14  }
0x118: {  	v18 =	vld [tilespmem:s28+$0x12F90];
	v30 =	vadd.f32 v0, v1;
	v14 =	vshll.u32 v7, $0x10;
	v7 =	vand.u32 $0xFFFF0000, v7  }
0x119: {  	v20 =	vld [tilespmem:s28+$0xEEF0];
	v1 =	vadd.f32 v3, v8;
	v19 =	vmul.f32 v14, v13;
	v6 =	vmul.f32 v7, v6  }
0x11a: {  	v21 =	vld [tilespmem:s28+$0xEF20];
	v7 =	vshll.u32 v5, $0x10;
	v14 =	vand.u32 $0xFFFF0000, v5;
	v8 =	vand.u32 $0xFFFF0000, v15  }
0x11b: {  	v0 =	vld [tilespmem:s28+$0x12F20];
	v13 =	vmul.f32 v7, v4;
	v4 =	vshll.u32 v16, $0x10;
	v7 =	vshll.u32 v15, $0x10  }
0x11c: {  	v5 =	vld [tilespmem:s28+$0xEF40];
	v3 =	vadd.f32 v6, v19;
	v6 =	vand.u32 $0xFFFF0000, v16;
	v4 =	vmul.f32 v7, v4  }
0x11d: {  	v7 =	vshll.u32 v17, $0x10;
	v17 =	vand.u32 $0xFFFF0000, v17;
	v16 =	vshll.u32 v18, $0x10  }
0x11e: {  	v24 =	vld [tilespmem:s28+$0xEF00];
	v18 =	vand.u32 $0xFFFF0000, v18;
	v19 =	vshll.u32 v20, $0x10;
	v6 =	vmul.f32 v8, v6  }
0x11f: {  	v8 =	vld [tilespmem:s28+$0xEF50];
	v16 =	vmul.f32 v16, v7;
	v17 =	vmul.f32 v18, v17;
	v18 =	vand.u32 $0xFFFF0000, v20  }
0x120: {  	v26 =	vld [tilespmem:s28+$0x12F00];
	v7 =	vand.u32 $0xFFFF0000, v21;
	v15 =	vadd.f32 v6, v4;
	v4 =	vshll.u32 v21, $0x10  }
0x121: {  	v28 =	vld [tilespmem:s28+$0x12F10];
	v21 =	vshll.u32 v0, $0x10;
	v20 =	vshll.u32 v5, $0x10;
	v5 =	vand.u32 $0xFFFF0000, v5  }
0x122: {  	v6 =	vld [tilespmem:s28+$0x12EF0];
	v0 =	vand.u32 $0xFFFF0000, v0;
	v25 =	vmul.f32 v25, v20;
	v5 =	vmul.f32 v22, v5  }
0x123: {  	v22 =	vld [tilespmem:s28+$0xEF10];
	v4 =	vmul.f32 v21, v4;
	v0 =	vmul.f32 v0, v7;
	v21 =	vshll.u32 v24, $0x10  }
0x124: {  	v24 =	vand.u32 $0xFFFF0000, v24;
	v20 =	vshll.u32 v8, $0x10;
	v8 =	vand.u32 $0xFFFF0000, v8  }
0x125: {  	v7 =	vld [tilespmem:s28+$0x12EB0];
	v5 =	vadd.f32 v5, v25;
	v25 =	vshll.u32 v26, $0x10;
	v26 =	vand.u32 $0xFFFF0000, v26  }
0x126: {  	v0 =	vadd.f32 v0, v4;
	v27 =	vmul.f32 v27, v20;
	v8 =	vmul.f32 v23, v8;
	v23 =	vld [tilespmem:s28+$0xEEB0]  }
0x127: {  	v21 =	vmul.f32 v25, v21;
	v24 =	vmul.f32 v26, v24;
	v26 =	vshll.u32 v28, $0x10  }
0x128: {  	v29 =	vld [tilespmem:s28+$0xEEE0];
	v20 =	vshll.u32 v6, $0x10;
	v8 =	vadd.f32 v8, v27;
	v25 =	vshll.u32 v22, $0x10  }
0x129: {  	v31 =	vld [tilespmem:s28+$0x12E70];
	v22 =	vand.u32 $0xFFFF0000, v22;
	v27 =	vand.u32 $0xFFFF0000, v28;
	v24 =	vadd.f32 v24, v21  }
0x12a: {  	v28 =	vld [tilespmem:s28+$0x12EE0];
	v25 =	vmul.f32 v26, v25;
	v22 =	vmul.f32 v27, v22;
	v5 =	vadd.f32 v8, v5  }
0x12b: {  	v27 =	vshll.u32 v7, $0x10;
	v7 =	vand.u32 $0xFFFF0000, v7;
	v8 =	vld [tilespmem:s28+$0xEE70];
	v26 =	vshll.u32 v23, $0x10  }
0x12c: {  	v23 =	vand.u32 $0xFFFF0000, v23;
	v22 =	vadd.f32 v22, v25;
	v25 =	vld [tilespmem:s28+$0xEEA0];
	v3 =	vadd.f32 v3, v5  }
0x12d: {  	v21 =	vand.u32 $0xFFFF0000, v6;
	v26 =	vmul.f32 v27, v26;
	v7 =	vmul.f32 v7, v23;
	v5 =	vld [tilespmem:s28+$0x12EA0]  }
0x12e: {  	v23 =	vshll.u32 v31, $0x10;
	v6 =	vadd.f32 v22, v24;
	v32 =	vadd.f32 v2, v3;
	v2 =	vld [tilespmem:s28+$0xEEC0]  }
0x12f: {  	v22 =	vand.u32 $0xFFFF0000, v29;
	v24 =	vand.u32 $0xFFFF0000, v31;
	v4 =	vadd.f32 v7, v26;
	v26 =	vld [tilespmem:s28+$0xEED0]  }
0x130: {  	v7 =	vshll.u32 v29, $0x10;
	v29 =	vld [tilespmem:s28+$0xEE60];
	v3 =	vshll.u32 v8, $0x10;
	v8 =	vand.u32 $0xFFFF0000, v8  }
0x131: {  	v0 =	vadd.f32 v0, v6;
	v6 =	vld [tilespmem:s28+$0x12EC0];
	v3 =	vmul.f32 v23, v3;
	v8 =	vmul.f32 v24, v8  }
0x132: {  	v23 =	vshll.u32 v25, $0x10;
	v24 =	vld [tilespmem:s28+$0x12ED0];
	v25 =	vand.u32 $0xFFFF0000, v25;
	v27 =	vshll.u32 v5, $0x10  }
0x133: {  	v5 =	vand.u32 $0xFFFF0000, v5;
	v36 =	vadd.f32 v1, v0;
	v1 =	vld [tilespmem:s28+$0xEE80];
	v27 =	vmul.f32 v27, v23  }
0x134: {  	v5 =	vmul.f32 v5, v25;
	v23 =	vshll.u32 v28, $0x10;
	v25 =	vld [tilespmem:s28+$0x12E60];
	v0 =	vadd.f32 v8, v3  }
0x135: {  	v8 =	vld [tilespmem:s28+$0x12E80];
	v23 =	vmul.f32 v23, v7;
	v57 =	vshll.u32 v29, $0x10;
	v29 =	vand.u32 $0xFFFF0000, v29  }
0x136: {  	v3 =	vadd.f32 v5, v27;
	v5 =	vshll.u32 v2, $0x10;
	v7 =	vshll.u32 v6, $0x10;
	v27 =	vld [tilespmem:s28+$0x12E90]  }
0x137: {  	v2 =	vand.u32 $0xFFFF0000, v2;
	v6 =	vand.u32 $0xFFFF0000, v6;
	v5 =	vmul.f32 v7, v5;
	v7 =	vld [tilespmem:s28+$0xEE90]  }
0x138: {  	v2 =	vmul.f32 v6, v2;
	v6 =	vshll.u32 v26, $0x10;
	v31 =	vshll.u32 v24, $0x10  }
0x139: {  	v56 =	vand.u32 $0xFFFF0000, v24;
	v24 =	vshll.u32 v1, $0x10;
	v1 =	vand.u32 $0xFFFF0000, v1  }
0x13a: {  	v58 =	vshll.u32 v25, $0x10;
	v60 =	vshll.u32 v8, $0x10;
	v8 =	vand.u32 $0xFFFF0000, v8  }
0x13b: {  	v59 =	vld [tilespmem:s28+$0xEE40];
	v25 =	vand.u32 $0xFFFF0000, v25;
	v38 =	vmul.f32 v60, v24;
	v1 =	vmul.f32 v8, v1  }
0x13c: {  	v52 =	vld [tilespmem:s28+$0x12DB0];
	v24 =	vshll.u32 v27, $0x10;
	v27 =	vand.u32 $0xFFFF0000, v27;
	v8 =	vshll.u32 v7, $0x10  }
0x13d: {  	v7 =	vand.u32 $0xFFFF0000, v7;
	v8 =	vmul.f32 v24, v8;
	v24 =	vadd.f32 v2, v5;
	v2 =	vld [tilespmem:s28+$0xEDF0]  }
0x13e: {  	v26 =	vand.u32 $0xFFFF0000, v26;
	v7 =	vmul.f32 v27, v7;
	v27 =	vmul.f32 v25, v29;
	v25 =	vld [tilespmem:s28+$0x12DF0]  }
0x13f: {  	v28 =	vand.u32 $0xFFFF0000, v28;
	v26 =	vmul.f32 v56, v26;
	v5 =	vmul.f32 v58, v57;
	v57 =	vld [tilespmem:s28+$0xEDA0]  }
0x140: {  	v1 =	vadd.f32 v1, v38;
	v29 =	vshll.u32 v59, $0x10;
	v58 =	vld [tilespmem:s28+$0x12DA0];
	v7 =	vadd.f32 v7, v8  }
0x141: {  	v63 =	vld [tilespmem:s28+$0xED80];
	v29 =	vmul.f32 v44, v29;
	v8 =	vand.u32 $0xFFFF0000, v59;
	v5 =	vadd.f32 v27, v5  }
0x142: {  	v27 =	vand.u32 $0xFFFF0000, v52;
	v8 =	vmul.f32 v45, v8;
	v1 =	vadd.f32 v7, v1  }
0x143: {  	v7 =	vld [tilespmem:s28+$0xEDB0];
	v50 =	vshll.u32 v2, $0x10;
	v2 =	vand.u32 $0xFFFF0000, v2;
	v51 =	vshll.u32 v25, $0x10  }
0x144: {  	v37 =	vld [tilespmem:s28+$0xEE20];
	v25 =	vand.u32 $0xFFFF0000, v25;
	v8 =	vadd.f32 v8, v29;
	v29 =	vadd.f32 v35, v34  }
0x145: {  	v53 =	vld [tilespmem:s28+$0xEDE0];
	v59 =	vshll.u32 v57, $0x10;
	v35 =	vand.u32 $0xFFFF0000, v57;
	v60 =	vshll.u32 v58, $0x10  }
0x146: {  	v34 =	vand.u32 $0xFFFF0000, v58;
	v57 =	vshll.u32 v63, $0x10;
	v1 =	vadd.f32 v3, v1;
	v3 =	vld [tilespmem:s28+$0x12DE0]  }
0x147: {  	v2 =	vmul.f32 v25, v2;
	v25 =	vmul.f32 v31, v6;
	v6 =	vadd.f32 v29, v8  }
0x148: {  	v38 =	vld [tilespmem:s28+$0x12E20];
	v54 =	vmul.f32 v51, v50;
	v39 =	vadd.f32 v4, v1;
	v1 =	vshll.u32 v7, $0x10  }
0x149: {  	v29 =	vld [tilespmem:s28+$0xEE00];
	v4 =	vadd.f32 v5, v6;
	v6 =	vand.u32 $0xFFFF0000, v7;
	v7 =	vshll.u32 v52, $0x10  }
0x14a: {  	v31 =	vld [tilespmem:s28+$0xEE10];
	v8 =	vshll.u32 v37, $0x10;
	v1 =	vmul.f32 v7, v1;
	v6 =	vmul.f32 v27, v6  }
0x14b: {  	v5 =	vld [tilespmem:s28+$0x12E00];
	v7 =	vshll.u32 v53, $0x10;
	v27 =	vand.u32 $0xFFFF0000, v53;
	v56 =	vshll.u32 v3, $0x10  }
0x14c: {  	v53 =	vld [tilespmem:s28+$0x12D80];
	v3 =	vand.u32 $0xFFFF0000, v3;
	v62 =	vadd.f32 v0, v4;
	v7 =	vmul.f32 v56, v7  }
0x14d: {  	v3 =	vmul.f32 v3, v27;
	v27 =	vshll.u32 v38, $0x10;
	v0 =	vadd.f32 v6, v1;
	v1 =	vld [tilespmem:s28+$0xEDC0]  }
0x14e: {  	v4 =	vshll.u32 v29, $0x10;
	v27 =	vmul.f32 v27, v8;
	v8 =	vand.u32 $0xFFFF0000, v29;
	v29 =	vld [tilespmem:s28+$0x12DD0]  }
0x14f: {  	v34 =	vmul.f32 v34, v35;
	v37 =	vand.u32 $0xFFFF0000, v37;
	v3 =	vadd.f32 v3, v7;
	v7 =	vld [tilespmem:s28+$0x12DC0]  }
0x150: {  	v2 =	vadd.f32 v2, v54;
	v54 =	vld [tilespmem:s28+$0xED90];
	v6 =	vshll.u32 v5, $0x10;
	v5 =	vand.u32 $0xFFFF0000, v5  }
0x151: {  	v38 =	vand.u32 $0xFFFF0000, v38;
	v4 =	vmul.f32 v6, v4;
	v6 =	vld [tilespmem:s28+$0xEDD0];
	v5 =	vmul.f32 v5, v8  }
0x152: {  	v8 =	vshll.u32 v31, $0x10;
	v31 =	vand.u32 $0xFFFF0000, v31;
	v58 =	vshll.u32 v53, $0x10  }
0x153: {  	v56 =	vld [tilespmem:s28+$0x12D90];
	v35 =	vmul.f32 v58, v57;
	v61 =	vshll.u32 v1, $0x10;
	v1 =	vand.u32 $0xFFFF0000, v1  }
0x154: {  	v55 =	vshll.u32 v29, $0x10;
	v52 =	vshll.u32 v7, $0x10;
	v7 =	vand.u32 $0xFFFF0000, v7  }
0x155: {  	v57 =	vld [tilespmem:s28+$0x12CF0];
	v29 =	vand.u32 $0xFFFF0000, v29;
	v43 =	vmul.f32 v52, v61;
	v1 =	vmul.f32 v7, v1  }
0x156: {  	v33 =	vld [tilespmem:s28+$0x12D30];
	v7 =	vshll.u32 v6, $0x10;
	v6 =	vand.u32 $0xFFFF0000, v6;
	v61 =	vand.u32 $0xFFFF0000, v54  }
0x157: {  	v7 =	vmul.f32 v55, v7;
	v6 =	vmul.f32 v29, v6;
	v29 =	vadd.f32 v5, v4  }
0x158: {  	v4 =	vld [tilespmem:s28+$0xED30];
	v5 =	vmul.f32 v60, v59;
	v60 =	vshll.u32 v54, $0x10;
	v54 =	vand.u32 $0xFFFF0000, v56  }
0x159: {  	v59 =	vand.u32 $0xFFFF0000, v53;
	v1 =	vadd.f32 v1, v43;
	v43 =	vmul.f32 v54, v61  }
0x15a: {  	v51 =	vld [tilespmem:s28+$0xED60];
	v61 =	vand.u32 $0xFFFF0000, v57;
	v6 =	vadd.f32 v6, v7;
	v7 =	vand.u32 $0xFFFF0000, v63  }
0x15b: {  	v54 =	vld [tilespmem:s28+$0x12C70];
	v63 =	vshll.u32 v56, $0x10;
	v56 =	vshll.u32 v33, $0x10;
	v33 =	vand.u32 $0xFFFF0000, v33  }
0x15c: {  	v5 =	vadd.f32 v34, v5;
	v7 =	vmul.f32 v59, v7;
	v42 =	vmul.f32 v63, v60;
	v59 =	vld [tilespmem:s28+$0xED20]  }
0x15d: {  	v34 =	vmul.f32 v41, v31;
	v1 =	vadd.f32 v6, v1;
	v6 =	vld [tilespmem:s28+$0xECF0];
	v55 =	vshll.u32 v4, $0x10  }
0x15e: {  	v4 =	vand.u32 $0xFFFF0000, v4;
	v7 =	vadd.f32 v7, v35;
	v58 =	vadd.f32 v43, v42  }
0x15f: {  	v60 =	vmul.f32 v56, v55;
	v4 =	vmul.f32 v33, v4;
	v1 =	vadd.f32 v3, v1;
	v3 =	vld [tilespmem:s28+$0x12D20]  }
0x160: {  	v31 =	vshll.u32 v51, $0x10;
	v51 =	vand.u32 $0xFFFF0000, v51;
	v33 =	vmul.f32 v40, v8;
	v8 =	vld [tilespmem:s28+$0xED40]  }
0x161: {  	v42 =	vand.u32 $0xFFFF0000, v54;
	v7 =	vadd.f32 v58, v7;
	v4 =	vadd.f32 v4, v60  }
0x162: {  	v53 =	vld [tilespmem:s28+$0x12D60];
	v43 =	vadd.f32 v2, v1;
	v50 =	vand.u32 $0xFFFF0000, v59;
	v1 =	vshll.u32 v6, $0x10  }
0x163: {  	v2 =	vld [tilespmem:s28+$0x12D40];
	v5 =	vadd.f32 v5, v7;
	v6 =	vand.u32 $0xFFFF0000, v6;
	v7 =	vshll.u32 v57, $0x10  }
0x164: {  	v63 =	vld [tilespmem:s28+$0xEC70];
	v1 =	vmul.f32 v7, v1;
	v6 =	vmul.f32 v61, v6;
	v7 =	vshll.u32 v59, $0x10  }
0x165: {  	v57 =	vld [tilespmem:s28+$0xED00];
	v52 =	vshll.u32 v3, $0x10;
	v3 =	vand.u32 $0xFFFF0000, v3;
	v56 =	vshll.u32 v8, $0x10  }
0x166: {  	v8 =	vand.u32 $0xFFFF0000, v8;
	v48 =	vadd.f32 v0, v5;
	v7 =	vmul.f32 v52, v7  }
0x167: {  	v59 =	vld [tilespmem:s28+$0x12D00];
	v3 =	vmul.f32 v3, v50;
	v47 =	vadd.f32 v6, v1;
	v6 =	vshll.u32 v53, $0x10  }
0x168: {  	v5 =	vld [tilespmem:s28+$0xED50];
	v58 =	vshll.u32 v2, $0x10;
	v2 =	vand.u32 $0xFFFF0000, v2;
	v45 =	vmul.f32 v6, v31  }
0x169: {  	v1 =	vld [tilespmem:s28+$0xED10];
	v6 =	vand.u32 $0xFFFF0000, v63;
	v40 =	vmul.f32 v58, v56;
	v2 =	vmul.f32 v2, v8  }
0x16a: {  	v0 =	vadd.f32 v3, v7;
	v3 =	vld [tilespmem:s28+$0x12D10];
	v7 =	vshll.u32 v54, $0x10;
	v8 =	vshll.u32 v57, $0x10  }
0x16b: {  	v31 =	vand.u32 $0xFFFF0000, v57;
	v6 =	vmul.f32 v42, v6;
	v44 =	vadd.f32 v2, v40;
	v40 =	vld [tilespmem:s28+$0x12D50]  }
0x16c: {  	v60 =	vshll.u32 v59, $0x10;
	v61 =	vand.u32 $0xFFFF0000, v59;
	v2 =	vshll.u32 v63, $0x10;
	v63 =	vld [tilespmem:s28+$0xECE0]  }
0x16d: {  	v8 =	vmul.f32 v60, v8;
	v31 =	vmul.f32 v61, v31;
	v57 =	vshll.u32 v5, $0x10;
	v61 =	vld [tilespmem:s28+$0x12CD0]  }
0x16e: {  	v41 =	vld [tilespmem:s28+$0x12CE0];
	v5 =	vand.u32 $0xFFFF0000, v5;
	v55 =	vshll.u32 v1, $0x10;
	v1 =	vand.u32 $0xFFFF0000, v1  }
0x16f: {  	v2 =	vmul.f32 v7, v2;
	v56 =	vshll.u32 v3, $0x10;
	v3 =	vand.u32 $0xFFFF0000, v3  }
0x170: {  	v8 =	vadd.f32 v31, v8;
	v35 =	vmul.f32 v56, v55;
	v1 =	vmul.f32 v3, v1;
	v3 =	vld [tilespmem:s28+$0xECC0]  }
0x171: {  	v7 =	vld [tilespmem:s28+$0x12CC0];
	v54 =	vadd.f32 v6, v2;
	v58 =	vshll.u32 v40, $0x10;
	v59 =	vshll.u32 v63, $0x10  }
0x172: {  	v60 =	vand.u32 $0xFFFF0000, v63;
	v63 =	vld [tilespmem:s28+$0xEC60];
	v46 =	vand.u32 $0xFFFF0000, v61;
	v1 =	vadd.f32 v1, v35  }
0x173: {  	v31 =	vld [tilespmem:s28+$0xECD0];
	v52 =	vmul.f32 v58, v57;
	v57 =	vshll.u32 v41, $0x10;
	v41 =	vand.u32 $0xFFFF0000, v41  }
0x174: {  	v58 =	vld [tilespmem:s28+$0xEE30];
	v6 =	vmul.f32 v57, v59;
	v1 =	vadd.f32 v1, v8;
	v8 =	vmul.f32 v41, v60  }
0x175: {  	v2 =	vld [tilespmem:s28+$0x12C60];
	v60 =	vshll.u32 v61, $0x10;
	v59 =	vshll.u32 v3, $0x10;
	v3 =	vand.u32 $0xFFFF0000, v3  }
0x176: {  	v55 =	vld [tilespmem:s28+$0xEC40];
	v1 =	vadd.f32 v0, v1;
	v0 =	vshll.u32 v7, $0x10;
	v7 =	vand.u32 $0xFFFF0000, v7  }
0x177: {  	v41 =	vld [tilespmem:s28+$0x12E30];
	v61 =	vshll.u32 v63, $0x10;
	v63 =	vand.u32 $0xFFFF0000, v63;
	v0 =	vmul.f32 v0, v59  }
0x178: {  	v3 =	vmul.f32 v7, v3;
	v7 =	vshll.u32 v31, $0x10;
	v31 =	vand.u32 $0xFFFF0000, v31  }
0x179: {  	(xrf2) =	vadd.scan.msk.f32 $0xffff, v30;
	v57 =	vld [tilespmem:s28+$0xED70];
	v30 =	vand.u32 $0xFFFF0000, v58;
	v7 =	vmul.f32 v60, v7;
	v46 =	vmul.f32 v46, v31  }
0x17a: {  	v49 =	vld [tilespmem:s28+$0x12C40];
	(xrf2) =	vadd.scan.msk.f32 $0xffff, v32;
	v31 =	vshll.u32 v2, $0x10;
	v2 =	vand.u32 $0xFFFF0000, v2;
	v60 =	vadd.f32 v4, v1  }
0x17b: {  	v59 =	vld [tilespmem:s28+$0x12D70];
	v1 =	vshll.u32 v55, $0x10;
	v42 =	vmul.f32 v31, v61;
	v31 =	vshll.u32 v58, $0x10  }
0x17c: {  	v4 =	vld [tilespmem:s28+$0xEC50];
	v2 =	vmul.f32 v2, v63;
	v32 =	vshll.u32 v41, $0x10;
	v3 =	vadd.f32 v3, v0  }
0x17d: {  	v35 =	vand.u32 $0xFFFF0000, v41;
	v0 =	vadd.f32 v8, v6;
	v6 =	vld [tilespmem:s28+$0xECB0];
	v8 =	vand.u32 $0xFFFF0000, v40  }
0x17e: {  	v58 =	vld [tilespmem:s28+$0x12CB0];
	v41 =	vshll.u32 v57, $0x10;
	v40 =	vand.u32 $0xFFFF0000, v57;
	v7 =	vadd.f32 v46, v7  }
0x17f: {  	v56 =	vmul.f32 v8, v5;
	v8 =	vld [tilespmem:s28+$0x12C50];
	v61 =	vadd.f32 v2, v42;
	v2 =	vshll.u32 v49, $0x10  }
0x180: {  	v63 =	vld [tilespmem:s28+$0x12CA0];
	v50 =	vadd.f32 v7, v3;
	v1 =	vmul.f32 v2, v1;
	v2 =	vand.u32 $0xFFFF0000, v55  }
0x181: {  	[tilespmem:$0x1FFF0] =	vst v9;
	v42 =	vld [tilespmem:s28+$0xECA0];
	v3 =	vand.u32 $0xFFFF0000, v49;
	v46 =	vshll.u32 v59, $0x10;
	v49 =	vand.u32 $0xFFFF0000, v59  }
0x182: {  	(xrf2) =	vadd.scan.msk.f32 $0xffff, v36;
	v55 =	vand.u32 $0xFFFF0000, v53;
	v53 =	vld [tilespmem:s28+$0xEC90];
	v3 =	vmul.f32 v3, v2;
	v5 =	vshll.u32 v4, $0x10  }
0x183: {  	v36, _, _ =	vpop (xrf2);
	(xrf2) =	vadd.scan.msk.f32 $0xffff, v39;
	v2 =	vld [tilespmem:s28+$0xEC80];
	v57 =	vshll.u32 v6, $0x10;
	v59 =	vand.u32 $0xFFFF0000, v6;
	v6 =	vand.u32 $0xFFFF0000, v4  }
0x184: {  	s30 =	simm.s32 $0x2000;
	s29 =	smov.u32 s24;
	v39, _, _ =	vpop (xrf2);
	(xrf2) =	vadd.scan.msk.f32 $0xffff, v62;
	v4 =	vld [tilespmem:s28+$0x12C80];
	v62 =	vshll.u32 v58, $0x10;
	v7 =	vshll.u32 v8, $0x10;
	v8 =	vand.u32 $0xFFFF0000, v8  }
.LBB2_4:
0x185: {  	v5 =	vmul.f32 v7, v5;
	v6 =	vmul.f32 v8, v6  }
0x186: {  	v0 =	vadd.f32 v0, v50  }
0x187: {  	v7 =	vld [tilespmem:s28+$0x12C90];
	v1 =	vadd.f32 v3, v1;
	v3 =	vadd.f32 v6, v5  }
0x188: {  	v0 =	vadd.f32 v47, v0;
	v8 =	vshll.u32 v42, $0x10;
	v10 =	vshll.u32 v63, $0x10  }
0x189: {  	v5 =	vshll.u32 v2, $0x10;
	v2 =	vand.u32 $0xFFFF0000, v2;
	v6 =	vshll.u32 v4, $0x10  }
0x18a: {  	v4 =	vand.u32 $0xFFFF0000, v4;
	v1 =	vadd.f32 v3, v1;
	v5 =	vmul.f32 v6, v5  }
0x18b: {  	(xrf2) =	vadd.scan.msk.f32 $0xffff, v43;
	v2 =	vmul.f32 v4, v2;
	v4 =	vshll.u32 v53, $0x10;
	v6 =	vand.u32 $0xFFFF0000, v53  }
0x18c: {  	v53 =	vshll.u32 v7, $0x10;
	v7 =	vand.u32 $0xFFFF0000, v7;
	v3 =	vmul.f32 v10, v8  }
0x18d: {  	v9 =	vand.u32 $0xFFFF0000, v42;
	v4 =	vmul.f32 v53, v4;
	v11 =	vmul.f32 v7, v6  }
0x18e: {  	v8 =	vmul.f32 v62, v57;
	v7 =	vand.u32 $0xFFFF0000, v63;
	v1 =	vadd.f32 v61, v1;
	v42, _, _ =	vpop (xrf2);
	(xrf2) =	vadd.scan.msk.f32 $0xffff, v48  }
0x18f: {  	v2 =	vadd.f32 v2, v5;
	v5 =	vmul.f32 v7, v9;
	v50, _, _ =	vpop (xrf2);
	(xrf2) =	vadd.scan.msk.f32 $0xffff, v60;
	v4 =	vadd.f32 v11, v4  }
0x190: {  	v9 =	vand.u32 $0xFFFF0000, v58;
	v6, _, _ =	vpop (xrf2);
	(xrf2) =	vadd.scan.msk.f32 $0xffff, v0;
	v0 =	vadd.f32 v54, v1;
	v1 =	vadd.f32 v56, v52  }
0x191: {  	v3 =	vadd.f32 v5, v3;
	v2 =	vadd.f32 v4, v2;
	v4 =	vmul.f32 v9, v59  }
0x192: {  	v5 =	vmul.f32 v55, v51;
	v1 =	vadd.f32 v1, v44  }
0x193: {  	v2 =	vadd.f32 v3, v2;
	v3 =	vadd.f32 v4, v8  }
0x194: {  	v5 =	vadd.f32 v5, v45;
	v4 =	vmul.f32 v46, v41;
	v8 =	vmul.f32 v49, v40  }
0x195: {  	v7, _, _ =	vpop (xrf2);
	(xrf2) =	vadd.scan.msk.f32 $0xffff, v0;
	v0 =	vadd.f32 v3, v2;
	v2 =	vadd.f32 v34, v33;
	v3 =	vmul.f32 v38, v37  }
0x196: {  	v1 =	vadd.f32 v5, v1;
	v5 =	vmul.f32 v32, v31;
	v4 =	vadd.f32 v8, v4  }
0x197: {  	v8 =	vmul.f32 v35, v30;
	v2 =	vadd.f32 v2, v29;
	v3 =	vadd.f32 v3, v27  }
0x198: {  	v9, _, _ =	vpop (xrf2);
	(xrf2) =	vadd.scan.msk.f32 $0xffff, v0;
	v0 =	vadd.f32 v4, v1;
	v1 =	vadd.f32 v26, v25;
	v4 =	vmul.f32 v28, v22  }
0x199: {  	v2 =	vadd.f32 v3, v2;
	v3 =	vadd.f32 v8, v5;
	v5 =	vmul.f32 v20, v19  }
0x19a: {  	v8 =	vmul.f32 v21, v18;
	v1 =	vadd.f32 v1, v24;
	v4 =	vadd.f32 v4, v23;
	_ =	sdelay $0x1  }
0x19b: {  	v1 =	vadd.f32 v4, v1;
	v4 =	vadd.f32 v8, v5;
	v5 =	vld [tilespmem:$0x1FFC0]  }
0x19c: {  	v8 =	vld [tilespmem:$0x1FFE0]  }
0x19d: {  	v10, _, _ =	vpop (xrf2);
	(xrf2) =	vadd.scan.msk.f32 $0xffff, v0;
	v0 =	vadd.f32 v3, v2  }
0x19e: {  	v11 =	vld [tilespmem:$0x1FFF0]  }
0x19f: {  	v3 =	vmul.f32 v14, v12;
	v12, _, _ =	vpop (xrf2);
	(xrf2) =	vadd.scan.msk.f32 $0xffff, v0;
	v0 =	vadd.f32 v4, v1;
	v1 =	vld [tilespmem:$0x1FFA0]  }
0x1a0: {  	v4 =	vld [tilespmem:$0x1FFB0]  }
0x1a1: {  	v5 =	vmul.f32 v8, v5;
	v8 =	vld [tilespmem:$0x1FFD0];
	_ =	sdelay $0x3  }
0x1a2: {  	v2 =	vadd.f32 v17, v16;
	v1 =	vadd.f32 v4, v1;
	v4 =	vld [tilespmem:$0x1FF60]  }
0x1a3: {  	v8 =	vmul.f32 v11, v8;
	v11 =	vld [tilespmem:$0x1FF70]  }
0x1a4: {  	v2 =	vadd.f32 v2, v15;
	v3 =	vadd.f32 v3, v13;
	_ =	sdelay $0x1  }
0x1a5: {  	v2 =	vadd.f32 v3, v2;
	v14 =	vadd.f32 v8, v5;
	_ =	sdelay $0x1  }
0x1a6: {  	v4 =	vmul.f32 v11, v4;
	v11, _, _ =	vpop (xrf2);
	(xrf2) =	vadd.scan.msk.f32 $0xffff, v0;
	v0 =	vadd.f32 v14, v2;
	v2 =	vld [tilespmem:$0x1FF90];
	_ =	sdelay $0x1  }
0x1a7: {  	v18 =	vld [tilespmem:s28+$0x13030]  }
0x1a8: {  	v13 =	vld [tilespmem:$0x1FF40]  }
0x1a9: {  	v8 =	vld [tilespmem:$0x1FF80]  }
0x1aa: {  	v1 =	vadd.f32 v1, v2;
	v2 =	vld [tilespmem:$0x1FF50];
	_ =	sdelay $0x3  }
0x1ab: {  	v5 =	vshll.u32 v18, $0x10;
	v4 =	vadd.f32 v4, v8;
	v8 =	vand.u32 $0xFFFF0000, v18  }
0x1ac: {  	v5 =	vmul.f32 v5, v13;
	v3, _, _ =	vpop (xrf2);
	v2 =	vmul.f32 v8, v2  }
0x1ad: {  	v3 =	vbroadcast v3, $0xF;
	v8 =	vbroadcast v11, $0xF  }
0x1ae: {  	(xrf2) =	vadd.scan.msk.f32 $0xffff, v0;
	v1 =	vadd.f32 v4, v1;
	v11 =	vbroadcast v12, $0xF;
	v2 =	vadd.f32 v2, v5  }
0x1af: {  	v4, _, _ =	vpop (xrf2);
	v0 =	vsel vm0, v8, v3;
	v3 =	vbroadcast v10, $0xF  }
0x1b0: {  	v5 =	vbroadcast v4, $0xF;
	v0 =	vsel vm1, v0, v11;
	v1 =	vadd.f32 v2, v1  }
0x1b1: {  	v0 =	vsel vm2, v0, v3;
	v2 =	vbroadcast v9, $0xF  }
0x1b2: {  	v4, _, _ =	vpop (xrf2);
	v0 =	vsel vm3, v0, v5;
	v5 =	vbroadcast v7, $0xF;
	(xrf2) =	vadd.scan.msk.f32 $0xffff, v1  }
0x1b3: {  	v0 =	vsel vm4, v0, v2;
	v1 =	vbroadcast v4, $0xF  }
0x1b4: {  	v2 =	vbroadcast v6, $0xF;
	v0 =	vsel vm5, v0, v5  }
0x1b5: {  	v3, _, _ =	vpop (xrf2);
	v0 =	vsel vm6, v0, v1;
	v1 =	vbroadcast v50, $0xF  }
0x1b6: {  	v0 =	vsel vm7, v0, v2;
	v2 =	vbroadcast v3, $0xF  }
0x1b7: {  	v0 =	vsel vm8, v0, v1;
	v1 =	vbroadcast v42, $0xF  }
0x1b8: {  	v3, _, _ =	vpop (xrf2);
	v0 =	vsel vm9, v0, v2;
	v2 =	vbroadcast v39, $0xF  }
0x1b9: {  	v3 =	vbroadcast v3, $0xF;
	v0 =	vsel vm10, v0, v1  }
0x1ba: {  	v0 =	vsel vm11, v0, v2;
	v2 =	vbroadcast v36, $0xF  }
0x1bb: {  	v0 =	vsel vm12, v0, v3  }
0x1bc: {  	v0 =	vsel vm13, v0, v2;
	v1, _, _ =	vpop (xrf2)  }
0x1bd: {  	s29 =	sadd.s32 $0x10, s29;
	v0 =	vsel vm14, v0, v1  }
0x1be: {  	s28 =	sshra.s32 s30, $0x2;
	[tilespmem:s29+$0x0] =	vst v0  }
0x1bf: {  	v0 =	vld [tilespmem:s28+$0xF030]  }
0x1c0: {  	v1 =	vld [tilespmem:s28+$0xF020]  }
0x1c1: {  	v2 =	vld [tilespmem:s28+$0xEFF0]  }
0x1c2: {  	v5 =	vld [tilespmem:s28+$0x13000]  }
0x1c3: {  	v3 =	vld [tilespmem:s28+$0x12FF0]  }
0x1c4: {  	v6 =	vld [tilespmem:s28+$0x13020]  }
0x1c5: {  	v4 =	vld [tilespmem:s28+$0xF000]  }
0x1c6: {  	v7 =	vshll.u32 v0, $0x10;
	v9 =	vshll.u32 v1, $0x10;
	v0 =	vand.u32 $0xFFFF0000, v0  }
0x1c7: {  	v8 =	vld [tilespmem:s28+$0xF010];
	v12 =	vshll.u32 v5, $0x10;
	v5 =	vand.u32 $0xFFFF0000, v5;
	v1 =	vand.u32 $0xFFFF0000, v1;
	[tilespmem:$0x1FF40] =	vst v7  }
0x1c8: {  	v10 =	vld [tilespmem:s28+$0x13010];
	v7 =	vshll.u32 v2, $0x10;
	[tilespmem:$0x1FF50] =	vst v0;
	v0 =	vand.u32 $0xFFFF0000, v2;
	v2 =	vshll.u32 v3, $0x10  }
0x1c9: {  	v11 =	vld [tilespmem:s28+$0xEFB0];
	v3 =	vand.u32 $0xFFFF0000, v3;
	[tilespmem:$0x1FF60] =	vst v1;
	v1 =	vand.u32 $0xFFFF0000, v6;
	v2 =	vmul.f32 v2, v7  }
0x1ca: {  	v18 =	vld [tilespmem:s28+$0xEEF0];
	v0 =	vmul.f32 v3, v0;
	v3 =	vshll.u32 v4, $0x10;
	v4 =	vand.u32 $0xFFFF0000, v4  }
0x1cb: {  	v13 =	vld [tilespmem:s28+$0x12FE0];
	v3 =	vmul.f32 v12, v3;
	v4 =	vmul.f32 v5, v4;
	v5 =	vshll.u32 v6, $0x10  }
0x1cc: {  	v7 =	vld [tilespmem:s28+$0xEFE0];
	[tilespmem:$0x1FF70] =	vst v1;
	v1 =	vmul.f32 v5, v9  }
0x1cd: {  	v0 =	vadd.f32 v0, v2;
	v2 =	vadd.f32 v4, v3  }
0x1ce: {  	v14 =	vshll.u32 v11, $0x10;
	v12 =	vld [tilespmem:s28+$0xEFC0];
	[tilespmem:$0x1FF80] =	vst v1  }
0x1cf: {  	v19 =	vshll.u32 v18, $0x10;
	v5 =	vshll.u32 v10, $0x10;
	v1 =	vld [tilespmem:s28+$0x12FC0];
	[tilespmem:$0x1FF90] =	vst v2;
	v2 =	vshll.u32 v8, $0x10  }
0x1d0: {  	v18 =	vand.u32 $0xFFFF0000, v18;
	v6 =	vand.u32 $0xFFFF0000, v10;
	v3 =	vld [tilespmem:s28+$0xEFD0];
	v2 =	vmul.f32 v5, v2  }
0x1d1: {  	v4 =	vand.u32 $0xFFFF0000, v8;
	v8 =	vld [tilespmem:s28+$0x12FD0];
	v9 =	vshll.u32 v7, $0x10;
	v5 =	vshll.u32 v13, $0x10  }
0x1d2: {  	v30 =	vld [tilespmem:s28+$0xEE30];
	[tilespmem:$0x1FFA0] =	vst v2;
	v2 =	vmul.f32 v6, v4;
	v4 =	vand.u32 $0xFFFF0000, v7;
	v6 =	vand.u32 $0xFFFF0000, v13  }
0x1d3: {  	v54 =	vld [tilespmem:s28+$0x12E90];
	v10 =	vshll.u32 v12, $0x10;
	v5 =	vmul.f32 v5, v9;
	v4 =	vmul.f32 v6, v4  }
0x1d4: {  	v7 =	vld [tilespmem:s28+$0x12F70];
	v6 =	vand.u32 $0xFFFF0000, v12;
	v9 =	vshll.u32 v1, $0x10;
	v1 =	vand.u32 $0xFFFF0000, v1  }
0x1d5: {  	[tilespmem:$0x1FFB0] =	vst v2;
	v2 =	vld [tilespmem:s28+$0xEF70];
	v9 =	vmul.f32 v9, v10;
	v1 =	vmul.f32 v1, v6;
	v6 =	vshll.u32 v3, $0x10  }
0x1d6: {  	v10 =	vld [tilespmem:s28+$0x12FB0];
	v3 =	vand.u32 $0xFFFF0000, v3;
	v12 =	vshll.u32 v8, $0x10;
	v8 =	vand.u32 $0xFFFF0000, v8  }
0x1d7: {  	v15 =	vld [tilespmem:s28+$0x12F30];
	v31 =	vshll.u32 v30, $0x10;
	v6 =	vmul.f32 v12, v6;
	v3 =	vmul.f32 v8, v3  }
0x1d8: {  	v30 =	vand.u32 $0xFFFF0000, v30;
	v58 =	vshll.u32 v54, $0x10;
	v33 =	vand.u32 $0xFFFF0000, v54;
	v8 =	vld [tilespmem:s28+$0xEF30]  }
0x1d9: {  	v59 =	vld [tilespmem:s28+$0x12E50];
	[tilespmem:$0x1FFC0] =	vst v14;
	v1 =	vadd.f32 v1, v9;
	v14 =	vshll.u32 v7, $0x10;
	v3 =	vadd.f32 v3, v6  }
0x1da: {  	v13 =	vld [tilespmem:s28+$0xEFA0];
	v7 =	vand.u32 $0xFFFF0000, v7;
	v12 =	vshll.u32 v2, $0x10;
	v2 =	vand.u32 $0xFFFF0000, v2  }
0x1db: {  	v6 =	vld [tilespmem:s28+$0xEF60];
	v1 =	vadd.f32 v3, v1;
	v3 =	vadd.f32 v4, v5;
	v5 =	vand.u32 $0xFFFF0000, v10  }
0x1dc: {  	v4 =	vld [tilespmem:s28+$0x12FA0];
	v9 =	vmul.f32 v14, v12;
	v2 =	vmul.f32 v7, v2;
	v7 =	vand.u32 $0xFFFF0000, v11;
	[tilespmem:$0x1FFF0] =	vst v5  }
0x1dd: {  	v11 =	vshll.u32 v10, $0x10;
	v5 =	vshll.u32 v8, $0x10;
	v10 =	vand.u32 $0xFFFF0000, v15;
	[tilespmem:$0x1FFD0] =	vst v7;
	v7 =	vld [tilespmem:s28+$0x12F60]  }
0x1de: {  	v1 =	vadd.f32 v3, v1;
	v3 =	vand.u32 $0xFFFF0000, v8;
	v8 =	vshll.u32 v15, $0x10;
	v15 =	vld [tilespmem:s28+$0x12F80]  }
0x1df: {  	v61 =	vshll.u32 v59, $0x10;
	v62 =	vand.u32 $0xFFFF0000, v59;
	v12 =	vand.u32 $0xFFFF0000, v13  }
0x1e0: {  	v22 =	vadd.f32 v2, v9;
	v9 =	vld [tilespmem:s28+$0xEF80];
	v5 =	vmul.f32 v8, v5;
	v3 =	vmul.f32 v10, v3  }
0x1e1: {  	v16 =	vld [tilespmem:s28+$0x12F90];
	v2 =	vshll.u32 v13, $0x10;
	v8 =	vshll.u32 v6, $0x10;
	v6 =	vand.u32 $0xFFFF0000, v6  }
0x1e2: {  	v10 =	vld [tilespmem:s28+$0xEF90];
	v36 =	vadd.f32 v0, v1;
	v14 =	vand.u32 $0xFFFF0000, v4;
	v24 =	vadd.f32 v3, v5  }
0x1e3: {  	v20 =	vld [tilespmem:s28+$0xEF20];
	v13 =	vshll.u32 v7, $0x10;
	v7 =	vand.u32 $0xFFFF0000, v7;
	v5 =	vshll.u32 v15, $0x10  }
0x1e4: {  	v0 =	vld [tilespmem:s28+$0x12F20];
	v8 =	vmul.f32 v13, v8;
	v6 =	vmul.f32 v7, v6;
	v7 =	vshll.u32 v4, $0x10  }
0x1e5: {  	v3 =	vld [tilespmem:s28+$0xEF40];
	v4 =	vand.u32 $0xFFFF0000, v9;
	v13 =	vmul.f32 v7, v2;
	v2 =	vshll.u32 v9, $0x10  }
0x1e6: {  	v21 =	vld [tilespmem:s28+$0x12F50];
	v9 =	vshll.u32 v16, $0x10;
	v1 =	vadd.f32 v6, v8;
	v6 =	vand.u32 $0xFFFF0000, v15  }
0x1e7: {  	v7 =	vld [tilespmem:s28+$0x12F40];
	v2 =	vmul.f32 v5, v2;
	v5 =	vshll.u32 v10, $0x10;
	v8 =	vand.u32 $0xFFFF0000, v10  }
0x1e8: {  	v23 =	vld [tilespmem:s28+$0x12F00];
	v10 =	vand.u32 $0xFFFF0000, v16;
	v4 =	vmul.f32 v6, v4;
	v16 =	vmul.f32 v9, v5  }
0x1e9: {  	v6 =	vld [tilespmem:s28+$0xEF50];
	v17 =	vmul.f32 v10, v8;
	v5 =	vand.u32 $0xFFFF0000, v20;
	v8 =	vshll.u32 v0, $0x10  }
0x1ea: {  	v60 =	vld [tilespmem:s28+$0xEDF0];
	v9 =	vshll.u32 v3, $0x10;
	v3 =	vand.u32 $0xFFFF0000, v3;
	v0 =	vand.u32 $0xFFFF0000, v0  }
0x1eb: {  	v10 =	vld [tilespmem:s28+$0xEF00];
	v0 =	vmul.f32 v0, v5;
	v15 =	vadd.f32 v4, v2;
	v2 =	vshll.u32 v20, $0x10  }
0x1ec: {  	v25 =	vld [tilespmem:s28+$0xEF10];
	v20 =	vshll.u32 v7, $0x10;
	v7 =	vand.u32 $0xFFFF0000, v7;
	v2 =	vmul.f32 v8, v2  }
0x1ed: {  	v26 =	vld [tilespmem:s28+$0x12F10];
	v9 =	vmul.f32 v20, v9;
	v3 =	vmul.f32 v7, v3;
	v20 =	vshll.u32 v21, $0x10  }
0x1ee: {  	v21 =	vand.u32 $0xFFFF0000, v21;
	v7 =	vshll.u32 v6, $0x10;
	v6 =	vand.u32 $0xFFFF0000, v6  }
0x1ef: {  	v45 =	vshll.u32 v60, $0x10;
	v7 =	vmul.f32 v20, v7;
	v6 =	vmul.f32 v21, v6  }
0x1f0: {  	v5 =	vld [tilespmem:s28+$0x12EB0];
	v8 =	vshll.u32 v10, $0x10;
	v3 =	vadd.f32 v3, v9;
	v9 =	vshll.u32 v23, $0x10  }
0x1f1: {  	v21 =	vld [tilespmem:s28+$0xEEB0];
	v8 =	vmul.f32 v9, v8;
	v9 =	vshll.u32 v25, $0x10;
	v6 =	vadd.f32 v6, v7  }
0x1f2: {  	v28 =	vld [tilespmem:s28+$0x12E70];
	v7 =	vand.u32 $0xFFFF0000, v10;
	v10 =	vand.u32 $0xFFFF0000, v23;
	v23 =	vshll.u32 v26, $0x10  }
0x1f3: {  	v4 =	vld [tilespmem:s28+$0x12EF0];
	v7 =	vmul.f32 v10, v7;
	v10 =	vand.u32 $0xFFFF0000, v25;
	v25 =	vand.u32 $0xFFFF0000, v26  }
0x1f4: {  	v0 =	vadd.f32 v0, v2;
	v26 =	vld [tilespmem:s28+$0xEEE0];
	v9 =	vmul.f32 v23, v9;
	v10 =	vmul.f32 v25, v10  }
0x1f5: {  	v3 =	vadd.f32 v6, v3;
	v6 =	vld [tilespmem:s28+$0xEE70];
	v25 =	vshll.u32 v5, $0x10;
	v5 =	vand.u32 $0xFFFF0000, v5  }
0x1f6: {  	v23 =	vshll.u32 v21, $0x10;
	v21 =	vand.u32 $0xFFFF0000, v21;
	v7 =	vadd.f32 v7, v8  }
0x1f7: {  	v8 =	vadd.f32 v10, v9;
	v9 =	vld [tilespmem:s28+$0xEEA0];
	v10 =	vmul.f32 v25, v23;
	v5 =	vmul.f32 v5, v21  }
0x1f8: {  	v20 =	vshll.u32 v4, $0x10;
	v1 =	vadd.f32 v1, v3;
	v3 =	vld [tilespmem:s28+$0x12EA0];
	v21 =	vand.u32 $0xFFFF0000, v4  }
0x1f9: {  	v4 =	vadd.f32 v8, v7;
	v27 =	vadd.f32 v5, v10;
	v2 =	vshll.u32 v26, $0x10;
	v5 =	vld [tilespmem:s28+$0x12EE0]  }
0x1fa: {  	v39 =	vadd.f32 v22, v1;
	v7 =	vld [tilespmem:s28+$0xEEC0];
	v8 =	vand.u32 $0xFFFF0000, v28;
	v1 =	vshll.u32 v6, $0x10  }
0x1fb: {  	v10 =	vld [tilespmem:s28+$0x12EC0];
	v0 =	vadd.f32 v0, v4;
	v4 =	vand.u32 $0xFFFF0000, v6;
	v6 =	vshll.u32 v28, $0x10  }
0x1fc: {  	v1 =	vmul.f32 v6, v1;
	v4 =	vmul.f32 v8, v4;
	v6 =	vshll.u32 v9, $0x10  }
0x1fd: {  	v25 =	vld [tilespmem:s28+$0x12ED0];
	v9 =	vand.u32 $0xFFFF0000, v9;
	v23 =	vshll.u32 v3, $0x10;
	v3 =	vand.u32 $0xFFFF0000, v3  }
0x1fe: {  	v8 =	vld [tilespmem:s28+$0xEED0];
	v6 =	vmul.f32 v23, v6;
	v3 =	vmul.f32 v3, v9;
	v42 =	vadd.f32 v24, v0  }
0x1ff: {  	v53 =	vld [tilespmem:s28+$0xEE60];
	v9 =	vshll.u32 v5, $0x10;
	v28 =	vand.u32 $0xFFFF0000, v5;
	v29 =	vadd.f32 v4, v1  }
0x200: {  	v0 =	vld [tilespmem:s28+$0x12E60];
	v4 =	vand.u32 $0xFFFF0000, v7;
	v5 =	vshll.u32 v10, $0x10;
	v23 =	vmul.f32 v9, v2  }
0x201: {  	v1 =	vadd.f32 v3, v6;
	v2 =	vshll.u32 v7, $0x10;
	v3 =	vld [tilespmem:s28+$0xEE80];
	v6 =	vand.u32 $0xFFFF0000, v10  }
0x202: {  	v22 =	vand.u32 $0xFFFF0000, v26;
	v7 =	vld [tilespmem:s28+$0x12E80];
	v2 =	vmul.f32 v5, v2;
	v4 =	vmul.f32 v6, v4  }
0x203: {  	v9 =	vshll.u32 v25, $0x10;
	v10 =	vand.u32 $0xFFFF0000, v25;
	v5 =	vshll.u32 v8, $0x10  }
0x204: {  	v6 =	vld [tilespmem:s28+$0xEE90];
	v8 =	vand.u32 $0xFFFF0000, v8;
	v24 =	vadd.f32 v4, v2;
	v25 =	vmul.f32 v9, v5  }
0x205: {  	v63 =	vld [tilespmem:s28+$0xEE20];
	v26 =	vmul.f32 v10, v8;
	v2 =	vshll.u32 v53, $0x10;
	v8 =	vshll.u32 v0, $0x10  }
0x206: {  	v5 =	vand.u32 $0xFFFF0000, v53;
	v10 =	vld [tilespmem:s28+$0xEE40];
	v0 =	vand.u32 $0xFFFF0000, v0;
	v2 =	vmul.f32 v8, v2  }
0x207: {  	v56 =	vld [tilespmem:s28+$0x12E40];
	v0 =	vmul.f32 v0, v5;
	v9 =	vshll.u32 v3, $0x10;
	v55 =	vshll.u32 v7, $0x10  }
0x208: {  	v3 =	vand.u32 $0xFFFF0000, v3;
	v7 =	vand.u32 $0xFFFF0000, v7;
	v9 =	vmul.f32 v55, v9  }
0x209: {  	v57 =	vld [tilespmem:s28+$0xEE50];
	v3 =	vmul.f32 v7, v3;
	v7 =	vshll.u32 v6, $0x10;
	v6 =	vand.u32 $0xFFFF0000, v6  }
0x20a: {  	v49 =	vld [tilespmem:s28+$0xED70];
	v37 =	vand.u32 $0xFFFF0000, v63;
	v7 =	vmul.f32 v58, v7;
	v6 =	vmul.f32 v33, v6  }
0x20b: {  	v5 =	vld [tilespmem:s28+$0x12DF0];
	v0 =	vadd.f32 v0, v2;
	v2 =	vshll.u32 v63, $0x10;
	v8 =	vshll.u32 v10, $0x10  }
0x20c: {  	v47 =	vld [tilespmem:s28+$0x12DB0];
	v3 =	vadd.f32 v3, v9;
	v9 =	vshll.u32 v56, $0x10;
	v6 =	vadd.f32 v6, v7  }
0x20d: {  	v4 =	vld [tilespmem:s28+$0x12E30];
	v7 =	vand.u32 $0xFFFF0000, v10;
	v10 =	vand.u32 $0xFFFF0000, v56;
	v8 =	vmul.f32 v9, v8  }
0x20e: {  	v63 =	vld [tilespmem:s28+$0xED30];
	v9 =	vshll.u32 v57, $0x10;
	v7 =	vmul.f32 v10, v7;
	v10 =	vand.u32 $0xFFFF0000, v57  }
0x20f: {  	v41 =	vshll.u32 v49, $0x10;
	v9 =	vmul.f32 v61, v9;
	v57 =	vld [tilespmem:s28+$0x12DD0];
	v10 =	vmul.f32 v62, v10  }
0x210: {  	v33 =	vand.u32 $0xFFFF0000, v60;
	v46 =	vshll.u32 v5, $0x10;
	v3 =	vadd.f32 v6, v3;
	v6 =	vld [tilespmem:s28+$0xEDB0]  }
0x211: {  	v5 =	vand.u32 $0xFFFF0000, v5;
	v62 =	vld [tilespmem:s28+$0x12D90];
	v7 =	vadd.f32 v7, v8;
	v8 =	vadd.f32 v10, v9  }
0x212: {  	v5 =	vmul.f32 v5, v33;
	v10 =	vmul.f32 v46, v45;
	v1 =	vadd.f32 v1, v3  }
0x213: {  	v32 =	vshll.u32 v4, $0x10;
	v35 =	vand.u32 $0xFFFF0000, v4;
	v9 =	vld [tilespmem:s28+$0xEDE0];
	v4 =	vadd.f32 v8, v7  }
0x214: {  	v40 =	vand.u32 $0xFFFF0000, v49;
	v3 =	vld [tilespmem:s28+$0x12DE0];
	v43 =	vadd.f32 v5, v10;
	v50 =	vadd.f32 v27, v1  }
0x215: {  	v5 =	vld [tilespmem:s28+$0x12E20];
	v8 =	vand.u32 $0xFFFF0000, v47;
	v61 =	vshll.u32 v57, $0x10;
	v46 =	vand.u32 $0xFFFF0000, v57  }
0x216: {  	v7 =	vld [tilespmem:s28+$0xEE00];
	v57 =	vand.u32 $0xFFFF0000, v63;
	v1 =	vshll.u32 v6, $0x10;
	v54 =	vshll.u32 v62, $0x10  }
0x217: {  	v10 =	vld [tilespmem:s28+$0x12E00];
	v0 =	vadd.f32 v0, v4;
	v4 =	vand.u32 $0xFFFF0000, v6;
	v6 =	vshll.u32 v47, $0x10  }
0x218: {  	v48 =	vld [tilespmem:s28+$0x12E10];
	v1 =	vmul.f32 v6, v1;
	v4 =	vmul.f32 v8, v4;
	v6 =	vshll.u32 v9, $0x10  }
0x219: {  	v56 =	vld [tilespmem:s28+$0xEDA0];
	v9 =	vand.u32 $0xFFFF0000, v9;
	v27 =	vshll.u32 v3, $0x10;
	v3 =	vand.u32 $0xFFFF0000, v3  }
0x21a: {  	v8 =	vld [tilespmem:s28+$0xEE10];
	v6 =	vmul.f32 v27, v6;
	v3 =	vmul.f32 v3, v9;
	v53 =	vadd.f32 v29, v0  }
0x21b: {  	v0 =	vld [tilespmem:s28+$0x12DA0];
	v9 =	vshll.u32 v5, $0x10;
	v38 =	vand.u32 $0xFFFF0000, v5;
	v44 =	vadd.f32 v4, v1  }
0x21c: {  	v4 =	vand.u32 $0xFFFF0000, v7;
	v5 =	vshll.u32 v10, $0x10;
	v1 =	vadd.f32 v3, v6;
	v3 =	vld [tilespmem:s28+$0xEDC0]  }
0x21d: {  	v27 =	vmul.f32 v9, v2;
	v2 =	vshll.u32 v7, $0x10;
	v6 =	vand.u32 $0xFFFF0000, v10;
	v7 =	vld [tilespmem:s28+$0x12DC0]  }
0x21e: {  	v55 =	vand.u32 $0xFFFF0000, v62;
	v2 =	vmul.f32 v5, v2;
	v4 =	vmul.f32 v6, v4  }
0x21f: {  	v9 =	vshll.u32 v48, $0x10;
	v10 =	vand.u32 $0xFFFF0000, v48;
	v6 =	vld [tilespmem:s28+$0xEDD0];
	v5 =	vshll.u32 v8, $0x10  }
0x220: {  	v8 =	vand.u32 $0xFFFF0000, v8;
	v29 =	vadd.f32 v4, v2;
	v33 =	vmul.f32 v9, v5  }
0x221: {  	v34 =	vmul.f32 v10, v8;
	v2 =	vshll.u32 v56, $0x10;
	v5 =	vand.u32 $0xFFFF0000, v56;
	v10 =	vld [tilespmem:s28+$0xED80]  }
0x222: {  	v59 =	vld [tilespmem:s28+$0x12D80];
	v8 =	vshll.u32 v0, $0x10;
	v9 =	vshll.u32 v3, $0x10;
	v58 =	vshll.u32 v7, $0x10  }
0x223: {  	v3 =	vand.u32 $0xFFFF0000, v3;
	v7 =	vand.u32 $0xFFFF0000, v7;
	v9 =	vmul.f32 v58, v9  }
0x224: {  	v60 =	vld [tilespmem:s28+$0xED90];
	v3 =	vmul.f32 v7, v3;
	v7 =	vshll.u32 v6, $0x10;
	v6 =	vand.u32 $0xFFFF0000, v6  }
0x225: {  	v0 =	vand.u32 $0xFFFF0000, v0;
	v7 =	vmul.f32 v61, v7;
	v6 =	vmul.f32 v46, v6  }
0x226: {  	v2 =	vmul.f32 v8, v2;
	v0 =	vmul.f32 v0, v5;
	v5 =	vld [tilespmem:s28+$0x12D30];
	v8 =	vshll.u32 v10, $0x10  }
0x227: {  	v3 =	vadd.f32 v3, v9;
	v9 =	vshll.u32 v59, $0x10;
	v6 =	vadd.f32 v6, v7  }
0x228: {  	v51 =	vld [tilespmem:s28+$0xED60];
	v7 =	vand.u32 $0xFFFF0000, v10;
	v10 =	vand.u32 $0xFFFF0000, v59;
	v8 =	vmul.f32 v9, v8  }
0x229: {  	v4 =	vld [tilespmem:s28+$0x12D70];
	v9 =	vshll.u32 v60, $0x10;
	v7 =	vmul.f32 v10, v7;
	v10 =	vand.u32 $0xFFFF0000, v60  }
0x22a: {  	v56 =	vshll.u32 v63, $0x10;
	v59 =	vld [tilespmem:s28+$0x12CF0];
	v9 =	vmul.f32 v54, v9;
	v10 =	vmul.f32 v55, v10  }
0x22b: {  	v0 =	vadd.f32 v0, v2;
	v58 =	vshll.u32 v5, $0x10;
	v3 =	vadd.f32 v6, v3;
	v6 =	vld [tilespmem:s28+$0xECF0]  }
0x22c: {  	v5 =	vand.u32 $0xFFFF0000, v5;
	v7 =	vadd.f32 v7, v8;
	v8 =	vadd.f32 v10, v9  }
0x22d: {  	v5 =	vmul.f32 v5, v57;
	v9 =	vld [tilespmem:s28+$0xED20];
	v10 =	vmul.f32 v58, v56;
	v1 =	vadd.f32 v1, v3  }
0x22e: {  	v46 =	vshll.u32 v4, $0x10;
	v49 =	vand.u32 $0xFFFF0000, v4;
	v3 =	vld [tilespmem:s28+$0x12D20];
	v4 =	vadd.f32 v8, v7  }
0x22f: {  	v2 =	vld [tilespmem:s28+$0xED40];
	v60 =	vadd.f32 v5, v10;
	v5 =	vshll.u32 v51, $0x10;
	v43 =	vadd.f32 v43, v1  }
0x230: {  	v7 =	vld [tilespmem:s28+$0x12D40];
	v51 =	vand.u32 $0xFFFF0000, v51;
	v8 =	vand.u32 $0xFFFF0000, v59;
	v1 =	vshll.u32 v6, $0x10  }
0x231: {  	v10 =	vld [tilespmem:s28+$0x12D60];
	v0 =	vadd.f32 v0, v4;
	v4 =	vand.u32 $0xFFFF0000, v6;
	v6 =	vshll.u32 v59, $0x10  }
0x232: {  	v1 =	vmul.f32 v6, v1;
	v4 =	vmul.f32 v8, v4;
	v6 =	vshll.u32 v9, $0x10  }
0x233: {  	v62 =	vld [tilespmem:s28+$0xED50];
	v8 =	vand.u32 $0xFFFF0000, v9;
	v9 =	vshll.u32 v3, $0x10;
	v3 =	vand.u32 $0xFFFF0000, v3  }
0x234: {  	v63 =	vld [tilespmem:s28+$0xEC70];
	v6 =	vmul.f32 v9, v6;
	v3 =	vmul.f32 v3, v8;
	v8 =	vshll.u32 v2, $0x10  }
0x235: {  	v9 =	vld [tilespmem:s28+$0x12C70];
	v2 =	vand.u32 $0xFFFF0000, v2;
	v48 =	vshll.u32 v7, $0x10;
	v7 =	vand.u32 $0xFFFF0000, v7  }
0x236: {  	v61 =	vld [tilespmem:s28+$0xED00];
	v47 =	vadd.f32 v4, v1;
	v55 =	vand.u32 $0xFFFF0000, v10;
	v8 =	vmul.f32 v48, v8  }
0x237: {  	v1 =	vld [tilespmem:s28+$0x12D00];
	v2 =	vmul.f32 v7, v2;
	v7 =	vshll.u32 v10, $0x10;
	v48 =	vadd.f32 v44, v0  }
0x238: {  	v4 =	vld [tilespmem:s28+$0x12D10];
	v3 =	vadd.f32 v3, v6;
	v6 =	vand.u32 $0xFFFF0000, v62;
	v45 =	vmul.f32 v7, v5  }
0x239: {  	v0 =	vld [tilespmem:s28+$0xED10];
	v5 =	vshll.u32 v62, $0x10;
	v7 =	vand.u32 $0xFFFF0000, v63;
	v44 =	vadd.f32 v2, v8  }
0x23a: {  	v59 =	vld [tilespmem:s28+$0x12CE0];
	v2 =	vshll.u32 v63, $0x10;
	v8 =	vshll.u32 v9, $0x10;
	v9 =	vand.u32 $0xFFFF0000, v9  }
0x23b: {  	v10 =	vld [tilespmem:s28+$0x12D50];
	v62 =	vand.u32 $0xFFFF0000, v61;
	v2 =	vmul.f32 v8, v2;
	v7 =	vmul.f32 v9, v7  }
0x23c: {  	v8 =	vshll.u32 v61, $0x10;
	v63 =	vshll.u32 v1, $0x10;
	v1 =	vand.u32 $0xFFFF0000, v1  }
0x23d: {  	v58 =	vld [tilespmem:s28+$0xECE0];
	v57 =	vshll.u32 v4, $0x10;
	v4 =	vand.u32 $0xFFFF0000, v4;
	v8 =	vmul.f32 v63, v8  }
0x23e: {  	v9 =	vld [tilespmem:s28+$0xECB0];
	v1 =	vmul.f32 v1, v62;
	v52 =	vshll.u32 v0, $0x10;
	v0 =	vand.u32 $0xFFFF0000, v0  }
0x23f: {  	v61 =	vld [tilespmem:s28+$0xEC60];
	v62 =	vand.u32 $0xFFFF0000, v59;
	v63 =	vmul.f32 v57, v52;
	v0 =	vmul.f32 v4, v0  }
0x240: {  	v4 =	vshll.u32 v10, $0x10;
	v54 =	vadd.f32 v7, v2;
	v2 =	vld [tilespmem:s28+$0xECC0];
	v7 =	vand.u32 $0xFFFF0000, v10  }
0x241: {  	v52 =	vmul.f32 v4, v5;
	v4 =	vld [tilespmem:s28+$0x12CC0];
	v1 =	vadd.f32 v1, v8;
	v0 =	vadd.f32 v0, v63  }
0x242: {  	v10 =	vshll.u32 v59, $0x10;
	v56 =	vmul.f32 v7, v6;
	v6 =	vshll.u32 v58, $0x10;
	v8 =	vld [tilespmem:s28+$0x12CD0]  }
0x243: {  	(xrf2) =	vadd.scan.msk.f32 $0xffff, v36;
	v5 =	vld [tilespmem:s28+$0xECD0];
	v7 =	vand.u32 $0xFFFF0000, v58;
	v6 =	vmul.f32 v10, v6;
	v0 =	vadd.f32 v0, v1  }
0x244: {  	v7 =	vmul.f32 v62, v7;
	v57 =	vshll.u32 v9, $0x10;
	v59 =	vand.u32 $0xFFFF0000, v9  }
0x245: {  	[tilespmem:$0x1FFE0] =	vst v11;
	v9 =	vshll.u32 v61, $0x10;
	v1 =	vld [tilespmem:s28+$0x12C60];
	v10 =	vshll.u32 v2, $0x10;
	v3 =	vadd.f32 v3, v0  }
0x246: {  	v11 =	vld [tilespmem:s28+$0x12C50];
	(xrf2) =	vadd.scan.msk.f32 $0xffff, v39;
	v0 =	vand.u32 $0xFFFF0000, v2;
	v2 =	vshll.u32 v4, $0x10;
	v4 =	vand.u32 $0xFFFF0000, v4  }
0x247: {  	v39 =	vld [tilespmem:s28+$0x12C40];
	v36 =	vshll.u32 v8, $0x10;
	v8 =	vand.u32 $0xFFFF0000, v8;
	v2 =	vmul.f32 v2, v10  }
0x248: {  	v0 =	vmul.f32 v4, v0;
	v4 =	vshll.u32 v5, $0x10;
	v10 =	vld [tilespmem:s28+$0xEC40];
	v5 =	vand.u32 $0xFFFF0000, v5  }
0x249: {  	v63 =	vand.u32 $0xFFFF0000, v61;
	v4 =	vmul.f32 v36, v4;
	v5 =	vmul.f32 v8, v5  }
0x24a: {  	v58 =	vld [tilespmem:s28+$0x12CB0];
	v60 =	vadd.f32 v60, v3;
	v62 =	vshll.u32 v1, $0x10;
	v1 =	vand.u32 $0xFFFF0000, v1  }
0x24b: {  	p1 =	sne.s32 s30, $0x7000;
	(xrf2) =	vadd.scan.msk.f32 $0xffff, v42;
	v8 =	vld [tilespmem:s28+$0xEC50];
	v2 =	vadd.f32 v0, v2;
	v9 =	vmul.f32 v62, v9;
	v1 =	vmul.f32 v1, v63  }
.Ltmp0:
0x24c: {  	v42 =	vld [tilespmem:s28+$0xECA0];
	(xrf2) =	vadd.scan.msk.f32 $0xffff, v50;
	v0 =	vadd.f32 v7, v6;
	v7 =	vshll.u32 v11, $0x10;
	v4 =	vadd.f32 v5, v4;
	(pc) =	sbr.rel @p1 .LBB2_4-.Ltmp0, $4  }
0x24d: {  	v36, _, _ =	vpop (xrf2);
	(xrf2) =	vadd.scan.msk.f32 $0xffff, v53;
	v53 =	vld [tilespmem:s28+$0xEC90];
	v5 =	vand.u32 $0xFFFF0000, v39;
	v3 =	vshll.u32 v10, $0x10;
	v61 =	vadd.f32 v1, v9  }
0x24e: {  	v63 =	vld [tilespmem:s28+$0x12CA0];
	v50 =	vadd.f32 v4, v2;
	v4 =	vand.u32 $0xFFFF0000, v10;
	v1 =	vshll.u32 v39, $0x10  }
0x24f: {  	v62 =	vshll.u32 v58, $0x10;
	v2 =	vld [tilespmem:s28+$0xEC80];
	v1 =	vmul.f32 v1, v3;
	v3 =	vmul.f32 v5, v4  }
0x250: {  	s30 =	sadd.s32 $0x1000, s30;
	v39, _, _ =	vpop (xrf2);
	v5 =	vshll.u32 v8, $0x10;
	v4 =	vld [tilespmem:s28+$0x12C80];
	v6 =	vand.u32 $0xFFFF0000, v8;
	v8 =	vand.u32 $0xFFFF0000, v11  }
0x251: {  	v9 =	vld [tilespmem:s28+$0x12C90];
	v5 =	vmul.f32 v7, v5;
	v6 =	vmul.f32 v8, v6  }
0x252: {  	v0 =	vadd.f32 v0, v50;
	v1 =	vadd.f32 v3, v1;
	v10 =	vmul.f32 v14, v12  }
0x253: {  	v8 =	vshll.u32 v42, $0x10;
	v5 =	vadd.f32 v6, v5;
	v6 =	vshll.u32 v53, $0x10  }
0x254: {  	v0 =	vadd.f32 v47, v0;
	v10 =	vadd.f32 v10, v13;
	v3 =	vshll.u32 v2, $0x10  }
0x255: {  	v2 =	vand.u32 $0xFFFF0000, v2;
	v7 =	vshll.u32 v4, $0x10;
	v4 =	vand.u32 $0xFFFF0000, v4  }
0x256: {  	v3 =	vmul.f32 v7, v3;
	v7 =	vshll.u32 v9, $0x10;
	v2 =	vmul.f32 v4, v2  }
0x257: {  	v4 =	vmul.f32 v7, v6;
	v6 =	vand.u32 $0xFFFF0000, v53;
	v7 =	vand.u32 $0xFFFF0000, v9  }
0x258: {  	v1 =	vadd.f32 v5, v1;
	v9 =	vshll.u32 v63, $0x10;
	v6 =	vmul.f32 v7, v6  }
0x259: {  	v5 =	vmul.f32 v9, v8;
	v7 =	vand.u32 $0xFFFF0000, v42;
	v8 =	vand.u32 $0xFFFF0000, v63  }
0x25a: {  	v2 =	vadd.f32 v2, v3;
	v3 =	vadd.f32 v6, v4;
	v4 =	vmul.f32 v8, v7  }
0x25b: {  	v1 =	vadd.f32 v61, v1;
	v6 =	vand.u32 $0xFFFF0000, v58;
	v7 =	vmul.f32 v62, v57  }
0x25c: {  	v2 =	vadd.f32 v3, v2;
	v3 =	vadd.f32 v4, v5;
	v4 =	vmul.f32 v6, v59  }
0x25d: {  	(xrf2) =	vadd.scan.msk.f32 $0xffff, v43;
	v1 =	vadd.f32 v54, v1;
	v5 =	vadd.f32 v56, v52;
	v6 =	vmul.f32 v55, v51  }
0x25e: {  	(xrf2) =	vadd.scan.msk.f32 $0xffff, v48;
	v2 =	vadd.f32 v3, v2;
	v3 =	vadd.f32 v4, v7;
	v4 =	vmul.f32 v46, v41  }
0x25f: {  	(xrf2) =	vadd.scan.msk.f32 $0xffff, v60;
	v5 =	vadd.f32 v5, v44;
	v6 =	vadd.f32 v6, v45;
	v7 =	vmul.f32 v49, v40  }
0x260: {  	(xrf2) =	vadd.scan.msk.f32 $0xffff, v0;
	v0 =	vadd.f32 v3, v2;
	v2 =	vadd.f32 v34, v33;
	v3 =	vmul.f32 v38, v37  }
0x261: {  	(xrf2) =	vadd.scan.msk.f32 $0xffff, v1;
	v1 =	vadd.f32 v6, v5;
	v4 =	vadd.f32 v7, v4;
	v5 =	vmul.f32 v32, v31  }
0x262: {  	v12 =	vld [tilespmem:$0x1FFD0];
	v6 =	vmul.f32 v35, v30;
	v2 =	vadd.f32 v2, v29;
	v3 =	vadd.f32 v3, v27  }
0x263: {  	v13 =	vld [tilespmem:$0x1FFF0];
	(xrf2) =	vadd.scan.msk.f32 $0xffff, v0;
	v0 =	vadd.f32 v4, v1;
	v1 =	vadd.f32 v26, v25;
	v4 =	vmul.f32 v28, v22  }
0x264: {  	v8 =	vmul.f32 v21, v18;
	v2 =	vadd.f32 v3, v2;
	v3 =	vadd.f32 v6, v5  }
0x265: {  	v5 =	vmul.f32 v20, v19;
	v1 =	vadd.f32 v1, v24;
	v4 =	vadd.f32 v4, v23;
	_ =	sdelay $0x1  }
0x266: {  	v1 =	vadd.f32 v4, v1;
	v4 =	vadd.f32 v8, v5  }
0x267: {  	v12 =	vmul.f32 v13, v12;
	v13 =	vld [tilespmem:$0x1FFB0]  }
0x268: {  	v1 =	vadd.f32 v4, v1;
	v4 =	vld [tilespmem:$0x1FFA0]  }
0x269: {  	v5 =	vld [tilespmem:$0x1FFC0]  }
0x26a: {  	v8 =	vld [tilespmem:$0x1FFE0];
	_ =	sdelay $0x1  }
0x26b: {  	v14 =	vld [tilespmem:$0x1FF70];
	v7, _, _ =	vpop (xrf2);
	v2 =	vadd.f32 v3, v2  }
0x26c: {  	v6, _, _ =	vpop (xrf2);
	v3 =	vadd.f32 v17, v16;
	v4 =	vadd.f32 v13, v4;
	v13 =	vld [tilespmem:$0x1FF60]  }
0x26d: {  	(xrf2) =	vadd.scan.msk.f32 $0xffff, v0;
	v0, _, _ =	vpop (xrf2)  }
0x26e: {  	v11, _, _ =	vpop (xrf2);
	v3 =	vadd.f32 v3, v15;
	v5 =	vmul.f32 v8, v5  }
0x26f: {  	v8, _, _ =	vpop (xrf2)  }
0x270: {  	v3 =	vadd.f32 v10, v3;
	(xrf2) =	vadd.scan.msk.f32 $0xffff, v2;
	v2, _, _ =	vpop (xrf2);
	v5 =	vadd.f32 v12, v5  }
0x271: {  	v13 =	vmul.f32 v14, v13;
	v14, _, _ =	vpop (xrf2)  }
0x272: {  	v12, _, _ =	vpop (xrf2);
	(xrf2) =	vadd.scan.msk.f32 $0xffff, v1;
	v1 =	vadd.f32 v5, v3;
	v3 =	vld [tilespmem:$0x1FF90];
	_ =	sdelay $0x1  }
0x273: {  	v15 =	vld [tilespmem:$0x1FF80];
	_ =	sdelay $0x1  }
0x274: {  	v9 =	vld [tilespmem:s28+$0x13030]  }
0x275: {  	v3 =	vadd.f32 v4, v3;
	v4 =	vld [tilespmem:$0x1FF50];
	_ =	sdelay $0x1  }
0x276: {  	v13 =	vadd.f32 v13, v15;
	v15 =	vld [tilespmem:$0x1FF40];
	v5, _, _ =	vpop (xrf2)  }
0x277: {  	v5 =	vbroadcast v5, $0xF  }
0x278: {  	v10 =	vshll.u32 v9, $0x10;
	v9 =	vand.u32 $0xFFFF0000, v9  }
0x279: {  	v4 =	vmul.f32 v9, v4;
	v9 =	vbroadcast v12, $0xF;
	_ =	sdelay $0x1  }
0x27a: {  	(xrf2) =	vadd.scan.msk.f32 $0xffff, v1;
	v10 =	vmul.f32 v10, v15;
	v1 =	vsel vm0, v9, v5;
	v5, _, _ =	vpop (xrf2)  }
0x27b: {  	v12 =	vbroadcast v14, $0xF;
	v5 =	vbroadcast v5, $0xF  }
0x27c: {  	v2 =	vbroadcast v2, $0xF;
	v3 =	vadd.f32 v13, v3;
	v4 =	vadd.f32 v4, v10  }
0x27d: {  	v1 =	vsel vm1, v1, v12  }
0x27e: {  	v3 =	vadd.f32 v4, v3;
	v1 =	vsel vm2, v1, v2;
	v2 =	vbroadcast v8, $0xF  }
0x27f: {  	v4 =	vbroadcast v11, $0xF;
	v1 =	vsel vm3, v1, v5;
	v5, _, _ =	vpop (xrf2)  }
0x280: {  	v1 =	vsel vm4, v1, v2;
	v2 =	vbroadcast v5, $0xF  }
0x281: {  	v0 =	vbroadcast v0, $0xF;
	(xrf2) =	vadd.scan.msk.f32 $0xffff, v3;
	v1 =	vsel vm5, v1, v4  }
0x282: {  	v3, _, _ =	vpop (xrf2);
	v1 =	vsel vm6, v1, v2;
	v2 =	vbroadcast v6, $0xF  }
0x283: {  	v0 =	vsel vm7, v1, v0;
	v1 =	vbroadcast v3, $0xF  }
0x284: {  	v0 =	vsel vm8, v0, v2;
	v2 =	vbroadcast v7, $0xF  }
0x285: {  	v0 =	vsel vm9, v0, v1;
	v1 =	vbroadcast v39, $0xF  }
0x286: {  	v0 =	vsel vm10, v0, v2  }
0x287: {  	v3, _, _ =	vpop (xrf2);
	v0 =	vsel vm11, v0, v1;
	v1 =	vbroadcast v36, $0xF  }
0x288: {  	v2 =	vbroadcast v3, $0xF;
	_ =	sdelay $0x1  }
0x289: {  	v0 =	vsel vm12, v0, v2  }
0x28a: {  	v0 =	vsel vm13, v0, v1;
	v1, _, _ =	vpop (xrf2)  }
0x28b: {  	p1 =	seq.s32 s25, $0x27;
	s28 =	sadd.s32 $0x10, s29;
	v0 =	vsel vm14, v0, v1  }
0x28c: {  	s30 =	simm.s32 @!p1 $0xEC40;
	s29 =	simm.s32 @!p1 $0x80;
	[tilespmem:s28+$0x0] =	vst v0;
	s28 =	sadd.s32 @!p1 $0x9D40, s26  }
0x28d: {  	[tilespmem:s30], [sflag:$0x1] =	stream.indirect.gather @!p1 [spmem:s1], $0x40, s28, s29, $0xb8;
	[tilespmem:$0x19440] =	vst v63  }
0x28e: {  	s26 =	sadd.s32 @!p1 $0xC540, s26;
	s28 =	simm.s32 @!p1 $0x12C40  }
0x28f: {  	[tilespmem:s28], [sflag:$0x3] =	stream.indirect.gather @!p1 [spmem:s1], $0x40, s26, s29, $0xb8;
	[tilespmem:$0x19440] =	vst v63  }
0x290: {  	_ =	swait.ge [sflag:s19], $0x2000  }
0x291: {  	[sflag:s19] =	ssyncset.done $0x0  }
0x292: {  	[sflag:s19] =	ssyncadd.s32 $0xFFFFE000  }
0x293: {  	_ =	swait.ge [sflag:s20], $0x2000  }
0x294: {  	[sflag:s20] =	ssyncset.done $0x0  }
0x295: {  	s31 =	simm.s32 $0x0;
	[sflag:s20] =	ssyncadd.s32 $0xFFFFE000  }
0x296: {  	v1 =	vld [tilespmem:s31+$0x11030]  }
0x297: {  	v2 =	vld [tilespmem:s31+$0x11020]  }
0x298: {  	v3 =	vld [tilespmem:s31+$0x10FF0]  }
0x299: {  	v4 =	vld [tilespmem:s31+$0x14FF0]  }
0x29a: {  	v17 =	vld [tilespmem:s31+$0x10FC0]  }
0x29b: {  	v19 =	vld [tilespmem:s31+$0x14F70]  }
0x29c: {  	v30 =	vld [tilespmem:s31+$0x14F50]  }
0x29d: {  	v60 =	vld [tilespmem:s31+$0x10F10]  }
0x29e: {  	v62 =	vld [tilespmem:s31+$0x14F10]  }
0x29f: {  	v42 =	vld [tilespmem:s31+$0x14E70]  }
0x2a0: {  	v46 =	vld [tilespmem:s31+$0x10EC0]  }
0x2a1: {  	v50 =	vld [tilespmem:s31+$0x14ED0]  }
0x2a2: {  	v51 =	vld [tilespmem:s31+$0x10E60];
	v0 =	vshll.u32 v1, $0x10  }
0x2a3: {  	v52 =	vld [tilespmem:s31+$0x14E60];
	v8 =	vshll.u32 v3, $0x10;
	v10 =	vshll.u32 v2, $0x10;
	v3 =	vand.u32 $0xFFFF0000, v3  }
0x2a4: {  	v54 =	vld [tilespmem:s31+$0x14E90];
	v11 =	vshll.u32 v4, $0x10;
	v4 =	vand.u32 $0xFFFF0000, v4;
	v20 =	vshll.u32 v17, $0x10  }
0x2a5: {  	v5 =	vld [tilespmem:s31+$0x11000];
	v23 =	vshll.u32 v19, $0x10;
	v19 =	vand.u32 $0xFFFF0000, v19;
	v61 =	vshll.u32 v30, $0x10  }
0x2a6: {  	v6 =	vld [tilespmem:s31+$0x15000];
	v30 =	vand.u32 $0xFFFF0000, v30;
	v33 =	vand.u32 $0xFFFF0000, v60;
	v38 =	vshll.u32 v62, $0x10  }
0x2a7: {  	v39 =	vand.u32 $0xFFFF0000, v62;
	v47 =	vshll.u32 v42, $0x10;
	v48 =	vand.u32 $0xFFFF0000, v42  }
0x2a8: {  	v7 =	vld [tilespmem:s31+$0x15020];
	v32 =	vand.u32 $0xFFFF0000, v46;
	v37 =	vand.u32 $0xFFFF0000, v50;
	v55 =	vshll.u32 v51, $0x10  }
0x2a9: {  	v9 =	vld [tilespmem:s31+$0x11010];
	v56 =	vshll.u32 v52, $0x10;
	v62 =	vshll.u32 v54, $0x10;
	v36 =	vand.u32 $0xFFFF0000, v54  }
0x2aa: {  	v12 =	vld [tilespmem:s31+$0x15010];
	v8 =	vmul.f32 v11, v8;
	v11 =	vmul.f32 v4, v3;
	v3 =	vshll.u32 v5, $0x10  }
0x2ab: {  	v4 =	vand.u32 $0xFFFF0000, v5;
	v5 =	vshll.u32 v6, $0x10;
	v6 =	vand.u32 $0xFFFF0000, v6  }
0x2ac: {  	v14 =	vld [tilespmem:s31+$0x10FE0];
	v33 =	vmul.f32 v39, v33;
	v39 =	vand.u32 $0xFFFF0000, v52;
	v16 =	vmul.f32 v5, v3  }
0x2ad: {  	v15 =	vld [tilespmem:s31+$0x14FE0];
	v6 =	vmul.f32 v6, v4;
	v3 =	vshll.u32 v7, $0x10;
	v4 =	vand.u32 $0xFFFF0000, v2  }
0x2ae: {  	v5 =	vand.u32 $0xFFFF0000, v7;
	v7 =	vand.u32 $0xFFFF0000, v9;
	v3 =	vmul.f32 v3, v10;
	v10 =	vld [tilespmem:s31+$0x14FC0]  }
0x2af: {  	v13 =	vld [tilespmem:s31+$0x10FB0];
	v18 =	vadd.f32 v11, v8;
	v11 =	vand.u32 $0xFFFF0000, v12;
	v4 =	vmul.f32 v5, v4  }
0x2b0: {  	v8 =	vld [tilespmem:s31+$0x10FD0];
	v2 =	vadd.f32 v6, v16;
	v6 =	vshll.u32 v9, $0x10;
	v9 =	vshll.u32 v12, $0x10  }
0x2b1: {  	v12 =	vld [tilespmem:s31+$0x14FD0];
	v16 =	vshll.u32 v14, $0x10;
	v7 =	vmul.f32 v11, v7;
	v11 =	vand.u32 $0xFFFF0000, v14  }
0x2b2: {  	v14 =	vshll.u32 v15, $0x10;
	v15 =	vand.u32 $0xFFFF0000, v15;
	v6 =	vmul.f32 v9, v6;
	v9 =	vld [tilespmem:s31+$0x10F70]  }
0x2b3: {  	v14 =	vmul.f32 v14, v16;
	v11 =	vmul.f32 v15, v11;
	v16 =	vshll.u32 v10, $0x10  }
0x2b4: {  	v22 =	vld [tilespmem:s31+$0x10FA0];
	v15 =	vand.u32 $0xFFFF0000, v17;
	v10 =	vand.u32 $0xFFFF0000, v10;
	v16 =	vmul.f32 v16, v20  }
0x2b5: {  	v17 =	vld [tilespmem:s31+$0x14FB0];
	v10 =	vmul.f32 v10, v15;
	v15 =	vshll.u32 v8, $0x10;
	v20 =	vand.u32 $0xFFFF0000, v8  }
0x2b6: {  	v24 =	vld [tilespmem:s31+$0x14F30];
	v21 =	vshll.u32 v12, $0x10;
	v12 =	vand.u32 $0xFFFF0000, v12;
	v8 =	vshll.u32 v13, $0x10  }
0x2b7: {  	v15 =	vmul.f32 v21, v15;
	v12 =	vmul.f32 v12, v20;
	v20 =	vld [tilespmem:s31+$0x10F30];
	v21 =	vshll.u32 v9, $0x10  }
0x2b8: {  	v9 =	vand.u32 $0xFFFF0000, v9;
	v16 =	vadd.f32 v10, v16;
	v21 =	vmul.f32 v23, v21  }
0x2b9: {  	v19 =	vmul.f32 v19, v9;
	v9 =	vand.u32 $0xFFFF0000, v13;
	v13 =	vld [tilespmem:s31+$0x14F60];
	v12 =	vadd.f32 v12, v15  }
0x2ba: {  	v14 =	vadd.f32 v11, v14;
	v11 =	vand.u32 $0xFFFF0000, v17;
	v10 =	vshll.u32 v17, $0x10;
	v15 =	vld [tilespmem:s31+$0x10F60]  }
0x2bb: {  	v23 =	vld [tilespmem:s31+$0x14FA0];
	v21 =	vadd.f32 v19, v21;
	v19 =	vshll.u32 v22, $0x10;
	v16 =	vadd.f32 v12, v16  }
0x2bc: {  	v25 =	vld [tilespmem:s31+$0x10F80];
	v12 =	vand.u32 $0xFFFF0000, v22;
	v22 =	vand.u32 $0xFFFF0000, v24;
	v17 =	vshll.u32 v20, $0x10  }
0x2bd: {  	v27 =	vld [tilespmem:s31+$0x14F90];
	v16 =	vadd.f32 v14, v16;
	v14 =	vand.u32 $0xFFFF0000, v20;
	v20 =	vshll.u32 v24, $0x10  }
0x2be: {  	v24 =	vld [tilespmem:s31+$0x14F80];
	v26 =	vshll.u32 v13, $0x10;
	v13 =	vand.u32 $0xFFFF0000, v13;
	v17 =	vmul.f32 v20, v17  }
0x2bf: {  	v20 =	vmul.f32 v22, v14;
	v14 =	vshll.u32 v15, $0x10;
	v22 =	vld [tilespmem:s31+$0x10F90];
	v15 =	vand.u32 $0xFFFF0000, v15  }
0x2c0: {  	v28 =	vld [tilespmem:s31+$0x10F20];
	v26 =	vmul.f32 v26, v14;
	v15 =	vmul.f32 v13, v15;
	v13 =	vshll.u32 v23, $0x10  }
0x2c1: {  	v14 =	vand.u32 $0xFFFF0000, v23;
	v18 =	vadd.f32 v18, v16;
	v13 =	vmul.f32 v13, v19;
	v19 =	vld [tilespmem:s31+$0x14F20]  }
0x2c2: {  	v16 =	vand.u32 $0xFFFF0000, v25;
	v29 =	vadd.f32 v20, v17;
	v17 =	vld [tilespmem:s31+$0x10F40];
	v20 =	vadd.f32 v15, v26  }
0x2c3: {  	v15 =	vshll.u32 v25, $0x10;
	v25 =	vld [tilespmem:s31+$0x14F40];
	v23 =	vshll.u32 v24, $0x10;
	v24 =	vand.u32 $0xFFFF0000, v24  }
0x2c4: {  	v23 =	vmul.f32 v23, v15;
	v24 =	vmul.f32 v24, v16;
	v15 =	vshll.u32 v22, $0x10  }
0x2c5: {  	v26 =	vld [tilespmem:s31+$0x10F50];
	v16 =	vand.u32 $0xFFFF0000, v22;
	v22 =	vshll.u32 v27, $0x10;
	v27 =	vand.u32 $0xFFFF0000, v27  }
0x2c6: {  	v15 =	vmul.f32 v22, v15;
	v16 =	vmul.f32 v27, v16;
	v22 =	vshll.u32 v28, $0x10  }
0x2c7: {  	v57 =	vld [tilespmem:s31+$0x10F00];
	v27 =	vand.u32 $0xFFFF0000, v28;
	v28 =	vshll.u32 v19, $0x10;
	v31 =	vshll.u32 v17, $0x10  }
0x2c8: {  	v59 =	vld [tilespmem:s31+$0x14F00];
	v17 =	vand.u32 $0xFFFF0000, v17;
	v19 =	vand.u32 $0xFFFF0000, v19;
	v58 =	vshll.u32 v25, $0x10  }
0x2c9: {  	v53 =	vld [tilespmem:s31+$0x14E80];
	v25 =	vand.u32 $0xFFFF0000, v25;
	v27 =	vmul.f32 v19, v27;
	v31 =	vmul.f32 v58, v31  }
0x2ca: {  	v45 =	vld [tilespmem:s31+$0x14EA0];
	v25 =	vmul.f32 v25, v17;
	v17 =	vshll.u32 v26, $0x10;
	v26 =	vand.u32 $0xFFFF0000, v26  }
0x2cb: {  	v19 =	vld [tilespmem:s31+$0x14EB0];
	v35 =	vmul.f32 v61, v17;
	v26 =	vmul.f32 v30, v26;
	v17 =	vadd.f32 v24, v23  }
0x2cc: {  	v24 =	vmul.f32 v28, v22;
	v22 =	vshll.u32 v57, $0x10;
	v28 =	vand.u32 $0xFFFF0000, v57  }
0x2cd: {  	v58 =	vld [tilespmem:s31+$0x10E40];
	v30 =	vshll.u32 v59, $0x10;
	v25 =	vadd.f32 v25, v31;
	v31 =	vand.u32 $0xFFFF0000, v59  }
0x2ce: {  	v23 =	vld [tilespmem:s31+$0x10EB0];
	v30 =	vmul.f32 v30, v22;
	v59 =	vshll.u32 v53, $0x10;
	v26 =	vadd.f32 v26, v35  }
0x2cf: {  	v28 =	vmul.f32 v31, v28;
	v31 =	vshll.u32 v60, $0x10;
	v24 =	vadd.f32 v27, v24  }
0x2d0: {  	v63 =	vld [tilespmem:s31+$0x10EF0];
	v35 =	vand.u32 $0xFFFF0000, v45;
	v31 =	vmul.f32 v38, v31;
	v41 =	vshll.u32 v19, $0x10  }
0x2d1: {  	v22 =	vld [tilespmem:s31+$0x10EE0];
	v19 =	vand.u32 $0xFFFF0000, v19;
	v38 =	vand.u32 $0xFFFF0000, v51;
	v25 =	vadd.f32 v26, v25  }
0x2d2: {  	v26 =	vld [tilespmem:s31+$0x10E70];
	v28 =	vadd.f32 v28, v30;
	v38 =	vmul.f32 v39, v38;
	v52 =	vand.u32 $0xFFFF0000, v58  }
0x2d3: {  	v40 =	vshll.u32 v23, $0x10;
	v23 =	vand.u32 $0xFFFF0000, v23;
	v30 =	vadd.f32 v33, v31  }
0x2d4: {  	v31 =	vld [tilespmem:s31+$0x10EA0];
	v43 =	vmul.f32 v41, v40;
	v23 =	vmul.f32 v19, v23;
	v44 =	vadd.f32 v20, v25  }
0x2d5: {  	v60 =	vld [tilespmem:s31+$0x14E40];
	v19 =	vshll.u32 v63, $0x10;
	v20 =	vand.u32 $0xFFFF0000, v63;
	v28 =	vadd.f32 v30, v28  }
0x2d6: {  	v25 =	vld [tilespmem:s31+$0x14EE0];
	v27 =	vshll.u32 v22, $0x10;
	v30 =	vadd.f32 v23, v43;
	v23 =	vadd.f32 v21, v44  }
0x2d7: {  	v21 =	vshll.u32 v26, $0x10;
	v24 =	vadd.f32 v24, v28;
	v28 =	vld [tilespmem:s31+$0x14EC0];
	v26 =	vand.u32 $0xFFFF0000, v26  }
0x2d8: {  	v51 =	vld [tilespmem:s31+$0x14DF0];
	v40 =	vshll.u32 v50, $0x10;
	v33 =	vmul.f32 v47, v21;
	v34 =	vmul.f32 v48, v26  }
0x2d9: {  	v50 =	vld [tilespmem:s31+$0x14DE0];
	v21 =	vshll.u32 v31, $0x10;
	v26 =	vand.u32 $0xFFFF0000, v31;
	v31 =	vshll.u32 v45, $0x10  }
0x2da: {  	v49 =	vld [tilespmem:s31+$0x10ED0];
	v54 =	vand.u32 $0xFFFF0000, v60;
	v31 =	vmul.f32 v31, v21;
	v35 =	vmul.f32 v35, v26  }
0x2db: {  	v21 =	vshll.u32 v25, $0x10;
	v26 =	vadd.f32 v29, v24;
	v24 =	vld [tilespmem:s31+$0x10E80];
	v29 =	vshll.u32 v46, $0x10  }
0x2dc: {  	v63 =	vld [tilespmem:s31+$0x14E50];
	v21 =	vmul.f32 v21, v27;
	v27 =	vadd.f32 v35, v31;
	v31 =	vshll.u32 v28, $0x10  }
0x2dd: {  	v41 =	vmul.f32 v54, v52;
	v39 =	vand.u32 $0xFFFF0000, v51;
	v29 =	vmul.f32 v31, v29;
	v31 =	vld [tilespmem:s31+$0x10E90]  }
0x2de: {  	v45 =	vand.u32 $0xFFFF0000, v50;
	v33 =	vadd.f32 v34, v33;
	v34 =	vand.u32 $0xFFFF0000, v53  }
0x2df: {  	v61 =	vld [tilespmem:s31+$0x10E50];
	v53 =	vshll.u32 v60, $0x10;
	v35 =	vand.u32 $0xFFFF0000, v49;
	v28 =	vand.u32 $0xFFFF0000, v28  }
0x2e0: {  	v28 =	vmul.f32 v28, v32;
	v57 =	vshll.u32 v24, $0x10;
	v24 =	vand.u32 $0xFFFF0000, v24  }
0x2e1: {  	v32 =	vshll.u32 v49, $0x10;
	v43 =	vmul.f32 v59, v57;
	v34 =	vmul.f32 v34, v24  }
0x2e2: {  	v54 =	vld [tilespmem:s31+$0x14E00];
	v57 =	vshll.u32 v63, $0x10;
	v24 =	vshll.u32 v31, $0x10;
	v31 =	vand.u32 $0xFFFF0000, v31  }
0x2e3: {  	v48 =	vld [tilespmem:s31+$0x10DE0];
	v47 =	vmul.f32 v62, v24;
	v31 =	vmul.f32 v36, v31;
	v24 =	vadd.f32 v28, v29  }
0x2e4: {  	v59 =	vld [tilespmem:s31+$0x10DB0];
	v36 =	vmul.f32 v56, v55;
	v29 =	vshll.u32 v58, $0x10;
	v55 =	vshll.u32 v61, $0x10  }
0x2e5: {  	v28 =	vld [tilespmem:s31+$0x10DF0];
	v56 =	vand.u32 $0xFFFF0000, v61;
	v58 =	vand.u32 $0xFFFF0000, v63;
	v42 =	vmul.f32 v53, v29  }
0x2e6: {  	v34 =	vadd.f32 v34, v43;
	v62 =	vld [tilespmem:s31+$0x14DB0];
	v43 =	vmul.f32 v57, v55;
	v44 =	vmul.f32 v58, v56  }
0x2e7: {  	v61 =	vshll.u32 v51, $0x10;
	v31 =	vadd.f32 v31, v47;
	v36 =	vadd.f32 v38, v36  }
0x2e8: {  	v29 =	vld [tilespmem:s31+$0x10E20];
	v56 =	vshll.u32 v54, $0x10;
	v41 =	vadd.f32 v41, v42;
	v63 =	vadd.f32 v44, v43  }
0x2e9: {  	v53 =	vld [tilespmem:s31+$0x10E00];
	v43 =	vand.u32 $0xFFFF0000, v48;
	v31 =	vadd.f32 v31, v34;
	v34 =	vand.u32 $0xFFFF0000, v59  }
0x2ea: {  	v43 =	vmul.f32 v45, v43;
	v60 =	vshll.u32 v28, $0x10;
	v28 =	vand.u32 $0xFFFF0000, v28  }
0x2eb: {  	v45 =	vld [tilespmem:s31+$0x14DA0];
	v51 =	vadd.f32 v63, v41;
	v57 =	vshll.u32 v62, $0x10;
	v58 =	vand.u32 $0xFFFF0000, v62  }
0x2ec: {  	v62 =	vld [tilespmem:s31+$0x10DA0];
	v49 =	vmul.f32 v61, v60;
	v39 =	vmul.f32 v39, v28;
	v31 =	vadd.f32 v27, v31  }
0x2ed: {  	v63 =	vld [tilespmem:s31+$0x10DC0];
	v27 =	vmul.f32 v40, v32;
	v28 =	vmul.f32 v37, v35;
	v52 =	vshll.u32 v29, $0x10  }
0x2ee: {  	v32 =	vld [tilespmem:s31+$0x14E20];
	v34 =	vmul.f32 v58, v34;
	v61 =	vshll.u32 v50, $0x10;
	v55 =	vshll.u32 v53, $0x10  }
0x2ef: {  	v60 =	vld [tilespmem:s31+$0x14E10];
	v37 =	vand.u32 $0xFFFF0000, v53;
	v36 =	vadd.f32 v36, v51;
	v38 =	vadd.f32 v39, v49  }
0x2f0: {  	v58 =	vld [tilespmem:s31+$0x10DD0];
	v31 =	vadd.f32 v30, v31;
	v30 =	vshll.u32 v59, $0x10;
	v39 =	vand.u32 $0xFFFF0000, v54  }
0x2f1: {  	v59 =	vld [tilespmem:s31+$0x10E10];
	v40 =	vmul.f32 v57, v30;
	v30 =	vshll.u32 v48, $0x10;
	v33 =	vadd.f32 v33, v36  }
0x2f2: {  	v53 =	vld [tilespmem:s31+$0x10D90];
	v36 =	vmul.f32 v56, v55;
	v37 =	vmul.f32 v39, v37;
	v50 =	vshll.u32 v45, $0x10  }
0x2f3: {  	v57 =	vld [tilespmem:s31+$0x14DC0];
	v45 =	vand.u32 $0xFFFF0000, v45;
	v44 =	vmul.f32 v61, v30;
	v49 =	vshll.u32 v62, $0x10  }
0x2f4: {  	v54 =	vld [tilespmem:s31+$0x14D80];
	v46 =	vand.u32 $0xFFFF0000, v62;
	v61 =	vshll.u32 v63, $0x10;
	v30 =	vshll.u32 v32, $0x10  }
0x2f5: {  	v40 =	vadd.f32 v34, v40;
	v48 =	vshll.u32 v60, $0x10;
	v30 =	vmul.f32 v30, v52;
	v52 =	vld [tilespmem:s31+$0x10D80]  }
0x2f6: {  	v41 =	vand.u32 $0xFFFF0000, v60;
	v39 =	vshll.u32 v59, $0x10;
	v42 =	vand.u32 $0xFFFF0000, v59;
	v59 =	vld [tilespmem:s31+$0x14DD0]  }
0x2f7: {  	v34 =	vand.u32 $0xFFFF0000, v63;
	v63 =	vshll.u32 v58, $0x10;
	v45 =	vmul.f32 v45, v46  }
0x2f8: {  	v35 =	vadd.f32 v43, v44;
	v62 =	vshll.u32 v57, $0x10;
	v44 =	vand.u32 $0xFFFF0000, v57  }
0x2f9: {  	v43 =	vand.u32 $0xFFFF0000, v58;
	v51 =	vmul.f32 v62, v61;
	v44 =	vmul.f32 v44, v34;
	v61 =	vld [tilespmem:s31+$0x14D90]  }
0x2fa: {  	v46 =	vld [tilespmem:s31+$0x14D30];
	v58 =	vshll.u32 v53, $0x10;
	v57 =	vand.u32 $0xFFFF0000, v54;
	v34 =	vadd.f32 v37, v36  }
0x2fb: {  	v62 =	vshll.u32 v52, $0x10;
	v44 =	vadd.f32 v44, v51;
	v60 =	vshll.u32 v59, $0x10  }
0x2fc: {  	v37 =	vld [tilespmem:s31+$0x10D60];
	v47 =	vand.u32 $0xFFFF0000, v59;
	v59 =	vand.u32 $0xFFFF0000, v53;
	v55 =	vmul.f32 v60, v63  }
0x2fd: {  	v36 =	vld [tilespmem:s31+$0x10D30];
	v43 =	vmul.f32 v47, v43;
	v47 =	vmul.f32 v50, v49;
	v63 =	vand.u32 $0xFFFF0000, v52  }
0x2fe: {  	v49 =	vmul.f32 v57, v63;
	v60 =	vshll.u32 v61, $0x10;
	v61 =	vand.u32 $0xFFFF0000, v61  }
0x2ff: {  	v63 =	vshll.u32 v46, $0x10;
	v46 =	vand.u32 $0xFFFF0000, v46;
	v43 =	vadd.f32 v43, v55  }
0x300: {  	v57 =	vld [tilespmem:s31+$0x14CF0];
	v55 =	vshll.u32 v54, $0x10;
	v51 =	vmul.f32 v60, v58;
	v52 =	vmul.f32 v61, v59  }
0x301: {  	v61 =	vld [tilespmem:s31+$0x14D20];
	v45 =	vadd.f32 v45, v47;
	v47 =	vshll.u32 v37, $0x10;
	v50 =	vmul.f32 v55, v62  }
0x302: {  	v62 =	vshll.u32 v36, $0x10;
	v36 =	vand.u32 $0xFFFF0000, v36;
	v43 =	vadd.f32 v43, v44;
	v44 =	vld [tilespmem:s31+$0x10CF0]  }
0x303: {  	v59 =	vadd.f32 v52, v51;
	v51 =	vld [tilespmem:s31+$0x10D20];
	v60 =	vmul.f32 v63, v62;
	v46 =	vmul.f32 v46, v36  }
0x304: {  	v36 =	vmul.f32 v41, v42;
	v49 =	vadd.f32 v49, v50;
	v43 =	vadd.f32 v35, v43  }
0x305: {  	v63 =	vld [tilespmem:s31+$0x14D40];
	v35 =	vmul.f32 v48, v39;
	v46 =	vadd.f32 v46, v60;
	v54 =	vshll.u32 v57, $0x10  }
0x306: {  	v56 =	vand.u32 $0xFFFF0000, v57;
	v58 =	vadd.f32 v59, v49;
	v59 =	vld [tilespmem:s31+$0x10D40];
	v60 =	vshll.u32 v61, $0x10  }
0x307: {  	v39 =	vld [tilespmem:s31+$0x14D60];
	v48 =	vand.u32 $0xFFFF0000, v61;
	v38 =	vadd.f32 v38, v43;
	v62 =	vshll.u32 v44, $0x10  }
0x308: {  	v55 =	vld [tilespmem:s31+$0x14D00];
	v45 =	vadd.f32 v45, v58;
	v44 =	vand.u32 $0xFFFF0000, v44;
	v57 =	vshll.u32 v51, $0x10  }
0x309: {  	v52 =	vld [tilespmem:s31+$0x10D00];
	v51 =	vand.u32 $0xFFFF0000, v51;
	v42 =	vmul.f32 v54, v62;
	v44 =	vmul.f32 v56, v44  }
0x30a: {  	v58 =	vld [tilespmem:s31+$0x10C70];
	v43 =	vand.u32 $0xFFFF0000, v63;
	v49 =	vmul.f32 v60, v57;
	v48 =	vmul.f32 v48, v51  }
0x30b: {  	v53 =	vld [tilespmem:s31+$0x14C70];
	v62 =	vshll.u32 v63, $0x10;
	v61 =	vshll.u32 v59, $0x10;
	v41 =	vand.u32 $0xFFFF0000, v59  }
0x30c: {  	v63 =	vld [tilespmem:s31+$0x10D10];
	v59 =	vshll.u32 v39, $0x10;
	v41 =	vmul.f32 v43, v41;
	v43 =	vadd.f32 v44, v42  }
0x30d: {  	v60 =	vld [tilespmem:s31+$0x14D10];
	v51 =	vmul.f32 v62, v61;
	v42 =	vadd.f32 v40, v45;
	v45 =	vadd.f32 v48, v49  }
0x30e: {  	v61 =	vshll.u32 v52, $0x10;
	v52 =	vand.u32 $0xFFFF0000, v52;
	v62 =	vshll.u32 v55, $0x10  }
0x30f: {  	v56 =	vld [tilespmem:s31+$0x14D50];
	v55 =	vand.u32 $0xFFFF0000, v55;
	v50 =	vand.u32 $0xFFFF0000, v58;
	v54 =	vmul.f32 v62, v61  }
0x310: {  	v57 =	vld [tilespmem:s31+$0x14CE0];
	v52 =	vmul.f32 v55, v52;
	v40 =	vadd.f32 v41, v51;
	v41 =	vmul.f32 v59, v47  }
0x311: {  	v49 =	vld [tilespmem:s31+$0x10D50];
	v47 =	vshll.u32 v58, $0x10;
	v51 =	vshll.u32 v53, $0x10;
	v55 =	vshll.u32 v63, $0x10  }
0x312: {  	v58 =	vld [tilespmem:s31+$0x10CE0];
	v44 =	vand.u32 $0xFFFF0000, v63;
	v59 =	vshll.u32 v60, $0x10;
	v48 =	vand.u32 $0xFFFF0000, v60  }
0x313: {  	v53 =	vand.u32 $0xFFFF0000, v53;
	v60 =	vld [tilespmem:s31+$0x10C60];
	v55 =	vmul.f32 v59, v55;
	v44 =	vmul.f32 v48, v44  }
0x314: {  	v37 =	vand.u32 $0xFFFF0000, v37;
	v47 =	vmul.f32 v51, v47;
	v50 =	vmul.f32 v53, v50;
	v51 =	vld [tilespmem:s31+$0x10CC0]  }
0x315: {  	v61 =	vshll.u32 v56, $0x10;
	v56 =	vand.u32 $0xFFFF0000, v56;
	v59 =	vld [tilespmem:s31+$0x14CC0];
	v52 =	vadd.f32 v52, v54  }
0x316: {  	v63 =	vshll.u32 v49, $0x10;
	v44 =	vadd.f32 v44, v55;
	v47 =	vadd.f32 v50, v47  }
0x317: {  	v53 =	vld [tilespmem:s31+$0x10CD0];
	v48 =	vmul.f32 v61, v63;
	v61 =	vshll.u32 v57, $0x10;
	v57 =	vand.u32 $0xFFFF0000, v57  }
0x318: {  	v54 =	vshll.u32 v58, $0x10;
	v55 =	vand.u32 $0xFFFF0000, v58;
	v58 =	vld [tilespmem:s31+$0x14CD0];
	v44 =	vadd.f32 v44, v52  }
0x319: {  	v52 =	vmul.f32 v61, v54;
	v54 =	vmul.f32 v57, v55;
	v57 =	vshll.u32 v60, $0x10  }
0x31a: {  	v50 =	vld [tilespmem:s31+$0x14C60];
	v61 =	vshll.u32 v51, $0x10;
	v62 =	vand.u32 $0xFFFF0000, v51;
	v63 =	vshll.u32 v59, $0x10  }
0x31b: {  	v59 =	vand.u32 $0xFFFF0000, v59;
	v60 =	vand.u32 $0xFFFF0000, v60;
	v51 =	vmul.f32 v63, v61;
	v61 =	vld [tilespmem:s31+$0x10C40]  }
0x31c: {  	v44 =	vadd.f32 v45, v44;
	v45 =	vmul.f32 v59, v62;
	v59 =	vshll.u32 v53, $0x10;
	v63 =	vld [tilespmem:s31+$0x14C40]  }
0x31d: {  	v53 =	vand.u32 $0xFFFF0000, v53;
	v52 =	vadd.f32 v54, v52;
	v62 =	vshll.u32 v58, $0x10  }
0x31e: {  	v45 =	vadd.f32 v45, v51;
	v51 =	vld [tilespmem:s31+$0x14C50];
	v58 =	vand.u32 $0xFFFF0000, v58;
	v59 =	vmul.f32 v62, v59  }
0x31f: {  	v62 =	vshll.u32 v50, $0x10;
	v53 =	vmul.f32 v58, v53;
	v58 =	vld [tilespmem:s31+$0x10C50];
	v50 =	vand.u32 $0xFFFF0000, v50  }
0x320: {  	v44 =	vadd.f32 v46, v44;
	v57 =	vmul.f32 v62, v57;
	v50 =	vmul.f32 v50, v60  }
0x321: {  	v46 =	vshll.u32 v61, $0x10;
	v54 =	vshll.u32 v63, $0x10;
	v60 =	vand.u32 $0xFFFF0000, v63  }
0x322: {  	v53 =	vadd.f32 v53, v59;
	v59 =	vand.u32 $0xFFFF0000, v61;
	v61 =	vld [tilespmem:s31+$0x10C80];
	v46 =	vmul.f32 v54, v46  }
0x323: {  	v54 =	vmul.f32 v60, v59;
	v60 =	vld [tilespmem:s31+$0x14C80];
	v63 =	vshll.u32 v51, $0x10;
	v51 =	vand.u32 $0xFFFF0000, v51  }
0x324: {  	v45 =	vadd.f32 v53, v45;
	v53 =	vld [tilespmem:s31+$0x14CA0];
	v59 =	vshll.u32 v58, $0x10;
	v58 =	vand.u32 $0xFFFF0000, v58  }
0x325: {  	v49 =	vand.u32 $0xFFFF0000, v49;
	v59 =	vmul.f32 v63, v59;
	v63 =	vld [tilespmem:s31+$0x10C90];
	v51 =	vmul.f32 v51, v58  }
0x326: {  	v39 =	vand.u32 $0xFFFF0000, v39;
	v49 =	vmul.f32 v56, v49;
	v50 =	vadd.f32 v50, v57;
	v58 =	vld [tilespmem:s31+$0x14C90]  }
0x327: {  	v56 =	vld [tilespmem:s31+$0x10CA0];
	v46 =	vadd.f32 v54, v46;
	v54 =	vshll.u32 v61, $0x10;
	v51 =	vadd.f32 v51, v59  }
0x328: {  	v57 =	vand.u32 $0xFFFF0000, v61;
	v59 =	vshll.u32 v60, $0x10;
	v60 =	vand.u32 $0xFFFF0000, v60  }
0x329: {  	v54 =	vmul.f32 v59, v54;
	v57 =	vmul.f32 v60, v57;
	v46 =	vadd.f32 v51, v46  }
0x32a: {  	v51 =	vshll.u32 v53, $0x10;
	v59 =	vshll.u32 v63, $0x10;
	v60 =	vand.u32 $0xFFFF0000, v63  }
0x32b: {  	v63 =	vshll.u32 v58, $0x10;
	v58 =	vand.u32 $0xFFFF0000, v58;
	v54 =	vadd.f32 v57, v54  }
0x32c: {  	v57 =	vld [tilespmem:s31+$0x10CB0];
	v59 =	vmul.f32 v63, v59;
	v58 =	vmul.f32 v58, v60;
	v63 =	vshll.u32 v56, $0x10  }
0x32d: {  	v3 =	vadd.f32 v4, v3;
	v37 =	vmul.f32 v39, v37;
	v51 =	vmul.f32 v51, v63;
	v63 =	vld [tilespmem:s31+$0x14D70]  }
0x32e: {  	v8 =	vmul.f32 v10, v8;
	(xrf2) =	vadd.scan.msk.f32 $0xffff, v18;
	v45 =	vadd.f32 v52, v45;
	v58 =	vadd.f32 v58, v59;
	v59 =	vld [tilespmem:s31+$0x14CB0]  }
0x32f: {  	v12 =	vmul.f32 v14, v12;
	v22 =	vand.u32 $0xFFFF0000, v22;
	(xrf2) =	vadd.scan.msk.f32 $0xffff, v23;
	v37 =	vadd.f32 v37, v41  }
0x330: {  	(xrf2) =	vadd.scan.msk.f32 $0xffff, v26;
	v43 =	vadd.f32 v43, v45;
	v53 =	vand.u32 $0xFFFF0000, v53;
	v60 =	vld [tilespmem:s31+$0x10D70];
	v56 =	vand.u32 $0xFFFF0000, v56  }
0x331: {  	(xrf2) =	vadd.scan.msk.f32 $0xffff, v31;
	v31 =	vadd.f32 v50, v46;
	v53 =	vmul.f32 v53, v56;
	v26 =	vshll.u32 v57, $0x10  }
0x332: {  	[tilespmem:$0x1FE70] =	vst v0;
	v57 =	vand.u32 $0xFFFF0000, v57;
	v0 =	vshll.u32 v63, $0x10;
	v23 =	vand.u32 $0xFFFF0000, v63  }
0x333: {  	v63 =	vshll.u32 v59, $0x10;
	v46 =	vand.u32 $0xFFFF0000, v59;
	v59 =	vadd.f32 v58, v54  }
0x334: {  	v26 =	vmul.f32 v63, v26;
	v63 =	vadd.f32 v53, v51;
	v46 =	vmul.f32 v46, v57  }
0x335: {  	(xrf2) =	vadd.scan.msk.f32 $0xffff, v33;
	v31 =	vadd.f32 v47, v31;
	v18 =	vshll.u32 v60, $0x10;
	v53 =	vadd.f32 v49, v48  }
0x336: {  	(xrf2) =	vadd.scan.msk.f32 $0xffff, v38;
	v61 =	vld [tilespmem:s31+$0x10E30];
	v60 =	vand.u32 $0xFFFF0000, v60;
	v33 =	vadd.f32 v63, v59;
	v26 =	vadd.f32 v46, v26  }
0x337: {  	(xrf2) =	vadd.scan.msk.f32 $0xffff, v42;
	v52 =	vld [tilespmem:s31+$0x14E30];
	v0 =	vmul.f32 v0, v18;
	v23 =	vmul.f32 v23, v60;
	v18 =	vadd.f32 v53, v40  }
0x338: {  	v25 =	vand.u32 $0xFFFF0000, v25;
	v29 =	vand.u32 $0xFFFF0000, v29;
	(xrf2) =	vadd.scan.msk.f32 $0xffff, v44;
	v26 =	vadd.f32 v26, v33  }
0x339: {  	v32 =	vand.u32 $0xFFFF0000, v32;
	(xrf2) =	vadd.scan.msk.f32 $0xffff, v43;
	v0 =	vadd.f32 v23, v0;
	v18 =	vadd.f32 v37, v18  }
0x33a: {  	v6 =	vadd.f32 v7, v6;
	v22 =	vmul.f32 v25, v22;
	v29 =	vmul.f32 v32, v29;
	v55 =	vld [tilespmem:s31+$0x14EF0];
	(xrf2) =	vadd.scan.msk.f32 $0xffff, v31  }
0x33b: {  	v45 =	vshll.u32 v61, $0x10;
	v61 =	vand.u32 $0xFFFF0000, v61;
	v31, _, _ =	vpop (xrf2);
	v0 =	vadd.f32 v0, v18  }
0x33c: {  	v56 =	vshll.u32 v52, $0x10;
	v52 =	vand.u32 $0xFFFF0000, v52;
	v54 =	vadd.f32 v36, v35;
	(xrf2) =	vadd.scan.msk.f32 $0xffff, v26;
	v26, _, _ =	vpop (xrf2)  }
0x33d: {  	v21 =	vadd.f32 v22, v21;
	v29 =	vadd.f32 v29, v30;
	v30 =	vmul.f32 v52, v61;
	v25, _, _ =	vpop (xrf2)  }
0x33e: {  	v22 =	vld [tilespmem:s31+$0x15030];
	v23 =	vmul.f32 v56, v45;
	v56 =	vadd.f32 v54, v34;
	v18 =	vadd.f32 v28, v27;
	v28, _, _ =	vpop (xrf2)  }
0x33f: {  	v12 =	vadd.f32 v12, v13;
	v15 =	vadd.f32 v16, v15;
	v62 =	vshll.u32 v55, $0x10;
	(xrf2) =	vadd.scan.msk.f32 $0xffff, v0;
	v0, _, _ =	vpop (xrf2)  }
0x340: {  	v55 =	vand.u32 $0xFFFF0000, v55;
	v23 =	vadd.f32 v30, v23;
	v27 =	vadd.f32 v29, v56;
	v14, _, _ =	vpop (xrf2)  }
0x341: {  	v19 =	vmul.f32 v62, v19;
	v20 =	vmul.f32 v55, v20;
	v18 =	vadd.f32 v18, v24;
	v10, _, _ =	vpop (xrf2)  }
0x342: {  	v9 =	vmul.f32 v11, v9;
	v15 =	vadd.f32 v15, v17;
	v23 =	vadd.f32 v23, v27;
	v11, _, _ =	vpop (xrf2)  }
0x343: {  	v4 =	vand.u32 $0xFFFF0000, v22;
	v16 =	vadd.f32 v21, v18;
	v18 =	vadd.f32 v20, v19;
	v5, _, _ =	vpop (xrf2)  }
0x344: {  	v1 =	vand.u32 $0xFFFF0000, v1;
	v7 =	vadd.f32 v12, v15;
	v15 =	vld [tilespmem:$0x1FE70];
	(xrf2) =	vadd.scan.msk.f32 $0xffff, v23;
	v12, _, _ =	vpop (xrf2)  }
0x345: {  	v2 =	vadd.f32 v6, v2;
	v13 =	vadd.f32 v18, v16;
	v6 =	vbroadcast v12, $0xF  }
0x346: {  	v1 =	vmul.f32 v4, v1;
	v4, _, _ =	vpop (xrf2)  }
0x347: {  	(xrf2) =	vadd.scan.msk.f32 $0xffff, v13;
	v4 =	vbroadcast v4, $0xF  }
0x348: {  	v8 =	vadd.f32 v9, v8;
	v9 =	vshll.u32 v22, $0x10;
	v5 =	vbroadcast v5, $0xF  }
0x349: {  	v2 =	vadd.f32 v3, v2;
	v9 =	vmul.f32 v9, v15;
	v3 =	vsel vm0, v6, v4;
	v6, _, _ =	vpop (xrf2)  }
0x34a: {  	v7 =	vadd.f32 v8, v7;
	v3 =	vsel vm1, v3, v5;
	v5 =	vbroadcast v6, $0xF  }
0x34b: {  	v1 =	vadd.f32 v1, v9;
	v4 =	vbroadcast v11, $0xF  }
0x34c: {  	(xrf2) =	vadd.scan.msk.f32 $0xffff, v7  }
0x34d: {  	v1 =	vadd.f32 v1, v2;
	v2 =	vsel vm2, v3, v4;
	v3 =	vbroadcast v10, $0xF  }
0x34e: {  	v4 =	vbroadcast v14, $0xF;
	v2 =	vsel vm3, v2, v5;
	v5, _, _ =	vpop (xrf2)  }
0x34f: {  	(xrf2) =	vadd.scan.msk.f32 $0xffff, v1;
	v1 =	vsel vm4, v2, v3;
	v2 =	vbroadcast v5, $0xF  }
0x350: {  	v0 =	vbroadcast v0, $0xF;
	v1 =	vsel vm5, v1, v4  }
0x351: {  	v3, _, _ =	vpop (xrf2);
	v1 =	vsel vm6, v1, v2;
	v2 =	vbroadcast v28, $0xF  }
0x352: {  	v0 =	vsel vm7, v1, v0;
	v1 =	vbroadcast v3, $0xF  }
0x353: {  	v0 =	vsel vm8, v0, v2;
	v2 =	vbroadcast v25, $0xF  }
0x354: {  	v0 =	vsel vm9, v0, v1;
	v1 =	vbroadcast v26, $0xF  }
0x355: {  	v0 =	vsel vm10, v0, v2  }
0x356: {  	v3, _, _ =	vpop (xrf2);
	v0 =	vsel vm11, v0, v1;
	v1 =	vbroadcast v31, $0xF  }
0x357: {  	v2 =	vbroadcast v3, $0xF;
	_ =	sdelay $0x1  }
0x358: {  	v0 =	vsel vm12, v0, v2  }
0x359: {  	v0 =	vsel vm13, v0, v1;
	v1, _, _ =	vpop (xrf2)  }
0x35a: {  	v0 =	vsel vm14, v0, v1  }
0x35b: {  	s26 =	simm.s32 $0x400;
	[tilespmem:s23+$0x0] =	vst v0  }
0x35c: {  	v0 =	vld [tilespmem:s26+$0x11030]  }
0x35d: {  	v1 =	vld [tilespmem:s26+$0x11020]  }
0x35e: {  	v2 =	vld [tilespmem:s26+$0x10FF0]  }
0x35f: {  	v3 =	vld [tilespmem:s26+$0x14FF0]  }
0x360: {  	v5 =	vld [tilespmem:s26+$0x15000]  }
0x361: {  	v11 =	vld [tilespmem:s26+$0x10FB0]  }
0x362: {  	v22 =	vld [tilespmem:s26+$0x14F40]  }
0x363: {  	v4 =	vld [tilespmem:s26+$0x11000]  }
0x364: {  	v6 =	vld [tilespmem:s26+$0x15020];
	v7 =	vshll.u32 v0, $0x10  }
0x365: {  	v8 =	vld [tilespmem:s26+$0x11010];
	v9 =	vshll.u32 v1, $0x10;
	v0 =	vand.u32 $0xFFFF0000, v0;
	v12 =	vshll.u32 v5, $0x10  }
0x366: {  	v10 =	vld [tilespmem:s26+$0x15010];
	v5 =	vand.u32 $0xFFFF0000, v5;
	v1 =	vand.u32 $0xFFFF0000, v1;
	v14 =	vshll.u32 v11, $0x10  }
0x367: {  	v23 =	vld [tilespmem:s26+$0x14F50];
	v11 =	vand.u32 $0xFFFF0000, v11;
	v25 =	vshll.u32 v22, $0x10;
	v22 =	vand.u32 $0xFFFF0000, v22;
	[tilespmem:$0x1FE80] =	vst v7  }
0x368: {  	v62 =	vld [tilespmem:s26+$0x14E40];
	v7 =	vshll.u32 v2, $0x10;
	[tilespmem:$0x1FE90] =	vst v0;
	v0 =	vand.u32 $0xFFFF0000, v2;
	v2 =	vshll.u32 v3, $0x10  }
0x369: {  	v63 =	vld [tilespmem:s26+$0x10E50];
	v3 =	vand.u32 $0xFFFF0000, v3;
	[tilespmem:$0x1FEA0] =	vst v1;
	v1 =	vand.u32 $0xFFFF0000, v6;
	v2 =	vmul.f32 v2, v7  }
0x36a: {  	v44 =	vld [tilespmem:s26+$0x14E50];
	v0 =	vmul.f32 v3, v0;
	v3 =	vshll.u32 v4, $0x10;
	v4 =	vand.u32 $0xFFFF0000, v4  }
0x36b: {  	v13 =	vld [tilespmem:s26+$0x14FE0];
	v3 =	vmul.f32 v12, v3;
	v4 =	vmul.f32 v5, v4;
	v5 =	vshll.u32 v6, $0x10  }
0x36c: {  	v27 =	vshll.u32 v23, $0x10;
	v23 =	vand.u32 $0xFFFF0000, v23;
	v7 =	vld [tilespmem:s26+$0x10FE0];
	[tilespmem:$0x1FEB0] =	vst v1;
	v1 =	vmul.f32 v5, v9  }
0x36d: {  	v45 =	vshll.u32 v62, $0x10;
	v0 =	vadd.f32 v0, v2;
	v2 =	vadd.f32 v4, v3  }
0x36e: {  	v46 =	vand.u32 $0xFFFF0000, v62;
	v47 =	vshll.u32 v63, $0x10;
	v48 =	vand.u32 $0xFFFF0000, v63;
	v12 =	vld [tilespmem:s26+$0x10FC0];
	[tilespmem:$0x1FEC0] =	vst v1  }
0x36f: {  	v49 =	vshll.u32 v44, $0x10;
	v5 =	vshll.u32 v10, $0x10;
	v1 =	vld [tilespmem:s26+$0x14FC0];
	[tilespmem:$0x1FED0] =	vst v2;
	v2 =	vshll.u32 v8, $0x10  }
0x370: {  	v50 =	vand.u32 $0xFFFF0000, v44;
	v6 =	vand.u32 $0xFFFF0000, v10;
	v3 =	vld [tilespmem:s26+$0x10FD0];
	v2 =	vmul.f32 v5, v2  }
0x371: {  	v4 =	vand.u32 $0xFFFF0000, v8;
	v8 =	vld [tilespmem:s26+$0x14FD0];
	v9 =	vshll.u32 v7, $0x10;
	v5 =	vshll.u32 v13, $0x10  }
0x372: {  	v56 =	vld [tilespmem:s26+$0x14E10];
	[tilespmem:$0x1FEE0] =	vst v2;
	v2 =	vmul.f32 v6, v4;
	v4 =	vand.u32 $0xFFFF0000, v7;
	v6 =	vand.u32 $0xFFFF0000, v13  }
0x373: {  	v10 =	vshll.u32 v12, $0x10;
	v5 =	vmul.f32 v5, v9;
	v7 =	vld [tilespmem:s26+$0x14F70];
	v4 =	vmul.f32 v6, v4  }
0x374: {  	v6 =	vand.u32 $0xFFFF0000, v12;
	v9 =	vshll.u32 v1, $0x10;
	v1 =	vand.u32 $0xFFFF0000, v1;
	v12 =	vld [tilespmem:s26+$0x14FB0]  }
0x375: {  	[tilespmem:$0x1FEF0] =	vst v2;
	v2 =	vld [tilespmem:s26+$0x10F70];
	v9 =	vmul.f32 v9, v10;
	v1 =	vmul.f32 v1, v6;
	v6 =	vshll.u32 v3, $0x10  }
0x376: {  	v3 =	vand.u32 $0xFFFF0000, v3;
	v10 =	vshll.u32 v8, $0x10;
	v8 =	vand.u32 $0xFFFF0000, v8  }
0x377: {  	v39 =	vshll.u32 v56, $0x10;
	v13 =	vld [tilespmem:s26+$0x10FA0];
	v6 =	vmul.f32 v10, v6;
	v3 =	vmul.f32 v8, v3  }
0x378: {  	v15 =	vld [tilespmem:s26+$0x14F30];
	v41 =	vand.u32 $0xFFFF0000, v56;
	v34 =	vmul.f32 v49, v47;
	v35 =	vmul.f32 v50, v48  }
0x379: {  	[tilespmem:$0x1FF00] =	vst v14;
	v8 =	vld [tilespmem:s26+$0x10F30];
	v1 =	vadd.f32 v1, v9;
	v14 =	vshll.u32 v7, $0x10;
	v3 =	vadd.f32 v3, v6  }
0x37a: {  	v7 =	vand.u32 $0xFFFF0000, v7;
	v9 =	vshll.u32 v12, $0x10;
	v10 =	vshll.u32 v2, $0x10  }
0x37b: {  	v6 =	vld [tilespmem:s26+$0x10F60];
	v2 =	vand.u32 $0xFFFF0000, v2;
	v1 =	vadd.f32 v3, v1;
	v3 =	vadd.f32 v4, v5  }
0x37c: {  	v4 =	vshll.u32 v13, $0x10;
	v14 =	vmul.f32 v14, v10;
	v2 =	vmul.f32 v7, v2;
	v7 =	vld [tilespmem:s26+$0x14F60]  }
0x37d: {  	[tilespmem:$0x1FF10] =	vst v9;
	v5 =	vld [tilespmem:s26+$0x14FA0];
	v9 =	vand.u32 $0xFFFF0000, v12;
	v12 =	vand.u32 $0xFFFF0000, v13;
	v13 =	vand.u32 $0xFFFF0000, v15  }
0x37e: {  	v16 =	vld [tilespmem:s26+$0x10F80];
	v1 =	vadd.f32 v3, v1;
	v3 =	vand.u32 $0xFFFF0000, v8;
	v2 =	vadd.f32 v2, v14  }
0x37f: {  	v14 =	vshll.u32 v8, $0x10;
	v8 =	vshll.u32 v15, $0x10;
	v15 =	vld [tilespmem:s26+$0x14F80];
	v3 =	vmul.f32 v13, v3  }
0x380: {  	v17 =	vld [tilespmem:s26+$0x10F90];
	v13 =	vshll.u32 v6, $0x10;
	v6 =	vand.u32 $0xFFFF0000, v6;
	v8 =	vmul.f32 v8, v14  }
0x381: {  	v18 =	vld [tilespmem:s26+$0x14F90];
	v30 =	vadd.f32 v0, v1;
	v14 =	vshll.u32 v7, $0x10;
	v7 =	vand.u32 $0xFFFF0000, v7  }
0x382: {  	v20 =	vld [tilespmem:s26+$0x10EF0];
	v1 =	vadd.f32 v3, v8;
	v6 =	vmul.f32 v7, v6;
	v7 =	vshll.u32 v5, $0x10  }
0x383: {  	v21 =	vld [tilespmem:s26+$0x10F20];
	v19 =	vmul.f32 v14, v13;
	v14 =	vand.u32 $0xFFFF0000, v5;
	v13 =	vmul.f32 v7, v4  }
0x384: {  	v0 =	vld [tilespmem:s26+$0x14F20];
	v4 =	vshll.u32 v16, $0x10;
	v7 =	vshll.u32 v15, $0x10;
	v8 =	vand.u32 $0xFFFF0000, v15  }
0x385: {  	v5 =	vld [tilespmem:s26+$0x10F40];
	v3 =	vadd.f32 v6, v19;
	v6 =	vand.u32 $0xFFFF0000, v16;
	v4 =	vmul.f32 v7, v4  }
0x386: {  	v7 =	vshll.u32 v17, $0x10;
	v17 =	vand.u32 $0xFFFF0000, v17;
	v16 =	vshll.u32 v18, $0x10  }
0x387: {  	v24 =	vld [tilespmem:s26+$0x10F00];
	v18 =	vand.u32 $0xFFFF0000, v18;
	v19 =	vshll.u32 v20, $0x10;
	v6 =	vmul.f32 v8, v6  }
0x388: {  	v8 =	vld [tilespmem:s26+$0x10F50];
	v16 =	vmul.f32 v16, v7;
	v17 =	vmul.f32 v18, v17;
	v18 =	vand.u32 $0xFFFF0000, v20  }
0x389: {  	v26 =	vld [tilespmem:s26+$0x14F00];
	v7 =	vand.u32 $0xFFFF0000, v21;
	v15 =	vadd.f32 v6, v4;
	v4 =	vshll.u32 v21, $0x10  }
0x38a: {  	v28 =	vld [tilespmem:s26+$0x14F10];
	v21 =	vshll.u32 v0, $0x10;
	v20 =	vshll.u32 v5, $0x10;
	v5 =	vand.u32 $0xFFFF0000, v5  }
0x38b: {  	v6 =	vld [tilespmem:s26+$0x14EF0];
	v0 =	vand.u32 $0xFFFF0000, v0;
	v25 =	vmul.f32 v25, v20;
	v5 =	vmul.f32 v22, v5  }
0x38c: {  	v22 =	vld [tilespmem:s26+$0x10F10];
	v4 =	vmul.f32 v21, v4;
	v0 =	vmul.f32 v0, v7;
	v21 =	vshll.u32 v24, $0x10  }
0x38d: {  	v24 =	vand.u32 $0xFFFF0000, v24;
	v20 =	vshll.u32 v8, $0x10;
	v8 =	vand.u32 $0xFFFF0000, v8  }
0x38e: {  	v7 =	vld [tilespmem:s26+$0x14EB0];
	v5 =	vadd.f32 v5, v25;
	v25 =	vshll.u32 v26, $0x10;
	v26 =	vand.u32 $0xFFFF0000, v26  }
0x38f: {  	v0 =	vadd.f32 v0, v4;
	v27 =	vmul.f32 v27, v20;
	v8 =	vmul.f32 v23, v8;
	v23 =	vld [tilespmem:s26+$0x10EB0]  }
0x390: {  	v21 =	vmul.f32 v25, v21;
	v24 =	vmul.f32 v26, v24;
	v26 =	vshll.u32 v28, $0x10  }
0x391: {  	v29 =	vld [tilespmem:s26+$0x10EE0];
	v20 =	vshll.u32 v6, $0x10;
	v8 =	vadd.f32 v8, v27;
	v25 =	vshll.u32 v22, $0x10  }
0x392: {  	v31 =	vld [tilespmem:s26+$0x14E70];
	v22 =	vand.u32 $0xFFFF0000, v22;
	v27 =	vand.u32 $0xFFFF0000, v28;
	v24 =	vadd.f32 v24, v21  }
0x393: {  	v28 =	vld [tilespmem:s26+$0x14EE0];
	v25 =	vmul.f32 v26, v25;
	v22 =	vmul.f32 v27, v22;
	v5 =	vadd.f32 v8, v5  }
0x394: {  	v27 =	vshll.u32 v7, $0x10;
	v7 =	vand.u32 $0xFFFF0000, v7;
	v8 =	vld [tilespmem:s26+$0x10E70];
	v26 =	vshll.u32 v23, $0x10  }
0x395: {  	v23 =	vand.u32 $0xFFFF0000, v23;
	v22 =	vadd.f32 v22, v25;
	v25 =	vld [tilespmem:s26+$0x10EA0];
	v3 =	vadd.f32 v3, v5  }
0x396: {  	v21 =	vand.u32 $0xFFFF0000, v6;
	v26 =	vmul.f32 v27, v26;
	v7 =	vmul.f32 v7, v23;
	v5 =	vld [tilespmem:s26+$0x14EA0]  }
0x397: {  	v23 =	vshll.u32 v31, $0x10;
	v6 =	vadd.f32 v22, v24;
	v32 =	vadd.f32 v2, v3;
	v2 =	vld [tilespmem:s26+$0x10EC0]  }
0x398: {  	v22 =	vand.u32 $0xFFFF0000, v29;
	v24 =	vand.u32 $0xFFFF0000, v31;
	v4 =	vadd.f32 v7, v26;
	v26 =	vld [tilespmem:s26+$0x10ED0]  }
0x399: {  	v7 =	vshll.u32 v29, $0x10;
	v29 =	vld [tilespmem:s26+$0x10E60];
	v3 =	vshll.u32 v8, $0x10;
	v8 =	vand.u32 $0xFFFF0000, v8  }
0x39a: {  	v0 =	vadd.f32 v0, v6;
	v6 =	vld [tilespmem:s26+$0x14EC0];
	v3 =	vmul.f32 v23, v3;
	v8 =	vmul.f32 v24, v8  }
0x39b: {  	v23 =	vshll.u32 v25, $0x10;
	v24 =	vld [tilespmem:s26+$0x14ED0];
	v25 =	vand.u32 $0xFFFF0000, v25;
	v27 =	vshll.u32 v5, $0x10  }
0x39c: {  	v5 =	vand.u32 $0xFFFF0000, v5;
	v36 =	vadd.f32 v1, v0;
	v1 =	vld [tilespmem:s26+$0x10E80];
	v27 =	vmul.f32 v27, v23  }
0x39d: {  	v5 =	vmul.f32 v5, v25;
	v23 =	vshll.u32 v28, $0x10;
	v25 =	vld [tilespmem:s26+$0x14E60];
	v0 =	vadd.f32 v8, v3  }
0x39e: {  	v8 =	vld [tilespmem:s26+$0x14E80];
	v23 =	vmul.f32 v23, v7;
	v58 =	vshll.u32 v29, $0x10;
	v29 =	vand.u32 $0xFFFF0000, v29  }
0x39f: {  	v3 =	vadd.f32 v5, v27;
	v5 =	vshll.u32 v2, $0x10;
	v7 =	vshll.u32 v6, $0x10;
	v27 =	vld [tilespmem:s26+$0x14E90]  }
0x3a0: {  	v2 =	vand.u32 $0xFFFF0000, v2;
	v6 =	vand.u32 $0xFFFF0000, v6;
	v5 =	vmul.f32 v7, v5;
	v7 =	vld [tilespmem:s26+$0x10E90]  }
0x3a1: {  	v2 =	vmul.f32 v6, v2;
	v6 =	vshll.u32 v26, $0x10;
	v31 =	vshll.u32 v24, $0x10  }
0x3a2: {  	v57 =	vand.u32 $0xFFFF0000, v24;
	v24 =	vshll.u32 v1, $0x10;
	v1 =	vand.u32 $0xFFFF0000, v1  }
0x3a3: {  	v59 =	vshll.u32 v25, $0x10;
	v61 =	vshll.u32 v8, $0x10;
	v8 =	vand.u32 $0xFFFF0000, v8  }
0x3a4: {  	v60 =	vld [tilespmem:s26+$0x10E40];
	v25 =	vand.u32 $0xFFFF0000, v25;
	v38 =	vmul.f32 v61, v24;
	v1 =	vmul.f32 v8, v1  }
0x3a5: {  	v53 =	vld [tilespmem:s26+$0x14DB0];
	v24 =	vshll.u32 v27, $0x10;
	v27 =	vand.u32 $0xFFFF0000, v27;
	v8 =	vshll.u32 v7, $0x10  }
0x3a6: {  	v7 =	vand.u32 $0xFFFF0000, v7;
	v8 =	vmul.f32 v24, v8;
	v24 =	vadd.f32 v2, v5;
	v2 =	vld [tilespmem:s26+$0x10DF0]  }
0x3a7: {  	v26 =	vand.u32 $0xFFFF0000, v26;
	v7 =	vmul.f32 v27, v7;
	v27 =	vmul.f32 v25, v29;
	v25 =	vld [tilespmem:s26+$0x14DF0]  }
0x3a8: {  	v28 =	vand.u32 $0xFFFF0000, v28;
	v26 =	vmul.f32 v57, v26;
	v5 =	vmul.f32 v59, v58;
	v58 =	vld [tilespmem:s26+$0x10DA0]  }
0x3a9: {  	v1 =	vadd.f32 v1, v38;
	v29 =	vshll.u32 v60, $0x10;
	v59 =	vld [tilespmem:s26+$0x14DA0];
	v7 =	vadd.f32 v7, v8  }
0x3aa: {  	v29 =	vmul.f32 v45, v29;
	v8 =	vand.u32 $0xFFFF0000, v60;
	v5 =	vadd.f32 v27, v5  }
0x3ab: {  	v37 =	vld [tilespmem:s26+$0x10E20];
	v27 =	vand.u32 $0xFFFF0000, v53;
	v8 =	vmul.f32 v46, v8;
	v1 =	vadd.f32 v7, v1  }
0x3ac: {  	v7 =	vld [tilespmem:s26+$0x10DB0];
	v51 =	vshll.u32 v2, $0x10;
	v2 =	vand.u32 $0xFFFF0000, v2;
	v52 =	vshll.u32 v25, $0x10  }
0x3ad: {  	v54 =	vld [tilespmem:s26+$0x10DE0];
	v25 =	vand.u32 $0xFFFF0000, v25;
	v8 =	vadd.f32 v8, v29;
	v29 =	vadd.f32 v35, v34  }
0x3ae: {  	v38 =	vld [tilespmem:s26+$0x14E20];
	v62 =	vshll.u32 v58, $0x10;
	v35 =	vand.u32 $0xFFFF0000, v58;
	v63 =	vshll.u32 v59, $0x10  }
0x3af: {  	v34 =	vand.u32 $0xFFFF0000, v59;
	v55 =	vmul.f32 v52, v51;
	v1 =	vadd.f32 v3, v1;
	v3 =	vld [tilespmem:s26+$0x14DE0]  }
0x3b0: {  	v58 =	vld [tilespmem:s26+$0x14D30];
	v2 =	vmul.f32 v25, v2;
	v25 =	vmul.f32 v31, v6;
	v6 =	vadd.f32 v29, v8  }
0x3b1: {  	v31 =	vld [tilespmem:s26+$0x10E10];
	v34 =	vmul.f32 v34, v35;
	v40 =	vadd.f32 v4, v1;
	v1 =	vshll.u32 v7, $0x10  }
0x3b2: {  	v29 =	vld [tilespmem:s26+$0x10E00];
	v4 =	vadd.f32 v5, v6;
	v6 =	vand.u32 $0xFFFF0000, v7;
	v7 =	vshll.u32 v53, $0x10  }
0x3b3: {  	v52 =	vld [tilespmem:s26+$0x10D80];
	v8 =	vshll.u32 v37, $0x10;
	v1 =	vmul.f32 v7, v1;
	v6 =	vmul.f32 v27, v6  }
0x3b4: {  	v5 =	vld [tilespmem:s26+$0x14E00];
	v7 =	vshll.u32 v54, $0x10;
	v27 =	vand.u32 $0xFFFF0000, v54;
	v57 =	vshll.u32 v3, $0x10  }
0x3b5: {  	v54 =	vld [tilespmem:s26+$0x14D80];
	v3 =	vand.u32 $0xFFFF0000, v3;
	v61 =	vadd.f32 v0, v4;
	v7 =	vmul.f32 v57, v7  }
0x3b6: {  	v3 =	vmul.f32 v3, v27;
	v27 =	vshll.u32 v38, $0x10;
	v0 =	vadd.f32 v6, v1;
	v1 =	vld [tilespmem:s26+$0x10DC0]  }
0x3b7: {  	v4 =	vshll.u32 v29, $0x10;
	v27 =	vmul.f32 v27, v8;
	v8 =	vand.u32 $0xFFFF0000, v29;
	v29 =	vld [tilespmem:s26+$0x14DD0]  }
0x3b8: {  	v37 =	vand.u32 $0xFFFF0000, v37;
	v2 =	vadd.f32 v2, v55;
	v3 =	vadd.f32 v3, v7;
	v7 =	vld [tilespmem:s26+$0x14DC0]  }
0x3b9: {  	v33 =	vand.u32 $0xFFFF0000, v58;
	v59 =	vshll.u32 v52, $0x10;
	v6 =	vshll.u32 v5, $0x10  }
0x3ba: {  	v38 =	vand.u32 $0xFFFF0000, v38;
	v5 =	vand.u32 $0xFFFF0000, v5;
	v4 =	vmul.f32 v6, v4;
	v6 =	vld [tilespmem:s26+$0x10DD0]  }
0x3bb: {  	v57 =	vld [tilespmem:s26+$0x14D90];
	v5 =	vmul.f32 v5, v8;
	v8 =	vshll.u32 v31, $0x10;
	v60 =	vshll.u32 v54, $0x10  }
0x3bc: {  	v31 =	vand.u32 $0xFFFF0000, v31;
	v35 =	vmul.f32 v60, v59;
	v51 =	vshll.u32 v1, $0x10  }
0x3bd: {  	v55 =	vld [tilespmem:s26+$0x10D90];
	v1 =	vand.u32 $0xFFFF0000, v1;
	v56 =	vshll.u32 v29, $0x10;
	v53 =	vshll.u32 v7, $0x10  }
0x3be: {  	v59 =	vld [tilespmem:s26+$0x10D20];
	v29 =	vand.u32 $0xFFFF0000, v29;
	v7 =	vand.u32 $0xFFFF0000, v7;
	v43 =	vmul.f32 v53, v51  }
0x3bf: {  	v1 =	vmul.f32 v7, v1;
	v7 =	vshll.u32 v6, $0x10;
	v6 =	vand.u32 $0xFFFF0000, v6  }
0x3c0: {  	v53 =	vshll.u32 v57, $0x10;
	v7 =	vmul.f32 v56, v7;
	v6 =	vmul.f32 v29, v6  }
0x3c1: {  	v29 =	vadd.f32 v5, v4;
	v4 =	vld [tilespmem:s26+$0x10D30];
	v5 =	vmul.f32 v63, v62;
	v62 =	vand.u32 $0xFFFF0000, v54  }
0x3c2: {  	v63 =	vshll.u32 v55, $0x10;
	v54 =	vand.u32 $0xFFFF0000, v57;
	v56 =	vshll.u32 v58, $0x10  }
0x3c3: {  	v50 =	vld [tilespmem:s26+$0x10D60];
	v51 =	vand.u32 $0xFFFF0000, v59;
	v1 =	vadd.f32 v1, v43;
	v42 =	vmul.f32 v53, v63  }
0x3c4: {  	v57 =	vld [tilespmem:s26+$0x14CF0];
	v6 =	vadd.f32 v6, v7;
	v7 =	vand.u32 $0xFFFF0000, v52;
	v52 =	vand.u32 $0xFFFF0000, v55  }
0x3c5: {  	v5 =	vadd.f32 v34, v5;
	v7 =	vmul.f32 v62, v7;
	v43 =	vmul.f32 v54, v52;
	v54 =	vld [tilespmem:s26+$0x14C70]  }
0x3c6: {  	v34 =	vmul.f32 v41, v31;
	v1 =	vadd.f32 v6, v1;
	v6 =	vld [tilespmem:s26+$0x10CF0];
	v55 =	vshll.u32 v4, $0x10  }
0x3c7: {  	v4 =	vand.u32 $0xFFFF0000, v4;
	v7 =	vadd.f32 v7, v35;
	v58 =	vadd.f32 v43, v42  }
0x3c8: {  	v60 =	vmul.f32 v56, v55;
	v4 =	vmul.f32 v33, v4;
	v1 =	vadd.f32 v3, v1;
	v3 =	vld [tilespmem:s26+$0x14D20]  }
0x3c9: {  	v31 =	vshll.u32 v50, $0x10;
	v50 =	vand.u32 $0xFFFF0000, v50;
	v33 =	vmul.f32 v39, v8;
	v8 =	vld [tilespmem:s26+$0x10D40]  }
0x3ca: {  	v62 =	vand.u32 $0xFFFF0000, v57;
	v7 =	vadd.f32 v58, v7;
	v4 =	vadd.f32 v4, v60  }
0x3cb: {  	v53 =	vld [tilespmem:s26+$0x14D60];
	v42 =	vadd.f32 v2, v1;
	v43 =	vand.u32 $0xFFFF0000, v54;
	v1 =	vshll.u32 v6, $0x10  }
0x3cc: {  	v2 =	vld [tilespmem:s26+$0x14D40];
	v5 =	vadd.f32 v5, v7;
	v6 =	vand.u32 $0xFFFF0000, v6;
	v7 =	vshll.u32 v57, $0x10  }
0x3cd: {  	v63 =	vld [tilespmem:s26+$0x10C70];
	v1 =	vmul.f32 v7, v1;
	v6 =	vmul.f32 v62, v6;
	v7 =	vshll.u32 v59, $0x10  }
0x3ce: {  	v57 =	vld [tilespmem:s26+$0x10D00];
	v52 =	vshll.u32 v3, $0x10;
	v3 =	vand.u32 $0xFFFF0000, v3;
	v56 =	vshll.u32 v8, $0x10  }
0x3cf: {  	v8 =	vand.u32 $0xFFFF0000, v8;
	v48 =	vadd.f32 v0, v5;
	v7 =	vmul.f32 v52, v7  }
0x3d0: {  	v59 =	vld [tilespmem:s26+$0x14D00];
	v3 =	vmul.f32 v3, v51;
	v47 =	vadd.f32 v6, v1;
	v6 =	vshll.u32 v53, $0x10  }
0x3d1: {  	v5 =	vld [tilespmem:s26+$0x10D50];
	v58 =	vshll.u32 v2, $0x10;
	v2 =	vand.u32 $0xFFFF0000, v2;
	v45 =	vmul.f32 v6, v31  }
0x3d2: {  	v1 =	vld [tilespmem:s26+$0x10D10];
	v6 =	vand.u32 $0xFFFF0000, v63;
	v39 =	vmul.f32 v58, v56;
	v2 =	vmul.f32 v2, v8  }
0x3d3: {  	v0 =	vadd.f32 v3, v7;
	v3 =	vld [tilespmem:s26+$0x14D10];
	v7 =	vshll.u32 v54, $0x10;
	v8 =	vshll.u32 v57, $0x10  }
0x3d4: {  	v31 =	vand.u32 $0xFFFF0000, v57;
	v6 =	vmul.f32 v43, v6;
	v44 =	vadd.f32 v2, v39;
	v39 =	vld [tilespmem:s26+$0x14D50]  }
0x3d5: {  	v60 =	vshll.u32 v59, $0x10;
	v62 =	vand.u32 $0xFFFF0000, v59;
	v2 =	vshll.u32 v63, $0x10;
	v63 =	vld [tilespmem:s26+$0x10CE0]  }
0x3d6: {  	v8 =	vmul.f32 v60, v8;
	v31 =	vmul.f32 v62, v31;
	v57 =	vshll.u32 v5, $0x10;
	v62 =	vld [tilespmem:s26+$0x14CD0]  }
0x3d7: {  	v41 =	vld [tilespmem:s26+$0x14CE0];
	v5 =	vand.u32 $0xFFFF0000, v5;
	v55 =	vshll.u32 v1, $0x10;
	v1 =	vand.u32 $0xFFFF0000, v1  }
0x3d8: {  	v2 =	vmul.f32 v7, v2;
	v56 =	vshll.u32 v3, $0x10;
	v3 =	vand.u32 $0xFFFF0000, v3  }
0x3d9: {  	v8 =	vadd.f32 v31, v8;
	v35 =	vmul.f32 v56, v55;
	v1 =	vmul.f32 v3, v1;
	v3 =	vld [tilespmem:s26+$0x10CC0]  }
0x3da: {  	v7 =	vld [tilespmem:s26+$0x14CC0];
	v54 =	vadd.f32 v6, v2;
	v58 =	vshll.u32 v39, $0x10;
	v59 =	vshll.u32 v63, $0x10  }
0x3db: {  	v60 =	vand.u32 $0xFFFF0000, v63;
	v63 =	vld [tilespmem:s26+$0x10C60];
	v46 =	vand.u32 $0xFFFF0000, v62;
	v1 =	vadd.f32 v1, v35  }
0x3dc: {  	v52 =	vmul.f32 v58, v57;
	v57 =	vshll.u32 v41, $0x10;
	v41 =	vand.u32 $0xFFFF0000, v41  }
0x3dd: {  	v31 =	vld [tilespmem:s26+$0x10CD0];
	v6 =	vmul.f32 v57, v59;
	v1 =	vadd.f32 v1, v8;
	v8 =	vmul.f32 v41, v60  }
0x3de: {  	v58 =	vld [tilespmem:s26+$0x10E30];
	v60 =	vshll.u32 v62, $0x10;
	v59 =	vshll.u32 v3, $0x10;
	v3 =	vand.u32 $0xFFFF0000, v3  }
0x3df: {  	v2 =	vld [tilespmem:s26+$0x14C60];
	v0 =	vadd.f32 v0, v1;
	v1 =	vshll.u32 v7, $0x10;
	v7 =	vand.u32 $0xFFFF0000, v7  }
0x3e0: {  	v57 =	vld [tilespmem:s26+$0x10D70];
	v62 =	vshll.u32 v63, $0x10;
	v63 =	vand.u32 $0xFFFF0000, v63;
	v43 =	vadd.f32 v8, v6  }
0x3e1: {  	v41 =	vld [tilespmem:s26+$0x14E30];
	v8 =	vand.u32 $0xFFFF0000, v39;
	v1 =	vmul.f32 v1, v59;
	v3 =	vmul.f32 v7, v3  }
0x3e2: {  	(xrf2) =	vadd.scan.msk.f32 $0xffff, v30;
	v55 =	vld [tilespmem:s26+$0x10C40];
	v7 =	vshll.u32 v31, $0x10;
	v31 =	vand.u32 $0xFFFF0000, v31;
	v56 =	vmul.f32 v8, v5  }
0x3e3: {  	(xrf2) =	vadd.scan.msk.f32 $0xffff, v32;
	v6 =	vld [tilespmem:s26+$0x10CB0];
	v30 =	vand.u32 $0xFFFF0000, v58;
	v7 =	vmul.f32 v60, v7;
	v46 =	vmul.f32 v46, v31  }
0x3e4: {  	v49 =	vld [tilespmem:s26+$0x14C40];
	v31 =	vshll.u32 v2, $0x10;
	v2 =	vand.u32 $0xFFFF0000, v2;
	v60 =	vadd.f32 v4, v0  }
0x3e5: {  	v4 =	vld [tilespmem:s26+$0x10C50];
	v39 =	vand.u32 $0xFFFF0000, v57;
	v51 =	vmul.f32 v31, v62;
	v31 =	vshll.u32 v58, $0x10  }
0x3e6: {  	v2 =	vmul.f32 v2, v63;
	v32 =	vshll.u32 v41, $0x10;
	v1 =	vadd.f32 v3, v1;
	v58 =	vld [tilespmem:s26+$0x14CB0]  }
0x3e7: {  	v35 =	vand.u32 $0xFFFF0000, v41;
	v41 =	vshll.u32 v57, $0x10;
	v3 =	vadd.f32 v46, v7;
	v7 =	vld [tilespmem:s26+$0x14D70]  }
0x3e8: {  	v8 =	vld [tilespmem:s26+$0x14C50];
	v51 =	vadd.f32 v2, v51;
	v2 =	vshll.u32 v55, $0x10;
	v57 =	vshll.u32 v6, $0x10  }
0x3e9: {  	v63 =	vld [tilespmem:s26+$0x10CA0];
	v59 =	vand.u32 $0xFFFF0000, v6;
	v0 =	vadd.f32 v3, v1;
	v1 =	vshll.u32 v49, $0x10  }
0x3ea: {  	(xrf2) =	vadd.scan.msk.f32 $0xffff, v36;
	v62 =	vld [tilespmem:s26+$0x14CA0];
	v3 =	vand.u32 $0xFFFF0000, v49;
	v1 =	vmul.f32 v1, v2;
	v2 =	vand.u32 $0xFFFF0000, v55  }
0x3eb: {  	(xrf2) =	vadd.scan.msk.f32 $0xffff, v40;
	v55 =	vand.u32 $0xFFFF0000, v53;
	v5 =	vshll.u32 v4, $0x10;
	v6 =	vand.u32 $0xFFFF0000, v4;
	v4 =	vld [tilespmem:s26+$0x14C80]  }
0x3ec: {  	v36, _, _ =	vpop (xrf2);
	(xrf2) =	vadd.scan.msk.f32 $0xffff, v61;
	v53 =	vld [tilespmem:s26+$0x10C90];
	v3 =	vmul.f32 v3, v2;
	v61 =	vshll.u32 v58, $0x10;
	v46 =	vshll.u32 v7, $0x10  }
0x3ed: {  	s25 =	sadd.s32 $0x1, s25;
	s29 =	simm.s32 $0x2000;
	s28 =	smov.u32 s23;
	[tilespmem:$0x1FF20] =	vst v9;
	v40, _, _ =	vpop (xrf2);
	v2 =	vld [tilespmem:s26+$0x10C80];
	v49 =	vand.u32 $0xFFFF0000, v7;
	v7 =	vshll.u32 v8, $0x10;
	v8 =	vand.u32 $0xFFFF0000, v8  }
.LBB2_6:
0x3ee: {  	v5 =	vmul.f32 v7, v5;
	v6 =	vmul.f32 v8, v6  }
0x3ef: {  	v0 =	vadd.f32 v43, v0  }
0x3f0: {  	v7 =	vld [tilespmem:s26+$0x14C90];
	v1 =	vadd.f32 v3, v1;
	v3 =	vadd.f32 v6, v5  }
0x3f1: {  	v0 =	vadd.f32 v47, v0;
	v8 =	vshll.u32 v63, $0x10;
	v9 =	vshll.u32 v62, $0x10  }
0x3f2: {  	v5 =	vshll.u32 v2, $0x10;
	v2 =	vand.u32 $0xFFFF0000, v2;
	v6 =	vshll.u32 v4, $0x10  }
0x3f3: {  	v4 =	vand.u32 $0xFFFF0000, v4;
	v1 =	vadd.f32 v3, v1;
	v5 =	vmul.f32 v6, v5  }
0x3f4: {  	(xrf2) =	vadd.scan.msk.f32 $0xffff, v42;
	v2 =	vmul.f32 v4, v2;
	v4 =	vshll.u32 v53, $0x10;
	v6 =	vand.u32 $0xFFFF0000, v53  }
0x3f5: {  	v3 =	vmul.f32 v9, v8;
	v42, _, _ =	vpop (xrf2);
	(xrf2) =	vadd.scan.msk.f32 $0xffff, v48;
	v48 =	vshll.u32 v7, $0x10;
	v7 =	vand.u32 $0xFFFF0000, v7  }
0x3f6: {  	v63 =	vand.u32 $0xFFFF0000, v63;
	v4 =	vmul.f32 v48, v4;
	v10 =	vmul.f32 v7, v6  }
0x3f7: {  	v9 =	vand.u32 $0xFFFF0000, v58;
	v1 =	vadd.f32 v51, v1;
	v7 =	vand.u32 $0xFFFF0000, v62  }
0x3f8: {  	v2 =	vadd.f32 v2, v5;
	v53, _, _ =	vpop (xrf2);
	(xrf2) =	vadd.scan.msk.f32 $0xffff, v60;
	v5 =	vmul.f32 v7, v63;
	v4 =	vadd.f32 v10, v4  }
0x3f9: {  	v8 =	vmul.f32 v61, v57;
	v6, _, _ =	vpop (xrf2);
	(xrf2) =	vadd.scan.msk.f32 $0xffff, v0;
	v0 =	vadd.f32 v54, v1;
	v1 =	vadd.f32 v56, v52  }
0x3fa: {  	v3 =	vadd.f32 v5, v3;
	v2 =	vadd.f32 v4, v2;
	v4 =	vmul.f32 v9, v59  }
0x3fb: {  	v5 =	vmul.f32 v55, v50;
	v1 =	vadd.f32 v1, v44  }
0x3fc: {  	v2 =	vadd.f32 v3, v2;
	v3 =	vadd.f32 v4, v8  }
0x3fd: {  	v5 =	vadd.f32 v5, v45;
	v4 =	vmul.f32 v46, v41;
	v8 =	vmul.f32 v49, v39  }
0x3fe: {  	v7, _, _ =	vpop (xrf2);
	(xrf2) =	vadd.scan.msk.f32 $0xffff, v0;
	v0 =	vadd.f32 v3, v2;
	v2 =	vadd.f32 v34, v33;
	v3 =	vmul.f32 v38, v37  }
0x3ff: {  	v1 =	vadd.f32 v5, v1;
	v5 =	vmul.f32 v32, v31;
	v4 =	vadd.f32 v8, v4  }
0x400: {  	v8 =	vmul.f32 v35, v30;
	v2 =	vadd.f32 v2, v29;
	v3 =	vadd.f32 v3, v27  }
0x401: {  	v9, _, _ =	vpop (xrf2);
	(xrf2) =	vadd.scan.msk.f32 $0xffff, v0;
	v0 =	vadd.f32 v4, v1;
	v1 =	vadd.f32 v26, v25;
	v4 =	vmul.f32 v28, v22  }
0x402: {  	v2 =	vadd.f32 v3, v2;
	v3 =	vadd.f32 v8, v5;
	v5 =	vmul.f32 v20, v19  }
0x403: {  	v1 =	vadd.f32 v1, v24;
	v4 =	vadd.f32 v4, v23;
	v8 =	vmul.f32 v21, v18;
	_ =	sdelay $0x1  }
0x404: {  	v1 =	vadd.f32 v4, v1;
	v4 =	vadd.f32 v8, v5;
	v5 =	vld [tilespmem:$0x1FF00]  }
0x405: {  	v8 =	vld [tilespmem:$0x1FF10]  }
0x406: {  	v22, _, _ =	vpop (xrf2);
	(xrf2) =	vadd.scan.msk.f32 $0xffff, v0;
	v0 =	vadd.f32 v3, v2;
	_ =	sdelay $0x1  }
0x407: {  	v3 =	vmul.f32 v14, v12;
	v12, _, _ =	vpop (xrf2);
	(xrf2) =	vadd.scan.msk.f32 $0xffff, v0;
	v0 =	vadd.f32 v4, v1;
	v1 =	vld [tilespmem:$0x1FEE0]  }
0x408: {  	v4 =	vld [tilespmem:$0x1FEF0]  }
0x409: {  	v5 =	vmul.f32 v8, v5;
	v8 =	vld [tilespmem:$0x1FF20];
	_ =	sdelay $0x2  }
0x40a: {  	v10 =	vld [tilespmem:$0x1FEB0];
	v2 =	vadd.f32 v17, v16  }
0x40b: {  	v1 =	vadd.f32 v4, v1;
	v4 =	vld [tilespmem:$0x1FEA0]  }
0x40c: {  	v2 =	vadd.f32 v2, v15;
	v3 =	vadd.f32 v3, v13;
	v8 =	vmul.f32 v8, v11;
	_ =	sdelay $0x1  }
0x40d: {  	v2 =	vadd.f32 v3, v2;
	v13 =	vadd.f32 v8, v5;
	_ =	sdelay $0x1  }
0x40e: {  	v4 =	vmul.f32 v10, v4;
	v10, _, _ =	vpop (xrf2);
	(xrf2) =	vadd.scan.msk.f32 $0xffff, v0;
	v0 =	vadd.f32 v13, v2;
	v2 =	vld [tilespmem:$0x1FED0];
	_ =	sdelay $0x1  }
0x40f: {  	v18 =	vld [tilespmem:s26+$0x15030]  }
0x410: {  	v11 =	vld [tilespmem:$0x1FE80]  }
0x411: {  	v8 =	vld [tilespmem:$0x1FEC0]  }
0x412: {  	v1 =	vadd.f32 v1, v2;
	v2 =	vld [tilespmem:$0x1FE90];
	_ =	sdelay $0x3  }
0x413: {  	v5 =	vshll.u32 v18, $0x10;
	v4 =	vadd.f32 v4, v8;
	v8 =	vand.u32 $0xFFFF0000, v18  }
0x414: {  	v3, _, _ =	vpop (xrf2);
	v5 =	vmul.f32 v5, v11;
	v2 =	vmul.f32 v8, v2  }
0x415: {  	v3 =	vbroadcast v3, $0xF;
	v8 =	vbroadcast v10, $0xF  }
0x416: {  	(xrf2) =	vadd.scan.msk.f32 $0xffff, v0;
	v1 =	vadd.f32 v4, v1;
	v10 =	vbroadcast v12, $0xF;
	v2 =	vadd.f32 v2, v5  }
0x417: {  	v4, _, _ =	vpop (xrf2);
	v0 =	vsel vm0, v8, v3;
	v3 =	vbroadcast v22, $0xF  }
0x418: {  	v5 =	vbroadcast v4, $0xF;
	v0 =	vsel vm1, v0, v10;
	v1 =	vadd.f32 v2, v1  }
0x419: {  	v0 =	vsel vm2, v0, v3;
	v2 =	vbroadcast v9, $0xF  }
0x41a: {  	v4, _, _ =	vpop (xrf2);
	v0 =	vsel vm3, v0, v5;
	v5 =	vbroadcast v7, $0xF;
	(xrf2) =	vadd.scan.msk.f32 $0xffff, v1  }
0x41b: {  	v0 =	vsel vm4, v0, v2;
	v1 =	vbroadcast v4, $0xF  }
0x41c: {  	v2 =	vbroadcast v6, $0xF;
	v0 =	vsel vm5, v0, v5  }
0x41d: {  	v3, _, _ =	vpop (xrf2);
	v0 =	vsel vm6, v0, v1;
	v1 =	vbroadcast v53, $0xF  }
0x41e: {  	v0 =	vsel vm7, v0, v2;
	v2 =	vbroadcast v3, $0xF  }
0x41f: {  	v0 =	vsel vm8, v0, v1;
	v1 =	vbroadcast v42, $0xF  }
0x420: {  	v3, _, _ =	vpop (xrf2);
	v0 =	vsel vm9, v0, v2;
	v2 =	vbroadcast v40, $0xF  }
0x421: {  	v3 =	vbroadcast v3, $0xF;
	v0 =	vsel vm10, v0, v1  }
0x422: {  	v0 =	vsel vm11, v0, v2;
	v2 =	vbroadcast v36, $0xF  }
0x423: {  	v0 =	vsel vm12, v0, v3  }
0x424: {  	v0 =	vsel vm13, v0, v2;
	v1, _, _ =	vpop (xrf2)  }
0x425: {  	s28 =	sadd.s32 $0x10, s28;
	v0 =	vsel vm14, v0, v1  }
0x426: {  	s26 =	sshra.s32 s29, $0x2;
	[tilespmem:s28+$0x0] =	vst v0  }
0x427: {  	v0 =	vld [tilespmem:s26+$0x11030]  }
0x428: {  	v1 =	vld [tilespmem:s26+$0x11020]  }
0x429: {  	v2 =	vld [tilespmem:s26+$0x10FF0]  }
0x42a: {  	v3 =	vld [tilespmem:s26+$0x14FF0]  }
0x42b: {  	v5 =	vld [tilespmem:s26+$0x15000]  }
0x42c: {  	v4 =	vld [tilespmem:s26+$0x11000]  }
0x42d: {  	v6 =	vld [tilespmem:s26+$0x15020]  }
0x42e: {  	v8 =	vld [tilespmem:s26+$0x11010]  }
0x42f: {  	v10 =	vld [tilespmem:s26+$0x15010];
	v7 =	vshll.u32 v0, $0x10;
	v9 =	vshll.u32 v1, $0x10;
	v0 =	vand.u32 $0xFFFF0000, v0  }
0x430: {  	v11 =	vld [tilespmem:s26+$0x10FB0];
	v12 =	vshll.u32 v5, $0x10;
	v5 =	vand.u32 $0xFFFF0000, v5;
	v1 =	vand.u32 $0xFFFF0000, v1;
	[tilespmem:$0x1FE80] =	vst v7  }
0x431: {  	v18 =	vld [tilespmem:s26+$0x10EF0];
	v7 =	vshll.u32 v2, $0x10;
	[tilespmem:$0x1FE90] =	vst v0;
	v0 =	vand.u32 $0xFFFF0000, v2;
	v2 =	vshll.u32 v3, $0x10  }
0x432: {  	v30 =	vld [tilespmem:s26+$0x10E30];
	v3 =	vand.u32 $0xFFFF0000, v3;
	[tilespmem:$0x1FEA0] =	vst v1;
	v1 =	vand.u32 $0xFFFF0000, v6;
	v2 =	vmul.f32 v2, v7  }
0x433: {  	v13 =	vld [tilespmem:s26+$0x14FE0];
	v0 =	vmul.f32 v3, v0;
	v3 =	vshll.u32 v4, $0x10;
	v4 =	vand.u32 $0xFFFF0000, v4  }
0x434: {  	v46 =	vld [tilespmem:s26+$0x14E90];
	v3 =	vmul.f32 v12, v3;
	v4 =	vmul.f32 v5, v4;
	v5 =	vshll.u32 v6, $0x10  }
0x435: {  	v7 =	vld [tilespmem:s26+$0x10FE0];
	[tilespmem:$0x1FEB0] =	vst v1;
	v1 =	vmul.f32 v5, v9  }
0x436: {  	v49 =	vld [tilespmem:s26+$0x14E40];
	v14 =	vshll.u32 v11, $0x10;
	v0 =	vadd.f32 v0, v2;
	v2 =	vadd.f32 v4, v3  }
0x437: {  	v19 =	vshll.u32 v18, $0x10;
	v18 =	vand.u32 $0xFFFF0000, v18;
	v31 =	vshll.u32 v30, $0x10;
	v12 =	vld [tilespmem:s26+$0x10FC0];
	[tilespmem:$0x1FEC0] =	vst v1  }
0x438: {  	v30 =	vand.u32 $0xFFFF0000, v30;
	v5 =	vshll.u32 v10, $0x10;
	v1 =	vld [tilespmem:s26+$0x14FC0];
	[tilespmem:$0x1FED0] =	vst v2;
	v2 =	vshll.u32 v8, $0x10  }
0x439: {  	v51 =	vshll.u32 v46, $0x10;
	v6 =	vand.u32 $0xFFFF0000, v10;
	v3 =	vld [tilespmem:s26+$0x10FD0];
	v2 =	vmul.f32 v5, v2  }
0x43a: {  	v4 =	vand.u32 $0xFFFF0000, v8;
	v8 =	vld [tilespmem:s26+$0x14FD0];
	v9 =	vshll.u32 v7, $0x10;
	v5 =	vshll.u32 v13, $0x10  }
0x43b: {  	v50 =	vld [tilespmem:s26+$0x10E50];
	[tilespmem:$0x1FEE0] =	vst v2;
	v2 =	vmul.f32 v6, v4;
	v4 =	vand.u32 $0xFFFF0000, v7;
	v6 =	vand.u32 $0xFFFF0000, v13  }
0x43c: {  	v52 =	vld [tilespmem:s26+$0x14E50];
	v10 =	vshll.u32 v12, $0x10;
	v5 =	vmul.f32 v5, v9;
	v4 =	vmul.f32 v6, v4  }
0x43d: {  	v53 =	vld [tilespmem:s26+$0x10DF0];
	v6 =	vand.u32 $0xFFFF0000, v12;
	v9 =	vshll.u32 v1, $0x10;
	v1 =	vand.u32 $0xFFFF0000, v1  }
0x43e: {  	v7 =	vld [tilespmem:s26+$0x14F70];
	v9 =	vmul.f32 v9, v10;
	v1 =	vmul.f32 v1, v6;
	v6 =	vshll.u32 v3, $0x10  }
0x43f: {  	[tilespmem:$0x1FEF0] =	vst v2;
	v2 =	vld [tilespmem:s26+$0x10F70];
	v3 =	vand.u32 $0xFFFF0000, v3;
	v10 =	vshll.u32 v8, $0x10;
	v8 =	vand.u32 $0xFFFF0000, v8  }
0x440: {  	v33 =	vand.u32 $0xFFFF0000, v46;
	v13 =	vld [tilespmem:s26+$0x10FA0];
	v6 =	vmul.f32 v10, v6;
	v3 =	vmul.f32 v8, v3  }
0x441: {  	v54 =	vand.u32 $0xFFFF0000, v49;
	v55 =	vand.u32 $0xFFFF0000, v50;
	v56 =	vshll.u32 v52, $0x10;
	v12 =	vld [tilespmem:s26+$0x14FB0]  }
0x442: {  	v57 =	vand.u32 $0xFFFF0000, v52;
	v8 =	vld [tilespmem:s26+$0x10F30];
	v1 =	vadd.f32 v1, v9;
	v3 =	vadd.f32 v3, v6  }
0x443: {  	v15 =	vld [tilespmem:s26+$0x14F30];
	v59 =	vshll.u32 v53, $0x10;
	[tilespmem:$0x1FF00] =	vst v14;
	v14 =	vshll.u32 v7, $0x10;
	v7 =	vand.u32 $0xFFFF0000, v7  }
0x444: {  	v6 =	vld [tilespmem:s26+$0x10F60];
	v10 =	vshll.u32 v2, $0x10;
	v2 =	vand.u32 $0xFFFF0000, v2;
	v1 =	vadd.f32 v3, v1  }
0x445: {  	v3 =	vadd.f32 v4, v5;
	v4 =	vld [tilespmem:s26+$0x14FA0];
	v2 =	vmul.f32 v7, v2;
	v7 =	vand.u32 $0xFFFF0000, v11  }
0x446: {  	v5 =	vand.u32 $0xFFFF0000, v12;
	v9 =	vmul.f32 v14, v10;
	v10 =	vshll.u32 v12, $0x10;
	[tilespmem:$0x1FE60] =	vst v7;
	v7 =	vld [tilespmem:s26+$0x14F60]  }
0x447: {  	[tilespmem:$0x1FF20] =	vst v5;
	v5 =	vshll.u32 v8, $0x10;
	v12 =	vand.u32 $0xFFFF0000, v13;
	v1 =	vadd.f32 v3, v1  }
0x448: {  	v3 =	vand.u32 $0xFFFF0000, v8;
	v8 =	vshll.u32 v15, $0x10;
	v22 =	vadd.f32 v2, v9;
	v9 =	vld [tilespmem:s26+$0x10F80]  }
0x449: {  	v2 =	vshll.u32 v13, $0x10;
	v13 =	vand.u32 $0xFFFF0000, v15;
	v15 =	vld [tilespmem:s26+$0x14F80];
	v5 =	vmul.f32 v8, v5  }
0x44a: {  	v17 =	vld [tilespmem:s26+$0x14F90];
	v8 =	vshll.u32 v6, $0x10;
	v6 =	vand.u32 $0xFFFF0000, v6;
	v3 =	vmul.f32 v13, v3  }
0x44b: {  	v16 =	vld [tilespmem:s26+$0x10F90];
	v36 =	vadd.f32 v0, v1;
	v14 =	vand.u32 $0xFFFF0000, v4;
	v13 =	vshll.u32 v7, $0x10  }
0x44c: {  	v20 =	vld [tilespmem:s26+$0x10F20];
	v24 =	vadd.f32 v3, v5;
	v7 =	vand.u32 $0xFFFF0000, v7;
	v8 =	vmul.f32 v13, v8  }
0x44d: {  	v0 =	vld [tilespmem:s26+$0x14F20];
	v6 =	vmul.f32 v7, v6;
	v7 =	vshll.u32 v4, $0x10;
	v4 =	vand.u32 $0xFFFF0000, v9  }
0x44e: {  	v3 =	vld [tilespmem:s26+$0x10F40];
	v5 =	vshll.u32 v15, $0x10;
	v13 =	vmul.f32 v7, v2;
	v2 =	vshll.u32 v9, $0x10  }
0x44f: {  	v9 =	vshll.u32 v17, $0x10;
	v17 =	vand.u32 $0xFFFF0000, v17;
	v1 =	vadd.f32 v6, v8  }
0x450: {  	v7 =	vld [tilespmem:s26+$0x14F40];
	v6 =	vand.u32 $0xFFFF0000, v15;
	v2 =	vmul.f32 v5, v2;
	v5 =	vshll.u32 v16, $0x10  }
0x451: {  	v21 =	vld [tilespmem:s26+$0x14F50];
	v8 =	vand.u32 $0xFFFF0000, v16;
	v4 =	vmul.f32 v6, v4;
	v16 =	vmul.f32 v9, v5  }
0x452: {  	v6 =	vld [tilespmem:s26+$0x10F50];
	v17 =	vmul.f32 v17, v8;
	v5 =	vand.u32 $0xFFFF0000, v20;
	v8 =	vshll.u32 v0, $0x10  }
0x453: {  	v23 =	vld [tilespmem:s26+$0x10F00];
	v9 =	vshll.u32 v3, $0x10;
	v3 =	vand.u32 $0xFFFF0000, v3;
	v0 =	vand.u32 $0xFFFF0000, v0  }
0x454: {  	v25 =	vld [tilespmem:s26+$0x14F00];
	v0 =	vmul.f32 v0, v5;
	v15 =	vadd.f32 v4, v2;
	v2 =	vshll.u32 v20, $0x10  }
0x455: {  	v26 =	vld [tilespmem:s26+$0x10F10];
	v20 =	vshll.u32 v7, $0x10;
	v7 =	vand.u32 $0xFFFF0000, v7;
	v2 =	vmul.f32 v8, v2  }
0x456: {  	v27 =	vld [tilespmem:s26+$0x14F10];
	v9 =	vmul.f32 v20, v9;
	v3 =	vmul.f32 v7, v3;
	v20 =	vshll.u32 v21, $0x10  }
0x457: {  	v21 =	vand.u32 $0xFFFF0000, v21;
	v7 =	vshll.u32 v6, $0x10;
	v6 =	vand.u32 $0xFFFF0000, v6  }
0x458: {  	v5 =	vld [tilespmem:s26+$0x14EB0];
	v8 =	vshll.u32 v23, $0x10;
	v7 =	vmul.f32 v20, v7;
	v6 =	vmul.f32 v21, v6  }
0x459: {  	v0 =	vadd.f32 v0, v2;
	v21 =	vld [tilespmem:s26+$0x10EB0];
	v3 =	vadd.f32 v3, v9;
	v9 =	vshll.u32 v25, $0x10  }
0x45a: {  	v8 =	vmul.f32 v9, v8;
	v9 =	vshll.u32 v26, $0x10;
	v6 =	vadd.f32 v6, v7  }
0x45b: {  	v28 =	vld [tilespmem:s26+$0x10EE0];
	v7 =	vand.u32 $0xFFFF0000, v23;
	v23 =	vand.u32 $0xFFFF0000, v25;
	v25 =	vshll.u32 v27, $0x10  }
0x45c: {  	v4 =	vld [tilespmem:s26+$0x14EF0];
	v7 =	vmul.f32 v23, v7;
	v23 =	vand.u32 $0xFFFF0000, v26;
	v26 =	vand.u32 $0xFFFF0000, v27  }
0x45d: {  	v29 =	vld [tilespmem:s26+$0x14E70];
	v9 =	vmul.f32 v25, v9;
	v23 =	vmul.f32 v26, v23;
	v3 =	vadd.f32 v6, v3  }
0x45e: {  	v6 =	vld [tilespmem:s26+$0x10E70];
	v26 =	vshll.u32 v5, $0x10;
	v5 =	vand.u32 $0xFFFF0000, v5;
	v25 =	vshll.u32 v21, $0x10  }
0x45f: {  	v21 =	vand.u32 $0xFFFF0000, v21;
	v7 =	vadd.f32 v7, v8;
	v8 =	vadd.f32 v23, v9  }
0x460: {  	v9 =	vld [tilespmem:s26+$0x10EA0];
	v23 =	vmul.f32 v26, v25;
	v5 =	vmul.f32 v5, v21;
	v1 =	vadd.f32 v1, v3  }
0x461: {  	v20 =	vshll.u32 v4, $0x10;
	v3 =	vld [tilespmem:s26+$0x14EA0];
	v21 =	vand.u32 $0xFFFF0000, v4;
	v4 =	vadd.f32 v8, v7  }
0x462: {  	v2 =	vshll.u32 v28, $0x10;
	v25 =	vld [tilespmem:s26+$0x14EC0];
	v27 =	vadd.f32 v5, v23;
	v40 =	vadd.f32 v22, v1  }
0x463: {  	v5 =	vld [tilespmem:s26+$0x14EE0];
	v22 =	vand.u32 $0xFFFF0000, v28;
	v8 =	vand.u32 $0xFFFF0000, v29;
	v1 =	vshll.u32 v6, $0x10  }
0x464: {  	v7 =	vld [tilespmem:s26+$0x10EC0];
	v0 =	vadd.f32 v0, v4;
	v4 =	vand.u32 $0xFFFF0000, v6;
	v6 =	vshll.u32 v29, $0x10  }
0x465: {  	v1 =	vmul.f32 v6, v1;
	v4 =	vmul.f32 v8, v4;
	v6 =	vshll.u32 v9, $0x10  }
0x466: {  	v58 =	vld [tilespmem:s26+$0x10E20];
	v9 =	vand.u32 $0xFFFF0000, v9;
	v23 =	vshll.u32 v3, $0x10;
	v3 =	vand.u32 $0xFFFF0000, v3  }
0x467: {  	v26 =	vld [tilespmem:s26+$0x14ED0];
	v6 =	vmul.f32 v23, v6;
	v3 =	vmul.f32 v3, v9;
	v43 =	vadd.f32 v24, v0  }
0x468: {  	v8 =	vld [tilespmem:s26+$0x10ED0];
	v9 =	vshll.u32 v5, $0x10;
	v28 =	vand.u32 $0xFFFF0000, v5;
	v29 =	vadd.f32 v4, v1  }
0x469: {  	v45 =	vld [tilespmem:s26+$0x10E60];
	v4 =	vand.u32 $0xFFFF0000, v7;
	v5 =	vshll.u32 v25, $0x10;
	v23 =	vmul.f32 v9, v2  }
0x46a: {  	v0 =	vld [tilespmem:s26+$0x14E60];
	v1 =	vadd.f32 v3, v6;
	v2 =	vshll.u32 v7, $0x10;
	v6 =	vand.u32 $0xFFFF0000, v25  }
0x46b: {  	v37 =	vand.u32 $0xFFFF0000, v58;
	v3 =	vld [tilespmem:s26+$0x10E80];
	v2 =	vmul.f32 v5, v2;
	v4 =	vmul.f32 v6, v4  }
0x46c: {  	v34 =	vmul.f32 v57, v55;
	v7 =	vld [tilespmem:s26+$0x14E80];
	v9 =	vshll.u32 v26, $0x10;
	v26 =	vand.u32 $0xFFFF0000, v26  }
0x46d: {  	v47 =	vld [tilespmem:s26+$0x10E40];
	v5 =	vshll.u32 v8, $0x10;
	v8 =	vand.u32 $0xFFFF0000, v8;
	v24 =	vadd.f32 v4, v2  }
0x46e: {  	v6 =	vld [tilespmem:s26+$0x10E90];
	v25 =	vmul.f32 v9, v5;
	v26 =	vmul.f32 v26, v8;
	v2 =	vshll.u32 v45, $0x10  }
0x46f: {  	v5 =	vand.u32 $0xFFFF0000, v45;
	v8 =	vshll.u32 v0, $0x10;
	v0 =	vand.u32 $0xFFFF0000, v0  }
0x470: {  	v2 =	vmul.f32 v8, v2;
	v0 =	vmul.f32 v0, v5;
	v9 =	vshll.u32 v3, $0x10  }
0x471: {  	v3 =	vand.u32 $0xFFFF0000, v3;
	v48 =	vshll.u32 v7, $0x10;
	v7 =	vand.u32 $0xFFFF0000, v7  }
0x472: {  	v5 =	vld [tilespmem:s26+$0x14DF0];
	v8 =	vshll.u32 v47, $0x10;
	v9 =	vmul.f32 v48, v9;
	v3 =	vmul.f32 v7, v3  }
0x473: {  	v61 =	vld [tilespmem:s26+$0x14DB0];
	v7 =	vshll.u32 v6, $0x10;
	v6 =	vand.u32 $0xFFFF0000, v6;
	v0 =	vadd.f32 v0, v2  }
0x474: {  	v4 =	vld [tilespmem:s26+$0x14E30];
	v2 =	vshll.u32 v58, $0x10;
	v7 =	vmul.f32 v51, v7;
	v6 =	vmul.f32 v33, v6  }
0x475: {  	v48 =	vld [tilespmem:s26+$0x14E10];
	v33 =	vand.u32 $0xFFFF0000, v53;
	v3 =	vadd.f32 v3, v9;
	v9 =	vshll.u32 v49, $0x10  }
0x476: {  	v49 =	vld [tilespmem:s26+$0x10D70];
	v6 =	vadd.f32 v6, v7;
	v8 =	vmul.f32 v9, v8;
	v9 =	vshll.u32 v50, $0x10  }
0x477: {  	v7 =	vand.u32 $0xFFFF0000, v47;
	v60 =	vshll.u32 v5, $0x10;
	v9 =	vmul.f32 v56, v9;
	v56 =	vld [tilespmem:s26+$0x14DD0]  }
0x478: {  	v5 =	vand.u32 $0xFFFF0000, v5;
	v7 =	vmul.f32 v54, v7;
	v62 =	vmul.f32 v60, v59;
	v60 =	vld [tilespmem:s26+$0x10D90]  }
0x479: {  	v32 =	vshll.u32 v4, $0x10;
	v5 =	vmul.f32 v5, v33;
	v3 =	vadd.f32 v6, v3;
	v6 =	vld [tilespmem:s26+$0x10DB0]  }
0x47a: {  	v35 =	vand.u32 $0xFFFF0000, v4;
	v7 =	vadd.f32 v7, v8;
	v8 =	vadd.f32 v34, v9;
	v9 =	vld [tilespmem:s26+$0x10DE0]  }
0x47b: {  	v42 =	vadd.f32 v5, v62;
	v5 =	vld [tilespmem:s26+$0x14E20];
	v34 =	vand.u32 $0xFFFF0000, v48;
	v1 =	vadd.f32 v1, v3  }
0x47c: {  	v62 =	vld [tilespmem:s26+$0x14D90];
	v41 =	vshll.u32 v49, $0x10;
	v39 =	vand.u32 $0xFFFF0000, v49;
	v4 =	vadd.f32 v8, v7  }
0x47d: {  	v3 =	vld [tilespmem:s26+$0x14DE0];
	v8 =	vand.u32 $0xFFFF0000, v61;
	v51 =	vadd.f32 v27, v1;
	v46 =	vand.u32 $0xFFFF0000, v56  }
0x47e: {  	v52 =	vand.u32 $0xFFFF0000, v60;
	v1 =	vshll.u32 v6, $0x10;
	v0 =	vadd.f32 v0, v4  }
0x47f: {  	v63 =	vld [tilespmem:s26+$0x14E00];
	v4 =	vand.u32 $0xFFFF0000, v6;
	v6 =	vshll.u32 v61, $0x10;
	v61 =	vshll.u32 v56, $0x10  }
0x480: {  	v7 =	vld [tilespmem:s26+$0x10E00];
	v1 =	vmul.f32 v6, v1;
	v4 =	vmul.f32 v8, v4;
	v6 =	vshll.u32 v9, $0x10  }
0x481: {  	v50 =	vld [tilespmem:s26+$0x10DA0];
	v9 =	vand.u32 $0xFFFF0000, v9;
	v38 =	vand.u32 $0xFFFF0000, v5;
	v54 =	vshll.u32 v62, $0x10  }
0x482: {  	v59 =	vld [tilespmem:s26+$0x14D80];
	v55 =	vand.u32 $0xFFFF0000, v62;
	v27 =	vshll.u32 v3, $0x10;
	v3 =	vand.u32 $0xFFFF0000, v3  }
0x483: {  	v8 =	vld [tilespmem:s26+$0x10E10];
	v53 =	vadd.f32 v29, v0;
	v45 =	vmul.f32 v55, v52;
	v6 =	vmul.f32 v27, v6  }
0x484: {  	v0 =	vld [tilespmem:s26+$0x14DA0];
	v3 =	vmul.f32 v3, v9;
	v9 =	vshll.u32 v5, $0x10;
	v44 =	vadd.f32 v4, v1  }
0x485: {  	v4 =	vand.u32 $0xFFFF0000, v7;
	v27 =	vmul.f32 v9, v2;
	v2 =	vshll.u32 v7, $0x10;
	v7 =	vld [tilespmem:s26+$0x14DC0]  }
0x486: {  	v5 =	vshll.u32 v63, $0x10;
	v9 =	vshll.u32 v48, $0x10;
	v1 =	vadd.f32 v3, v6;
	v3 =	vld [tilespmem:s26+$0x10DC0]  }
0x487: {  	v48 =	vand.u32 $0xFFFF0000, v59;
	v6 =	vand.u32 $0xFFFF0000, v63;
	v2 =	vmul.f32 v5, v2  }
0x488: {  	v4 =	vmul.f32 v6, v4;
	v5 =	vshll.u32 v8, $0x10;
	v6 =	vld [tilespmem:s26+$0x10DD0];
	v8 =	vand.u32 $0xFFFF0000, v8  }
0x489: {  	v57 =	vld [tilespmem:s26+$0x10D80];
	v33 =	vmul.f32 v9, v5;
	v34 =	vmul.f32 v34, v8;
	v5 =	vand.u32 $0xFFFF0000, v50  }
0x48a: {  	v63 =	vld [tilespmem:s26+$0x10D30];
	v8 =	vshll.u32 v0, $0x10;
	v0 =	vand.u32 $0xFFFF0000, v0;
	v29 =	vadd.f32 v4, v2  }
0x48b: {  	v0 =	vmul.f32 v0, v5;
	v58 =	vshll.u32 v7, $0x10;
	v9 =	vshll.u32 v3, $0x10  }
0x48c: {  	v7 =	vand.u32 $0xFFFF0000, v7;
	v3 =	vand.u32 $0xFFFF0000, v3;
	v9 =	vmul.f32 v58, v9  }
0x48d: {  	v4 =	vld [tilespmem:s26+$0x14D70];
	v3 =	vmul.f32 v7, v3;
	v7 =	vshll.u32 v6, $0x10;
	v6 =	vand.u32 $0xFFFF0000, v6  }
0x48e: {  	v2 =	vshll.u32 v50, $0x10;
	v5 =	vld [tilespmem:s26+$0x14D30];
	v7 =	vmul.f32 v61, v7;
	v6 =	vmul.f32 v46, v6  }
0x48f: {  	v2 =	vmul.f32 v8, v2;
	v8 =	vshll.u32 v57, $0x10;
	v56 =	vshll.u32 v63, $0x10  }
0x490: {  	v3 =	vadd.f32 v3, v9;
	v9 =	vshll.u32 v59, $0x10;
	v6 =	vadd.f32 v6, v7  }
0x491: {  	v59 =	vld [tilespmem:s26+$0x14CF0];
	v7 =	vand.u32 $0xFFFF0000, v57;
	v8 =	vmul.f32 v9, v8;
	v9 =	vshll.u32 v60, $0x10  }
0x492: {  	v7 =	vmul.f32 v48, v7;
	v9 =	vmul.f32 v54, v9;
	v3 =	vadd.f32 v6, v3;
	v6 =	vld [tilespmem:s26+$0x10CF0]  }
0x493: {  	v62 =	vld [tilespmem:s26+$0x10D00];
	v0 =	vadd.f32 v0, v2;
	v46 =	vshll.u32 v4, $0x10;
	v58 =	vshll.u32 v5, $0x10  }
0x494: {  	v5 =	vand.u32 $0xFFFF0000, v5;
	v7 =	vadd.f32 v7, v8;
	v8 =	vadd.f32 v45, v9;
	v9 =	vld [tilespmem:s26+$0x10D20]  }
0x495: {  	v49 =	vand.u32 $0xFFFF0000, v4;
	v57 =	vand.u32 $0xFFFF0000, v63;
	v1 =	vadd.f32 v1, v3;
	v3 =	vld [tilespmem:s26+$0x14D20]  }
0x496: {  	v50 =	vld [tilespmem:s26+$0x10D60];
	v63 =	vmul.f32 v58, v56;
	v5 =	vmul.f32 v5, v57;
	v4 =	vadd.f32 v8, v7  }
0x497: {  	v2 =	vld [tilespmem:s26+$0x10D40];
	v8 =	vand.u32 $0xFFFF0000, v59;
	v42 =	vadd.f32 v42, v1;
	v1 =	vshll.u32 v6, $0x10  }
0x498: {  	v7 =	vld [tilespmem:s26+$0x14D40];
	v0 =	vadd.f32 v0, v4;
	v4 =	vand.u32 $0xFFFF0000, v6;
	v6 =	vshll.u32 v59, $0x10  }
0x499: {  	v48 =	vld [tilespmem:s26+$0x14D60];
	v60 =	vadd.f32 v5, v63;
	v1 =	vmul.f32 v6, v1;
	v4 =	vmul.f32 v8, v4  }
0x49a: {  	v52 =	vld [tilespmem:s26+$0x10D50];
	v6 =	vshll.u32 v9, $0x10;
	v8 =	vand.u32 $0xFFFF0000, v9;
	v9 =	vshll.u32 v3, $0x10  }
0x49b: {  	v5 =	vshll.u32 v50, $0x10;
	v63 =	vld [tilespmem:s26+$0x10C70];
	v3 =	vand.u32 $0xFFFF0000, v3;
	v6 =	vmul.f32 v9, v6  }
0x49c: {  	v3 =	vmul.f32 v3, v8;
	v8 =	vshll.u32 v2, $0x10;
	v9 =	vld [tilespmem:s26+$0x14C70];
	v2 =	vand.u32 $0xFFFF0000, v2  }
0x49d: {  	v61 =	vshll.u32 v7, $0x10;
	v7 =	vand.u32 $0xFFFF0000, v7;
	v47 =	vadd.f32 v4, v1;
	v1 =	vld [tilespmem:s26+$0x14D00]  }
0x49e: {  	v55 =	vand.u32 $0xFFFF0000, v48;
	v4 =	vld [tilespmem:s26+$0x14D10];
	v8 =	vmul.f32 v61, v8;
	v2 =	vmul.f32 v7, v2  }
0x49f: {  	v7 =	vshll.u32 v48, $0x10;
	v48 =	vadd.f32 v44, v0;
	v3 =	vadd.f32 v3, v6  }
0x4a0: {  	v0 =	vld [tilespmem:s26+$0x10D10];
	v45 =	vmul.f32 v7, v5;
	v5 =	vshll.u32 v52, $0x10;
	v6 =	vand.u32 $0xFFFF0000, v52  }
0x4a1: {  	v59 =	vld [tilespmem:s26+$0x14CE0];
	v7 =	vand.u32 $0xFFFF0000, v63;
	v44 =	vadd.f32 v2, v8;
	v2 =	vshll.u32 v63, $0x10  }
0x4a2: {  	v52 =	vld [tilespmem:s26+$0x14D50];
	v63 =	vand.u32 $0xFFFF0000, v62;
	v8 =	vshll.u32 v9, $0x10;
	v9 =	vand.u32 $0xFFFF0000, v9  }
0x4a3: {  	v61 =	vshll.u32 v1, $0x10;
	v1 =	vand.u32 $0xFFFF0000, v1;
	v56 =	vshll.u32 v4, $0x10  }
0x4a4: {  	v4 =	vand.u32 $0xFFFF0000, v4;
	v2 =	vmul.f32 v8, v2;
	v7 =	vmul.f32 v9, v7  }
0x4a5: {  	v58 =	vld [tilespmem:s26+$0x10CE0];
	v8 =	vshll.u32 v62, $0x10;
	v1 =	vmul.f32 v1, v63;
	v54 =	vshll.u32 v0, $0x10  }
0x4a6: {  	v9 =	vld [tilespmem:s26+$0x10CB0];
	v0 =	vand.u32 $0xFFFF0000, v0;
	v62 =	vand.u32 $0xFFFF0000, v59;
	v8 =	vmul.f32 v61, v8  }
0x4a7: {  	v61 =	vld [tilespmem:s26+$0x10C60];
	v56 =	vmul.f32 v56, v54;
	v0 =	vmul.f32 v4, v0;
	v4 =	vshll.u32 v52, $0x10  }
0x4a8: {  	v54 =	vadd.f32 v7, v2;
	v2 =	vld [tilespmem:s26+$0x10CC0];
	v7 =	vand.u32 $0xFFFF0000, v52;
	v52 =	vmul.f32 v4, v5  }
0x4a9: {  	v4 =	vld [tilespmem:s26+$0x14CC0];
	v1 =	vadd.f32 v1, v8;
	v0 =	vadd.f32 v0, v56;
	v56 =	vmul.f32 v7, v6  }
0x4aa: {  	v5 =	vld [tilespmem:s26+$0x10CD0];
	v6 =	vshll.u32 v58, $0x10;
	v7 =	vand.u32 $0xFFFF0000, v58;
	v58 =	vshll.u32 v59, $0x10  }
0x4ab: {  	(xrf2) =	vadd.scan.msk.f32 $0xffff, v36;
	v50 =	vand.u32 $0xFFFF0000, v50;
	v8 =	vld [tilespmem:s26+$0x14CD0];
	v6 =	vmul.f32 v58, v6;
	v7 =	vmul.f32 v62, v7  }
0x4ac: {  	(xrf2) =	vadd.scan.msk.f32 $0xffff, v40;
	v57 =	vshll.u32 v9, $0x10;
	v0 =	vadd.f32 v0, v1;
	v59 =	vand.u32 $0xFFFF0000, v9  }
0x4ad: {  	(xrf2) =	vadd.scan.msk.f32 $0xffff, v43;
	v1 =	vld [tilespmem:s26+$0x14C60];
	v9 =	vshll.u32 v61, $0x10;
	v63 =	vand.u32 $0xFFFF0000, v61;
	v43 =	vadd.f32 v7, v6  }
0x4ae: {  	v11 =	vld [tilespmem:s26+$0x14C50];
	v62 =	vshll.u32 v2, $0x10;
	v0 =	vadd.f32 v3, v0;
	v3 =	vshll.u32 v4, $0x10  }
0x4af: {  	[tilespmem:$0x1FF10] =	vst v10;
	v10 =	vld [tilespmem:s26+$0x14C40];
	v2 =	vand.u32 $0xFFFF0000, v2;
	v4 =	vand.u32 $0xFFFF0000, v4;
	v3 =	vmul.f32 v3, v62  }
0x4b0: {  	v40 =	vld [tilespmem:s26+$0x10C40];
	v2 =	vmul.f32 v4, v2;
	v4 =	vshll.u32 v5, $0x10;
	v36 =	vshll.u32 v8, $0x10  }
0x4b1: {  	v58 =	vld [tilespmem:s26+$0x14CB0];
	v5 =	vand.u32 $0xFFFF0000, v5;
	v8 =	vand.u32 $0xFFFF0000, v8;
	v4 =	vmul.f32 v36, v4  }
0x4b2: {  	v5 =	vmul.f32 v8, v5;
	v8 =	vld [tilespmem:s26+$0x10C50];
	v62 =	vshll.u32 v1, $0x10;
	v1 =	vand.u32 $0xFFFF0000, v1  }
0x4b3: {  	p1 =	seq.s32 s29, $0x7000;
	v60 =	vadd.f32 v60, v0;
	v9 =	vmul.f32 v62, v9;
	v1 =	vmul.f32 v1, v63;
	v63 =	vld [tilespmem:s26+$0x10CA0]  }
.Ltmp1:
0x4b4: {  	(xrf2) =	vadd.scan.msk.f32 $0xffff, v51;
	v7 =	vshll.u32 v11, $0x10;
	v2 =	vadd.f32 v2, v3;
	v3 =	vadd.f32 v5, v4;
	v62 =	vld [tilespmem:s26+$0x14CA0];
	(pc) =	sbr.rel @!p1 .LBB2_6-.Ltmp1, $4  }
0x4b5: {  	v4 =	vshll.u32 v40, $0x10;
	v36, _, _ =	vpop (xrf2);
	v5 =	vand.u32 $0xFFFF0000, v10;
	(xrf2) =	vadd.scan.msk.f32 $0xffff, v53;
	v53 =	vld [tilespmem:s26+$0x10C90];
	v51 =	vadd.f32 v1, v9  }
0x4b6: {  	v0 =	vadd.f32 v3, v2;
	v3 =	vand.u32 $0xFFFF0000, v40;
	v1 =	vshll.u32 v10, $0x10;
	v2 =	vld [tilespmem:s26+$0x10C80]  }
0x4b7: {  	v61 =	vshll.u32 v58, $0x10;
	v1 =	vmul.f32 v1, v4;
	v3 =	vmul.f32 v5, v3;
	v4 =	vld [tilespmem:s26+$0x14C80]  }
0x4b8: {  	s29 =	sadd.s32 $0x1000, s29;
	v40, _, _ =	vpop (xrf2);
	v5 =	vshll.u32 v8, $0x10;
	v6 =	vand.u32 $0xFFFF0000, v8;
	v8 =	vand.u32 $0xFFFF0000, v11;
	v11 =	vld [tilespmem:$0x1FE60]  }
0x4b9: {  	v5 =	vmul.f32 v7, v5;
	v6 =	vmul.f32 v8, v6  }
0x4ba: {  	v9 =	vld [tilespmem:s26+$0x14C90];
	v0 =	vadd.f32 v43, v0  }
0x4bb: {  	v1 =	vadd.f32 v3, v1;
	v43 =	vshll.u32 v2, $0x10;
	v5 =	vadd.f32 v6, v5  }
0x4bc: {  	v2 =	vand.u32 $0xFFFF0000, v2;
	v6 =	vand.u32 $0xFFFF0000, v53;
	v10 =	vshll.u32 v4, $0x10  }
0x4bd: {  	v0 =	vadd.f32 v47, v0;
	v4 =	vand.u32 $0xFFFF0000, v4;
	v3 =	vmul.f32 v10, v43  }
0x4be: {  	v43 =	vshll.u32 v53, $0x10;
	v2 =	vmul.f32 v4, v2;
	v53 =	vshll.u32 v62, $0x10  }
0x4bf: {  	v1 =	vadd.f32 v5, v1;
	v10 =	vshll.u32 v9, $0x10;
	v7 =	vand.u32 $0xFFFF0000, v9  }
0x4c0: {  	v4 =	vmul.f32 v10, v43;
	v43 =	vshll.u32 v63, $0x10;
	v6 =	vmul.f32 v7, v6  }
0x4c1: {  	v63 =	vand.u32 $0xFFFF0000, v63;
	v2 =	vadd.f32 v2, v3;
	v1 =	vadd.f32 v51, v1  }
0x4c2: {  	v51 =	vmul.f32 v46, v41;
	v5 =	vmul.f32 v53, v43;
	v43 =	vand.u32 $0xFFFF0000, v62  }
0x4c3: {  	v62 =	vmul.f32 v61, v57;
	v47 =	vadd.f32 v6, v4;
	v53 =	vmul.f32 v43, v63  }
0x4c4: {  	v61 =	vadd.f32 v26, v25;
	v63 =	vand.u32 $0xFFFF0000, v58;
	v1 =	vadd.f32 v54, v1  }
0x4c5: {  	(xrf2) =	vadd.scan.msk.f32 $0xffff, v42;
	v42 =	vld [tilespmem:$0x1FEC0];
	v10 =	vmul.f32 v63, v59;
	v2 =	vadd.f32 v47, v2;
	v9 =	vadd.f32 v53, v5  }
0x4c6: {  	v46 =	vld [tilespmem:$0x1FE90];
	v43 =	vadd.f32 v56, v52;
	v56 =	vmul.f32 v38, v37;
	v47 =	vmul.f32 v55, v50  }
0x4c7: {  	(xrf2) =	vadd.scan.msk.f32 $0xffff, v48;
	v58 =	vmul.f32 v32, v31;
	v31 =	vld [tilespmem:$0x1FF20];
	v50 =	vadd.f32 v10, v62;
	v2 =	vadd.f32 v9, v2  }
0x4c8: {  	(xrf2) =	vadd.scan.msk.f32 $0xffff, v60;
	v37 =	vld [tilespmem:$0x1FEB0];
	v5 =	vadd.f32 v43, v44;
	v53 =	vmul.f32 v49, v39;
	v52 =	vadd.f32 v47, v45  }
0x4c9: {  	(xrf2) =	vadd.scan.msk.f32 $0xffff, v0;
	v59 =	vmul.f32 v35, v30;
	v35 =	vld [tilespmem:$0x1FEA0];
	v55 =	vadd.f32 v34, v33;
	v54 =	vadd.f32 v50, v2  }
0x4ca: {  	(xrf2) =	vadd.scan.msk.f32 $0xffff, v1;
	v33 =	vld [tilespmem:$0x1FEE0];
	v4 =	vadd.f32 v53, v51;
	v57 =	vadd.f32 v52, v5  }
0x4cb: {  	v3 =	vadd.f32 v56, v27;
	v62 =	vmul.f32 v28, v22;
	v28 =	vld [tilespmem:$0x1FF00];
	v2 =	vadd.f32 v55, v29;
	(xrf2) =	vadd.scan.msk.f32 $0xffff, v54  }
0x4cc: {  	v19 =	vmul.f32 v20, v19;
	v25 =	vadd.f32 v17, v16;
	v29 =	vld [tilespmem:$0x1FF10];
	v60 =	vadd.f32 v4, v57  }
0x4cd: {  	v20, _, _ =	vpop (xrf2);
	v26 =	vmul.f32 v14, v12;
	v34 =	vld [tilespmem:$0x1FEF0];
	v63 =	vadd.f32 v59, v58;
	v2 =	vadd.f32 v3, v2  }
0x4ce: {  	v1 =	vadd.f32 v61, v24;
	v24 =	vld [tilespmem:s26+$0x15030];
	v22 =	vmul.f32 v21, v18;
	v4 =	vadd.f32 v62, v23;
	v23, _, _ =	vpop (xrf2);
	(xrf2) =	vadd.scan.msk.f32 $0xffff, v60  }
0x4cf: {  	v43 =	vld [tilespmem:$0x1FE80];
	v9 =	vadd.f32 v26, v13;
	v10, _, _ =	vpop (xrf2);
	v2 =	vadd.f32 v63, v2  }
0x4d0: {  	v45 =	vld [tilespmem:$0x1FED0];
	v27 =	vadd.f32 v22, v19;
	v1 =	vadd.f32 v4, v1;
	v30, _, _ =	vpop (xrf2)  }
0x4d1: {  	v11 =	vmul.f32 v31, v11;
	v3 =	vadd.f32 v25, v15;
	v5 =	vmul.f32 v29, v28;
	v32, _, _ =	vpop (xrf2);
	(xrf2) =	vadd.scan.msk.f32 $0xffff, v2  }
0x4d2: {  	v12 =	vmul.f32 v37, v35;
	v4 =	vadd.f32 v34, v33;
	v1 =	vadd.f32 v27, v1;
	v38, _, _ =	vpop (xrf2)  }
0x4d3: {  	v0 =	vand.u32 $0xFFFF0000, v24;
	v3 =	vadd.f32 v9, v3;
	v39, _, _ =	vpop (xrf2);
	v5 =	vadd.f32 v11, v5  }
0x4d4: {  	v41 =	vshll.u32 v24, $0x10;
	v12 =	vadd.f32 v12, v42;
	v0 =	vmul.f32 v0, v46;
	(xrf2) =	vadd.scan.msk.f32 $0xffff, v1;
	v44, _, _ =	vpop (xrf2)  }
0x4d5: {  	v4 =	vadd.f32 v4, v45;
	v11 =	vmul.f32 v41, v43;
	v3 =	vadd.f32 v5, v3;
	v47, _, _ =	vpop (xrf2)  }
0x4d6: {  	v1 =	vbroadcast v44, $0xF;
	v5 =	vbroadcast v47, $0xF  }
0x4d7: {  	v4 =	vadd.f32 v12, v4;
	v48 =	vbroadcast v39, $0xF;
	v0 =	vadd.f32 v0, v11;
	(xrf2) =	vadd.scan.msk.f32 $0xffff, v3  }
0x4d8: {  	v49 =	vbroadcast v38, $0xF;
	v50, _, _ =	vpop (xrf2);
	v1 =	vsel vm0, v1, v5  }
0x4d9: {  	v0 =	vadd.f32 v0, v4;
	v51 =	vbroadcast v50, $0xF;
	v1 =	vsel vm1, v1, v48  }
0x4da: {  	v2 =	vbroadcast v32, $0xF;
	v1 =	vsel vm2, v1, v49  }
0x4db: {  	v52 =	vbroadcast v30, $0xF;
	(xrf2) =	vadd.scan.msk.f32 $0xffff, v0;
	v53, _, _ =	vpop (xrf2);
	v1 =	vsel vm3, v1, v51  }
0x4dc: {  	v0 =	vbroadcast v53, $0xF;
	v1 =	vsel vm4, v1, v2  }
0x4dd: {  	v54 =	vbroadcast v10, $0xF;
	v1 =	vsel vm5, v1, v52  }
0x4de: {  	v55 =	vbroadcast v23, $0xF;
	v56, _, _ =	vpop (xrf2);
	v0 =	vsel vm6, v1, v0  }
0x4df: {  	v57 =	vbroadcast v56, $0xF;
	v0 =	vsel vm7, v0, v54  }
0x4e0: {  	v58 =	vbroadcast v20, $0xF;
	v0 =	vsel vm8, v0, v55  }
0x4e1: {  	v59 =	vbroadcast v40, $0xF;
	v60, _, _ =	vpop (xrf2);
	v0 =	vsel vm9, v0, v57  }
0x4e2: {  	v61 =	vbroadcast v60, $0xF;
	v0 =	vsel vm10, v0, v58  }
0x4e3: {  	v62 =	vbroadcast v36, $0xF;
	v0 =	vsel vm11, v0, v59  }
0x4e4: {  	v0 =	vsel vm12, v0, v61  }
0x4e5: {  	v63, _, _ =	vpop (xrf2);
	v0 =	vsel vm13, v0, v62  }
0x4e6: {  	s31 =	sadd.s32 $0x10, s28;
	v0 =	vsel vm14, v0, v63  }
0x4e7: {  	[tilespmem:s31+$0x0] =	vst v0  }
0x4e8: {  	p1 =	seq.s32 s25, $0x28  }
.Ltmp2:
0x4e9: {  	_ = 	snop;
	(pc) =	sbr.rel @!p1 .LBB2_3-.Ltmp2, $2  }
0x4ea: {  	_ =	sdelay $0x2  }
0x4eb: {  	s24 =	sadd.s32 $0x100, s24;
	s23 =	sadd.s32 $0x100, s23  }
0x4ec: {  	s22 =	sadd.s32 $0x1, s22  }
0x4ed: {  	p1 =	sne.s32 s22, s7  }
.Ltmp3:
0x4ee: {  	_ = 	snop;
	(pc) =	sbr.rel @p1 .LBB2_1-.Ltmp3, $4  }
0x4ef: {  	[hbm4b:s6+s2] =	stream.linear.scatter [tilespmem:s21], [sflag:$0x5], $0x2800, $0x38;
	[tilespmem:$0x19440] =	vst v63  }
0x4f0: {  	_ =	swait.ge [sflag:s10], $0x2800  }
0x4f1: {  	[sflag:s10] =	ssyncset.done $0x0  }
0x4f2: {  	[sflag:s10] =	ssyncadd.s32 $0xFFFFD800  }
0x4f3: {  	_ =	sfence.sel $0x180000  }
0x4f4: {  	[bflag:$0x0] =	sbarrier.arrive $0xFFFF  }
0x4f5: {  	_ =	strace $0x90000047  }
0x4f6: {  	s0 =	sadd.s32 @!p0 $0x100000, s0;
	[bflag:$0x2] =	sbarrier.arrive $0xFFFF  }
0x4f7: {  	[sflag:s0] =	ssyncadd.tile.s32 @!p0 $0x1;
	_ =	shalt  }
.Lfunc_end2:
_tile_overlayer_lowered:
.L_overlay_start_2:
0x4f8: {  	(tag) =	ssettag $0x2  }
0x4f9: {  	s0 =	rddreg [dreg:$0x0];
	s2 =	stileid.u32  }
0x4fa: {  	s1 =	rddreg [dreg:$0x1];
	p0 =	sne.s32 s2, $0x0  }
0x4fb: {  	s3 =	rddreg [dreg:$0x2];
	[bflag:$0x3] =	sbarrier.arrive $0xFFFF;
	s2 =	simm.s32 @!p0 $0x1C05  }
0x4fc: {  	[timem:s3], [sflag:s2] =	dma.local @!p0 [hbm:s0], s1  }
0x4fd: {  	s0 =	simm.s32 @!p0 $0x5  }
0x4fe: {  	_ =	swait.ge @!p0 [sflag:s0], s1  }
0x4ff: {  	s1 =	ssub.s32 @!p0 $0x0, s1;
	[sflag:s0] =	ssyncset.done @!p0 $0x0  }
0x500: {  	[sflag:s0] =	ssyncadd.s32 @!p0 s1  }
0x501: {  	[bflag:$0x3] =	sbarrier.arrive $0xFFFF  }
0x502: {  	_ =	shalt  }

</sc_bundles>
